<compile_context>
chip_gen: v7x
topology: tpu7x:2x2x1
jax: 0.10.2.dev20260603
libtpu: 0.0.44.dev20260713+nightly
codegen_flags: <defaults>
</compile_context>

<pallas_src>
import functools

import jax
import jax.numpy as jnp
from jax import lax
from jax.experimental import pallas as pl
from jax.experimental.pallas import tpu as pltpu
from jax.experimental.pallas import tpu_sc as plsc

H = 512
W = 512
C = 3
N = H * W
NW = 32
PPW = N // NW
CH = 512
NCHUNK = PPW // CH
SUBSZ = 512
NSUB = CH // SUBSZ
NG = CH // 64
CHBUF = 8712

_f32 = jnp.float32
_i32 = jnp.int32

_SC_PARAMS = dict(
    mesh=plsc.VectorSubcoreMesh(core_axis_name="c", subcore_axis_name="s"),
    compiler_params=pltpu.CompilerParams(needs_layout_passes=False,
                                         use_tc_tiling_on_sc=False),
)


def _sc_build_body(imp_hbm, t_hbm, ch0_v, ch1_v, ch2_v, tbA, tbB,
                   osemA, osemB):
    wid = lax.axis_index("s") * 2 + lax.axis_index("c")
    base_px = wid * PPW
    iota = lax.iota(_i32, 16)

    in_cps = [
        pltpu.async_copy(imp_hbm.at[pl.ds(base_px, CHBUF)], ch0_v, osemA),
        pltpu.async_copy(imp_hbm.at[pl.ds(N + base_px, CHBUF)], ch1_v, osemA),
    ]

    @pl.when(wid < NW - 1)
    def _():
        pltpu.sync_copy(imp_hbm.at[pl.ds(2 * N + base_px, CHBUF)], ch2_v)

    @pl.when(wid == NW - 1)
    def _():
        pltpu.sync_copy(imp_hbm.at[pl.ds(2 * N + base_px, PPW)],
                        ch2_v.at[pl.ds(0, PPW)])
        fz = jnp.full((16,), 0.0, _f32)
        for t in range((CHBUF - PPW) // 16):
            ch2_v[pl.ds(PPW + t * 16, 16)] = fz

    for cp in in_cps:
        cp.wait()

    def fill(kk, tb_v):
        def group(q, c2):
            sb = kk * CH + q * 16
            pix = q * 16 + iota
            for n, off in enumerate((0, 1)):
                for c_, chv in enumerate((ch0_v, ch1_v, ch2_v)):
                    v = chv[pl.ds(sb + off, 16)]
                    plsc.store_scatter(
                        tb_v, [pix, jnp.full((16,), n * 4 + c_, _i32)], v)
            return c2

        lax.fori_loop(0, CH // 16, group, 0)

    def fire(kk, tb_v, osem):
        pltpu.async_copy(tb_v, t_hbm.at[pl.ds(base_px + kk * CH, CH)], osem)

    def drain(tb_v, osem):
        pltpu.make_async_copy(
            tb_v, t_hbm.at[pl.ds(base_px, CH)], osem).wait()

    def body(m, carry):
        k0 = 2 * m

        @pl.when(m > 0)
        def _():
            drain(tbA, osemA)

        fill(k0, tbA)
        fire(k0, tbA, osemA)

        @pl.when(m > 0)
        def _():
            drain(tbB, osemB)

        fill(k0 + 1, tbB)
        fire(k0 + 1, tbB, osemB)
        return carry

    lax.fori_loop(0, NCHUNK // 2, body, 0)
    drain(tbA, osemA)
    drain(tbB, osemB)

    @pl.when(wid == NW - 1)
    def _():
        fz = jnp.full((16,), 0.0, _f32)

        def zgroup(rg, c2):
            pix = rg * 16 + iota
            for col in range(8):
                plsc.store_scatter(
                    tbA, [pix, jnp.full((16,), col, _i32)], fz)
            return c2

        lax.fori_loop(0, 512 // 16, zgroup, 0)
        pltpu.sync_copy(tbA.at[pl.ds(0, 512)], t_hbm.at[pl.ds(N, 512)])


def _sc_undistort_body(t_hbm, par_hbm, out_hbm,
                       par_v,
                       idxA, idxB, rowsTA, rowsBA, rowsTB, rowsBB,
                       w00A, w01A, w10A, w11A,
                       w00B, w01B, w10B, w11B,
                       o0A, o1A, o2A, o0B, o1B, o2B,
                       gsemA, gsemB, osemA, osemB):
    wid = lax.axis_index("s") * 2 + lax.axis_index("c")
    base_px = wid * PPW
    pltpu.sync_copy(par_hbm, par_v)
    iota = lax.iota(_i32, 16)

    bufs = (
        (idxA, (rowsTA, rowsBA), (w00A, w01A, w10A, w11A),
         (o0A, o1A, o2A), gsemA, osemA),
        (idxB, (rowsTB, rowsBB), (w00B, w01B, w10B, w11B),
         (o0B, o1B, o2B), gsemB, osemB),
    )

    iotaf4 = (iota * 4).astype(_f32)
    fone = jnp.full((16,), 1.0, _f32)
    fzero = jnp.full((16,), 0.0, _f32)

    def phase1(kk, par):
        idx_v, _, wv, _, _, _ = bufs[par]
        w00_v, w01_v, w10_v, w11_v = wv
        kq = par_v[0, :]
        e1x = par_v[2, :]
        e1y = par_v[3, :]
        ybase = (base_px + kk * CH) // W

        def pgroup(q, c2):
            yrow = (ybase + (q // 8)).astype(_f32)
            yup = yrow - e1y
            yup2 = yup * yup
            for j in range(4):
                s_base = q * 64 + j * 16
                x0 = ((q % 8) * 64 + j).astype(_f32)
                xup = (x0 + iotaf4) - e1x
                q2 = xup * xup + yup2
                r = 1.0 / (1.0 - kq * q2)
                xd = xup * r + e1x
                yd = yup * r + e1y
                valid = ((xd >= 0.0) & (xd <= float(W - 1))) \
                    & ((yd >= 0.0) & (yd <= float(H - 1)))
                xt = xd.astype(_i32)
                yt = yd.astype(_i32)
                ox = xd - xt.astype(_f32)
                oy = yd - yt.astype(_f32)
                vm = jnp.where(valid, fone, fzero)
                onyv = (1.0 - oy) * vm
                oyv = oy * vm
                onx = 1.0 - ox
                xf = jnp.minimum(jnp.maximum(xt, 0), W - 1)
                yf = jnp.minimum(jnp.maximum(yt, 0), H - 1)
                idx = lax.bitwise_or(lax.shift_left(yf, 9), xf)
                idx_v[pl.ds(s_base, 16)] = idx
                idx_v[pl.ds(CH + s_base, 16)] = idx + W
                w00_v[pl.ds(s_base, 16)] = onx * onyv
                w01_v[pl.ds(s_base, 16)] = ox * onyv
                w10_v[pl.ds(s_base, 16)] = onx * oyv
                w11_v[pl.ds(s_base, 16)] = ox * oyv
            return c2

        lax.fori_loop(0, NG, pgroup, 0)

    def fire_gather(par):
        idx_v, (rowsT, rowsB), _, _, gsem, _ = bufs[par]
        for half, rows_v in enumerate((rowsT, rowsB)):
            for i_ in range(NSUB):
                pltpu.async_copy(
                    t_hbm.at[idx_v.at[pl.ds(half * CH + i_ * SUBSZ, SUBSZ)]],
                    rows_v.at[pl.ds(i_ * SUBSZ, SUBSZ)], gsem)

    def drain_gather(par):
        idx_v, (rowsT, rowsB), _, _, gsem, _ = bufs[par]
        pltpu.make_async_copy(t_hbm.at[idx_v.at[pl.ds(0, CH)]],
                              rowsT, gsem).wait()
        pltpu.make_async_copy(t_hbm.at[idx_v.at[pl.ds(CH, CH)]],
                              rowsB, gsem).wait()

    def combine(kk, par):
        _, (rowsT, rowsB), wv, ov, _, osem = bufs[par]
        w00_v, w01_v, w10_v, w11_v = wv

        def cgroup(q, c2):
            words = [jnp.full((16,), 0, _i32) for _ in range(3)]
            for j in range(4):
                s_base = q * 64 + j * 16
                pix = s_base + iota
                w00 = w00_v[pl.ds(s_base, 16)]
                w01 = w01_v[pl.ds(s_base, 16)]
                w10 = w10_v[pl.ds(s_base, 16)]
                w11 = w11_v[pl.ds(s_base, 16)]
                for c_ in range(3):
                    v00 = plsc.load_gather(
                        rowsT, [pix, jnp.full((16,), c_, _i32)])
                    v01 = plsc.load_gather(
                        rowsT, [pix, jnp.full((16,), 4 + c_, _i32)])
                    v10 = plsc.load_gather(
                        rowsB, [pix, jnp.full((16,), c_, _i32)])
                    v11 = plsc.load_gather(
                        rowsB, [pix, jnp.full((16,), 4 + c_, _i32)])
                    acc = w00 * v00 + w01 * v01 + w10 * v10 + w11 * v11
                    byte = lax.bitwise_and(acc.astype(_i32), 255)
                    words[c_] = lax.bitwise_or(
                        words[c_], lax.shift_left(byte, 8 * j))
            ov[0][pl.ds(q * 64, 64)] = plsc.bitcast(words[0], jnp.uint8)
            ov[1][pl.ds(q * 64, 64)] = plsc.bitcast(words[1], jnp.uint8)
            ov[2][pl.ds(q * 64, 64)] = plsc.bitcast(words[2], jnp.uint8)
            return c2

        lax.fori_loop(0, NG, cgroup, 0)

    def fire_out(kk, par):
        _, _, _, ov, _, osem = bufs[par]
        wbase = wid * PPW + kk * CH
        for c_ in range(3):
            pltpu.async_copy(
                ov[c_], out_hbm.at[pl.ds(c_ * N + wbase, CH)],
                osem)

    def drain_out(par):
        _, _, _, ov, _, osem = bufs[par]
        for c_ in range(3):
            pltpu.make_async_copy(
                ov[c_], out_hbm.at[pl.ds(c_ * N, CH)],
                osem).wait()

    HALF = NCHUNK // 2

    phase1(0, 0)
    fire_gather(0)

    def body(m, carry):
        k0 = 2 * m
        k1 = k0 + 1

        phase1(k1, 1)
        fire_gather(1)

        drain_gather(0)

        @pl.when(m > 0)
        def _():
            drain_out(0)

        combine(k0, 0)
        fire_out(k0, 0)

        @pl.when(m < HALF - 1)
        def _():
            phase1(k0 + 2, 0)
            fire_gather(0)

        drain_gather(1)

        @pl.when(m > 0)
        def _():
            drain_out(1)

        combine(k1, 1)
        fire_out(k1, 1)
        return carry

    lax.fori_loop(0, HALF, body, 0)
    drain_out(0)
    drain_out(1)


def _sc_build(imp):
    f = pl.kernel(
        _sc_build_body,
        out_type=jax.ShapeDtypeStruct((N + W, 8), _f32),
        scratch_types=[
            pltpu.VMEM((CHBUF,), _f32),
            pltpu.VMEM((CHBUF,), _f32),
            pltpu.VMEM((CHBUF,), _f32),
            pltpu.VMEM((CH, 8), _f32),
            pltpu.VMEM((CH, 8), _f32),
            pltpu.SemaphoreType.DMA,
            pltpu.SemaphoreType.DMA,
        ],
        **_SC_PARAMS,
    )
    return f(imp)


@functools.partial(jax.jit, static_argnames=())
def _undistort_sc(t, params):
    f = pl.kernel(
        _sc_undistort_body,
        out_type=jax.ShapeDtypeStruct((C * N,), jnp.uint8),
        scratch_types=(
            [pltpu.VMEM((4, 16), _f32)]
            + [pltpu.VMEM((2 * CH,), _i32)] * 2
            + [pltpu.VMEM((CH, 8), _f32)] * 4
            + [pltpu.VMEM((CH,), _f32)] * 8
            + [pltpu.VMEM((CH,), jnp.uint8)] * 6
            + [pltpu.SemaphoreType.DMA] * 4
        ),
        **_SC_PARAMS,
    )
    return f(t, params)


def kernel(im_d, k, dx, dy):
    imp = im_d.reshape(-1)
    t = _sc_build(imp)
    params = jnp.stack([
        jnp.broadcast_to(k.reshape(1) * (1.0 / (W * W)), (16,)),
        jnp.zeros((16,), _f32),
        jnp.broadcast_to(dx.reshape(1) + (W / 2.0), (16,)),
        jnp.broadcast_to(dy.reshape(1) + (H / 2.0), (16,)),
    ]).astype(_f32)
    out = _undistort_sc(t, params)
    return out.reshape(C, H, W)

# --- scband reference (transcript-rebuilt; emitter-appended) ---
"""Pipeline reference for scband-undistort-layer-53936199303600 (READ-ONLY COPY).

The authoritative reference and input builder live on the scoring server;
editing this copy changes nothing except your own understanding.
"""

import jax, jax.numpy as jnp
import numpy as np


def setup_inputs(seed: int = 0) -> dict:
    key = jax.random.key(seed)
    k1, k2, k3, k4 = jax.random.split(key, 4)
    im_d = jax.random.uniform(k1, (3, 512, 512), dtype=jnp.float32)
    k = jax.random.uniform(k2, (1,), dtype=jnp.float32)
    dx = jax.random.uniform(k3, (1,), dtype=jnp.float32)
    dy = jax.random.uniform(k4, (1,), dtype=jnp.float32)
    return {"im_d": im_d, "k": k, "dx": dx, "dy": dy}


def reference(im_d, k, dx, dy):
    c, h, w = im_d.shape
    k = k.reshape(())
    dx = dx.reshape(())
    dy = dy.reshape(())
    yu, xu = jnp.meshgrid(jnp.arange(h, dtype=jnp.float32),
                          jnp.arange(w, dtype=jnp.float32), indexing='ij')
    xur = (xu - dx) / w - 0.5
    yur = (yu - dy) / h - 0.5
    ru = jnp.sqrt(xur * xur + yur * yur)
    theta = jnp.arctan2(yur, xur)
    rd = ru / (1.0 - k * ru * ru)
    xdr = rd * jnp.cos(theta)
    ydr = rd * jnp.sin(theta)
    xd = (xdr + 0.5) * w + dx
    yd = (ydr + 0.5) * h + dy
    omega_x = xd - jnp.floor(xd)
    omega_y = yd - jnp.floor(yd)
    omega_nx = 1.0 - omega_x
    omega_ny = 1.0 - omega_y
    xd_floor = jnp.floor(xd).astype(jnp.int32)
    xd_ceil = jnp.ceil(xd).astype(jnp.int32)
    yd_floor = jnp.floor(yd).astype(jnp.int32)
    yd_ceil = jnp.ceil(yd).astype(jnp.int32)
    valid = (xd_floor >= 0) & (xd_ceil < w) & (yd_floor >= 0) & (yd_ceil < h)
    xf = jnp.clip(xd_floor, 0, w - 1)
    xc = jnp.clip(xd_ceil, 0, w - 1)
    yf = jnp.clip(yd_floor, 0, h - 1)
    yc = jnp.clip(yd_ceil, 0, h - 1)
    flat = im_d.reshape(c, h * w)
    def gather(yy, xx):
        idx = (yy * w + xx).reshape(-1)
        return jnp.take(flat, idx, axis=1).reshape(c, h, w)
    v0 = gather(yf, xf)
    v1 = gather(yf, xc)
    v2 = gather(yc, xf)
    v3 = gather(yc, xc)
    im_ud = (omega_nx * omega_ny * v0 + omega_x * omega_ny * v1 +
             omega_nx * omega_y * v2 + omega_x * omega_y * v3)
    im_ud = jnp.where(valid[None, :, :], im_ud, 0.0)
    return im_ud.astype(jnp.uint8)

if __name__ == "__main__":
    import jax
    _d = setup_inputs()
    print(jax.jit(kernel)(*tuple(_d.values())))

</pallas_src>

<mosaic_0001>
#map = affine_map<(d0, d1) -> (0, 0)>
#map1 = affine_map<(d0, d1) -> (0)>
module attributes {stable_mosaic.version = 14 : i64} {
  func.func @_sc_undistort_body(%arg0: i32, %arg1: i32, %arg2: memref<262656x8xf32, #tpu.memory_space<hbm>>, %arg3: memref<4x16xf32, #tpu.memory_space<hbm>>, %arg4: memref<786432xi8, #tpu.memory_space<hbm>>, %arg5: memref<4x16xf32, #tpu.memory_space<vmem>>, %arg6: memref<1024xi32, #tpu.memory_space<vmem>>, %arg7: memref<1024xi32, #tpu.memory_space<vmem>>, %arg8: memref<512x8xf32, #tpu.memory_space<vmem>>, %arg9: memref<512x8xf32, #tpu.memory_space<vmem>>, %arg10: memref<512x8xf32, #tpu.memory_space<vmem>>, %arg11: memref<512x8xf32, #tpu.memory_space<vmem>>, %arg12: memref<512xf32, #tpu.memory_space<vmem>>, %arg13: memref<512xf32, #tpu.memory_space<vmem>>, %arg14: memref<512xf32, #tpu.memory_space<vmem>>, %arg15: memref<512xf32, #tpu.memory_space<vmem>>, %arg16: memref<512xf32, #tpu.memory_space<vmem>>, %arg17: memref<512xf32, #tpu.memory_space<vmem>>, %arg18: memref<512xf32, #tpu.memory_space<vmem>>, %arg19: memref<512xf32, #tpu.memory_space<vmem>>, %arg20: memref<512xi8, #tpu.memory_space<vmem>>, %arg21: memref<512xi8, #tpu.memory_space<vmem>>, %arg22: memref<512xi8, #tpu.memory_space<vmem>>, %arg23: memref<512xi8, #tpu.memory_space<vmem>>, %arg24: memref<512xi8, #tpu.memory_space<vmem>>, %arg25: memref<512xi8, #tpu.memory_space<vmem>>, %arg26: memref<!tpu.dma_semaphore, #tpu.memory_space<semaphore_mem>>, %arg27: memref<!tpu.dma_semaphore, #tpu.memory_space<semaphore_mem>>, %arg28: memref<!tpu.dma_semaphore, #tpu.memory_space<semaphore_mem>>, %arg29: memref<!tpu.dma_semaphore, #tpu.memory_space<semaphore_mem>>) attributes {dimension_semantics = [#tpu.dimension_semantics<core_parallel>, #tpu.dimension_semantics<subcore_parallel>], iteration_bounds = array<i64: 2, 16>, scalar_prefetch = 0 : i64, scratch_operands = 25 : i64, tpu.core_type = #tpu.core_type<sc_vector_subcore>, window_params = [{transform_indices = #map}, {transform_indices = #map}, {transform_indices = #map1}]} {
    %mul3A = arith.constant 2 : i32
    %mul3A_0 = arith.muli %arg1, %mul3A : i32
    %add3A = arith.addi %mul3A_0, %arg0 : i32
    %mul3A_1 = arith.constant 8192 : i32
    %mul3A_2 = arith.muli %add3A, %mul3A_1 : i32
    "tpu.region"() ({
      %run_scoped3A = tpu.sem_alloc : memref<!tpu.dma_semaphore, #tpu.memory_space<semaphore_mem>>
      tpu.enqueue_dma source(%arg3 : memref<4x16xf32, #tpu.memory_space<hbm>>) target(%arg5 : memref<4x16xf32, #tpu.memory_space<vmem>>) target_semaphore(%run_scoped3A : memref<!tpu.dma_semaphore, #tpu.memory_space<semaphore_mem>>)
      tpu.wait_dma2 semaphore(%run_scoped3A : memref<!tpu.dma_semaphore, #tpu.memory_space<semaphore_mem>>) src(%arg3 : memref<4x16xf32, #tpu.memory_space<hbm>>) dst(%arg5 : memref<4x16xf32, #tpu.memory_space<vmem>>)
      tpu.yield
    }) : () -> ()
    %iota3A = tpu.iota {dimensions = array<i32: 0>} : vector<16xi32>
    %mul3A_3 = arith.constant 4 : i32
    %mul3A_4 = vector.broadcast %mul3A_3 : i32 to vector<16xi32>
    %mul3A_5 = arith.muli %iota3A, %mul3A_4 : vector<16xi32>
    %convert_element_type3A = arith.sitofp %mul3A_5 : vector<16xi32> to vector<16xf32>
    %broadcast_in_dim3A = arith.constant 1.000000e+00 : f32
    %broadcast_in_dim3A_6 = vector.broadcast %broadcast_in_dim3A : f32 to vector<16xf32>
    %broadcast_in_dim3A_7 = arith.constant 0.000000e+00 : f32
    %broadcast_in_dim3A_8 = vector.broadcast %broadcast_in_dim3A_7 : f32 to vector<16xf32>
    %get3A = arith.constant 0 : i32
    %get3A_9 = arith.index_cast %get3A : i32 to index
    %get3A_10 = arith.constant 0 : index
    %get3A_11 = tpu.vector_load %arg5[%get3A_9, %get3A_10] {strides = array<i32>} : memref<4x16xf32, #tpu.memory_space<vmem>>, vector<16xf32>,
    %get3A_12 = arith.constant 2 : i32
    %get3A_13 = arith.index_cast %get3A_12 : i32 to index
    %get3A_14 = arith.constant 0 : index
    %get3A_15 = tpu.vector_load %arg5[%get3A_13, %get3A_14] {strides = array<i32>} : memref<4x16xf32, #tpu.memory_space<vmem>>, vector<16xf32>,
    %get3A_16 = arith.constant 3 : i32
    %get3A_17 = arith.index_cast %get3A_16 : i32 to index
    %get3A_18 = arith.constant 0 : index
    %get3A_19 = tpu.vector_load %arg5[%get3A_17, %get3A_18] {strides = array<i32>} : memref<4x16xf32, #tpu.memory_space<vmem>>, vector<16xf32>,
    %add3A_20 = arith.constant 0 : i32
    %add3A_21 = arith.addi %mul3A_2, %add3A_20 : i32
    %jit3A = arith.constant 512 : i32
    %div3A = arith.divsi %add3A_21, %jit3A : i32
    %sign3A = arith.constant 0 : i32
    %sign3A_22 = arith.cmpi sgt, %add3A_21, %sign3A : i32
    %sign3A_23 = arith.extui %sign3A_22 : i1 to i32
    %sign3A_24 = arith.constant 0 : i32
    %sign3A_25 = arith.cmpi slt, %add3A_21, %sign3A_24 : i32
    %sign3A_26 = arith.extui %sign3A_25 : i1 to i32
    %sign3A_27 = arith.subi %sign3A_23, %sign3A_26 : i32
    %sign3A_28 = arith.constant 0 : i32
    %sign3A_29 = arith.cmpi sgt, %jit3A, %sign3A_28 : i32
    %sign3A_30 = arith.extui %sign3A_29 : i1 to i32
    %sign3A_31 = arith.constant 0 : i32
    %sign3A_32 = arith.cmpi slt, %jit3A, %sign3A_31 : i32
    %sign3A_33 = arith.extui %sign3A_32 : i1 to i32
    %sign3A_34 = arith.subi %sign3A_30, %sign3A_33 : i32
    %ne3A = arith.cmpi ne, %sign3A_27, %sign3A_34 : i32
    %rem3A = arith.remsi %add3A_21, %jit3A : i32
    %ne3A_35 = arith.constant 0 : i32
    %ne3A_36 = arith.cmpi ne, %rem3A, %ne3A_35 : i32
    %and3A = arith.andi %ne3A, %ne3A_36 : i1
    %sub3A = arith.constant 1 : i32
    %sub3A_37 = arith.subi %div3A, %sub3A : i32
    %select_n3A = arith.select %and3A, %sub3A_37, %div3A : i32
    %scan3A = arith.constant 0 : i32
    %scan3A_38 = arith.constant 0 : i32
    %scan3A_39 = arith.constant 8 : i32
    %scan3A_40 = arith.addi %scan3A_38, %scan3A_39 : i32
    %scan3A_41 = arith.constant 1 : i32
    scf.for %scan3A_87 = %scan3A_38 to %scan3A_40 step %scan3A_41  : i32 {
      %jit3A_88 = arith.constant 8 : i32
      %div3A_89 = arith.divsi %scan3A_87, %jit3A_88 : i32
      %sign3A_90 = arith.constant 0 : i32
      %sign3A_91 = arith.cmpi sgt, %scan3A_87, %sign3A_90 : i32
      %sign3A_92 = arith.extui %sign3A_91 : i1 to i32
      %sign3A_93 = arith.constant 0 : i32
      %sign3A_94 = arith.cmpi slt, %scan3A_87, %sign3A_93 : i32
      %sign3A_95 = arith.extui %sign3A_94 : i1 to i32
      %sign3A_96 = arith.subi %sign3A_92, %sign3A_95 : i32
      %sign3A_97 = arith.constant 0 : i32
      %sign3A_98 = arith.cmpi sgt, %jit3A_88, %sign3A_97 : i32
      %sign3A_99 = arith.extui %sign3A_98 : i1 to i32
      %sign3A_100 = arith.constant 0 : i32
      %sign3A_101 = arith.cmpi slt, %jit3A_88, %sign3A_100 : i32
      %sign3A_102 = arith.extui %sign3A_101 : i1 to i32
      %sign3A_103 = arith.subi %sign3A_99, %sign3A_102 : i32
      %ne3A_104 = arith.cmpi ne, %sign3A_96, %sign3A_103 : i32
      %rem3A_105 = arith.remsi %scan3A_87, %jit3A_88 : i32
      %ne3A_106 = arith.constant 0 : i32
      %ne3A_107 = arith.cmpi ne, %rem3A_105, %ne3A_106 : i32
      %and3A_108 = arith.andi %ne3A_104, %ne3A_107 : i1
      %sub3A_109 = arith.constant 1 : i32
      %sub3A_110 = arith.subi %div3A_89, %sub3A_109 : i32
      %select_n3A_111 = arith.select %and3A_108, %sub3A_110, %div3A_89 : i32
      %add3A_112 = arith.addi %select_n3A, %select_n3A_111 : i32
      %convert_element_type3A_113 = arith.sitofp %add3A_112 : i32 to f32
      %sub3A_114 = vector.broadcast %convert_element_type3A_113 : f32 to vector<16xf32>
      %sub3A_115 = arith.subf %sub3A_114, %get3A_19 : vector<16xf32>
      %mul3A_116 = arith.mulf %sub3A_115, %sub3A_115 : vector<16xf32>
      %mul3A_117 = arith.constant 64 : i32
      %mul3A_118 = arith.muli %scan3A_87, %mul3A_117 : i32
      %add3A_119 = arith.constant 0 : i32
      %add3A_120 = arith.addi %mul3A_118, %add3A_119 : i32
      %jit3A_121 = arith.constant 8 : i32
      %eq3A = arith.constant 0 : i32
      %eq3A_122 = arith.cmpi eq, %jit3A_121, %eq3A : i32
      %jit3A_123 = arith.constant 1 : i32
      %select_n3A_124 = arith.select %eq3A_122, %jit3A_123, %jit3A_121 : i32
      %rem3A_125 = arith.remsi %scan3A_87, %select_n3A_124 : i32
      %ne3A_126 = arith.constant 0 : i32
      %ne3A_127 = arith.cmpi ne, %rem3A_125, %ne3A_126 : i32
      %lt3A = arith.constant 0 : i32
      %lt3A_128 = arith.cmpi slt, %rem3A_125, %lt3A : i32
      %lt3A_129 = arith.constant 0 : i32
      %lt3A_130 = arith.cmpi slt, %select_n3A_124, %lt3A_129 : i32
      %ne3A_131 = arith.xori %lt3A_128, %lt3A_130 : i1
      %and3A_132 = arith.andi %ne3A_131, %ne3A_127 : i1
      %add3A_133 = arith.addi %rem3A_125, %select_n3A_124 : i32
      %select_n3A_134 = arith.select %and3A_132, %add3A_133, %rem3A_125 : i32
      %mul3A_135 = arith.constant 64 : i32
      %mul3A_136 = arith.muli %select_n3A_134, %mul3A_135 : i32
      %add3A_137 = arith.constant 0 : i32
      %add3A_138 = arith.addi %mul3A_136, %add3A_137 : i32
      %convert_element_type3A_139 = arith.sitofp %add3A_138 : i32 to f32
      %add3A_140 = vector.broadcast %convert_element_type3A_139 : f32 to vector<16xf32>
      %add3A_141 = arith.addf %add3A_140, %convert_element_type3A : vector<16xf32>
      %sub3A_142 = arith.subf %add3A_141, %get3A_15 : vector<16xf32>
      %mul3A_143 = arith.mulf %sub3A_142, %sub3A_142 : vector<16xf32>
      %add3A_144 = arith.addf %mul3A_143, %mul3A_116 : vector<16xf32>
      %mul3A_145 = arith.mulf %get3A_11, %add3A_144 : vector<16xf32>
      %sub3A_146 = arith.constant 1.000000e+00 : f32
      %sub3A_147 = vector.broadcast %sub3A_146 : f32 to vector<16xf32>
      %sub3A_148 = arith.subf %sub3A_147, %mul3A_145 : vector<16xf32>
      %div3A_149 = arith.constant 1.000000e+00 : f32
      %div3A_150 = vector.broadcast %div3A_149 : f32 to vector<16xf32>
      %div3A_151 = arith.divf %div3A_150, %sub3A_148 : vector<16xf32>
      %mul3A_152 = arith.mulf %sub3A_142, %div3A_151 : vector<16xf32>
      %add3A_153 = arith.addf %mul3A_152, %get3A_15 : vector<16xf32>
      %mul3A_154 = arith.mulf %sub3A_115, %div3A_151 : vector<16xf32>
      %add3A_155 = arith.addf %mul3A_154, %get3A_19 : vector<16xf32>
      %ge3A = arith.constant 0.000000e+00 : f32
      %ge3A_156 = vector.broadcast %ge3A : f32 to vector<16xf32>
      %ge3A_157 = arith.cmpf oge, %add3A_153, %ge3A_156 : vector<16xf32>
      %le3A = arith.constant 5.110000e+02 : f32
      %le3A_158 = vector.broadcast %le3A : f32 to vector<16xf32>
      %le3A_159 = arith.cmpf ole, %add3A_153, %le3A_158 : vector<16xf32>
      %and3A_160 = arith.andi %ge3A_157, %le3A_159 : vector<16xi1>
      %ge3A_161 = arith.constant 0.000000e+00 : f32
      %ge3A_162 = vector.broadcast %ge3A_161 : f32 to vector<16xf32>
      %ge3A_163 = arith.cmpf oge, %add3A_155, %ge3A_162 : vector<16xf32>
      %le3A_164 = arith.constant 5.110000e+02 : f32
      %le3A_165 = vector.broadcast %le3A_164 : f32 to vector<16xf32>
      %le3A_166 = arith.cmpf ole, %add3A_155, %le3A_165 : vector<16xf32>
      %and3A_167 = arith.andi %ge3A_163, %le3A_166 : vector<16xi1>
      %and3A_168 = arith.andi %and3A_160, %and3A_167 : vector<16xi1>
      %convert_element_type3A_169 = arith.fptosi %add3A_153 : vector<16xf32> to vector<16xi32>
      %convert_element_type3A_170 = arith.fptosi %add3A_155 : vector<16xf32> to vector<16xi32>
      %convert_element_type3A_171 = arith.sitofp %convert_element_type3A_169 : vector<16xi32> to vector<16xf32>
      %sub3A_172 = arith.subf %add3A_153, %convert_element_type3A_171 : vector<16xf32>
      %convert_element_type3A_173 = arith.sitofp %convert_element_type3A_170 : vector<16xi32> to vector<16xf32>
      %sub3A_174 = arith.subf %add3A_155, %convert_element_type3A_173 : vector<16xf32>
      %select_n3A_175 = arith.select %and3A_168, %broadcast_in_dim3A_6, %broadcast_in_dim3A_8 : vector<16xi1>, vector<16xf32>
      %sub3A_176 = arith.constant 1.000000e+00 : f32
      %sub3A_177 = vector.broadcast %sub3A_176 : f32 to vector<16xf32>
      %sub3A_178 = arith.subf %sub3A_177, %sub3A_174 : vector<16xf32>
      %mul3A_179 = arith.mulf %sub3A_178, %select_n3A_175 : vector<16xf32>
      %mul3A_180 = arith.mulf %sub3A_174, %select_n3A_175 : vector<16xf32>
      %sub3A_181 = arith.constant 1.000000e+00 : f32
      %sub3A_182 = vector.broadcast %sub3A_181 : f32 to vector<16xf32>
      %sub3A_183 = arith.subf %sub3A_182, %sub3A_172 : vector<16xf32>
      %max3A = arith.constant 0 : i32
      %max3A_184 = vector.broadcast %max3A : i32 to vector<16xi32>
      %max3A_185 = arith.maxsi %convert_element_type3A_169, %max3A_184 : vector<16xi32>
      %min3A = arith.constant 511 : i32
      %min3A_186 = vector.broadcast %min3A : i32 to vector<16xi32>
      %min3A_187 = arith.minsi %max3A_185, %min3A_186 : vector<16xi32>
      %max3A_188 = arith.constant 0 : i32
      %max3A_189 = vector.broadcast %max3A_188 : i32 to vector<16xi32>
      %max3A_190 = arith.maxsi %convert_element_type3A_170, %max3A_189 : vector<16xi32>
      %min3A_191 = arith.constant 511 : i32
      %min3A_192 = vector.broadcast %min3A_191 : i32 to vector<16xi32>
      %min3A_193 = arith.minsi %max3A_190, %min3A_192 : vector<16xi32>
      %shift_left3A = arith.constant 9 : i32
      %shift_left3A_194 = vector.broadcast %shift_left3A : i32 to vector<16xi32>
      %shift_left3A_195 = arith.shli %min3A_193, %shift_left3A_194 : vector<16xi32>
      %or3A = arith.ori %shift_left3A_195, %min3A_187 : vector<16xi32>
      %swap3A = arith.index_cast %add3A_120 : i32 to index
      %swap3A_196 = tpu.vector_load %arg6[%swap3A] {strides = array<i32>} : memref<1024xi32, #tpu.memory_space<vmem>>, vector<16xi32>,
      tpu.vector_store %arg6[%swap3A], %or3A {strides = array<i32>} : memref<1024xi32, #tpu.memory_space<vmem>>, vector<16xi32>,
      %add3A_197 = arith.constant 512 : i32
      %add3A_198 = vector.broadcast %add3A_197 : i32 to vector<16xi32>
      %add3A_199 = arith.addi %or3A, %add3A_198 : vector<16xi32>
      %add3A_200 = arith.constant 512 : i32
      %add3A_201 = arith.addi %add3A_200, %add3A_120 : i32
      %swap3A_202 = arith.index_cast %add3A_201 : i32 to index
      %swap3A_203 = tpu.vector_load %arg6[%swap3A_202] {strides = array<i32>} : memref<1024xi32, #tpu.memory_space<vmem>>, vector<16xi32>,
      tpu.vector_store %arg6[%swap3A_202], %add3A_199 {strides = array<i32>} : memref<1024xi32, #tpu.memory_space<vmem>>, vector<16xi32>,
      %mul3A_204 = arith.mulf %sub3A_183, %mul3A_179 : vector<16xf32>
      %swap3A_205 = arith.index_cast %add3A_120 : i32 to index
      %swap3A_206 = tpu.vector_load %arg12[%swap3A_205] {strides = array<i32>} : memref<512xf32, #tpu.memory_space<vmem>>, vector<16xf32>,
      tpu.vector_store %arg12[%swap3A_205], %mul3A_204 {strides = array<i32>} : memref<512xf32, #tpu.memory_space<vmem>>, vector<16xf32>,
      %mul3A_207 = arith.mulf %sub3A_172, %mul3A_179 : vector<16xf32>
      %swap3A_208 = arith.index_cast %add3A_120 : i32 to index
      %swap3A_209 = tpu.vector_load %arg13[%swap3A_208] {strides = array<i32>} : memref<512xf32, #tpu.memory_space<vmem>>, vector<16xf32>,
      tpu.vector_store %arg13[%swap3A_208], %mul3A_207 {strides = array<i32>} : memref<512xf32, #tpu.memory_space<vmem>>, vector<16xf32>,
      %mul3A_210 = arith.mulf %sub3A_183, %mul3A_180 : vector<16xf32>
      %swap3A_211 = arith.index_cast %add3A_120 : i32 to index
      %swap3A_212 = tpu.vector_load %arg14[%swap3A_211] {strides = array<i32>} : memref<512xf32, #tpu.memory_space<vmem>>, vector<16xf32>,
      tpu.vector_store %arg14[%swap3A_211], %mul3A_210 {strides = array<i32>} : memref<512xf32, #tpu.memory_space<vmem>>, vector<16xf32>,
      %mul3A_213 = arith.mulf %sub3A_172, %mul3A_180 : vector<16xf32>
      %swap3A_214 = arith.index_cast %add3A_120 : i32 to index
      %swap3A_215 = tpu.vector_load %arg15[%swap3A_214] {strides = array<i32>} : memref<512xf32, #tpu.memory_space<vmem>>, vector<16xf32>,
      tpu.vector_store %arg15[%swap3A_214], %mul3A_213 {strides = array<i32>} : memref<512xf32, #tpu.memory_space<vmem>>, vector<16xf32>,
      %mul3A_216 = arith.constant 64 : i32
      %mul3A_217 = arith.muli %scan3A_87, %mul3A_216 : i32
      %add3A_218 = arith.constant 16 : i32
      %add3A_219 = arith.addi %mul3A_217, %add3A_218 : i32
      %jit3A_220 = arith.constant 8 : i32
      %eq3A_221 = arith.constant 0 : i32
      %eq3A_222 = arith.cmpi eq, %jit3A_220, %eq3A_221 : i32
      %jit3A_223 = arith.constant 1 : i32
      %select_n3A_224 = arith.select %eq3A_222, %jit3A_223, %jit3A_220 : i32
      %rem3A_225 = arith.remsi %scan3A_87, %select_n3A_224 : i32
      %ne3A_226 = arith.constant 0 : i32
      %ne3A_227 = arith.cmpi ne, %rem3A_225, %ne3A_226 : i32
      %lt3A_228 = arith.constant 0 : i32
      %lt3A_229 = arith.cmpi slt, %rem3A_225, %lt3A_228 : i32
      %lt3A_230 = arith.constant 0 : i32
      %lt3A_231 = arith.cmpi slt, %select_n3A_224, %lt3A_230 : i32
      %ne3A_232 = arith.xori %lt3A_229, %lt3A_231 : i1
      %and3A_233 = arith.andi %ne3A_232, %ne3A_227 : i1
      %add3A_234 = arith.addi %rem3A_225, %select_n3A_224 : i32
      %select_n3A_235 = arith.select %and3A_233, %add3A_234, %rem3A_225 : i32
      %mul3A_236 = arith.constant 64 : i32
      %mul3A_237 = arith.muli %select_n3A_235, %mul3A_236 : i32
      %add3A_238 = arith.constant 1 : i32
      %add3A_239 = arith.addi %mul3A_237, %add3A_238 : i32
      %convert_element_type3A_240 = arith.sitofp %add3A_239 : i32 to f32
      %add3A_241 = vector.broadcast %convert_element_type3A_240 : f32 to vector<16xf32>
      %add3A_242 = arith.addf %add3A_241, %convert_element_type3A : vector<16xf32>
      %sub3A_243 = arith.subf %add3A_242, %get3A_15 : vector<16xf32>
      %mul3A_244 = arith.mulf %sub3A_243, %sub3A_243 : vector<16xf32>
      %add3A_245 = arith.addf %mul3A_244, %mul3A_116 : vector<16xf32>
      %mul3A_246 = arith.mulf %get3A_11, %add3A_245 : vector<16xf32>
      %sub3A_247 = arith.constant 1.000000e+00 : f32
      %sub3A_248 = vector.broadcast %sub3A_247 : f32 to vector<16xf32>
      %sub3A_249 = arith.subf %sub3A_248, %mul3A_246 : vector<16xf32>
      %div3A_250 = arith.constant 1.000000e+00 : f32
      %div3A_251 = vector.broadcast %div3A_250 : f32 to vector<16xf32>
      %div3A_252 = arith.divf %div3A_251, %sub3A_249 : vector<16xf32>
      %mul3A_253 = arith.mulf %sub3A_243, %div3A_252 : vector<16xf32>
      %add3A_254 = arith.addf %mul3A_253, %get3A_15 : vector<16xf32>
      %mul3A_255 = arith.mulf %sub3A_115, %div3A_252 : vector<16xf32>
      %add3A_256 = arith.addf %mul3A_255, %get3A_19 : vector<16xf32>
      %ge3A_257 = arith.constant 0.000000e+00 : f32
      %ge3A_258 = vector.broadcast %ge3A_257 : f32 to vector<16xf32>
      %ge3A_259 = arith.cmpf oge, %add3A_254, %ge3A_258 : vector<16xf32>
      %le3A_260 = arith.constant 5.110000e+02 : f32
      %le3A_261 = vector.broadcast %le3A_260 : f32 to vector<16xf32>
      %le3A_262 = arith.cmpf ole, %add3A_254, %le3A_261 : vector<16xf32>
      %and3A_263 = arith.andi %ge3A_259, %le3A_262 : vector<16xi1>
      %ge3A_264 = arith.constant 0.000000e+00 : f32
      %ge3A_265 = vector.broadcast %ge3A_264 : f32 to vector<16xf32>
      %ge3A_266 = arith.cmpf oge, %add3A_256, %ge3A_265 : vector<16xf32>
      %le3A_267 = arith.constant 5.110000e+02 : f32
      %le3A_268 = vector.broadcast %le3A_267 : f32 to vector<16xf32>
      %le3A_269 = arith.cmpf ole, %add3A_256, %le3A_268 : vector<16xf32>
      %and3A_270 = arith.andi %ge3A_266, %le3A_269 : vector<16xi1>
      %and3A_271 = arith.andi %and3A_263, %and3A_270 : vector<16xi1>
      %convert_element_type3A_272 = arith.fptosi %add3A_254 : vector<16xf32> to vector<16xi32>
      %convert_element_type3A_273 = arith.fptosi %add3A_256 : vector<16xf32> to vector<16xi32>
      %convert_element_type3A_274 = arith.sitofp %convert_element_type3A_272 : vector<16xi32> to vector<16xf32>
      %sub3A_275 = arith.subf %add3A_254, %convert_element_type3A_274 : vector<16xf32>
      %convert_element_type3A_276 = arith.sitofp %convert_element_type3A_273 : vector<16xi32> to vector<16xf32>
      %sub3A_277 = arith.subf %add3A_256, %convert_element_type3A_276 : vector<16xf32>
      %select_n3A_278 = arith.select %and3A_271, %broadcast_in_dim3A_6, %broadcast_in_dim3A_8 : vector<16xi1>, vector<16xf32>
      %sub3A_279 = arith.constant 1.000000e+00 : f32
      %sub3A_280 = vector.broadcast %sub3A_279 : f32 to vector<16xf32>
      %sub3A_281 = arith.subf %sub3A_280, %sub3A_277 : vector<16xf32>
      %mul3A_282 = arith.mulf %sub3A_281, %select_n3A_278 : vector<16xf32>
      %mul3A_283 = arith.mulf %sub3A_277, %select_n3A_278 : vector<16xf32>
      %sub3A_284 = arith.constant 1.000000e+00 : f32
      %sub3A_285 = vector.broadcast %sub3A_284 : f32 to vector<16xf32>
      %sub3A_286 = arith.subf %sub3A_285, %sub3A_275 : vector<16xf32>
      %max3A_287 = arith.constant 0 : i32
      %max3A_288 = vector.broadcast %max3A_287 : i32 to vector<16xi32>
      %max3A_289 = arith.maxsi %convert_element_type3A_272, %max3A_288 : vector<16xi32>
      %min3A_290 = arith.constant 511 : i32
      %min3A_291 = vector.broadcast %min3A_290 : i32 to vector<16xi32>
      %min3A_292 = arith.minsi %max3A_289, %min3A_291 : vector<16xi32>
      %max3A_293 = arith.constant 0 : i32
      %max3A_294 = vector.broadcast %max3A_293 : i32 to vector<16xi32>
      %max3A_295 = arith.maxsi %convert_element_type3A_273, %max3A_294 : vector<16xi32>
      %min3A_296 = arith.constant 511 : i32
      %min3A_297 = vector.broadcast %min3A_296 : i32 to vector<16xi32>
      %min3A_298 = arith.minsi %max3A_295, %min3A_297 : vector<16xi32>
      %shift_left3A_299 = arith.constant 9 : i32
      %shift_left3A_300 = vector.broadcast %shift_left3A_299 : i32 to vector<16xi32>
      %shift_left3A_301 = arith.shli %min3A_298, %shift_left3A_300 : vector<16xi32>
      %or3A_302 = arith.ori %shift_left3A_301, %min3A_292 : vector<16xi32>
      %swap3A_303 = arith.index_cast %add3A_219 : i32 to index
      %swap3A_304 = tpu.vector_load %arg6[%swap3A_303] {strides = array<i32>} : memref<1024xi32, #tpu.memory_space<vmem>>, vector<16xi32>,
      tpu.vector_store %arg6[%swap3A_303], %or3A_302 {strides = array<i32>} : memref<1024xi32, #tpu.memory_space<vmem>>, vector<16xi32>,
      %add3A_305 = arith.constant 512 : i32
      %add3A_306 = vector.broadcast %add3A_305 : i32 to vector<16xi32>
      %add3A_307 = arith.addi %or3A_302, %add3A_306 : vector<16xi32>
      %add3A_308 = arith.constant 512 : i32
      %add3A_309 = arith.addi %add3A_308, %add3A_219 : i32
      %swap3A_310 = arith.index_cast %add3A_309 : i32 to index
      %swap3A_311 = tpu.vector_load %arg6[%swap3A_310] {strides = array<i32>} : memref<1024xi32, #tpu.memory_space<vmem>>, vector<16xi32>,
      tpu.vector_store %arg6[%swap3A_310], %add3A_307 {strides = array<i32>} : memref<1024xi32, #tpu.memory_space<vmem>>, vector<16xi32>,
      %mul3A_312 = arith.mulf %sub3A_286, %mul3A_282 : vector<16xf32>
      %swap3A_313 = arith.index_cast %add3A_219 : i32 to index
      %swap3A_314 = tpu.vector_load %arg12[%swap3A_313] {strides = array<i32>} : memref<512xf32, #tpu.memory_space<vmem>>, vector<16xf32>,
      tpu.vector_store %arg12[%swap3A_313], %mul3A_312 {strides = array<i32>} : memref<512xf32, #tpu.memory_space<vmem>>, vector<16xf32>,
      %mul3A_315 = arith.mulf %sub3A_275, %mul3A_282 : vector<16xf32>
      %swap3A_316 = arith.index_cast %add3A_219 : i32 to index
      %swap3A_317 = tpu.vector_load %arg13[%swap3A_316] {strides = array<i32>} : memref<512xf32, #tpu.memory_space<vmem>>, vector<16xf32>,
      tpu.vector_store %arg13[%swap3A_316], %mul3A_315 {strides = array<i32>} : memref<512xf32, #tpu.memory_space<vmem>>, vector<16xf32>,
      %mul3A_318 = arith.mulf %sub3A_286, %mul3A_283 : vector<16xf32>
      %swap3A_319 = arith.index_cast %add3A_219 : i32 to index
      %swap3A_320 = tpu.vector_load %arg14[%swap3A_319] {strides = array<i32>} : memref<512xf32, #tpu.memory_space<vmem>>, vector<16xf32>,
      tpu.vector_store %arg14[%swap3A_319], %mul3A_318 {strides = array<i32>} : memref<512xf32, #tpu.memory_space<vmem>>, vector<16xf32>,
      %mul3A_321 = arith.mulf %sub3A_275, %mul3A_283 : vector<16xf32>
      %swap3A_322 = arith.index_cast %add3A_219 : i32 to index
      %swap3A_323 = tpu.vector_load %arg15[%swap3A_322] {strides = array<i32>} : memref<512xf32, #tpu.memory_space<vmem>>, vector<16xf32>,
      tpu.vector_store %arg15[%swap3A_322], %mul3A_321 {strides = array<i32>} : memref<512xf32, #tpu.memory_space<vmem>>, vector<16xf32>,
      %mul3A_324 = arith.constant 64 : i32
      %mul3A_325 = arith.muli %scan3A_87, %mul3A_324 : i32
      %add3A_326 = arith.constant 32 : i32
      %add3A_327 = arith.addi %mul3A_325, %add3A_326 : i32
      %jit3A_328 = arith.constant 8 : i32
      %eq3A_329 = arith.constant 0 : i32
      %eq3A_330 = arith.cmpi eq, %jit3A_328, %eq3A_329 : i32
      %jit3A_331 = arith.constant 1 : i32
      %select_n3A_332 = arith.select %eq3A_330, %jit3A_331, %jit3A_328 : i32
      %rem3A_333 = arith.remsi %scan3A_87, %select_n3A_332 : i32
      %ne3A_334 = arith.constant 0 : i32
      %ne3A_335 = arith.cmpi ne, %rem3A_333, %ne3A_334 : i32
      %lt3A_336 = arith.constant 0 : i32
      %lt3A_337 = arith.cmpi slt, %rem3A_333, %lt3A_336 : i32
      %lt3A_338 = arith.constant 0 : i32
      %lt3A_339 = arith.cmpi slt, %select_n3A_332, %lt3A_338 : i32
      %ne3A_340 = arith.xori %lt3A_337, %lt3A_339 : i1
      %and3A_341 = arith.andi %ne3A_340, %ne3A_335 : i1
      %add3A_342 = arith.addi %rem3A_333, %select_n3A_332 : i32
      %select_n3A_343 = arith.select %and3A_341, %add3A_342, %rem3A_333 : i32
      %mul3A_344 = arith.constant 64 : i32
      %mul3A_345 = arith.muli %select_n3A_343, %mul3A_344 : i32
      %add3A_346 = arith.constant 2 : i32
      %add3A_347 = arith.addi %mul3A_345, %add3A_346 : i32
      %convert_element_type3A_348 = arith.sitofp %add3A_347 : i32 to f32
      %add3A_349 = vector.broadcast %convert_element_type3A_348 : f32 to vector<16xf32>
      %add3A_350 = arith.addf %add3A_349, %convert_element_type3A : vector<16xf32>
      %sub3A_351 = arith.subf %add3A_350, %get3A_15 : vector<16xf32>
      %mul3A_352 = arith.mulf %sub3A_351, %sub3A_351 : vector<16xf32>
      %add3A_353 = arith.addf %mul3A_352, %mul3A_116 : vector<16xf32>
      %mul3A_354 = arith.mulf %get3A_11, %add3A_353 : vector<16xf32>
      %sub3A_355 = arith.constant 1.000000e+00 : f32
      %sub3A_356 = vector.broadcast %sub3A_355 : f32 to vector<16xf32>
      %sub3A_357 = arith.subf %sub3A_356, %mul3A_354 : vector<16xf32>
      %div3A_358 = arith.constant 1.000000e+00 : f32
      %div3A_359 = vector.broadcast %div3A_358 : f32 to vector<16xf32>
      %div3A_360 = arith.divf %div3A_359, %sub3A_357 : vector<16xf32>
      %mul3A_361 = arith.mulf %sub3A_351, %div3A_360 : vector<16xf32>
      %add3A_362 = arith.addf %mul3A_361, %get3A_15 : vector<16xf32>
      %mul3A_363 = arith.mulf %sub3A_115, %div3A_360 : vector<16xf32>
      %add3A_364 = arith.addf %mul3A_363, %get3A_19 : vector<16xf32>
      %ge3A_365 = arith.constant 0.000000e+00 : f32
      %ge3A_366 = vector.broadcast %ge3A_365 : f32 to vector<16xf32>
      %ge3A_367 = arith.cmpf oge, %add3A_362, %ge3A_366 : vector<16xf32>
      %le3A_368 = arith.constant 5.110000e+02 : f32
      %le3A_369 = vector.broadcast %le3A_368 : f32 to vector<16xf32>
      %le3A_370 = arith.cmpf ole, %add3A_362, %le3A_369 : vector<16xf32>
      %and3A_371 = arith.andi %ge3A_367, %le3A_370 : vector<16xi1>
      %ge3A_372 = arith.constant 0.000000e+00 : f32
      %ge3A_373 = vector.broadcast %ge3A_372 : f32 to vector<16xf32>
      %ge3A_374 = arith.cmpf oge, %add3A_364, %ge3A_373 : vector<16xf32>
      %le3A_375 = arith.constant 5.110000e+02 : f32
      %le3A_376 = vector.broadcast %le3A_375 : f32 to vector<16xf32>
      %le3A_377 = arith.cmpf ole, %add3A_364, %le3A_376 : vector<16xf32>
      %and3A_378 = arith.andi %ge3A_374, %le3A_377 : vector<16xi1>
      %and3A_379 = arith.andi %and3A_371, %and3A_378 : vector<16xi1>
      %convert_element_type3A_380 = arith.fptosi %add3A_362 : vector<16xf32> to vector<16xi32>
      %convert_element_type3A_381 = arith.fptosi %add3A_364 : vector<16xf32> to vector<16xi32>
      %convert_element_type3A_382 = arith.sitofp %convert_element_type3A_380 : vector<16xi32> to vector<16xf32>
      %sub3A_383 = arith.subf %add3A_362, %convert_element_type3A_382 : vector<16xf32>
      %convert_element_type3A_384 = arith.sitofp %convert_element_type3A_381 : vector<16xi32> to vector<16xf32>
      %sub3A_385 = arith.subf %add3A_364, %convert_element_type3A_384 : vector<16xf32>
      %select_n3A_386 = arith.select %and3A_379, %broadcast_in_dim3A_6, %broadcast_in_dim3A_8 : vector<16xi1>, vector<16xf32>
      %sub3A_387 = arith.constant 1.000000e+00 : f32
      %sub3A_388 = vector.broadcast %sub3A_387 : f32 to vector<16xf32>
      %sub3A_389 = arith.subf %sub3A_388, %sub3A_385 : vector<16xf32>
      %mul3A_390 = arith.mulf %sub3A_389, %select_n3A_386 : vector<16xf32>
      %mul3A_391 = arith.mulf %sub3A_385, %select_n3A_386 : vector<16xf32>
      %sub3A_392 = arith.constant 1.000000e+00 : f32
      %sub3A_393 = vector.broadcast %sub3A_392 : f32 to vector<16xf32>
      %sub3A_394 = arith.subf %sub3A_393, %sub3A_383 : vector<16xf32>
      %max3A_395 = arith.constant 0 : i32
      %max3A_396 = vector.broadcast %max3A_395 : i32 to vector<16xi32>
      %max3A_397 = arith.maxsi %convert_element_type3A_380, %max3A_396 : vector<16xi32>
      %min3A_398 = arith.constant 511 : i32
      %min3A_399 = vector.broadcast %min3A_398 : i32 to vector<16xi32>
      %min3A_400 = arith.minsi %max3A_397, %min3A_399 : vector<16xi32>
      %max3A_401 = arith.constant 0 : i32
      %max3A_402 = vector.broadcast %max3A_401 : i32 to vector<16xi32>
      %max3A_403 = arith.maxsi %convert_element_type3A_381, %max3A_402 : vector<16xi32>
      %min3A_404 = arith.constant 511 : i32
      %min3A_405 = vector.broadcast %min3A_404 : i32 to vector<16xi32>
      %min3A_406 = arith.minsi %max3A_403, %min3A_405 : vector<16xi32>
      %shift_left3A_407 = arith.constant 9 : i32
      %shift_left3A_408 = vector.broadcast %shift_left3A_407 : i32 to vector<16xi32>
      %shift_left3A_409 = arith.shli %min3A_406, %shift_left3A_408 : vector<16xi32>
      %or3A_410 = arith.ori %shift_left3A_409, %min3A_400 : vector<16xi32>
      %swap3A_411 = arith.index_cast %add3A_327 : i32 to index
      %swap3A_412 = tpu.vector_load %arg6[%swap3A_411] {strides = array<i32>} : memref<1024xi32, #tpu.memory_space<vmem>>, vector<16xi32>,
      tpu.vector_store %arg6[%swap3A_411], %or3A_410 {strides = array<i32>} : memref<1024xi32, #tpu.memory_space<vmem>>, vector<16xi32>,
      %add3A_413 = arith.constant 512 : i32
      %add3A_414 = vector.broadcast %add3A_413 : i32 to vector<16xi32>
      %add3A_415 = arith.addi %or3A_410, %add3A_414 : vector<16xi32>
      %add3A_416 = arith.constant 512 : i32
      %add3A_417 = arith.addi %add3A_416, %add3A_327 : i32
      %swap3A_418 = arith.index_cast %add3A_417 : i32 to index
      %swap3A_419 = tpu.vector_load %arg6[%swap3A_418] {strides = array<i32>} : memref<1024xi32, #tpu.memory_space<vmem>>, vector<16xi32>,
      tpu.vector_store %arg6[%swap3A_418], %add3A_415 {strides = array<i32>} : memref<1024xi32, #tpu.memory_space<vmem>>, vector<16xi32>,
      %mul3A_420 = arith.mulf %sub3A_394, %mul3A_390 : vector<16xf32>
      %swap3A_421 = arith.index_cast %add3A_327 : i32 to index
      %swap3A_422 = tpu.vector_load %arg12[%swap3A_421] {strides = array<i32>} : memref<512xf32, #tpu.memory_space<vmem>>, vector<16xf32>,
      tpu.vector_store %arg12[%swap3A_421], %mul3A_420 {strides = array<i32>} : memref<512xf32, #tpu.memory_space<vmem>>, vector<16xf32>,
      %mul3A_423 = arith.mulf %sub3A_383, %mul3A_390 : vector<16xf32>
      %swap3A_424 = arith.index_cast %add3A_327 : i32 to index
      %swap3A_425 = tpu.vector_load %arg13[%swap3A_424] {strides = array<i32>} : memref<512xf32, #tpu.memory_space<vmem>>, vector<16xf32>,
      tpu.vector_store %arg13[%swap3A_424], %mul3A_423 {strides = array<i32>} : memref<512xf32, #tpu.memory_space<vmem>>, vector<16xf32>,
      %mul3A_426 = arith.mulf %sub3A_394, %mul3A_391 : vector<16xf32>
      %swap3A_427 = arith.index_cast %add3A_327 : i32 to index
      %swap3A_428 = tpu.vector_load %arg14[%swap3A_427] {strides = array<i32>} : memref<512xf32, #tpu.memory_space<vmem>>, vector<16xf32>,
      tpu.vector_store %arg14[%swap3A_427], %mul3A_426 {strides = array<i32>} : memref<512xf32, #tpu.memory_space<vmem>>, vector<16xf32>,
      %mul3A_429 = arith.mulf %sub3A_383, %mul3A_391 : vector<16xf32>
      %swap3A_430 = arith.index_cast %add3A_327 : i32 to index
      %swap3A_431 = tpu.vector_load %arg15[%swap3A_430] {strides = array<i32>} : memref<512xf32, #tpu.memory_space<vmem>>, vector<16xf32>,
      tpu.vector_store %arg15[%swap3A_430], %mul3A_429 {strides = array<i32>} : memref<512xf32, #tpu.memory_space<vmem>>, vector<16xf32>,
      %mul3A_432 = arith.constant 64 : i32
      %mul3A_433 = arith.muli %scan3A_87, %mul3A_432 : i32
      %add3A_434 = arith.constant 48 : i32
      %add3A_435 = arith.addi %mul3A_433, %add3A_434 : i32
      %jit3A_436 = arith.constant 8 : i32
      %eq3A_437 = arith.constant 0 : i32
      %eq3A_438 = arith.cmpi eq, %jit3A_436, %eq3A_437 : i32
      %jit3A_439 = arith.constant 1 : i32
      %select_n3A_440 = arith.select %eq3A_438, %jit3A_439, %jit3A_436 : i32
      %rem3A_441 = arith.remsi %scan3A_87, %select_n3A_440 : i32
      %ne3A_442 = arith.constant 0 : i32
      %ne3A_443 = arith.cmpi ne, %rem3A_441, %ne3A_442 : i32
      %lt3A_444 = arith.constant 0 : i32
      %lt3A_445 = arith.cmpi slt, %rem3A_441, %lt3A_444 : i32
      %lt3A_446 = arith.constant 0 : i32
      %lt3A_447 = arith.cmpi slt, %select_n3A_440, %lt3A_446 : i32
      %ne3A_448 = arith.xori %lt3A_445, %lt3A_447 : i1
      %and3A_449 = arith.andi %ne3A_448, %ne3A_443 : i1
      %add3A_450 = arith.addi %rem3A_441, %select_n3A_440 : i32
      %select_n3A_451 = arith.select %and3A_449, %add3A_450, %rem3A_441 : i32
      %mul3A_452 = arith.constant 64 : i32
      %mul3A_453 = arith.muli %select_n3A_451, %mul3A_452 : i32
      %add3A_454 = arith.constant 3 : i32
      %add3A_455 = arith.addi %mul3A_453, %add3A_454 : i32
      %convert_element_type3A_456 = arith.sitofp %add3A_455 : i32 to f32
      %add3A_457 = vector.broadcast %convert_element_type3A_456 : f32 to vector<16xf32>
      %add3A_458 = arith.addf %add3A_457, %convert_element_type3A : vector<16xf32>
      %sub3A_459 = arith.subf %add3A_458, %get3A_15 : vector<16xf32>
      %mul3A_460 = arith.mulf %sub3A_459, %sub3A_459 : vector<16xf32>
      %add3A_461 = arith.addf %mul3A_460, %mul3A_116 : vector<16xf32>
      %mul3A_462 = arith.mulf %get3A_11, %add3A_461 : vector<16xf32>
      %sub3A_463 = arith.constant 1.000000e+00 : f32
      %sub3A_464 = vector.broadcast %sub3A_463 : f32 to vector<16xf32>
      %sub3A_465 = arith.subf %sub3A_464, %mul3A_462 : vector<16xf32>
      %div3A_466 = arith.constant 1.000000e+00 : f32
      %div3A_467 = vector.broadcast %div3A_466 : f32 to vector<16xf32>
      %div3A_468 = arith.divf %div3A_467, %sub3A_465 : vector<16xf32>
      %mul3A_469 = arith.mulf %sub3A_459, %div3A_468 : vector<16xf32>
      %add3A_470 = arith.addf %mul3A_469, %get3A_15 : vector<16xf32>
      %mul3A_471 = arith.mulf %sub3A_115, %div3A_468 : vector<16xf32>
      %add3A_472 = arith.addf %mul3A_471, %get3A_19 : vector<16xf32>
      %ge3A_473 = arith.constant 0.000000e+00 : f32
      %ge3A_474 = vector.broadcast %ge3A_473 : f32 to vector<16xf32>
      %ge3A_475 = arith.cmpf oge, %add3A_470, %ge3A_474 : vector<16xf32>
      %le3A_476 = arith.constant 5.110000e+02 : f32
      %le3A_477 = vector.broadcast %le3A_476 : f32 to vector<16xf32>
      %le3A_478 = arith.cmpf ole, %add3A_470, %le3A_477 : vector<16xf32>
      %and3A_479 = arith.andi %ge3A_475, %le3A_478 : vector<16xi1>
      %ge3A_480 = arith.constant 0.000000e+00 : f32
      %ge3A_481 = vector.broadcast %ge3A_480 : f32 to vector<16xf32>
      %ge3A_482 = arith.cmpf oge, %add3A_472, %ge3A_481 : vector<16xf32>
      %le3A_483 = arith.constant 5.110000e+02 : f32
      %le3A_484 = vector.broadcast %le3A_483 : f32 to vector<16xf32>
      %le3A_485 = arith.cmpf ole, %add3A_472, %le3A_484 : vector<16xf32>
      %and3A_486 = arith.andi %ge3A_482, %le3A_485 : vector<16xi1>
      %and3A_487 = arith.andi %and3A_479, %and3A_486 : vector<16xi1>
      %convert_element_type3A_488 = arith.fptosi %add3A_470 : vector<16xf32> to vector<16xi32>
      %convert_element_type3A_489 = arith.fptosi %add3A_472 : vector<16xf32> to vector<16xi32>
      %convert_element_type3A_490 = arith.sitofp %convert_element_type3A_488 : vector<16xi32> to vector<16xf32>
      %sub3A_491 = arith.subf %add3A_470, %convert_element_type3A_490 : vector<16xf32>
      %convert_element_type3A_492 = arith.sitofp %convert_element_type3A_489 : vector<16xi32> to vector<16xf32>
      %sub3A_493 = arith.subf %add3A_472, %convert_element_type3A_492 : vector<16xf32>
      %select_n3A_494 = arith.select %and3A_487, %broadcast_in_dim3A_6, %broadcast_in_dim3A_8 : vector<16xi1>, vector<16xf32>
      %sub3A_495 = arith.constant 1.000000e+00 : f32
      %sub3A_496 = vector.broadcast %sub3A_495 : f32 to vector<16xf32>
      %sub3A_497 = arith.subf %sub3A_496, %sub3A_493 : vector<16xf32>
      %mul3A_498 = arith.mulf %sub3A_497, %select_n3A_494 : vector<16xf32>
      %mul3A_499 = arith.mulf %sub3A_493, %select_n3A_494 : vector<16xf32>
      %sub3A_500 = arith.constant 1.000000e+00 : f32
      %sub3A_501 = vector.broadcast %sub3A_500 : f32 to vector<16xf32>
      %sub3A_502 = arith.subf %sub3A_501, %sub3A_491 : vector<16xf32>
      %max3A_503 = arith.constant 0 : i32
      %max3A_504 = vector.broadcast %max3A_503 : i32 to vector<16xi32>
      %max3A_505 = arith.maxsi %convert_element_type3A_488, %max3A_504 : vector<16xi32>
      %min3A_506 = arith.constant 511 : i32
      %min3A_507 = vector.broadcast %min3A_506 : i32 to vector<16xi32>
      %min3A_508 = arith.minsi %max3A_505, %min3A_507 : vector<16xi32>
      %max3A_509 = arith.constant 0 : i32
      %max3A_510 = vector.broadcast %max3A_509 : i32 to vector<16xi32>
      %max3A_511 = arith.maxsi %convert_element_type3A_489, %max3A_510 : vector<16xi32>
      %min3A_512 = arith.constant 511 : i32
      %min3A_513 = vector.broadcast %min3A_512 : i32 to vector<16xi32>
      %min3A_514 = arith.minsi %max3A_511, %min3A_513 : vector<16xi32>
      %shift_left3A_515 = arith.constant 9 : i32
      %shift_left3A_516 = vector.broadcast %shift_left3A_515 : i32 to vector<16xi32>
      %shift_left3A_517 = arith.shli %min3A_514, %shift_left3A_516 : vector<16xi32>
      %or3A_518 = arith.ori %shift_left3A_517, %min3A_508 : vector<16xi32>
      %swap3A_519 = arith.index_cast %add3A_435 : i32 to index
      %swap3A_520 = tpu.vector_load %arg6[%swap3A_519] {strides = array<i32>} : memref<1024xi32, #tpu.memory_space<vmem>>, vector<16xi32>,
      tpu.vector_store %arg6[%swap3A_519], %or3A_518 {strides = array<i32>} : memref<1024xi32, #tpu.memory_space<vmem>>, vector<16xi32>,
      %add3A_521 = arith.constant 512 : i32
      %add3A_522 = vector.broadcast %add3A_521 : i32 to vector<16xi32>
      %add3A_523 = arith.addi %or3A_518, %add3A_522 : vector<16xi32>
      %add3A_524 = arith.constant 512 : i32
      %add3A_525 = arith.addi %add3A_524, %add3A_435 : i32
      %swap3A_526 = arith.index_cast %add3A_525 : i32 to index
      %swap3A_527 = tpu.vector_load %arg6[%swap3A_526] {strides = array<i32>} : memref<1024xi32, #tpu.memory_space<vmem>>, vector<16xi32>,
      tpu.vector_store %arg6[%swap3A_526], %add3A_523 {strides = array<i32>} : memref<1024xi32, #tpu.memory_space<vmem>>, vector<16xi32>,
      %mul3A_528 = arith.mulf %sub3A_502, %mul3A_498 : vector<16xf32>
      %swap3A_529 = arith.index_cast %add3A_435 : i32 to index
      %swap3A_530 = tpu.vector_load %arg12[%swap3A_529] {strides = array<i32>} : memref<512xf32, #tpu.memory_space<vmem>>, vector<16xf32>,
      tpu.vector_store %arg12[%swap3A_529], %mul3A_528 {strides = array<i32>} : memref<512xf32, #tpu.memory_space<vmem>>, vector<16xf32>,
      %mul3A_531 = arith.mulf %sub3A_491, %mul3A_498 : vector<16xf32>
      %swap3A_532 = arith.index_cast %add3A_435 : i32 to index
      %swap3A_533 = tpu.vector_load %arg13[%swap3A_532] {strides = array<i32>} : memref<512xf32, #tpu.memory_space<vmem>>, vector<16xf32>,
      tpu.vector_store %arg13[%swap3A_532], %mul3A_531 {strides = array<i32>} : memref<512xf32, #tpu.memory_space<vmem>>, vector<16xf32>,
      %mul3A_534 = arith.mulf %sub3A_502, %mul3A_499 : vector<16xf32>
      %swap3A_535 = arith.index_cast %add3A_435 : i32 to index
      %swap3A_536 = tpu.vector_load %arg14[%swap3A_535] {strides = array<i32>} : memref<512xf32, #tpu.memory_space<vmem>>, vector<16xf32>,
      tpu.vector_store %arg14[%swap3A_535], %mul3A_534 {strides = array<i32>} : memref<512xf32, #tpu.memory_space<vmem>>, vector<16xf32>,
      %mul3A_537 = arith.mulf %sub3A_491, %mul3A_499 : vector<16xf32>
      %swap3A_538 = arith.index_cast %add3A_435 : i32 to index
      %swap3A_539 = tpu.vector_load %arg15[%swap3A_538] {strides = array<i32>} : memref<512xf32, #tpu.memory_space<vmem>>, vector<16xf32>,
      tpu.vector_store %arg15[%swap3A_538], %mul3A_537 {strides = array<i32>} : memref<512xf32, #tpu.memory_space<vmem>>, vector<16xf32>,
    }
    %scan3A_42 = arith.constant 8 : i32
    %dma_start3A = arith.constant 0 : i32
    %dma_start3A_43 = arith.constant 0 : i32
    %dma_start3A_44 = tpu.memref_slice %arg8[%dma_start3A, %dma_start3A_43] : memref<512x8xf32, #tpu.memory_space<vmem>> -> memref<512x8xf32, #tpu.memory_space<vmem>>
    %dma_start3A_45 = arith.constant 0 : i32
    %dma_start3A_46 = tpu.memref_slice %arg6[%dma_start3A_45] : memref<1024xi32, #tpu.memory_space<vmem>> -> memref<512xi32, #tpu.memory_space<vmem>>
    %dma_start3A_47 = arith.constant 0 : i32
    %dma_start3A_48 = arith.constant 0 : i32
    %dma_start3A_49 = tpu.memref_slice %arg2[%dma_start3A_47, %dma_start3A_48] : memref<262656x8xf32, #tpu.memory_space<hbm>> -> memref<262656x8xf32, #tpu.memory_space<hbm>>
    tpu.enqueue_indirect_dma source(%dma_start3A_49 : memref<262656x8xf32, #tpu.memory_space<hbm>>) target(%dma_start3A_44 : memref<512x8xf32, #tpu.memory_space<vmem>>) offsets(%dma_start3A_46 : memref<512xi32, #tpu.memory_space<vmem>>) semaphore(%arg26 : memref<!tpu.dma_semaphore, #tpu.memory_space<semaphore_mem>>)
    %dma_start3A_50 = arith.constant 0 : i32
    %dma_start3A_51 = arith.constant 0 : i32
    %dma_start3A_52 = tpu.memref_slice %arg9[%dma_start3A_50, %dma_start3A_51] : memref<512x8xf32, #tpu.memory_space<vmem>> -> memref<512x8xf32, #tpu.memory_space<vmem>>
    %dma_start3A_53 = arith.constant 512 : i32
    %dma_start3A_54 = tpu.memref_slice %arg6[%dma_start3A_53] : memref<1024xi32, #tpu.memory_space<vmem>> -> memref<512xi32, #tpu.memory_space<vmem>>
    %dma_start3A_55 = arith.constant 0 : i32
    %dma_start3A_56 = arith.constant 0 : i32
    %dma_start3A_57 = tpu.memref_slice %arg2[%dma_start3A_55, %dma_start3A_56] : memref<262656x8xf32, #tpu.memory_space<hbm>> -> memref<262656x8xf32, #tpu.memory_space<hbm>>
    tpu.enqueue_indirect_dma source(%dma_start3A_57 : memref<262656x8xf32, #tpu.memory_space<hbm>>) target(%dma_start3A_52 : memref<512x8xf32, #tpu.memory_space<vmem>>) offsets(%dma_start3A_54 : memref<512xi32, #tpu.memory_space<vmem>>) semaphore(%arg26 : memref<!tpu.dma_semaphore, #tpu.memory_space<semaphore_mem>>)
    %scan3A_58 = arith.constant 0 : i32
    %scan3A_59 = arith.constant 0 : i32
    %scan3A_60 = arith.constant 8 : i32
    %scan3A_61 = arith.addi %scan3A_59, %scan3A_60 : i32
    %scan3A_62 = arith.constant 1 : i32
    scf.for %scan3A_87 = %scan3A_59 to %scan3A_61 step %scan3A_62  : i32 {
      %mul3A_88 = arith.constant 2 : i32
      %mul3A_89 = arith.muli %mul3A_88, %scan3A_87 : i32
      %add3A_90 = arith.constant 1 : i32
      %add3A_91 = arith.addi %mul3A_89, %add3A_90 : i32
      %get3A_92 = arith.constant 0 : i32
      %get3A_93 = arith.index_cast %get3A_92 : i32 to index
      %get3A_94 = arith.constant 0 : index
      %get3A_95 = tpu.vector_load %arg5[%get3A_93, %get3A_94] {strides = array<i32>} : memref<4x16xf32, #tpu.memory_space<vmem>>, vector<16xf32>,
      %get3A_96 = arith.constant 2 : i32
      %get3A_97 = arith.index_cast %get3A_96 : i32 to index
      %get3A_98 = arith.constant 0 : index
      %get3A_99 = tpu.vector_load %arg5[%get3A_97, %get3A_98] {strides = array<i32>} : memref<4x16xf32, #tpu.memory_space<vmem>>, vector<16xf32>,
      %get3A_100 = arith.constant 3 : i32
      %get3A_101 = arith.index_cast %get3A_100 : i32 to index
      %get3A_102 = arith.constant 0 : index
      %get3A_103 = tpu.vector_load %arg5[%get3A_101, %get3A_102] {strides = array<i32>} : memref<4x16xf32, #tpu.memory_space<vmem>>, vector<16xf32>,
      %mul3A_104 = arith.constant 512 : i32
      %mul3A_105 = arith.muli %add3A_91, %mul3A_104 : i32
      %add3A_106 = arith.addi %mul3A_2, %mul3A_105 : i32
      %jit3A_107 = arith.constant 512 : i32
      %div3A_108 = arith.divsi %add3A_106, %jit3A_107 : i32
      %sign3A_109 = arith.constant 0 : i32
      %sign3A_110 = arith.cmpi sgt, %add3A_106, %sign3A_109 : i32
      %sign3A_111 = arith.extui %sign3A_110 : i1 to i32
      %sign3A_112 = arith.constant 0 : i32
      %sign3A_113 = arith.cmpi slt, %add3A_106, %sign3A_112 : i32
      %sign3A_114 = arith.extui %sign3A_113 : i1 to i32
      %sign3A_115 = arith.subi %sign3A_111, %sign3A_114 : i32
      %sign3A_116 = arith.constant 0 : i32
      %sign3A_117 = arith.cmpi sgt, %jit3A_107, %sign3A_116 : i32
      %sign3A_118 = arith.extui %sign3A_117 : i1 to i32
      %sign3A_119 = arith.constant 0 : i32
      %sign3A_120 = arith.cmpi slt, %jit3A_107, %sign3A_119 : i32
      %sign3A_121 = arith.extui %sign3A_120 : i1 to i32
      %sign3A_122 = arith.subi %sign3A_118, %sign3A_121 : i32
      %ne3A_123 = arith.cmpi ne, %sign3A_115, %sign3A_122 : i32
      %rem3A_124 = arith.remsi %add3A_106, %jit3A_107 : i32
      %ne3A_125 = arith.constant 0 : i32
      %ne3A_126 = arith.cmpi ne, %rem3A_124, %ne3A_125 : i32
      %and3A_127 = arith.andi %ne3A_123, %ne3A_126 : i1
      %sub3A_128 = arith.constant 1 : i32
      %sub3A_129 = arith.subi %div3A_108, %sub3A_128 : i32
      %select_n3A_130 = arith.select %and3A_127, %sub3A_129, %div3A_108 : i32
      %scan3A_131 = arith.constant 0 : i32
      %scan3A_132 = arith.constant 0 : i32
      %scan3A_133 = arith.constant 8 : i32
      %scan3A_134 = arith.addi %scan3A_132, %scan3A_133 : i32
      %scan3A_135 = arith.constant 1 : i32
      scf.for %scan3A_231 = %scan3A_132 to %scan3A_134 step %scan3A_135  : i32 {
        %jit3A_232 = arith.constant 8 : i32
        %div3A_233 = arith.divsi %scan3A_231, %jit3A_232 : i32
        %sign3A_234 = arith.constant 0 : i32
        %sign3A_235 = arith.cmpi sgt, %scan3A_231, %sign3A_234 : i32
        %sign3A_236 = arith.extui %sign3A_235 : i1 to i32
        %sign3A_237 = arith.constant 0 : i32
        %sign3A_238 = arith.cmpi slt, %scan3A_231, %sign3A_237 : i32
        %sign3A_239 = arith.extui %sign3A_238 : i1 to i32
        %sign3A_240 = arith.subi %sign3A_236, %sign3A_239 : i32
        %sign3A_241 = arith.constant 0 : i32
        %sign3A_242 = arith.cmpi sgt, %jit3A_232, %sign3A_241 : i32
        %sign3A_243 = arith.extui %sign3A_242 : i1 to i32
        %sign3A_244 = arith.constant 0 : i32
        %sign3A_245 = arith.cmpi slt, %jit3A_232, %sign3A_244 : i32
        %sign3A_246 = arith.extui %sign3A_245 : i1 to i32
        %sign3A_247 = arith.subi %sign3A_243, %sign3A_246 : i32
        %ne3A_248 = arith.cmpi ne, %sign3A_240, %sign3A_247 : i32
        %rem3A_249 = arith.remsi %scan3A_231, %jit3A_232 : i32
        %ne3A_250 = arith.constant 0 : i32
        %ne3A_251 = arith.cmpi ne, %rem3A_249, %ne3A_250 : i32
        %and3A_252 = arith.andi %ne3A_248, %ne3A_251 : i1
        %sub3A_253 = arith.constant 1 : i32
        %sub3A_254 = arith.subi %div3A_233, %sub3A_253 : i32
        %select_n3A_255 = arith.select %and3A_252, %sub3A_254, %div3A_233 : i32
        %add3A_256 = arith.addi %select_n3A_130, %select_n3A_255 : i32
        %convert_element_type3A_257 = arith.sitofp %add3A_256 : i32 to f32
        %sub3A_258 = vector.broadcast %convert_element_type3A_257 : f32 to vector<16xf32>
        %sub3A_259 = arith.subf %sub3A_258, %get3A_103 : vector<16xf32>
        %mul3A_260 = arith.mulf %sub3A_259, %sub3A_259 : vector<16xf32>
        %mul3A_261 = arith.constant 64 : i32
        %mul3A_262 = arith.muli %scan3A_231, %mul3A_261 : i32
        %add3A_263 = arith.constant 0 : i32
        %add3A_264 = arith.addi %mul3A_262, %add3A_263 : i32
        %jit3A_265 = arith.constant 8 : i32
        %eq3A = arith.constant 0 : i32
        %eq3A_266 = arith.cmpi eq, %jit3A_265, %eq3A : i32
        %jit3A_267 = arith.constant 1 : i32
        %select_n3A_268 = arith.select %eq3A_266, %jit3A_267, %jit3A_265 : i32
        %rem3A_269 = arith.remsi %scan3A_231, %select_n3A_268 : i32
        %ne3A_270 = arith.constant 0 : i32
        %ne3A_271 = arith.cmpi ne, %rem3A_269, %ne3A_270 : i32
        %lt3A_272 = arith.constant 0 : i32
        %lt3A_273 = arith.cmpi slt, %rem3A_269, %lt3A_272 : i32
        %lt3A_274 = arith.constant 0 : i32
        %lt3A_275 = arith.cmpi slt, %select_n3A_268, %lt3A_274 : i32
        %ne3A_276 = arith.xori %lt3A_273, %lt3A_275 : i1
        %and3A_277 = arith.andi %ne3A_276, %ne3A_271 : i1
        %add3A_278 = arith.addi %rem3A_269, %select_n3A_268 : i32
        %select_n3A_279 = arith.select %and3A_277, %add3A_278, %rem3A_269 : i32
        %mul3A_280 = arith.constant 64 : i32
        %mul3A_281 = arith.muli %select_n3A_279, %mul3A_280 : i32
        %add3A_282 = arith.constant 0 : i32
        %add3A_283 = arith.addi %mul3A_281, %add3A_282 : i32
        %convert_element_type3A_284 = arith.sitofp %add3A_283 : i32 to f32
        %add3A_285 = vector.broadcast %convert_element_type3A_284 : f32 to vector<16xf32>
        %add3A_286 = arith.addf %add3A_285, %convert_element_type3A : vector<16xf32>
        %sub3A_287 = arith.subf %add3A_286, %get3A_99 : vector<16xf32>
        %mul3A_288 = arith.mulf %sub3A_287, %sub3A_287 : vector<16xf32>
        %add3A_289 = arith.addf %mul3A_288, %mul3A_260 : vector<16xf32>
        %mul3A_290 = arith.mulf %get3A_95, %add3A_289 : vector<16xf32>
        %sub3A_291 = arith.constant 1.000000e+00 : f32
        %sub3A_292 = vector.broadcast %sub3A_291 : f32 to vector<16xf32>
        %sub3A_293 = arith.subf %sub3A_292, %mul3A_290 : vector<16xf32>
        %div3A_294 = arith.constant 1.000000e+00 : f32
        %div3A_295 = vector.broadcast %div3A_294 : f32 to vector<16xf32>
        %div3A_296 = arith.divf %div3A_295, %sub3A_293 : vector<16xf32>
        %mul3A_297 = arith.mulf %sub3A_287, %div3A_296 : vector<16xf32>
        %add3A_298 = arith.addf %mul3A_297, %get3A_99 : vector<16xf32>
        %mul3A_299 = arith.mulf %sub3A_259, %div3A_296 : vector<16xf32>
        %add3A_300 = arith.addf %mul3A_299, %get3A_103 : vector<16xf32>
        %ge3A = arith.constant 0.000000e+00 : f32
        %ge3A_301 = vector.broadcast %ge3A : f32 to vector<16xf32>
        %ge3A_302 = arith.cmpf oge, %add3A_298, %ge3A_301 : vector<16xf32>
        %le3A = arith.constant 5.110000e+02 : f32
        %le3A_303 = vector.broadcast %le3A : f32 to vector<16xf32>
        %le3A_304 = arith.cmpf ole, %add3A_298, %le3A_303 : vector<16xf32>
        %and3A_305 = arith.andi %ge3A_302, %le3A_304 : vector<16xi1>
        %ge3A_306 = arith.constant 0.000000e+00 : f32
        %ge3A_307 = vector.broadcast %ge3A_306 : f32 to vector<16xf32>
        %ge3A_308 = arith.cmpf oge, %add3A_300, %ge3A_307 : vector<16xf32>
        %le3A_309 = arith.constant 5.110000e+02 : f32
        %le3A_310 = vector.broadcast %le3A_309 : f32 to vector<16xf32>
        %le3A_311 = arith.cmpf ole, %add3A_300, %le3A_310 : vector<16xf32>
        %and3A_312 = arith.andi %ge3A_308, %le3A_311 : vector<16xi1>
        %and3A_313 = arith.andi %and3A_305, %and3A_312 : vector<16xi1>
        %convert_element_type3A_314 = arith.fptosi %add3A_298 : vector<16xf32> to vector<16xi32>
        %convert_element_type3A_315 = arith.fptosi %add3A_300 : vector<16xf32> to vector<16xi32>
        %convert_element_type3A_316 = arith.sitofp %convert_element_type3A_314 : vector<16xi32> to vector<16xf32>
        %sub3A_317 = arith.subf %add3A_298, %convert_element_type3A_316 : vector<16xf32>
        %convert_element_type3A_318 = arith.sitofp %convert_element_type3A_315 : vector<16xi32> to vector<16xf32>
        %sub3A_319 = arith.subf %add3A_300, %convert_element_type3A_318 : vector<16xf32>
        %select_n3A_320 = arith.select %and3A_313, %broadcast_in_dim3A_6, %broadcast_in_dim3A_8 : vector<16xi1>, vector<16xf32>
        %sub3A_321 = arith.constant 1.000000e+00 : f32
        %sub3A_322 = vector.broadcast %sub3A_321 : f32 to vector<16xf32>
        %sub3A_323 = arith.subf %sub3A_322, %sub3A_319 : vector<16xf32>
        %mul3A_324 = arith.mulf %sub3A_323, %select_n3A_320 : vector<16xf32>
        %mul3A_325 = arith.mulf %sub3A_319, %select_n3A_320 : vector<16xf32>
        %sub3A_326 = arith.constant 1.000000e+00 : f32
        %sub3A_327 = vector.broadcast %sub3A_326 : f32 to vector<16xf32>
        %sub3A_328 = arith.subf %sub3A_327, %sub3A_317 : vector<16xf32>
        %max3A = arith.constant 0 : i32
        %max3A_329 = vector.broadcast %max3A : i32 to vector<16xi32>
        %max3A_330 = arith.maxsi %convert_element_type3A_314, %max3A_329 : vector<16xi32>
        %min3A = arith.constant 511 : i32
        %min3A_331 = vector.broadcast %min3A : i32 to vector<16xi32>
        %min3A_332 = arith.minsi %max3A_330, %min3A_331 : vector<16xi32>
        %max3A_333 = arith.constant 0 : i32
        %max3A_334 = vector.broadcast %max3A_333 : i32 to vector<16xi32>
        %max3A_335 = arith.maxsi %convert_element_type3A_315, %max3A_334 : vector<16xi32>
        %min3A_336 = arith.constant 511 : i32
        %min3A_337 = vector.broadcast %min3A_336 : i32 to vector<16xi32>
        %min3A_338 = arith.minsi %max3A_335, %min3A_337 : vector<16xi32>
        %shift_left3A = arith.constant 9 : i32
        %shift_left3A_339 = vector.broadcast %shift_left3A : i32 to vector<16xi32>
        %shift_left3A_340 = arith.shli %min3A_338, %shift_left3A_339 : vector<16xi32>
        %or3A = arith.ori %shift_left3A_340, %min3A_332 : vector<16xi32>
        %swap3A = arith.index_cast %add3A_264 : i32 to index
        %swap3A_341 = tpu.vector_load %arg7[%swap3A] {strides = array<i32>} : memref<1024xi32, #tpu.memory_space<vmem>>, vector<16xi32>,
        tpu.vector_store %arg7[%swap3A], %or3A {strides = array<i32>} : memref<1024xi32, #tpu.memory_space<vmem>>, vector<16xi32>,
        %add3A_342 = arith.constant 512 : i32
        %add3A_343 = vector.broadcast %add3A_342 : i32 to vector<16xi32>
        %add3A_344 = arith.addi %or3A, %add3A_343 : vector<16xi32>
        %add3A_345 = arith.constant 512 : i32
        %add3A_346 = arith.addi %add3A_345, %add3A_264 : i32
        %swap3A_347 = arith.index_cast %add3A_346 : i32 to index
        %swap3A_348 = tpu.vector_load %arg7[%swap3A_347] {strides = array<i32>} : memref<1024xi32, #tpu.memory_space<vmem>>, vector<16xi32>,
        tpu.vector_store %arg7[%swap3A_347], %add3A_344 {strides = array<i32>} : memref<1024xi32, #tpu.memory_space<vmem>>, vector<16xi32>,
        %mul3A_349 = arith.mulf %sub3A_328, %mul3A_324 : vector<16xf32>
        %swap3A_350 = arith.index_cast %add3A_264 : i32 to index
        %swap3A_351 = tpu.vector_load %arg16[%swap3A_350] {strides = array<i32>} : memref<512xf32, #tpu.memory_space<vmem>>, vector<16xf32>,
        tpu.vector_store %arg16[%swap3A_350], %mul3A_349 {strides = array<i32>} : memref<512xf32, #tpu.memory_space<vmem>>, vector<16xf32>,
        %mul3A_352 = arith.mulf %sub3A_317, %mul3A_324 : vector<16xf32>
        %swap3A_353 = arith.index_cast %add3A_264 : i32 to index
        %swap3A_354 = tpu.vector_load %arg17[%swap3A_353] {strides = array<i32>} : memref<512xf32, #tpu.memory_space<vmem>>, vector<16xf32>,
        tpu.vector_store %arg17[%swap3A_353], %mul3A_352 {strides = array<i32>} : memref<512xf32, #tpu.memory_space<vmem>>, vector<16xf32>,
        %mul3A_355 = arith.mulf %sub3A_328, %mul3A_325 : vector<16xf32>
        %swap3A_356 = arith.index_cast %add3A_264 : i32 to index
        %swap3A_357 = tpu.vector_load %arg18[%swap3A_356] {strides = array<i32>} : memref<512xf32, #tpu.memory_space<vmem>>, vector<16xf32>,
        tpu.vector_store %arg18[%swap3A_356], %mul3A_355 {strides = array<i32>} : memref<512xf32, #tpu.memory_space<vmem>>, vector<16xf32>,
        %mul3A_358 = arith.mulf %sub3A_317, %mul3A_325 : vector<16xf32>
        %swap3A_359 = arith.index_cast %add3A_264 : i32 to index
        %swap3A_360 = tpu.vector_load %arg19[%swap3A_359] {strides = array<i32>} : memref<512xf32, #tpu.memory_space<vmem>>, vector<16xf32>,
        tpu.vector_store %arg19[%swap3A_359], %mul3A_358 {strides = array<i32>} : memref<512xf32, #tpu.memory_space<vmem>>, vector<16xf32>,
        %mul3A_361 = arith.constant 64 : i32
        %mul3A_362 = arith.muli %scan3A_231, %mul3A_361 : i32
        %add3A_363 = arith.constant 16 : i32
        %add3A_364 = arith.addi %mul3A_362, %add3A_363 : i32
        %jit3A_365 = arith.constant 8 : i32
        %eq3A_366 = arith.constant 0 : i32
        %eq3A_367 = arith.cmpi eq, %jit3A_365, %eq3A_366 : i32
        %jit3A_368 = arith.constant 1 : i32
        %select_n3A_369 = arith.select %eq3A_367, %jit3A_368, %jit3A_365 : i32
        %rem3A_370 = arith.remsi %scan3A_231, %select_n3A_369 : i32
        %ne3A_371 = arith.constant 0 : i32
        %ne3A_372 = arith.cmpi ne, %rem3A_370, %ne3A_371 : i32
        %lt3A_373 = arith.constant 0 : i32
        %lt3A_374 = arith.cmpi slt, %rem3A_370, %lt3A_373 : i32
        %lt3A_375 = arith.constant 0 : i32
        %lt3A_376 = arith.cmpi slt, %select_n3A_369, %lt3A_375 : i32
        %ne3A_377 = arith.xori %lt3A_374, %lt3A_376 : i1
        %and3A_378 = arith.andi %ne3A_377, %ne3A_372 : i1
        %add3A_379 = arith.addi %rem3A_370, %select_n3A_369 : i32
        %select_n3A_380 = arith.select %and3A_378, %add3A_379, %rem3A_370 : i32
        %mul3A_381 = arith.constant 64 : i32
        %mul3A_382 = arith.muli %select_n3A_380, %mul3A_381 : i32
        %add3A_383 = arith.constant 1 : i32
        %add3A_384 = arith.addi %mul3A_382, %add3A_383 : i32
        %convert_element_type3A_385 = arith.sitofp %add3A_384 : i32 to f32
        %add3A_386 = vector.broadcast %convert_element_type3A_385 : f32 to vector<16xf32>
        %add3A_387 = arith.addf %add3A_386, %convert_element_type3A : vector<16xf32>
        %sub3A_388 = arith.subf %add3A_387, %get3A_99 : vector<16xf32>
        %mul3A_389 = arith.mulf %sub3A_388, %sub3A_388 : vector<16xf32>
        %add3A_390 = arith.addf %mul3A_389, %mul3A_260 : vector<16xf32>
        %mul3A_391 = arith.mulf %get3A_95, %add3A_390 : vector<16xf32>
        %sub3A_392 = arith.constant 1.000000e+00 : f32
        %sub3A_393 = vector.broadcast %sub3A_392 : f32 to vector<16xf32>
        %sub3A_394 = arith.subf %sub3A_393, %mul3A_391 : vector<16xf32>
        %div3A_395 = arith.constant 1.000000e+00 : f32
        %div3A_396 = vector.broadcast %div3A_395 : f32 to vector<16xf32>
        %div3A_397 = arith.divf %div3A_396, %sub3A_394 : vector<16xf32>
        %mul3A_398 = arith.mulf %sub3A_388, %div3A_397 : vector<16xf32>
        %add3A_399 = arith.addf %mul3A_398, %get3A_99 : vector<16xf32>
        %mul3A_400 = arith.mulf %sub3A_259, %div3A_397 : vector<16xf32>
        %add3A_401 = arith.addf %mul3A_400, %get3A_103 : vector<16xf32>
        %ge3A_402 = arith.constant 0.000000e+00 : f32
        %ge3A_403 = vector.broadcast %ge3A_402 : f32 to vector<16xf32>
        %ge3A_404 = arith.cmpf oge, %add3A_399, %ge3A_403 : vector<16xf32>
        %le3A_405 = arith.constant 5.110000e+02 : f32
        %le3A_406 = vector.broadcast %le3A_405 : f32 to vector<16xf32>
        %le3A_407 = arith.cmpf ole, %add3A_399, %le3A_406 : vector<16xf32>
        %and3A_408 = arith.andi %ge3A_404, %le3A_407 : vector<16xi1>
        %ge3A_409 = arith.constant 0.000000e+00 : f32
        %ge3A_410 = vector.broadcast %ge3A_409 : f32 to vector<16xf32>
        %ge3A_411 = arith.cmpf oge, %add3A_401, %ge3A_410 : vector<16xf32>
        %le3A_412 = arith.constant 5.110000e+02 : f32
        %le3A_413 = vector.broadcast %le3A_412 : f32 to vector<16xf32>
        %le3A_414 = arith.cmpf ole, %add3A_401, %le3A_413 : vector<16xf32>
        %and3A_415 = arith.andi %ge3A_411, %le3A_414 : vector<16xi1>
        %and3A_416 = arith.andi %and3A_408, %and3A_415 : vector<16xi1>
        %convert_element_type3A_417 = arith.fptosi %add3A_399 : vector<16xf32> to vector<16xi32>
        %convert_element_type3A_418 = arith.fptosi %add3A_401 : vector<16xf32> to vector<16xi32>
        %convert_element_type3A_419 = arith.sitofp %convert_element_type3A_417 : vector<16xi32> to vector<16xf32>
        %sub3A_420 = arith.subf %add3A_399, %convert_element_type3A_419 : vector<16xf32>
        %convert_element_type3A_421 = arith.sitofp %convert_element_type3A_418 : vector<16xi32> to vector<16xf32>
        %sub3A_422 = arith.subf %add3A_401, %convert_element_type3A_421 : vector<16xf32>
        %select_n3A_423 = arith.select %and3A_416, %broadcast_in_dim3A_6, %broadcast_in_dim3A_8 : vector<16xi1>, vector<16xf32>
        %sub3A_424 = arith.constant 1.000000e+00 : f32
        %sub3A_425 = vector.broadcast %sub3A_424 : f32 to vector<16xf32>
        %sub3A_426 = arith.subf %sub3A_425, %sub3A_422 : vector<16xf32>
        %mul3A_427 = arith.mulf %sub3A_426, %select_n3A_423 : vector<16xf32>
        %mul3A_428 = arith.mulf %sub3A_422, %select_n3A_423 : vector<16xf32>
        %sub3A_429 = arith.constant 1.000000e+00 : f32
        %sub3A_430 = vector.broadcast %sub3A_429 : f32 to vector<16xf32>
        %sub3A_431 = arith.subf %sub3A_430, %sub3A_420 : vector<16xf32>
        %max3A_432 = arith.constant 0 : i32
        %max3A_433 = vector.broadcast %max3A_432 : i32 to vector<16xi32>
        %max3A_434 = arith.maxsi %convert_element_type3A_417, %max3A_433 : vector<16xi32>
        %min3A_435 = arith.constant 511 : i32
        %min3A_436 = vector.broadcast %min3A_435 : i32 to vector<16xi32>
        %min3A_437 = arith.minsi %max3A_434, %min3A_436 : vector<16xi32>
        %max3A_438 = arith.constant 0 : i32
        %max3A_439 = vector.broadcast %max3A_438 : i32 to vector<16xi32>
        %max3A_440 = arith.maxsi %convert_element_type3A_418, %max3A_439 : vector<16xi32>
        %min3A_441 = arith.constant 511 : i32
        %min3A_442 = vector.broadcast %min3A_441 : i32 to vector<16xi32>
        %min3A_443 = arith.minsi %max3A_440, %min3A_442 : vector<16xi32>
        %shift_left3A_444 = arith.constant 9 : i32
        %shift_left3A_445 = vector.broadcast %shift_left3A_444 : i32 to vector<16xi32>
        %shift_left3A_446 = arith.shli %min3A_443, %shift_left3A_445 : vector<16xi32>
        %or3A_447 = arith.ori %shift_left3A_446, %min3A_437 : vector<16xi32>
        %swap3A_448 = arith.index_cast %add3A_364 : i32 to index
        %swap3A_449 = tpu.vector_load %arg7[%swap3A_448] {strides = array<i32>} : memref<1024xi32, #tpu.memory_space<vmem>>, vector<16xi32>,
        tpu.vector_store %arg7[%swap3A_448], %or3A_447 {strides = array<i32>} : memref<1024xi32, #tpu.memory_space<vmem>>, vector<16xi32>,
        %add3A_450 = arith.constant 512 : i32
        %add3A_451 = vector.broadcast %add3A_450 : i32 to vector<16xi32>
        %add3A_452 = arith.addi %or3A_447, %add3A_451 : vector<16xi32>
        %add3A_453 = arith.constant 512 : i32
        %add3A_454 = arith.addi %add3A_453, %add3A_364 : i32
        %swap3A_455 = arith.index_cast %add3A_454 : i32 to index
        %swap3A_456 = tpu.vector_load %arg7[%swap3A_455] {strides = array<i32>} : memref<1024xi32, #tpu.memory_space<vmem>>, vector<16xi32>,
        tpu.vector_store %arg7[%swap3A_455], %add3A_452 {strides = array<i32>} : memref<1024xi32, #tpu.memory_space<vmem>>, vector<16xi32>,
        %mul3A_457 = arith.mulf %sub3A_431, %mul3A_427 : vector<16xf32>
        %swap3A_458 = arith.index_cast %add3A_364 : i32 to index
        %swap3A_459 = tpu.vector_load %arg16[%swap3A_458] {strides = array<i32>} : memref<512xf32, #tpu.memory_space<vmem>>, vector<16xf32>,
        tpu.vector_store %arg16[%swap3A_458], %mul3A_457 {strides = array<i32>} : memref<512xf32, #tpu.memory_space<vmem>>, vector<16xf32>,
        %mul3A_460 = arith.mulf %sub3A_420, %mul3A_427 : vector<16xf32>
        %swap3A_461 = arith.index_cast %add3A_364 : i32 to index
        %swap3A_462 = tpu.vector_load %arg17[%swap3A_461] {strides = array<i32>} : memref<512xf32, #tpu.memory_space<vmem>>, vector<16xf32>,
        tpu.vector_store %arg17[%swap3A_461], %mul3A_460 {strides = array<i32>} : memref<512xf32, #tpu.memory_space<vmem>>, vector<16xf32>,
        %mul3A_463 = arith.mulf %sub3A_431, %mul3A_428 : vector<16xf32>
        %swap3A_464 = arith.index_cast %add3A_364 : i32 to index
        %swap3A_465 = tpu.vector_load %arg18[%swap3A_464] {strides = array<i32>} : memref<512xf32, #tpu.memory_space<vmem>>, vector<16xf32>,
        tpu.vector_store %arg18[%swap3A_464], %mul3A_463 {strides = array<i32>} : memref<512xf32, #tpu.memory_space<vmem>>, vector<16xf32>,
        %mul3A_466 = arith.mulf %sub3A_420, %mul3A_428 : vector<16xf32>
        %swap3A_467 = arith.index_cast %add3A_364 : i32 to index
        %swap3A_468 = tpu.vector_load %arg19[%swap3A_467] {strides = array<i32>} : memref<512xf32, #tpu.memory_space<vmem>>, vector<16xf32>,
        tpu.vector_store %arg19[%swap3A_467], %mul3A_466 {strides = array<i32>} : memref<512xf32, #tpu.memory_space<vmem>>, vector<16xf32>,
        %mul3A_469 = arith.constant 64 : i32
        %mul3A_470 = arith.muli %scan3A_231, %mul3A_469 : i32
        %add3A_471 = arith.constant 32 : i32
        %add3A_472 = arith.addi %mul3A_470, %add3A_471 : i32
        %jit3A_473 = arith.constant 8 : i32
        %eq3A_474 = arith.constant 0 : i32
        %eq3A_475 = arith.cmpi eq, %jit3A_473, %eq3A_474 : i32
        %jit3A_476 = arith.constant 1 : i32
        %select_n3A_477 = arith.select %eq3A_475, %jit3A_476, %jit3A_473 : i32
        %rem3A_478 = arith.remsi %scan3A_231, %select_n3A_477 : i32
        %ne3A_479 = arith.constant 0 : i32
        %ne3A_480 = arith.cmpi ne, %rem3A_478, %ne3A_479 : i32
        %lt3A_481 = arith.constant 0 : i32
        %lt3A_482 = arith.cmpi slt, %rem3A_478, %lt3A_481 : i32
        %lt3A_483 = arith.constant 0 : i32
        %lt3A_484 = arith.cmpi slt, %select_n3A_477, %lt3A_483 : i32
        %ne3A_485 = arith.xori %lt3A_482, %lt3A_484 : i1
        %and3A_486 = arith.andi %ne3A_485, %ne3A_480 : i1
        %add3A_487 = arith.addi %rem3A_478, %select_n3A_477 : i32
        %select_n3A_488 = arith.select %and3A_486, %add3A_487, %rem3A_478 : i32
        %mul3A_489 = arith.constant 64 : i32
        %mul3A_490 = arith.muli %select_n3A_488, %mul3A_489 : i32
        %add3A_491 = arith.constant 2 : i32
        %add3A_492 = arith.addi %mul3A_490, %add3A_491 : i32
        %convert_element_type3A_493 = arith.sitofp %add3A_492 : i32 to f32
        %add3A_494 = vector.broadcast %convert_element_type3A_493 : f32 to vector<16xf32>
        %add3A_495 = arith.addf %add3A_494, %convert_element_type3A : vector<16xf32>
        %sub3A_496 = arith.subf %add3A_495, %get3A_99 : vector<16xf32>
        %mul3A_497 = arith.mulf %sub3A_496, %sub3A_496 : vector<16xf32>
        %add3A_498 = arith.addf %mul3A_497, %mul3A_260 : vector<16xf32>
        %mul3A_499 = arith.mulf %get3A_95, %add3A_498 : vector<16xf32>
        %sub3A_500 = arith.constant 1.000000e+00 : f32
        %sub3A_501 = vector.broadcast %sub3A_500 : f32 to vector<16xf32>
        %sub3A_502 = arith.subf %sub3A_501, %mul3A_499 : vector<16xf32>
        %div3A_503 = arith.constant 1.000000e+00 : f32
        %div3A_504 = vector.broadcast %div3A_503 : f32 to vector<16xf32>
        %div3A_505 = arith.divf %div3A_504, %sub3A_502 : vector<16xf32>
        %mul3A_506 = arith.mulf %sub3A_496, %div3A_505 : vector<16xf32>
        %add3A_507 = arith.addf %mul3A_506, %get3A_99 : vector<16xf32>
        %mul3A_508 = arith.mulf %sub3A_259, %div3A_505 : vector<16xf32>
        %add3A_509 = arith.addf %mul3A_508, %get3A_103 : vector<16xf32>
        %ge3A_510 = arith.constant 0.000000e+00 : f32
        %ge3A_511 = vector.broadcast %ge3A_510 : f32 to vector<16xf32>
        %ge3A_512 = arith.cmpf oge, %add3A_507, %ge3A_511 : vector<16xf32>
        %le3A_513 = arith.constant 5.110000e+02 : f32
        %le3A_514 = vector.broadcast %le3A_513 : f32 to vector<16xf32>
        %le3A_515 = arith.cmpf ole, %add3A_507, %le3A_514 : vector<16xf32>
        %and3A_516 = arith.andi %ge3A_512, %le3A_515 : vector<16xi1>
        %ge3A_517 = arith.constant 0.000000e+00 : f32
        %ge3A_518 = vector.broadcast %ge3A_517 : f32 to vector<16xf32>
        %ge3A_519 = arith.cmpf oge, %add3A_509, %ge3A_518 : vector<16xf32>
        %le3A_520 = arith.constant 5.110000e+02 : f32
        %le3A_521 = vector.broadcast %le3A_520 : f32 to vector<16xf32>
        %le3A_522 = arith.cmpf ole, %add3A_509, %le3A_521 : vector<16xf32>
        %and3A_523 = arith.andi %ge3A_519, %le3A_522 : vector<16xi1>
        %and3A_524 = arith.andi %and3A_516, %and3A_523 : vector<16xi1>
        %convert_element_type3A_525 = arith.fptosi %add3A_507 : vector<16xf32> to vector<16xi32>
        %convert_element_type3A_526 = arith.fptosi %add3A_509 : vector<16xf32> to vector<16xi32>
        %convert_element_type3A_527 = arith.sitofp %convert_element_type3A_525 : vector<16xi32> to vector<16xf32>
        %sub3A_528 = arith.subf %add3A_507, %convert_element_type3A_527 : vector<16xf32>
        %convert_element_type3A_529 = arith.sitofp %convert_element_type3A_526 : vector<16xi32> to vector<16xf32>
        %sub3A_530 = arith.subf %add3A_509, %convert_element_type3A_529 : vector<16xf32>
        %select_n3A_531 = arith.select %and3A_524, %broadcast_in_dim3A_6, %broadcast_in_dim3A_8 : vector<16xi1>, vector<16xf32>
        %sub3A_532 = arith.constant 1.000000e+00 : f32
        %sub3A_533 = vector.broadcast %sub3A_532 : f32 to vector<16xf32>
        %sub3A_534 = arith.subf %sub3A_533, %sub3A_530 : vector<16xf32>
        %mul3A_535 = arith.mulf %sub3A_534, %select_n3A_531 : vector<16xf32>
        %mul3A_536 = arith.mulf %sub3A_530, %select_n3A_531 : vector<16xf32>
        %sub3A_537 = arith.constant 1.000000e+00 : f32
        %sub3A_538 = vector.broadcast %sub3A_537 : f32 to vector<16xf32>
        %sub3A_539 = arith.subf %sub3A_538, %sub3A_528 : vector<16xf32>
        %max3A_540 = arith.constant 0 : i32
        %max3A_541 = vector.broadcast %max3A_540 : i32 to vector<16xi32>
        %max3A_542 = arith.maxsi %convert_element_type3A_525, %max3A_541 : vector<16xi32>
        %min3A_543 = arith.constant 511 : i32
        %min3A_544 = vector.broadcast %min3A_543 : i32 to vector<16xi32>
        %min3A_545 = arith.minsi %max3A_542, %min3A_544 : vector<16xi32>
        %max3A_546 = arith.constant 0 : i32
        %max3A_547 = vector.broadcast %max3A_546 : i32 to vector<16xi32>
        %max3A_548 = arith.maxsi %convert_element_type3A_526, %max3A_547 : vector<16xi32>
        %min3A_549 = arith.constant 511 : i32
        %min3A_550 = vector.broadcast %min3A_549 : i32 to vector<16xi32>
        %min3A_551 = arith.minsi %max3A_548, %min3A_550 : vector<16xi32>
        %shift_left3A_552 = arith.constant 9 : i32
        %shift_left3A_553 = vector.broadcast %shift_left3A_552 : i32 to vector<16xi32>
        %shift_left3A_554 = arith.shli %min3A_551, %shift_left3A_553 : vector<16xi32>
        %or3A_555 = arith.ori %shift_left3A_554, %min3A_545 : vector<16xi32>
        %swap3A_556 = arith.index_cast %add3A_472 : i32 to index
        %swap3A_557 = tpu.vector_load %arg7[%swap3A_556] {strides = array<i32>} : memref<1024xi32, #tpu.memory_space<vmem>>, vector<16xi32>,
        tpu.vector_store %arg7[%swap3A_556], %or3A_555 {strides = array<i32>} : memref<1024xi32, #tpu.memory_space<vmem>>, vector<16xi32>,
        %add3A_558 = arith.constant 512 : i32
        %add3A_559 = vector.broadcast %add3A_558 : i32 to vector<16xi32>
        %add3A_560 = arith.addi %or3A_555, %add3A_559 : vector<16xi32>
        %add3A_561 = arith.constant 512 : i32
        %add3A_562 = arith.addi %add3A_561, %add3A_472 : i32
        %swap3A_563 = arith.index_cast %add3A_562 : i32 to index
        %swap3A_564 = tpu.vector_load %arg7[%swap3A_563] {strides = array<i32>} : memref<1024xi32, #tpu.memory_space<vmem>>, vector<16xi32>,
        tpu.vector_store %arg7[%swap3A_563], %add3A_560 {strides = array<i32>} : memref<1024xi32, #tpu.memory_space<vmem>>, vector<16xi32>,
        %mul3A_565 = arith.mulf %sub3A_539, %mul3A_535 : vector<16xf32>
        %swap3A_566 = arith.index_cast %add3A_472 : i32 to index
        %swap3A_567 = tpu.vector_load %arg16[%swap3A_566] {strides = array<i32>} : memref<512xf32, #tpu.memory_space<vmem>>, vector<16xf32>,
        tpu.vector_store %arg16[%swap3A_566], %mul3A_565 {strides = array<i32>} : memref<512xf32, #tpu.memory_space<vmem>>, vector<16xf32>,
        %mul3A_568 = arith.mulf %sub3A_528, %mul3A_535 : vector<16xf32>
        %swap3A_569 = arith.index_cast %add3A_472 : i32 to index
        %swap3A_570 = tpu.vector_load %arg17[%swap3A_569] {strides = array<i32>} : memref<512xf32, #tpu.memory_space<vmem>>, vector<16xf32>,
        tpu.vector_store %arg17[%swap3A_569], %mul3A_568 {strides = array<i32>} : memref<512xf32, #tpu.memory_space<vmem>>, vector<16xf32>,
        %mul3A_571 = arith.mulf %sub3A_539, %mul3A_536 : vector<16xf32>
        %swap3A_572 = arith.index_cast %add3A_472 : i32 to index
        %swap3A_573 = tpu.vector_load %arg18[%swap3A_572] {strides = array<i32>} : memref<512xf32, #tpu.memory_space<vmem>>, vector<16xf32>,
        tpu.vector_store %arg18[%swap3A_572], %mul3A_571 {strides = array<i32>} : memref<512xf32, #tpu.memory_space<vmem>>, vector<16xf32>,
        %mul3A_574 = arith.mulf %sub3A_528, %mul3A_536 : vector<16xf32>
        %swap3A_575 = arith.index_cast %add3A_472 : i32 to index
        %swap3A_576 = tpu.vector_load %arg19[%swap3A_575] {strides = array<i32>} : memref<512xf32, #tpu.memory_space<vmem>>, vector<16xf32>,
        tpu.vector_store %arg19[%swap3A_575], %mul3A_574 {strides = array<i32>} : memref<512xf32, #tpu.memory_space<vmem>>, vector<16xf32>,
        %mul3A_577 = arith.constant 64 : i32
        %mul3A_578 = arith.muli %scan3A_231, %mul3A_577 : i32
        %add3A_579 = arith.constant 48 : i32
        %add3A_580 = arith.addi %mul3A_578, %add3A_579 : i32
        %jit3A_581 = arith.constant 8 : i32
        %eq3A_582 = arith.constant 0 : i32
        %eq3A_583 = arith.cmpi eq, %jit3A_581, %eq3A_582 : i32
        %jit3A_584 = arith.constant 1 : i32
        %select_n3A_585 = arith.select %eq3A_583, %jit3A_584, %jit3A_581 : i32
        %rem3A_586 = arith.remsi %scan3A_231, %select_n3A_585 : i32
        %ne3A_587 = arith.constant 0 : i32
        %ne3A_588 = arith.cmpi ne, %rem3A_586, %ne3A_587 : i32
        %lt3A_589 = arith.constant 0 : i32
        %lt3A_590 = arith.cmpi slt, %rem3A_586, %lt3A_589 : i32
        %lt3A_591 = arith.constant 0 : i32
        %lt3A_592 = arith.cmpi slt, %select_n3A_585, %lt3A_591 : i32
        %ne3A_593 = arith.xori %lt3A_590, %lt3A_592 : i1
        %and3A_594 = arith.andi %ne3A_593, %ne3A_588 : i1
        %add3A_595 = arith.addi %rem3A_586, %select_n3A_585 : i32
        %select_n3A_596 = arith.select %and3A_594, %add3A_595, %rem3A_586 : i32
        %mul3A_597 = arith.constant 64 : i32
        %mul3A_598 = arith.muli %select_n3A_596, %mul3A_597 : i32
        %add3A_599 = arith.constant 3 : i32
        %add3A_600 = arith.addi %mul3A_598, %add3A_599 : i32
        %convert_element_type3A_601 = arith.sitofp %add3A_600 : i32 to f32
        %add3A_602 = vector.broadcast %convert_element_type3A_601 : f32 to vector<16xf32>
        %add3A_603 = arith.addf %add3A_602, %convert_element_type3A : vector<16xf32>
        %sub3A_604 = arith.subf %add3A_603, %get3A_99 : vector<16xf32>
        %mul3A_605 = arith.mulf %sub3A_604, %sub3A_604 : vector<16xf32>
        %add3A_606 = arith.addf %mul3A_605, %mul3A_260 : vector<16xf32>
        %mul3A_607 = arith.mulf %get3A_95, %add3A_606 : vector<16xf32>
        %sub3A_608 = arith.constant 1.000000e+00 : f32
        %sub3A_609 = vector.broadcast %sub3A_608 : f32 to vector<16xf32>
        %sub3A_610 = arith.subf %sub3A_609, %mul3A_607 : vector<16xf32>
        %div3A_611 = arith.constant 1.000000e+00 : f32
        %div3A_612 = vector.broadcast %div3A_611 : f32 to vector<16xf32>
        %div3A_613 = arith.divf %div3A_612, %sub3A_610 : vector<16xf32>
        %mul3A_614 = arith.mulf %sub3A_604, %div3A_613 : vector<16xf32>
        %add3A_615 = arith.addf %mul3A_614, %get3A_99 : vector<16xf32>
        %mul3A_616 = arith.mulf %sub3A_259, %div3A_613 : vector<16xf32>
        %add3A_617 = arith.addf %mul3A_616, %get3A_103 : vector<16xf32>
        %ge3A_618 = arith.constant 0.000000e+00 : f32
        %ge3A_619 = vector.broadcast %ge3A_618 : f32 to vector<16xf32>
        %ge3A_620 = arith.cmpf oge, %add3A_615, %ge3A_619 : vector<16xf32>
        %le3A_621 = arith.constant 5.110000e+02 : f32
        %le3A_622 = vector.broadcast %le3A_621 : f32 to vector<16xf32>
        %le3A_623 = arith.cmpf ole, %add3A_615, %le3A_622 : vector<16xf32>
        %and3A_624 = arith.andi %ge3A_620, %le3A_623 : vector<16xi1>
        %ge3A_625 = arith.constant 0.000000e+00 : f32
        %ge3A_626 = vector.broadcast %ge3A_625 : f32 to vector<16xf32>
        %ge3A_627 = arith.cmpf oge, %add3A_617, %ge3A_626 : vector<16xf32>
        %le3A_628 = arith.constant 5.110000e+02 : f32
        %le3A_629 = vector.broadcast %le3A_628 : f32 to vector<16xf32>
        %le3A_630 = arith.cmpf ole, %add3A_617, %le3A_629 : vector<16xf32>
        %and3A_631 = arith.andi %ge3A_627, %le3A_630 : vector<16xi1>
        %and3A_632 = arith.andi %and3A_624, %and3A_631 : vector<16xi1>
        %convert_element_type3A_633 = arith.fptosi %add3A_615 : vector<16xf32> to vector<16xi32>
        %convert_element_type3A_634 = arith.fptosi %add3A_617 : vector<16xf32> to vector<16xi32>
        %convert_element_type3A_635 = arith.sitofp %convert_element_type3A_633 : vector<16xi32> to vector<16xf32>
        %sub3A_636 = arith.subf %add3A_615, %convert_element_type3A_635 : vector<16xf32>
        %convert_element_type3A_637 = arith.sitofp %convert_element_type3A_634 : vector<16xi32> to vector<16xf32>
        %sub3A_638 = arith.subf %add3A_617, %convert_element_type3A_637 : vector<16xf32>
        %select_n3A_639 = arith.select %and3A_632, %broadcast_in_dim3A_6, %broadcast_in_dim3A_8 : vector<16xi1>, vector<16xf32>
        %sub3A_640 = arith.constant 1.000000e+00 : f32
        %sub3A_641 = vector.broadcast %sub3A_640 : f32 to vector<16xf32>
        %sub3A_642 = arith.subf %sub3A_641, %sub3A_638 : vector<16xf32>
        %mul3A_643 = arith.mulf %sub3A_642, %select_n3A_639 : vector<16xf32>
        %mul3A_644 = arith.mulf %sub3A_638, %select_n3A_639 : vector<16xf32>
        %sub3A_645 = arith.constant 1.000000e+00 : f32
        %sub3A_646 = vector.broadcast %sub3A_645 : f32 to vector<16xf32>
        %sub3A_647 = arith.subf %sub3A_646, %sub3A_636 : vector<16xf32>
        %max3A_648 = arith.constant 0 : i32
        %max3A_649 = vector.broadcast %max3A_648 : i32 to vector<16xi32>
        %max3A_650 = arith.maxsi %convert_element_type3A_633, %max3A_649 : vector<16xi32>
        %min3A_651 = arith.constant 511 : i32
        %min3A_652 = vector.broadcast %min3A_651 : i32 to vector<16xi32>
        %min3A_653 = arith.minsi %max3A_650, %min3A_652 : vector<16xi32>
        %max3A_654 = arith.constant 0 : i32
        %max3A_655 = vector.broadcast %max3A_654 : i32 to vector<16xi32>
        %max3A_656 = arith.maxsi %convert_element_type3A_634, %max3A_655 : vector<16xi32>
        %min3A_657 = arith.constant 511 : i32
        %min3A_658 = vector.broadcast %min3A_657 : i32 to vector<16xi32>
        %min3A_659 = arith.minsi %max3A_656, %min3A_658 : vector<16xi32>
        %shift_left3A_660 = arith.constant 9 : i32
        %shift_left3A_661 = vector.broadcast %shift_left3A_660 : i32 to vector<16xi32>
        %shift_left3A_662 = arith.shli %min3A_659, %shift_left3A_661 : vector<16xi32>
        %or3A_663 = arith.ori %shift_left3A_662, %min3A_653 : vector<16xi32>
        %swap3A_664 = arith.index_cast %add3A_580 : i32 to index
        %swap3A_665 = tpu.vector_load %arg7[%swap3A_664] {strides = array<i32>} : memref<1024xi32, #tpu.memory_space<vmem>>, vector<16xi32>,
        tpu.vector_store %arg7[%swap3A_664], %or3A_663 {strides = array<i32>} : memref<1024xi32, #tpu.memory_space<vmem>>, vector<16xi32>,
        %add3A_666 = arith.constant 512 : i32
        %add3A_667 = vector.broadcast %add3A_666 : i32 to vector<16xi32>
        %add3A_668 = arith.addi %or3A_663, %add3A_667 : vector<16xi32>
        %add3A_669 = arith.constant 512 : i32
        %add3A_670 = arith.addi %add3A_669, %add3A_580 : i32
        %swap3A_671 = arith.index_cast %add3A_670 : i32 to index
        %swap3A_672 = tpu.vector_load %arg7[%swap3A_671] {strides = array<i32>} : memref<1024xi32, #tpu.memory_space<vmem>>, vector<16xi32>,
        tpu.vector_store %arg7[%swap3A_671], %add3A_668 {strides = array<i32>} : memref<1024xi32, #tpu.memory_space<vmem>>, vector<16xi32>,
        %mul3A_673 = arith.mulf %sub3A_647, %mul3A_643 : vector<16xf32>
        %swap3A_674 = arith.index_cast %add3A_580 : i32 to index
        %swap3A_675 = tpu.vector_load %arg16[%swap3A_674] {strides = array<i32>} : memref<512xf32, #tpu.memory_space<vmem>>, vector<16xf32>,
        tpu.vector_store %arg16[%swap3A_674], %mul3A_673 {strides = array<i32>} : memref<512xf32, #tpu.memory_space<vmem>>, vector<16xf32>,
        %mul3A_676 = arith.mulf %sub3A_636, %mul3A_643 : vector<16xf32>
        %swap3A_677 = arith.index_cast %add3A_580 : i32 to index
        %swap3A_678 = tpu.vector_load %arg17[%swap3A_677] {strides = array<i32>} : memref<512xf32, #tpu.memory_space<vmem>>, vector<16xf32>,
        tpu.vector_store %arg17[%swap3A_677], %mul3A_676 {strides = array<i32>} : memref<512xf32, #tpu.memory_space<vmem>>, vector<16xf32>,
        %mul3A_679 = arith.mulf %sub3A_647, %mul3A_644 : vector<16xf32>
        %swap3A_680 = arith.index_cast %add3A_580 : i32 to index
        %swap3A_681 = tpu.vector_load %arg18[%swap3A_680] {strides = array<i32>} : memref<512xf32, #tpu.memory_space<vmem>>, vector<16xf32>,
        tpu.vector_store %arg18[%swap3A_680], %mul3A_679 {strides = array<i32>} : memref<512xf32, #tpu.memory_space<vmem>>, vector<16xf32>,
        %mul3A_682 = arith.mulf %sub3A_636, %mul3A_644 : vector<16xf32>
        %swap3A_683 = arith.index_cast %add3A_580 : i32 to index
        %swap3A_684 = tpu.vector_load %arg19[%swap3A_683] {strides = array<i32>} : memref<512xf32, #tpu.memory_space<vmem>>, vector<16xf32>,
        tpu.vector_store %arg19[%swap3A_683], %mul3A_682 {strides = array<i32>} : memref<512xf32, #tpu.memory_space<vmem>>, vector<16xf32>,
      }
      %scan3A_136 = arith.constant 8 : i32
      %dma_start3A_137 = arith.constant 0 : i32
      %dma_start3A_138 = arith.constant 0 : i32
      %dma_start3A_139 = tpu.memref_slice %arg10[%dma_start3A_137, %dma_start3A_138] : memref<512x8xf32, #tpu.memory_space<vmem>> -> memref<512x8xf32, #tpu.memory_space<vmem>>
      %dma_start3A_140 = arith.constant 0 : i32
      %dma_start3A_141 = tpu.memref_slice %arg7[%dma_start3A_140] : memref<1024xi32, #tpu.memory_space<vmem>> -> memref<512xi32, #tpu.memory_space<vmem>>
      %dma_start3A_142 = arith.constant 0 : i32
      %dma_start3A_143 = arith.constant 0 : i32
      %dma_start3A_144 = tpu.memref_slice %arg2[%dma_start3A_142, %dma_start3A_143] : memref<262656x8xf32, #tpu.memory_space<hbm>> -> memref<262656x8xf32, #tpu.memory_space<hbm>>
      tpu.enqueue_indirect_dma source(%dma_start3A_144 : memref<262656x8xf32, #tpu.memory_space<hbm>>) target(%dma_start3A_139 : memref<512x8xf32, #tpu.memory_space<vmem>>) offsets(%dma_start3A_141 : memref<512xi32, #tpu.memory_space<vmem>>) semaphore(%arg27 : memref<!tpu.dma_semaphore, #tpu.memory_space<semaphore_mem>>)
      %dma_start3A_145 = arith.constant 0 : i32
      %dma_start3A_146 = arith.constant 0 : i32
      %dma_start3A_147 = tpu.memref_slice %arg11[%dma_start3A_145, %dma_start3A_146] : memref<512x8xf32, #tpu.memory_space<vmem>> -> memref<512x8xf32, #tpu.memory_space<vmem>>
      %dma_start3A_148 = arith.constant 512 : i32
      %dma_start3A_149 = tpu.memref_slice %arg7[%dma_start3A_148] : memref<1024xi32, #tpu.memory_space<vmem>> -> memref<512xi32, #tpu.memory_space<vmem>>
      %dma_start3A_150 = arith.constant 0 : i32
      %dma_start3A_151 = arith.constant 0 : i32
      %dma_start3A_152 = tpu.memref_slice %arg2[%dma_start3A_150, %dma_start3A_151] : memref<262656x8xf32, #tpu.memory_space<hbm>> -> memref<262656x8xf32, #tpu.memory_space<hbm>>
      tpu.enqueue_indirect_dma source(%dma_start3A_152 : memref<262656x8xf32, #tpu.memory_space<hbm>>) target(%dma_start3A_147 : memref<512x8xf32, #tpu.memory_space<vmem>>) offsets(%dma_start3A_149 : memref<512xi32, #tpu.memory_space<vmem>>) semaphore(%arg27 : memref<!tpu.dma_semaphore, #tpu.memory_space<semaphore_mem>>)
      %dma_wait3A_153 = arith.constant 0 : i32
      %dma_wait3A_154 = tpu.memref_slice %arg6[%dma_wait3A_153] : memref<1024xi32, #tpu.memory_space<vmem>> -> memref<512xi32, #tpu.memory_space<vmem>>
      %dma_wait3A_155 = arith.constant 0 : i32
      %dma_wait3A_156 = arith.constant 0 : i32
      %dma_wait3A_157 = tpu.memref_slice %arg2[%dma_wait3A_155, %dma_wait3A_156] : memref<262656x8xf32, #tpu.memory_space<hbm>> -> memref<262656x8xf32, #tpu.memory_space<hbm>>
      tpu.wait_indirect_dma semaphore(%arg26 : memref<!tpu.dma_semaphore, #tpu.memory_space<semaphore_mem>>) src(%dma_wait3A_157 : memref<262656x8xf32, #tpu.memory_space<hbm>>) dst(%arg8 : memref<512x8xf32, #tpu.memory_space<vmem>>)
      %dma_wait3A_158 = arith.constant 512 : i32
      %dma_wait3A_159 = tpu.memref_slice %arg6[%dma_wait3A_158] : memref<1024xi32, #tpu.memory_space<vmem>> -> memref<512xi32, #tpu.memory_space<vmem>>
      %dma_wait3A_160 = arith.constant 0 : i32
      %dma_wait3A_161 = arith.constant 0 : i32
      %dma_wait3A_162 = tpu.memref_slice %arg2[%dma_wait3A_160, %dma_wait3A_161] : memref<262656x8xf32, #tpu.memory_space<hbm>> -> memref<262656x8xf32, #tpu.memory_space<hbm>>
      tpu.wait_indirect_dma semaphore(%arg26 : memref<!tpu.dma_semaphore, #tpu.memory_space<semaphore_mem>>) src(%dma_wait3A_162 : memref<262656x8xf32, #tpu.memory_space<hbm>>) dst(%arg9 : memref<512x8xf32, #tpu.memory_space<vmem>>)
      %gt3A = arith.constant 0 : i32
      %gt3A_163 = arith.cmpi sgt, %scan3A_87, %gt3A : i32
      %convert_element_type3A_164 = arith.extui %gt3A_163 : i1 to i32
      %cond3A = arith.constant 0 : i32
      %cond3A_165 = arith.cmpi ne, %convert_element_type3A_164, %cond3A : i32
      scf.if %cond3A_165 {
        %dma_wait3A_231 = arith.constant 0 : i32
        %dma_wait3A_232 = tpu.memref_slice %arg4[%dma_wait3A_231] : memref<786432xi8, #tpu.memory_space<hbm>> -> memref<512xi8, #tpu.memory_space<hbm>>
        %dma_wait3A_233 = arith.constant 0 : i32
        %dma_wait3A_234 = tpu.memref_slice %arg4[%dma_wait3A_233] : memref<786432xi8, #tpu.memory_space<hbm>> -> memref<512xi8, #tpu.memory_space<hbm>>
        tpu.wait_dma2 semaphore(%arg28 : memref<!tpu.dma_semaphore, #tpu.memory_space<semaphore_mem>>) src(%arg20 : memref<512xi8, #tpu.memory_space<vmem>>) dst(%dma_wait3A_234 : memref<512xi8, #tpu.memory_space<hbm>>)
        %dma_wait3A_235 = arith.constant 262144 : i32
        %dma_wait3A_236 = tpu.memref_slice %arg4[%dma_wait3A_235] : memref<786432xi8, #tpu.memory_space<hbm>> -> memref<512xi8, #tpu.memory_space<hbm>>
        %dma_wait3A_237 = arith.constant 262144 : i32
        %dma_wait3A_238 = tpu.memref_slice %arg4[%dma_wait3A_237] : memref<786432xi8, #tpu.memory_space<hbm>> -> memref<512xi8, #tpu.memory_space<hbm>>
        tpu.wait_dma2 semaphore(%arg28 : memref<!tpu.dma_semaphore, #tpu.memory_space<semaphore_mem>>) src(%arg21 : memref<512xi8, #tpu.memory_space<vmem>>) dst(%dma_wait3A_238 : memref<512xi8, #tpu.memory_space<hbm>>)
        %dma_wait3A_239 = arith.constant 524288 : i32
        %dma_wait3A_240 = tpu.memref_slice %arg4[%dma_wait3A_239] : memref<786432xi8, #tpu.memory_space<hbm>> -> memref<512xi8, #tpu.memory_space<hbm>>
        %dma_wait3A_241 = arith.constant 524288 : i32
        %dma_wait3A_242 = tpu.memref_slice %arg4[%dma_wait3A_241] : memref<786432xi8, #tpu.memory_space<hbm>> -> memref<512xi8, #tpu.memory_space<hbm>>
        tpu.wait_dma2 semaphore(%arg28 : memref<!tpu.dma_semaphore, #tpu.memory_space<semaphore_mem>>) src(%arg22 : memref<512xi8, #tpu.memory_space<vmem>>) dst(%dma_wait3A_242 : memref<512xi8, #tpu.memory_space<hbm>>)
      } else {
      }
      %scan3A_166 = arith.constant 0 : i32
      %scan3A_167 = arith.constant 0 : i32
      %scan3A_168 = arith.constant 8 : i32
      %scan3A_169 = arith.addi %scan3A_167, %scan3A_168 : i32
      %scan3A_170 = arith.constant 1 : i32
      scf.for %scan3A_231 = %scan3A_167 to %scan3A_169 step %scan3A_170  : i32 {
        %broadcast_in_dim3A_232 = arith.constant 0 : i32
        %broadcast_in_dim3A_233 = vector.broadcast %broadcast_in_dim3A_232 : i32 to vector<16xi32>
        %broadcast_in_dim3A_234 = arith.constant 0 : i32
        %broadcast_in_dim3A_235 = vector.broadcast %broadcast_in_dim3A_234 : i32 to vector<16xi32>
        %broadcast_in_dim3A_236 = arith.constant 0 : i32
        %broadcast_in_dim3A_237 = vector.broadcast %broadcast_in_dim3A_236 : i32 to vector<16xi32>
        %mul3A_238 = arith.constant 64 : i32
        %mul3A_239 = arith.muli %scan3A_231, %mul3A_238 : i32
        %add3A_240 = arith.constant 0 : i32
        %add3A_241 = arith.addi %mul3A_239, %add3A_240 : i32
        %add3A_242 = vector.broadcast %add3A_241 : i32 to vector<16xi32>
        %add3A_243 = arith.addi %add3A_242, %iota3A : vector<16xi32>
        %get3A_244 = arith.index_cast %add3A_241 : i32 to index
        %get3A_245 = tpu.vector_load %arg12[%get3A_244] {strides = array<i32>} : memref<512xf32, #tpu.memory_space<vmem>>, vector<16xf32>,
        %get3A_246 = arith.index_cast %add3A_241 : i32 to index
        %get3A_247 = tpu.vector_load %arg13[%get3A_246] {strides = array<i32>} : memref<512xf32, #tpu.memory_space<vmem>>, vector<16xf32>,
        %get3A_248 = arith.index_cast %add3A_241 : i32 to index
        %get3A_249 = tpu.vector_load %arg14[%get3A_248] {strides = array<i32>} : memref<512xf32, #tpu.memory_space<vmem>>, vector<16xf32>,
        %get3A_250 = arith.index_cast %add3A_241 : i32 to index
        %get3A_251 = tpu.vector_load %arg15[%get3A_250] {strides = array<i32>} : memref<512xf32, #tpu.memory_space<vmem>>, vector<16xf32>,
        %broadcast_in_dim3A_252 = arith.constant 0 : i32
        %broadcast_in_dim3A_253 = vector.broadcast %broadcast_in_dim3A_252 : i32 to vector<16xi32>
        %gather3A = tpu.vector_load_idx %arg8[%add3A_243, %broadcast_in_dim3A_253] : memref<512x8xf32, #tpu.memory_space<vmem>>[vector<16xi32>, vector<16xi32>], vector<16xf32>,
        %broadcast_in_dim3A_254 = arith.constant 4 : i32
        %broadcast_in_dim3A_255 = vector.broadcast %broadcast_in_dim3A_254 : i32 to vector<16xi32>
        %gather3A_256 = tpu.vector_load_idx %arg8[%add3A_243, %broadcast_in_dim3A_255] : memref<512x8xf32, #tpu.memory_space<vmem>>[vector<16xi32>, vector<16xi32>], vector<16xf32>,
        %broadcast_in_dim3A_257 = arith.constant 0 : i32
        %broadcast_in_dim3A_258 = vector.broadcast %broadcast_in_dim3A_257 : i32 to vector<16xi32>
        %gather3A_259 = tpu.vector_load_idx %arg9[%add3A_243, %broadcast_in_dim3A_258] : memref<512x8xf32, #tpu.memory_space<vmem>>[vector<16xi32>, vector<16xi32>], vector<16xf32>,
        %broadcast_in_dim3A_260 = arith.constant 4 : i32
        %broadcast_in_dim3A_261 = vector.broadcast %broadcast_in_dim3A_260 : i32 to vector<16xi32>
        %gather3A_262 = tpu.vector_load_idx %arg9[%add3A_243, %broadcast_in_dim3A_261] : memref<512x8xf32, #tpu.memory_space<vmem>>[vector<16xi32>, vector<16xi32>], vector<16xf32>,
        %mul3A_263 = arith.mulf %get3A_245, %gather3A : vector<16xf32>
        %mul3A_264 = arith.mulf %get3A_247, %gather3A_256 : vector<16xf32>
        %add3A_265 = arith.addf %mul3A_263, %mul3A_264 : vector<16xf32>
        %mul3A_266 = arith.mulf %get3A_249, %gather3A_259 : vector<16xf32>
        %add3A_267 = arith.addf %add3A_265, %mul3A_266 : vector<16xf32>
        %mul3A_268 = arith.mulf %get3A_251, %gather3A_262 : vector<16xf32>
        %add3A_269 = arith.addf %add3A_267, %mul3A_268 : vector<16xf32>
        %convert_element_type3A_270 = arith.fptosi %add3A_269 : vector<16xf32> to vector<16xi32>
        %and3A_271 = arith.constant 255 : i32
        %and3A_272 = vector.broadcast %and3A_271 : i32 to vector<16xi32>
        %and3A_273 = arith.andi %convert_element_type3A_270, %and3A_272 : vector<16xi32>
        %shift_left3A = arith.constant 0 : i32
        %shift_left3A_274 = vector.broadcast %shift_left3A : i32 to vector<16xi32>
        %shift_left3A_275 = arith.shli %and3A_273, %shift_left3A_274 : vector<16xi32>
        %or3A = arith.ori %broadcast_in_dim3A_233, %shift_left3A_275 : vector<16xi32>
        %broadcast_in_dim3A_276 = arith.constant 1 : i32
        %broadcast_in_dim3A_277 = vector.broadcast %broadcast_in_dim3A_276 : i32 to vector<16xi32>
        %gather3A_278 = tpu.vector_load_idx %arg8[%add3A_243, %broadcast_in_dim3A_277] : memref<512x8xf32, #tpu.memory_space<vmem>>[vector<16xi32>, vector<16xi32>], vector<16xf32>,
        %broadcast_in_dim3A_279 = arith.constant 5 : i32
        %broadcast_in_dim3A_280 = vector.broadcast %broadcast_in_dim3A_279 : i32 to vector<16xi32>
        %gather3A_281 = tpu.vector_load_idx %arg8[%add3A_243, %broadcast_in_dim3A_280] : memref<512x8xf32, #tpu.memory_space<vmem>>[vector<16xi32>, vector<16xi32>], vector<16xf32>,
        %broadcast_in_dim3A_282 = arith.constant 1 : i32
        %broadcast_in_dim3A_283 = vector.broadcast %broadcast_in_dim3A_282 : i32 to vector<16xi32>
        %gather3A_284 = tpu.vector_load_idx %arg9[%add3A_243, %broadcast_in_dim3A_283] : memref<512x8xf32, #tpu.memory_space<vmem>>[vector<16xi32>, vector<16xi32>], vector<16xf32>,
        %broadcast_in_dim3A_285 = arith.constant 5 : i32
        %broadcast_in_dim3A_286 = vector.broadcast %broadcast_in_dim3A_285 : i32 to vector<16xi32>
        %gather3A_287 = tpu.vector_load_idx %arg9[%add3A_243, %broadcast_in_dim3A_286] : memref<512x8xf32, #tpu.memory_space<vmem>>[vector<16xi32>, vector<16xi32>], vector<16xf32>,
        %mul3A_288 = arith.mulf %get3A_245, %gather3A_278 : vector<16xf32>
        %mul3A_289 = arith.mulf %get3A_247, %gather3A_281 : vector<16xf32>
        %add3A_290 = arith.addf %mul3A_288, %mul3A_289 : vector<16xf32>
        %mul3A_291 = arith.mulf %get3A_249, %gather3A_284 : vector<16xf32>
        %add3A_292 = arith.addf %add3A_290, %mul3A_291 : vector<16xf32>
        %mul3A_293 = arith.mulf %get3A_251, %gather3A_287 : vector<16xf32>
        %add3A_294 = arith.addf %add3A_292, %mul3A_293 : vector<16xf32>
        %convert_element_type3A_295 = arith.fptosi %add3A_294 : vector<16xf32> to vector<16xi32>
        %and3A_296 = arith.constant 255 : i32
        %and3A_297 = vector.broadcast %and3A_296 : i32 to vector<16xi32>
        %and3A_298 = arith.andi %convert_element_type3A_295, %and3A_297 : vector<16xi32>
        %shift_left3A_299 = arith.constant 0 : i32
        %shift_left3A_300 = vector.broadcast %shift_left3A_299 : i32 to vector<16xi32>
        %shift_left3A_301 = arith.shli %and3A_298, %shift_left3A_300 : vector<16xi32>
        %or3A_302 = arith.ori %broadcast_in_dim3A_235, %shift_left3A_301 : vector<16xi32>
        %broadcast_in_dim3A_303 = arith.constant 2 : i32
        %broadcast_in_dim3A_304 = vector.broadcast %broadcast_in_dim3A_303 : i32 to vector<16xi32>
        %gather3A_305 = tpu.vector_load_idx %arg8[%add3A_243, %broadcast_in_dim3A_304] : memref<512x8xf32, #tpu.memory_space<vmem>>[vector<16xi32>, vector<16xi32>], vector<16xf32>,
        %broadcast_in_dim3A_306 = arith.constant 6 : i32
        %broadcast_in_dim3A_307 = vector.broadcast %broadcast_in_dim3A_306 : i32 to vector<16xi32>
        %gather3A_308 = tpu.vector_load_idx %arg8[%add3A_243, %broadcast_in_dim3A_307] : memref<512x8xf32, #tpu.memory_space<vmem>>[vector<16xi32>, vector<16xi32>], vector<16xf32>,
        %broadcast_in_dim3A_309 = arith.constant 2 : i32
        %broadcast_in_dim3A_310 = vector.broadcast %broadcast_in_dim3A_309 : i32 to vector<16xi32>
        %gather3A_311 = tpu.vector_load_idx %arg9[%add3A_243, %broadcast_in_dim3A_310] : memref<512x8xf32, #tpu.memory_space<vmem>>[vector<16xi32>, vector<16xi32>], vector<16xf32>,
        %broadcast_in_dim3A_312 = arith.constant 6 : i32
        %broadcast_in_dim3A_313 = vector.broadcast %broadcast_in_dim3A_312 : i32 to vector<16xi32>
        %gather3A_314 = tpu.vector_load_idx %arg9[%add3A_243, %broadcast_in_dim3A_313] : memref<512x8xf32, #tpu.memory_space<vmem>>[vector<16xi32>, vector<16xi32>], vector<16xf32>,
        %mul3A_315 = arith.mulf %get3A_245, %gather3A_305 : vector<16xf32>
        %mul3A_316 = arith.mulf %get3A_247, %gather3A_308 : vector<16xf32>
        %add3A_317 = arith.addf %mul3A_315, %mul3A_316 : vector<16xf32>
        %mul3A_318 = arith.mulf %get3A_249, %gather3A_311 : vector<16xf32>
        %add3A_319 = arith.addf %add3A_317, %mul3A_318 : vector<16xf32>
        %mul3A_320 = arith.mulf %get3A_251, %gather3A_314 : vector<16xf32>
        %add3A_321 = arith.addf %add3A_319, %mul3A_320 : vector<16xf32>
        %convert_element_type3A_322 = arith.fptosi %add3A_321 : vector<16xf32> to vector<16xi32>
        %and3A_323 = arith.constant 255 : i32
        %and3A_324 = vector.broadcast %and3A_323 : i32 to vector<16xi32>
        %and3A_325 = arith.andi %convert_element_type3A_322, %and3A_324 : vector<16xi32>
        %shift_left3A_326 = arith.constant 0 : i32
        %shift_left3A_327 = vector.broadcast %shift_left3A_326 : i32 to vector<16xi32>
        %shift_left3A_328 = arith.shli %and3A_325, %shift_left3A_327 : vector<16xi32>
        %or3A_329 = arith.ori %broadcast_in_dim3A_237, %shift_left3A_328 : vector<16xi32>
        %mul3A_330 = arith.constant 64 : i32
        %mul3A_331 = arith.muli %scan3A_231, %mul3A_330 : i32
        %add3A_332 = arith.constant 16 : i32
        %add3A_333 = arith.addi %mul3A_331, %add3A_332 : i32
        %add3A_334 = vector.broadcast %add3A_333 : i32 to vector<16xi32>
        %add3A_335 = arith.addi %add3A_334, %iota3A : vector<16xi32>
        %get3A_336 = arith.index_cast %add3A_333 : i32 to index
        %get3A_337 = tpu.vector_load %arg12[%get3A_336] {strides = array<i32>} : memref<512xf32, #tpu.memory_space<vmem>>, vector<16xf32>,
        %get3A_338 = arith.index_cast %add3A_333 : i32 to index
        %get3A_339 = tpu.vector_load %arg13[%get3A_338] {strides = array<i32>} : memref<512xf32, #tpu.memory_space<vmem>>, vector<16xf32>,
        %get3A_340 = arith.index_cast %add3A_333 : i32 to index
        %get3A_341 = tpu.vector_load %arg14[%get3A_340] {strides = array<i32>} : memref<512xf32, #tpu.memory_space<vmem>>, vector<16xf32>,
        %get3A_342 = arith.index_cast %add3A_333 : i32 to index
        %get3A_343 = tpu.vector_load %arg15[%get3A_342] {strides = array<i32>} : memref<512xf32, #tpu.memory_space<vmem>>, vector<16xf32>,
        %broadcast_in_dim3A_344 = arith.constant 0 : i32
        %broadcast_in_dim3A_345 = vector.broadcast %broadcast_in_dim3A_344 : i32 to vector<16xi32>
        %gather3A_346 = tpu.vector_load_idx %arg8[%add3A_335, %broadcast_in_dim3A_345] : memref<512x8xf32, #tpu.memory_space<vmem>>[vector<16xi32>, vector<16xi32>], vector<16xf32>,
        %broadcast_in_dim3A_347 = arith.constant 4 : i32
        %broadcast_in_dim3A_348 = vector.broadcast %broadcast_in_dim3A_347 : i32 to vector<16xi32>
        %gather3A_349 = tpu.vector_load_idx %arg8[%add3A_335, %broadcast_in_dim3A_348] : memref<512x8xf32, #tpu.memory_space<vmem>>[vector<16xi32>, vector<16xi32>], vector<16xf32>,
        %broadcast_in_dim3A_350 = arith.constant 0 : i32
        %broadcast_in_dim3A_351 = vector.broadcast %broadcast_in_dim3A_350 : i32 to vector<16xi32>
        %gather3A_352 = tpu.vector_load_idx %arg9[%add3A_335, %broadcast_in_dim3A_351] : memref<512x8xf32, #tpu.memory_space<vmem>>[vector<16xi32>, vector<16xi32>], vector<16xf32>,
        %broadcast_in_dim3A_353 = arith.constant 4 : i32
        %broadcast_in_dim3A_354 = vector.broadcast %broadcast_in_dim3A_353 : i32 to vector<16xi32>
        %gather3A_355 = tpu.vector_load_idx %arg9[%add3A_335, %broadcast_in_dim3A_354] : memref<512x8xf32, #tpu.memory_space<vmem>>[vector<16xi32>, vector<16xi32>], vector<16xf32>,
        %mul3A_356 = arith.mulf %get3A_337, %gather3A_346 : vector<16xf32>
        %mul3A_357 = arith.mulf %get3A_339, %gather3A_349 : vector<16xf32>
        %add3A_358 = arith.addf %mul3A_356, %mul3A_357 : vector<16xf32>
        %mul3A_359 = arith.mulf %get3A_341, %gather3A_352 : vector<16xf32>
        %add3A_360 = arith.addf %add3A_358, %mul3A_359 : vector<16xf32>
        %mul3A_361 = arith.mulf %get3A_343, %gather3A_355 : vector<16xf32>
        %add3A_362 = arith.addf %add3A_360, %mul3A_361 : vector<16xf32>
        %convert_element_type3A_363 = arith.fptosi %add3A_362 : vector<16xf32> to vector<16xi32>
        %and3A_364 = arith.constant 255 : i32
        %and3A_365 = vector.broadcast %and3A_364 : i32 to vector<16xi32>
        %and3A_366 = arith.andi %convert_element_type3A_363, %and3A_365 : vector<16xi32>
        %shift_left3A_367 = arith.constant 8 : i32
        %shift_left3A_368 = vector.broadcast %shift_left3A_367 : i32 to vector<16xi32>
        %shift_left3A_369 = arith.shli %and3A_366, %shift_left3A_368 : vector<16xi32>
        %or3A_370 = arith.ori %or3A, %shift_left3A_369 : vector<16xi32>
        %broadcast_in_dim3A_371 = arith.constant 1 : i32
        %broadcast_in_dim3A_372 = vector.broadcast %broadcast_in_dim3A_371 : i32 to vector<16xi32>
        %gather3A_373 = tpu.vector_load_idx %arg8[%add3A_335, %broadcast_in_dim3A_372] : memref<512x8xf32, #tpu.memory_space<vmem>>[vector<16xi32>, vector<16xi32>], vector<16xf32>,
        %broadcast_in_dim3A_374 = arith.constant 5 : i32
        %broadcast_in_dim3A_375 = vector.broadcast %broadcast_in_dim3A_374 : i32 to vector<16xi32>
        %gather3A_376 = tpu.vector_load_idx %arg8[%add3A_335, %broadcast_in_dim3A_375] : memref<512x8xf32, #tpu.memory_space<vmem>>[vector<16xi32>, vector<16xi32>], vector<16xf32>,
        %broadcast_in_dim3A_377 = arith.constant 1 : i32
        %broadcast_in_dim3A_378 = vector.broadcast %broadcast_in_dim3A_377 : i32 to vector<16xi32>
        %gather3A_379 = tpu.vector_load_idx %arg9[%add3A_335, %broadcast_in_dim3A_378] : memref<512x8xf32, #tpu.memory_space<vmem>>[vector<16xi32>, vector<16xi32>], vector<16xf32>,
        %broadcast_in_dim3A_380 = arith.constant 5 : i32
        %broadcast_in_dim3A_381 = vector.broadcast %broadcast_in_dim3A_380 : i32 to vector<16xi32>
        %gather3A_382 = tpu.vector_load_idx %arg9[%add3A_335, %broadcast_in_dim3A_381] : memref<512x8xf32, #tpu.memory_space<vmem>>[vector<16xi32>, vector<16xi32>], vector<16xf32>,
        %mul3A_383 = arith.mulf %get3A_337, %gather3A_373 : vector<16xf32>
        %mul3A_384 = arith.mulf %get3A_339, %gather3A_376 : vector<16xf32>
        %add3A_385 = arith.addf %mul3A_383, %mul3A_384 : vector<16xf32>
        %mul3A_386 = arith.mulf %get3A_341, %gather3A_379 : vector<16xf32>
        %add3A_387 = arith.addf %add3A_385, %mul3A_386 : vector<16xf32>
        %mul3A_388 = arith.mulf %get3A_343, %gather3A_382 : vector<16xf32>
        %add3A_389 = arith.addf %add3A_387, %mul3A_388 : vector<16xf32>
        %convert_element_type3A_390 = arith.fptosi %add3A_389 : vector<16xf32> to vector<16xi32>
        %and3A_391 = arith.constant 255 : i32
        %and3A_392 = vector.broadcast %and3A_391 : i32 to vector<16xi32>
        %and3A_393 = arith.andi %convert_element_type3A_390, %and3A_392 : vector<16xi32>
        %shift_left3A_394 = arith.constant 8 : i32
        %shift_left3A_395 = vector.broadcast %shift_left3A_394 : i32 to vector<16xi32>
        %shift_left3A_396 = arith.shli %and3A_393, %shift_left3A_395 : vector<16xi32>
        %or3A_397 = arith.ori %or3A_302, %shift_left3A_396 : vector<16xi32>
        %broadcast_in_dim3A_398 = arith.constant 2 : i32
        %broadcast_in_dim3A_399 = vector.broadcast %broadcast_in_dim3A_398 : i32 to vector<16xi32>
        %gather3A_400 = tpu.vector_load_idx %arg8[%add3A_335, %broadcast_in_dim3A_399] : memref<512x8xf32, #tpu.memory_space<vmem>>[vector<16xi32>, vector<16xi32>], vector<16xf32>,
        %broadcast_in_dim3A_401 = arith.constant 6 : i32
        %broadcast_in_dim3A_402 = vector.broadcast %broadcast_in_dim3A_401 : i32 to vector<16xi32>
        %gather3A_403 = tpu.vector_load_idx %arg8[%add3A_335, %broadcast_in_dim3A_402] : memref<512x8xf32, #tpu.memory_space<vmem>>[vector<16xi32>, vector<16xi32>], vector<16xf32>,
        %broadcast_in_dim3A_404 = arith.constant 2 : i32
        %broadcast_in_dim3A_405 = vector.broadcast %broadcast_in_dim3A_404 : i32 to vector<16xi32>
        %gather3A_406 = tpu.vector_load_idx %arg9[%add3A_335, %broadcast_in_dim3A_405] : memref<512x8xf32, #tpu.memory_space<vmem>>[vector<16xi32>, vector<16xi32>], vector<16xf32>,
        %broadcast_in_dim3A_407 = arith.constant 6 : i32
        %broadcast_in_dim3A_408 = vector.broadcast %broadcast_in_dim3A_407 : i32 to vector<16xi32>
        %gather3A_409 = tpu.vector_load_idx %arg9[%add3A_335, %broadcast_in_dim3A_408] : memref<512x8xf32, #tpu.memory_space<vmem>>[vector<16xi32>, vector<16xi32>], vector<16xf32>,
        %mul3A_410 = arith.mulf %get3A_337, %gather3A_400 : vector<16xf32>
        %mul3A_411 = arith.mulf %get3A_339, %gather3A_403 : vector<16xf32>
        %add3A_412 = arith.addf %mul3A_410, %mul3A_411 : vector<16xf32>
        %mul3A_413 = arith.mulf %get3A_341, %gather3A_406 : vector<16xf32>
        %add3A_414 = arith.addf %add3A_412, %mul3A_413 : vector<16xf32>
        %mul3A_415 = arith.mulf %get3A_343, %gather3A_409 : vector<16xf32>
        %add3A_416 = arith.addf %add3A_414, %mul3A_415 : vector<16xf32>
        %convert_element_type3A_417 = arith.fptosi %add3A_416 : vector<16xf32> to vector<16xi32>
        %and3A_418 = arith.constant 255 : i32
        %and3A_419 = vector.broadcast %and3A_418 : i32 to vector<16xi32>
        %and3A_420 = arith.andi %convert_element_type3A_417, %and3A_419 : vector<16xi32>
        %shift_left3A_421 = arith.constant 8 : i32
        %shift_left3A_422 = vector.broadcast %shift_left3A_421 : i32 to vector<16xi32>
        %shift_left3A_423 = arith.shli %and3A_420, %shift_left3A_422 : vector<16xi32>
        %or3A_424 = arith.ori %or3A_329, %shift_left3A_423 : vector<16xi32>
        %mul3A_425 = arith.constant 64 : i32
        %mul3A_426 = arith.muli %scan3A_231, %mul3A_425 : i32
        %add3A_427 = arith.constant 32 : i32
        %add3A_428 = arith.addi %mul3A_426, %add3A_427 : i32
        %add3A_429 = vector.broadcast %add3A_428 : i32 to vector<16xi32>
        %add3A_430 = arith.addi %add3A_429, %iota3A : vector<16xi32>
        %get3A_431 = arith.index_cast %add3A_428 : i32 to index
        %get3A_432 = tpu.vector_load %arg12[%get3A_431] {strides = array<i32>} : memref<512xf32, #tpu.memory_space<vmem>>, vector<16xf32>,
        %get3A_433 = arith.index_cast %add3A_428 : i32 to index
        %get3A_434 = tpu.vector_load %arg13[%get3A_433] {strides = array<i32>} : memref<512xf32, #tpu.memory_space<vmem>>, vector<16xf32>,
        %get3A_435 = arith.index_cast %add3A_428 : i32 to index
        %get3A_436 = tpu.vector_load %arg14[%get3A_435] {strides = array<i32>} : memref<512xf32, #tpu.memory_space<vmem>>, vector<16xf32>,
        %get3A_437 = arith.index_cast %add3A_428 : i32 to index
        %get3A_438 = tpu.vector_load %arg15[%get3A_437] {strides = array<i32>} : memref<512xf32, #tpu.memory_space<vmem>>, vector<16xf32>,
        %broadcast_in_dim3A_439 = arith.constant 0 : i32
        %broadcast_in_dim3A_440 = vector.broadcast %broadcast_in_dim3A_439 : i32 to vector<16xi32>
        %gather3A_441 = tpu.vector_load_idx %arg8[%add3A_430, %broadcast_in_dim3A_440] : memref<512x8xf32, #tpu.memory_space<vmem>>[vector<16xi32>, vector<16xi32>], vector<16xf32>,
        %broadcast_in_dim3A_442 = arith.constant 4 : i32
        %broadcast_in_dim3A_443 = vector.broadcast %broadcast_in_dim3A_442 : i32 to vector<16xi32>
        %gather3A_444 = tpu.vector_load_idx %arg8[%add3A_430, %broadcast_in_dim3A_443] : memref<512x8xf32, #tpu.memory_space<vmem>>[vector<16xi32>, vector<16xi32>], vector<16xf32>,
        %broadcast_in_dim3A_445 = arith.constant 0 : i32
        %broadcast_in_dim3A_446 = vector.broadcast %broadcast_in_dim3A_445 : i32 to vector<16xi32>
        %gather3A_447 = tpu.vector_load_idx %arg9[%add3A_430, %broadcast_in_dim3A_446] : memref<512x8xf32, #tpu.memory_space<vmem>>[vector<16xi32>, vector<16xi32>], vector<16xf32>,
        %broadcast_in_dim3A_448 = arith.constant 4 : i32
        %broadcast_in_dim3A_449 = vector.broadcast %broadcast_in_dim3A_448 : i32 to vector<16xi32>
        %gather3A_450 = tpu.vector_load_idx %arg9[%add3A_430, %broadcast_in_dim3A_449] : memref<512x8xf32, #tpu.memory_space<vmem>>[vector<16xi32>, vector<16xi32>], vector<16xf32>,
        %mul3A_451 = arith.mulf %get3A_432, %gather3A_441 : vector<16xf32>
        %mul3A_452 = arith.mulf %get3A_434, %gather3A_444 : vector<16xf32>
        %add3A_453 = arith.addf %mul3A_451, %mul3A_452 : vector<16xf32>
        %mul3A_454 = arith.mulf %get3A_436, %gather3A_447 : vector<16xf32>
        %add3A_455 = arith.addf %add3A_453, %mul3A_454 : vector<16xf32>
        %mul3A_456 = arith.mulf %get3A_438, %gather3A_450 : vector<16xf32>
        %add3A_457 = arith.addf %add3A_455, %mul3A_456 : vector<16xf32>
        %convert_element_type3A_458 = arith.fptosi %add3A_457 : vector<16xf32> to vector<16xi32>
        %and3A_459 = arith.constant 255 : i32
        %and3A_460 = vector.broadcast %and3A_459 : i32 to vector<16xi32>
        %and3A_461 = arith.andi %convert_element_type3A_458, %and3A_460 : vector<16xi32>
        %shift_left3A_462 = arith.constant 16 : i32
        %shift_left3A_463 = vector.broadcast %shift_left3A_462 : i32 to vector<16xi32>
        %shift_left3A_464 = arith.shli %and3A_461, %shift_left3A_463 : vector<16xi32>
        %or3A_465 = arith.ori %or3A_370, %shift_left3A_464 : vector<16xi32>
        %broadcast_in_dim3A_466 = arith.constant 1 : i32
        %broadcast_in_dim3A_467 = vector.broadcast %broadcast_in_dim3A_466 : i32 to vector<16xi32>
        %gather3A_468 = tpu.vector_load_idx %arg8[%add3A_430, %broadcast_in_dim3A_467] : memref<512x8xf32, #tpu.memory_space<vmem>>[vector<16xi32>, vector<16xi32>], vector<16xf32>,
        %broadcast_in_dim3A_469 = arith.constant 5 : i32
        %broadcast_in_dim3A_470 = vector.broadcast %broadcast_in_dim3A_469 : i32 to vector<16xi32>
        %gather3A_471 = tpu.vector_load_idx %arg8[%add3A_430, %broadcast_in_dim3A_470] : memref<512x8xf32, #tpu.memory_space<vmem>>[vector<16xi32>, vector<16xi32>], vector<16xf32>,
        %broadcast_in_dim3A_472 = arith.constant 1 : i32
        %broadcast_in_dim3A_473 = vector.broadcast %broadcast_in_dim3A_472 : i32 to vector<16xi32>
        %gather3A_474 = tpu.vector_load_idx %arg9[%add3A_430, %broadcast_in_dim3A_473] : memref<512x8xf32, #tpu.memory_space<vmem>>[vector<16xi32>, vector<16xi32>], vector<16xf32>,
        %broadcast_in_dim3A_475 = arith.constant 5 : i32
        %broadcast_in_dim3A_476 = vector.broadcast %broadcast_in_dim3A_475 : i32 to vector<16xi32>
        %gather3A_477 = tpu.vector_load_idx %arg9[%add3A_430, %broadcast_in_dim3A_476] : memref<512x8xf32, #tpu.memory_space<vmem>>[vector<16xi32>, vector<16xi32>], vector<16xf32>,
        %mul3A_478 = arith.mulf %get3A_432, %gather3A_468 : vector<16xf32>
        %mul3A_479 = arith.mulf %get3A_434, %gather3A_471 : vector<16xf32>
        %add3A_480 = arith.addf %mul3A_478, %mul3A_479 : vector<16xf32>
        %mul3A_481 = arith.mulf %get3A_436, %gather3A_474 : vector<16xf32>
        %add3A_482 = arith.addf %add3A_480, %mul3A_481 : vector<16xf32>
        %mul3A_483 = arith.mulf %get3A_438, %gather3A_477 : vector<16xf32>
        %add3A_484 = arith.addf %add3A_482, %mul3A_483 : vector<16xf32>
        %convert_element_type3A_485 = arith.fptosi %add3A_484 : vector<16xf32> to vector<16xi32>
        %and3A_486 = arith.constant 255 : i32
        %and3A_487 = vector.broadcast %and3A_486 : i32 to vector<16xi32>
        %and3A_488 = arith.andi %convert_element_type3A_485, %and3A_487 : vector<16xi32>
        %shift_left3A_489 = arith.constant 16 : i32
        %shift_left3A_490 = vector.broadcast %shift_left3A_489 : i32 to vector<16xi32>
        %shift_left3A_491 = arith.shli %and3A_488, %shift_left3A_490 : vector<16xi32>
        %or3A_492 = arith.ori %or3A_397, %shift_left3A_491 : vector<16xi32>
        %broadcast_in_dim3A_493 = arith.constant 2 : i32
        %broadcast_in_dim3A_494 = vector.broadcast %broadcast_in_dim3A_493 : i32 to vector<16xi32>
        %gather3A_495 = tpu.vector_load_idx %arg8[%add3A_430, %broadcast_in_dim3A_494] : memref<512x8xf32, #tpu.memory_space<vmem>>[vector<16xi32>, vector<16xi32>], vector<16xf32>,
        %broadcast_in_dim3A_496 = arith.constant 6 : i32
        %broadcast_in_dim3A_497 = vector.broadcast %broadcast_in_dim3A_496 : i32 to vector<16xi32>
        %gather3A_498 = tpu.vector_load_idx %arg8[%add3A_430, %broadcast_in_dim3A_497] : memref<512x8xf32, #tpu.memory_space<vmem>>[vector<16xi32>, vector<16xi32>], vector<16xf32>,
        %broadcast_in_dim3A_499 = arith.constant 2 : i32
        %broadcast_in_dim3A_500 = vector.broadcast %broadcast_in_dim3A_499 : i32 to vector<16xi32>
        %gather3A_501 = tpu.vector_load_idx %arg9[%add3A_430, %broadcast_in_dim3A_500] : memref<512x8xf32, #tpu.memory_space<vmem>>[vector<16xi32>, vector<16xi32>], vector<16xf32>,
        %broadcast_in_dim3A_502 = arith.constant 6 : i32
        %broadcast_in_dim3A_503 = vector.broadcast %broadcast_in_dim3A_502 : i32 to vector<16xi32>
        %gather3A_504 = tpu.vector_load_idx %arg9[%add3A_430, %broadcast_in_dim3A_503] : memref<512x8xf32, #tpu.memory_space<vmem>>[vector<16xi32>, vector<16xi32>], vector<16xf32>,
        %mul3A_505 = arith.mulf %get3A_432, %gather3A_495 : vector<16xf32>
        %mul3A_506 = arith.mulf %get3A_434, %gather3A_498 : vector<16xf32>
        %add3A_507 = arith.addf %mul3A_505, %mul3A_506 : vector<16xf32>
        %mul3A_508 = arith.mulf %get3A_436, %gather3A_501 : vector<16xf32>
        %add3A_509 = arith.addf %add3A_507, %mul3A_508 : vector<16xf32>
        %mul3A_510 = arith.mulf %get3A_438, %gather3A_504 : vector<16xf32>
        %add3A_511 = arith.addf %add3A_509, %mul3A_510 : vector<16xf32>
        %convert_element_type3A_512 = arith.fptosi %add3A_511 : vector<16xf32> to vector<16xi32>
        %and3A_513 = arith.constant 255 : i32
        %and3A_514 = vector.broadcast %and3A_513 : i32 to vector<16xi32>
        %and3A_515 = arith.andi %convert_element_type3A_512, %and3A_514 : vector<16xi32>
        %shift_left3A_516 = arith.constant 16 : i32
        %shift_left3A_517 = vector.broadcast %shift_left3A_516 : i32 to vector<16xi32>
        %shift_left3A_518 = arith.shli %and3A_515, %shift_left3A_517 : vector<16xi32>
        %or3A_519 = arith.ori %or3A_424, %shift_left3A_518 : vector<16xi32>
        %mul3A_520 = arith.constant 64 : i32
        %mul3A_521 = arith.muli %scan3A_231, %mul3A_520 : i32
        %add3A_522 = arith.constant 48 : i32
        %add3A_523 = arith.addi %mul3A_521, %add3A_522 : i32
        %add3A_524 = vector.broadcast %add3A_523 : i32 to vector<16xi32>
        %add3A_525 = arith.addi %add3A_524, %iota3A : vector<16xi32>
        %get3A_526 = arith.index_cast %add3A_523 : i32 to index
        %get3A_527 = tpu.vector_load %arg12[%get3A_526] {strides = array<i32>} : memref<512xf32, #tpu.memory_space<vmem>>, vector<16xf32>,
        %get3A_528 = arith.index_cast %add3A_523 : i32 to index
        %get3A_529 = tpu.vector_load %arg13[%get3A_528] {strides = array<i32>} : memref<512xf32, #tpu.memory_space<vmem>>, vector<16xf32>,
        %get3A_530 = arith.index_cast %add3A_523 : i32 to index
        %get3A_531 = tpu.vector_load %arg14[%get3A_530] {strides = array<i32>} : memref<512xf32, #tpu.memory_space<vmem>>, vector<16xf32>,
        %get3A_532 = arith.index_cast %add3A_523 : i32 to index
        %get3A_533 = tpu.vector_load %arg15[%get3A_532] {strides = array<i32>} : memref<512xf32, #tpu.memory_space<vmem>>, vector<16xf32>,
        %broadcast_in_dim3A_534 = arith.constant 0 : i32
        %broadcast_in_dim3A_535 = vector.broadcast %broadcast_in_dim3A_534 : i32 to vector<16xi32>
        %gather3A_536 = tpu.vector_load_idx %arg8[%add3A_525, %broadcast_in_dim3A_535] : memref<512x8xf32, #tpu.memory_space<vmem>>[vector<16xi32>, vector<16xi32>], vector<16xf32>,
        %broadcast_in_dim3A_537 = arith.constant 4 : i32
        %broadcast_in_dim3A_538 = vector.broadcast %broadcast_in_dim3A_537 : i32 to vector<16xi32>
        %gather3A_539 = tpu.vector_load_idx %arg8[%add3A_525, %broadcast_in_dim3A_538] : memref<512x8xf32, #tpu.memory_space<vmem>>[vector<16xi32>, vector<16xi32>], vector<16xf32>,
        %broadcast_in_dim3A_540 = arith.constant 0 : i32
        %broadcast_in_dim3A_541 = vector.broadcast %broadcast_in_dim3A_540 : i32 to vector<16xi32>
        %gather3A_542 = tpu.vector_load_idx %arg9[%add3A_525, %broadcast_in_dim3A_541] : memref<512x8xf32, #tpu.memory_space<vmem>>[vector<16xi32>, vector<16xi32>], vector<16xf32>,
        %broadcast_in_dim3A_543 = arith.constant 4 : i32
        %broadcast_in_dim3A_544 = vector.broadcast %broadcast_in_dim3A_543 : i32 to vector<16xi32>
        %gather3A_545 = tpu.vector_load_idx %arg9[%add3A_525, %broadcast_in_dim3A_544] : memref<512x8xf32, #tpu.memory_space<vmem>>[vector<16xi32>, vector<16xi32>], vector<16xf32>,
        %mul3A_546 = arith.mulf %get3A_527, %gather3A_536 : vector<16xf32>
        %mul3A_547 = arith.mulf %get3A_529, %gather3A_539 : vector<16xf32>
        %add3A_548 = arith.addf %mul3A_546, %mul3A_547 : vector<16xf32>
        %mul3A_549 = arith.mulf %get3A_531, %gather3A_542 : vector<16xf32>
        %add3A_550 = arith.addf %add3A_548, %mul3A_549 : vector<16xf32>
        %mul3A_551 = arith.mulf %get3A_533, %gather3A_545 : vector<16xf32>
        %add3A_552 = arith.addf %add3A_550, %mul3A_551 : vector<16xf32>
        %convert_element_type3A_553 = arith.fptosi %add3A_552 : vector<16xf32> to vector<16xi32>
        %and3A_554 = arith.constant 255 : i32
        %and3A_555 = vector.broadcast %and3A_554 : i32 to vector<16xi32>
        %and3A_556 = arith.andi %convert_element_type3A_553, %and3A_555 : vector<16xi32>
        %shift_left3A_557 = arith.constant 24 : i32
        %shift_left3A_558 = vector.broadcast %shift_left3A_557 : i32 to vector<16xi32>
        %shift_left3A_559 = arith.shli %and3A_556, %shift_left3A_558 : vector<16xi32>
        %or3A_560 = arith.ori %or3A_465, %shift_left3A_559 : vector<16xi32>
        %broadcast_in_dim3A_561 = arith.constant 1 : i32
        %broadcast_in_dim3A_562 = vector.broadcast %broadcast_in_dim3A_561 : i32 to vector<16xi32>
        %gather3A_563 = tpu.vector_load_idx %arg8[%add3A_525, %broadcast_in_dim3A_562] : memref<512x8xf32, #tpu.memory_space<vmem>>[vector<16xi32>, vector<16xi32>], vector<16xf32>,
        %broadcast_in_dim3A_564 = arith.constant 5 : i32
        %broadcast_in_dim3A_565 = vector.broadcast %broadcast_in_dim3A_564 : i32 to vector<16xi32>
        %gather3A_566 = tpu.vector_load_idx %arg8[%add3A_525, %broadcast_in_dim3A_565] : memref<512x8xf32, #tpu.memory_space<vmem>>[vector<16xi32>, vector<16xi32>], vector<16xf32>,
        %broadcast_in_dim3A_567 = arith.constant 1 : i32
        %broadcast_in_dim3A_568 = vector.broadcast %broadcast_in_dim3A_567 : i32 to vector<16xi32>
        %gather3A_569 = tpu.vector_load_idx %arg9[%add3A_525, %broadcast_in_dim3A_568] : memref<512x8xf32, #tpu.memory_space<vmem>>[vector<16xi32>, vector<16xi32>], vector<16xf32>,
        %broadcast_in_dim3A_570 = arith.constant 5 : i32
        %broadcast_in_dim3A_571 = vector.broadcast %broadcast_in_dim3A_570 : i32 to vector<16xi32>
        %gather3A_572 = tpu.vector_load_idx %arg9[%add3A_525, %broadcast_in_dim3A_571] : memref<512x8xf32, #tpu.memory_space<vmem>>[vector<16xi32>, vector<16xi32>], vector<16xf32>,
        %mul3A_573 = arith.mulf %get3A_527, %gather3A_563 : vector<16xf32>
        %mul3A_574 = arith.mulf %get3A_529, %gather3A_566 : vector<16xf32>
        %add3A_575 = arith.addf %mul3A_573, %mul3A_574 : vector<16xf32>
        %mul3A_576 = arith.mulf %get3A_531, %gather3A_569 : vector<16xf32>
        %add3A_577 = arith.addf %add3A_575, %mul3A_576 : vector<16xf32>
        %mul3A_578 = arith.mulf %get3A_533, %gather3A_572 : vector<16xf32>
        %add3A_579 = arith.addf %add3A_577, %mul3A_578 : vector<16xf32>
        %convert_element_type3A_580 = arith.fptosi %add3A_579 : vector<16xf32> to vector<16xi32>
        %and3A_581 = arith.constant 255 : i32
        %and3A_582 = vector.broadcast %and3A_581 : i32 to vector<16xi32>
        %and3A_583 = arith.andi %convert_element_type3A_580, %and3A_582 : vector<16xi32>
        %shift_left3A_584 = arith.constant 24 : i32
        %shift_left3A_585 = vector.broadcast %shift_left3A_584 : i32 to vector<16xi32>
        %shift_left3A_586 = arith.shli %and3A_583, %shift_left3A_585 : vector<16xi32>
        %or3A_587 = arith.ori %or3A_492, %shift_left3A_586 : vector<16xi32>
        %broadcast_in_dim3A_588 = arith.constant 2 : i32
        %broadcast_in_dim3A_589 = vector.broadcast %broadcast_in_dim3A_588 : i32 to vector<16xi32>
        %gather3A_590 = tpu.vector_load_idx %arg8[%add3A_525, %broadcast_in_dim3A_589] : memref<512x8xf32, #tpu.memory_space<vmem>>[vector<16xi32>, vector<16xi32>], vector<16xf32>,
        %broadcast_in_dim3A_591 = arith.constant 6 : i32
        %broadcast_in_dim3A_592 = vector.broadcast %broadcast_in_dim3A_591 : i32 to vector<16xi32>
        %gather3A_593 = tpu.vector_load_idx %arg8[%add3A_525, %broadcast_in_dim3A_592] : memref<512x8xf32, #tpu.memory_space<vmem>>[vector<16xi32>, vector<16xi32>], vector<16xf32>,
        %broadcast_in_dim3A_594 = arith.constant 2 : i32
        %broadcast_in_dim3A_595 = vector.broadcast %broadcast_in_dim3A_594 : i32 to vector<16xi32>
        %gather3A_596 = tpu.vector_load_idx %arg9[%add3A_525, %broadcast_in_dim3A_595] : memref<512x8xf32, #tpu.memory_space<vmem>>[vector<16xi32>, vector<16xi32>], vector<16xf32>,
        %broadcast_in_dim3A_597 = arith.constant 6 : i32
        %broadcast_in_dim3A_598 = vector.broadcast %broadcast_in_dim3A_597 : i32 to vector<16xi32>
        %gather3A_599 = tpu.vector_load_idx %arg9[%add3A_525, %broadcast_in_dim3A_598] : memref<512x8xf32, #tpu.memory_space<vmem>>[vector<16xi32>, vector<16xi32>], vector<16xf32>,
        %mul3A_600 = arith.mulf %get3A_527, %gather3A_590 : vector<16xf32>
        %mul3A_601 = arith.mulf %get3A_529, %gather3A_593 : vector<16xf32>
        %add3A_602 = arith.addf %mul3A_600, %mul3A_601 : vector<16xf32>
        %mul3A_603 = arith.mulf %get3A_531, %gather3A_596 : vector<16xf32>
        %add3A_604 = arith.addf %add3A_602, %mul3A_603 : vector<16xf32>
        %mul3A_605 = arith.mulf %get3A_533, %gather3A_599 : vector<16xf32>
        %add3A_606 = arith.addf %add3A_604, %mul3A_605 : vector<16xf32>
        %convert_element_type3A_607 = arith.fptosi %add3A_606 : vector<16xf32> to vector<16xi32>
        %and3A_608 = arith.constant 255 : i32
        %and3A_609 = vector.broadcast %and3A_608 : i32 to vector<16xi32>
        %and3A_610 = arith.andi %convert_element_type3A_607, %and3A_609 : vector<16xi32>
        %shift_left3A_611 = arith.constant 24 : i32
        %shift_left3A_612 = vector.broadcast %shift_left3A_611 : i32 to vector<16xi32>
        %shift_left3A_613 = arith.shli %and3A_610, %shift_left3A_612 : vector<16xi32>
        %or3A_614 = arith.ori %or3A_519, %shift_left3A_613 : vector<16xi32>
        %bitcast3A = vector.bitcast %or3A_560 : vector<16xi32> to vector<64xi8>
        %mul3A_615 = arith.constant 64 : i32
        %mul3A_616 = arith.muli %scan3A_231, %mul3A_615 : i32
        %swap3A = arith.index_cast %mul3A_616 : i32 to index
        %swap3A_617 = tpu.vector_load %arg20[%swap3A] {strides = array<i32>} : memref<512xi8, #tpu.memory_space<vmem>>, vector<64xi8>,
        tpu.vector_store %arg20[%swap3A], %bitcast3A {strides = array<i32>} : memref<512xi8, #tpu.memory_space<vmem>>, vector<64xi8>,
        %bitcast3A_618 = vector.bitcast %or3A_587 : vector<16xi32> to vector<64xi8>
        %mul3A_619 = arith.constant 64 : i32
        %mul3A_620 = arith.muli %scan3A_231, %mul3A_619 : i32
        %swap3A_621 = arith.index_cast %mul3A_620 : i32 to index
        %swap3A_622 = tpu.vector_load %arg21[%swap3A_621] {strides = array<i32>} : memref<512xi8, #tpu.memory_space<vmem>>, vector<64xi8>,
        tpu.vector_store %arg21[%swap3A_621], %bitcast3A_618 {strides = array<i32>} : memref<512xi8, #tpu.memory_space<vmem>>, vector<64xi8>,
        %bitcast3A_623 = vector.bitcast %or3A_614 : vector<16xi32> to vector<64xi8>
        %mul3A_624 = arith.constant 64 : i32
        %mul3A_625 = arith.muli %scan3A_231, %mul3A_624 : i32
        %swap3A_626 = arith.index_cast %mul3A_625 : i32 to index
        %swap3A_627 = tpu.vector_load %arg22[%swap3A_626] {strides = array<i32>} : memref<512xi8, #tpu.memory_space<vmem>>, vector<64xi8>,
        tpu.vector_store %arg22[%swap3A_626], %bitcast3A_623 {strides = array<i32>} : memref<512xi8, #tpu.memory_space<vmem>>, vector<64xi8>,
      }
      %scan3A_171 = arith.constant 8 : i32
      %mul3A_172 = arith.constant 8192 : i32
      %mul3A_173 = arith.muli %add3A, %mul3A_172 : i32
      %mul3A_174 = arith.constant 512 : i32
      %mul3A_175 = arith.muli %mul3A_89, %mul3A_174 : i32
      %add3A_176 = arith.addi %mul3A_173, %mul3A_175 : i32
      %add3A_177 = arith.constant 0 : i32
      %add3A_178 = arith.addi %add3A_177, %add3A_176 : i32
      %dma_start3A_179 = tpu.memref_slice %arg4[%add3A_178] : memref<786432xi8, #tpu.memory_space<hbm>> -> memref<512xi8, #tpu.memory_space<hbm>>
      %dma_start3A_180 = tpu.memref_slice %arg4[%add3A_178] : memref<786432xi8, #tpu.memory_space<hbm>> -> memref<512xi8, #tpu.memory_space<hbm>>
      tpu.enqueue_dma source(%arg20 : memref<512xi8, #tpu.memory_space<vmem>>) target(%dma_start3A_180 : memref<512xi8, #tpu.memory_space<hbm>>) target_semaphore(%arg28 : memref<!tpu.dma_semaphore, #tpu.memory_space<semaphore_mem>>)
      %add3A_181 = arith.constant 262144 : i32
      %add3A_182 = arith.addi %add3A_181, %add3A_176 : i32
      %dma_start3A_183 = tpu.memref_slice %arg4[%add3A_182] : memref<786432xi8, #tpu.memory_space<hbm>> -> memref<512xi8, #tpu.memory_space<hbm>>
      %dma_start3A_184 = tpu.memref_slice %arg4[%add3A_182] : memref<786432xi8, #tpu.memory_space<hbm>> -> memref<512xi8, #tpu.memory_space<hbm>>
      tpu.enqueue_dma source(%arg21 : memref<512xi8, #tpu.memory_space<vmem>>) target(%dma_start3A_184 : memref<512xi8, #tpu.memory_space<hbm>>) target_semaphore(%arg28 : memref<!tpu.dma_semaphore, #tpu.memory_space<semaphore_mem>>)
      %add3A_185 = arith.constant 524288 : i32
      %add3A_186 = arith.addi %add3A_185, %add3A_176 : i32
      %dma_start3A_187 = tpu.memref_slice %arg4[%add3A_186] : memref<786432xi8, #tpu.memory_space<hbm>> -> memref<512xi8, #tpu.memory_space<hbm>>
      %dma_start3A_188 = tpu.memref_slice %arg4[%add3A_186] : memref<786432xi8, #tpu.memory_space<hbm>> -> memref<512xi8, #tpu.memory_space<hbm>>
      tpu.enqueue_dma source(%arg22 : memref<512xi8, #tpu.memory_space<vmem>>) target(%dma_start3A_188 : memref<512xi8, #tpu.memory_space<hbm>>) target_semaphore(%arg28 : memref<!tpu.dma_semaphore, #tpu.memory_space<semaphore_mem>>)
      %lt3A = arith.constant 7 : i32
      %lt3A_189 = arith.cmpi slt, %scan3A_87, %lt3A : i32
      %convert_element_type3A_190 = arith.extui %lt3A_189 : i1 to i32
      %cond3A_191 = arith.constant 0 : i32
      %cond3A_192 = arith.cmpi ne, %convert_element_type3A_190, %cond3A_191 : i32
      scf.if %cond3A_192 {
        %add3A_231 = arith.constant 2 : i32
        %add3A_232 = arith.addi %mul3A_89, %add3A_231 : i32
        %get3A_233 = arith.constant 0 : i32
        %get3A_234 = arith.index_cast %get3A_233 : i32 to index
        %get3A_235 = arith.constant 0 : index
        %get3A_236 = tpu.vector_load %arg5[%get3A_234, %get3A_235] {strides = array<i32>} : memref<4x16xf32, #tpu.memory_space<vmem>>, vector<16xf32>,
        %get3A_237 = arith.constant 2 : i32
        %get3A_238 = arith.index_cast %get3A_237 : i32 to index
        %get3A_239 = arith.constant 0 : index
        %get3A_240 = tpu.vector_load %arg5[%get3A_238, %get3A_239] {strides = array<i32>} : memref<4x16xf32, #tpu.memory_space<vmem>>, vector<16xf32>,
        %get3A_241 = arith.constant 3 : i32
        %get3A_242 = arith.index_cast %get3A_241 : i32 to index
        %get3A_243 = arith.constant 0 : index
        %get3A_244 = tpu.vector_load %arg5[%get3A_242, %get3A_243] {strides = array<i32>} : memref<4x16xf32, #tpu.memory_space<vmem>>, vector<16xf32>,
        %mul3A_245 = arith.constant 512 : i32
        %mul3A_246 = arith.muli %add3A_232, %mul3A_245 : i32
        %add3A_247 = arith.addi %mul3A_2, %mul3A_246 : i32
        %jit3A_248 = arith.constant 512 : i32
        %div3A_249 = arith.divsi %add3A_247, %jit3A_248 : i32
        %sign3A_250 = arith.constant 0 : i32
        %sign3A_251 = arith.cmpi sgt, %add3A_247, %sign3A_250 : i32
        %sign3A_252 = arith.extui %sign3A_251 : i1 to i32
        %sign3A_253 = arith.constant 0 : i32
        %sign3A_254 = arith.cmpi slt, %add3A_247, %sign3A_253 : i32
        %sign3A_255 = arith.extui %sign3A_254 : i1 to i32
        %sign3A_256 = arith.subi %sign3A_252, %sign3A_255 : i32
        %sign3A_257 = arith.constant 0 : i32
        %sign3A_258 = arith.cmpi sgt, %jit3A_248, %sign3A_257 : i32
        %sign3A_259 = arith.extui %sign3A_258 : i1 to i32
        %sign3A_260 = arith.constant 0 : i32
        %sign3A_261 = arith.cmpi slt, %jit3A_248, %sign3A_260 : i32
        %sign3A_262 = arith.extui %sign3A_261 : i1 to i32
        %sign3A_263 = arith.subi %sign3A_259, %sign3A_262 : i32
        %ne3A_264 = arith.cmpi ne, %sign3A_256, %sign3A_263 : i32
        %rem3A_265 = arith.remsi %add3A_247, %jit3A_248 : i32
        %ne3A_266 = arith.constant 0 : i32
        %ne3A_267 = arith.cmpi ne, %rem3A_265, %ne3A_266 : i32
        %and3A_268 = arith.andi %ne3A_264, %ne3A_267 : i1
        %sub3A_269 = arith.constant 1 : i32
        %sub3A_270 = arith.subi %div3A_249, %sub3A_269 : i32
        %select_n3A_271 = arith.select %and3A_268, %sub3A_270, %div3A_249 : i32
        %scan3A_272 = arith.constant 0 : i32
        %scan3A_273 = arith.constant 0 : i32
        %scan3A_274 = arith.constant 8 : i32
        %scan3A_275 = arith.addi %scan3A_273, %scan3A_274 : i32
        %scan3A_276 = arith.constant 1 : i32
        scf.for %scan3A_294 = %scan3A_273 to %scan3A_275 step %scan3A_276  : i32 {
          %jit3A_295 = arith.constant 8 : i32
          %div3A_296 = arith.divsi %scan3A_294, %jit3A_295 : i32
          %sign3A_297 = arith.constant 0 : i32
          %sign3A_298 = arith.cmpi sgt, %scan3A_294, %sign3A_297 : i32
          %sign3A_299 = arith.extui %sign3A_298 : i1 to i32
          %sign3A_300 = arith.constant 0 : i32
          %sign3A_301 = arith.cmpi slt, %scan3A_294, %sign3A_300 : i32
          %sign3A_302 = arith.extui %sign3A_301 : i1 to i32
          %sign3A_303 = arith.subi %sign3A_299, %sign3A_302 : i32
          %sign3A_304 = arith.constant 0 : i32
          %sign3A_305 = arith.cmpi sgt, %jit3A_295, %sign3A_304 : i32
          %sign3A_306 = arith.extui %sign3A_305 : i1 to i32
          %sign3A_307 = arith.constant 0 : i32
          %sign3A_308 = arith.cmpi slt, %jit3A_295, %sign3A_307 : i32
          %sign3A_309 = arith.extui %sign3A_308 : i1 to i32
          %sign3A_310 = arith.subi %sign3A_306, %sign3A_309 : i32
          %ne3A_311 = arith.cmpi ne, %sign3A_303, %sign3A_310 : i32
          %rem3A_312 = arith.remsi %scan3A_294, %jit3A_295 : i32
          %ne3A_313 = arith.constant 0 : i32
          %ne3A_314 = arith.cmpi ne, %rem3A_312, %ne3A_313 : i32
          %and3A_315 = arith.andi %ne3A_311, %ne3A_314 : i1
          %sub3A_316 = arith.constant 1 : i32
          %sub3A_317 = arith.subi %div3A_296, %sub3A_316 : i32
          %select_n3A_318 = arith.select %and3A_315, %sub3A_317, %div3A_296 : i32
          %add3A_319 = arith.addi %select_n3A_271, %select_n3A_318 : i32
          %convert_element_type3A_320 = arith.sitofp %add3A_319 : i32 to f32
          %sub3A_321 = vector.broadcast %convert_element_type3A_320 : f32 to vector<16xf32>
          %sub3A_322 = arith.subf %sub3A_321, %get3A_244 : vector<16xf32>
          %mul3A_323 = arith.mulf %sub3A_322, %sub3A_322 : vector<16xf32>
          %mul3A_324 = arith.constant 64 : i32
          %mul3A_325 = arith.muli %scan3A_294, %mul3A_324 : i32
          %add3A_326 = arith.constant 0 : i32
          %add3A_327 = arith.addi %mul3A_325, %add3A_326 : i32
          %jit3A_328 = arith.constant 8 : i32
          %eq3A = arith.constant 0 : i32
          %eq3A_329 = arith.cmpi eq, %jit3A_328, %eq3A : i32
          %jit3A_330 = arith.constant 1 : i32
          %select_n3A_331 = arith.select %eq3A_329, %jit3A_330, %jit3A_328 : i32
          %rem3A_332 = arith.remsi %scan3A_294, %select_n3A_331 : i32
          %ne3A_333 = arith.constant 0 : i32
          %ne3A_334 = arith.cmpi ne, %rem3A_332, %ne3A_333 : i32
          %lt3A_335 = arith.constant 0 : i32
          %lt3A_336 = arith.cmpi slt, %rem3A_332, %lt3A_335 : i32
          %lt3A_337 = arith.constant 0 : i32
          %lt3A_338 = arith.cmpi slt, %select_n3A_331, %lt3A_337 : i32
          %ne3A_339 = arith.xori %lt3A_336, %lt3A_338 : i1
          %and3A_340 = arith.andi %ne3A_339, %ne3A_334 : i1
          %add3A_341 = arith.addi %rem3A_332, %select_n3A_331 : i32
          %select_n3A_342 = arith.select %and3A_340, %add3A_341, %rem3A_332 : i32
          %mul3A_343 = arith.constant 64 : i32
          %mul3A_344 = arith.muli %select_n3A_342, %mul3A_343 : i32
          %add3A_345 = arith.constant 0 : i32
          %add3A_346 = arith.addi %mul3A_344, %add3A_345 : i32
          %convert_element_type3A_347 = arith.sitofp %add3A_346 : i32 to f32
          %add3A_348 = vector.broadcast %convert_element_type3A_347 : f32 to vector<16xf32>
          %add3A_349 = arith.addf %add3A_348, %convert_element_type3A : vector<16xf32>
          %sub3A_350 = arith.subf %add3A_349, %get3A_240 : vector<16xf32>
          %mul3A_351 = arith.mulf %sub3A_350, %sub3A_350 : vector<16xf32>
          %add3A_352 = arith.addf %mul3A_351, %mul3A_323 : vector<16xf32>
          %mul3A_353 = arith.mulf %get3A_236, %add3A_352 : vector<16xf32>
          %sub3A_354 = arith.constant 1.000000e+00 : f32
          %sub3A_355 = vector.broadcast %sub3A_354 : f32 to vector<16xf32>
          %sub3A_356 = arith.subf %sub3A_355, %mul3A_353 : vector<16xf32>
          %div3A_357 = arith.constant 1.000000e+00 : f32
          %div3A_358 = vector.broadcast %div3A_357 : f32 to vector<16xf32>
          %div3A_359 = arith.divf %div3A_358, %sub3A_356 : vector<16xf32>
          %mul3A_360 = arith.mulf %sub3A_350, %div3A_359 : vector<16xf32>
          %add3A_361 = arith.addf %mul3A_360, %get3A_240 : vector<16xf32>
          %mul3A_362 = arith.mulf %sub3A_322, %div3A_359 : vector<16xf32>
          %add3A_363 = arith.addf %mul3A_362, %get3A_244 : vector<16xf32>
          %ge3A = arith.constant 0.000000e+00 : f32
          %ge3A_364 = vector.broadcast %ge3A : f32 to vector<16xf32>
          %ge3A_365 = arith.cmpf oge, %add3A_361, %ge3A_364 : vector<16xf32>
          %le3A = arith.constant 5.110000e+02 : f32
          %le3A_366 = vector.broadcast %le3A : f32 to vector<16xf32>
          %le3A_367 = arith.cmpf ole, %add3A_361, %le3A_366 : vector<16xf32>
          %and3A_368 = arith.andi %ge3A_365, %le3A_367 : vector<16xi1>
          %ge3A_369 = arith.constant 0.000000e+00 : f32
          %ge3A_370 = vector.broadcast %ge3A_369 : f32 to vector<16xf32>
          %ge3A_371 = arith.cmpf oge, %add3A_363, %ge3A_370 : vector<16xf32>
          %le3A_372 = arith.constant 5.110000e+02 : f32
          %le3A_373 = vector.broadcast %le3A_372 : f32 to vector<16xf32>
          %le3A_374 = arith.cmpf ole, %add3A_363, %le3A_373 : vector<16xf32>
          %and3A_375 = arith.andi %ge3A_371, %le3A_374 : vector<16xi1>
          %and3A_376 = arith.andi %and3A_368, %and3A_375 : vector<16xi1>
          %convert_element_type3A_377 = arith.fptosi %add3A_361 : vector<16xf32> to vector<16xi32>
          %convert_element_type3A_378 = arith.fptosi %add3A_363 : vector<16xf32> to vector<16xi32>
          %convert_element_type3A_379 = arith.sitofp %convert_element_type3A_377 : vector<16xi32> to vector<16xf32>
          %sub3A_380 = arith.subf %add3A_361, %convert_element_type3A_379 : vector<16xf32>
          %convert_element_type3A_381 = arith.sitofp %convert_element_type3A_378 : vector<16xi32> to vector<16xf32>
          %sub3A_382 = arith.subf %add3A_363, %convert_element_type3A_381 : vector<16xf32>
          %select_n3A_383 = arith.select %and3A_376, %broadcast_in_dim3A_6, %broadcast_in_dim3A_8 : vector<16xi1>, vector<16xf32>
          %sub3A_384 = arith.constant 1.000000e+00 : f32
          %sub3A_385 = vector.broadcast %sub3A_384 : f32 to vector<16xf32>
          %sub3A_386 = arith.subf %sub3A_385, %sub3A_382 : vector<16xf32>
          %mul3A_387 = arith.mulf %sub3A_386, %select_n3A_383 : vector<16xf32>
          %mul3A_388 = arith.mulf %sub3A_382, %select_n3A_383 : vector<16xf32>
          %sub3A_389 = arith.constant 1.000000e+00 : f32
          %sub3A_390 = vector.broadcast %sub3A_389 : f32 to vector<16xf32>
          %sub3A_391 = arith.subf %sub3A_390, %sub3A_380 : vector<16xf32>
          %max3A = arith.constant 0 : i32
          %max3A_392 = vector.broadcast %max3A : i32 to vector<16xi32>
          %max3A_393 = arith.maxsi %convert_element_type3A_377, %max3A_392 : vector<16xi32>
          %min3A = arith.constant 511 : i32
          %min3A_394 = vector.broadcast %min3A : i32 to vector<16xi32>
          %min3A_395 = arith.minsi %max3A_393, %min3A_394 : vector<16xi32>
          %max3A_396 = arith.constant 0 : i32
          %max3A_397 = vector.broadcast %max3A_396 : i32 to vector<16xi32>
          %max3A_398 = arith.maxsi %convert_element_type3A_378, %max3A_397 : vector<16xi32>
          %min3A_399 = arith.constant 511 : i32
          %min3A_400 = vector.broadcast %min3A_399 : i32 to vector<16xi32>
          %min3A_401 = arith.minsi %max3A_398, %min3A_400 : vector<16xi32>
          %shift_left3A = arith.constant 9 : i32
          %shift_left3A_402 = vector.broadcast %shift_left3A : i32 to vector<16xi32>
          %shift_left3A_403 = arith.shli %min3A_401, %shift_left3A_402 : vector<16xi32>
          %or3A = arith.ori %shift_left3A_403, %min3A_395 : vector<16xi32>
          %swap3A = arith.index_cast %add3A_327 : i32 to index
          %swap3A_404 = tpu.vector_load %arg6[%swap3A] {strides = array<i32>} : memref<1024xi32, #tpu.memory_space<vmem>>, vector<16xi32>,
          tpu.vector_store %arg6[%swap3A], %or3A {strides = array<i32>} : memref<1024xi32, #tpu.memory_space<vmem>>, vector<16xi32>,
          %add3A_405 = arith.constant 512 : i32
          %add3A_406 = vector.broadcast %add3A_405 : i32 to vector<16xi32>
          %add3A_407 = arith.addi %or3A, %add3A_406 : vector<16xi32>
          %add3A_408 = arith.constant 512 : i32
          %add3A_409 = arith.addi %add3A_408, %add3A_327 : i32
          %swap3A_410 = arith.index_cast %add3A_409 : i32 to index
          %swap3A_411 = tpu.vector_load %arg6[%swap3A_410] {strides = array<i32>} : memref<1024xi32, #tpu.memory_space<vmem>>, vector<16xi32>,
          tpu.vector_store %arg6[%swap3A_410], %add3A_407 {strides = array<i32>} : memref<1024xi32, #tpu.memory_space<vmem>>, vector<16xi32>,
          %mul3A_412 = arith.mulf %sub3A_391, %mul3A_387 : vector<16xf32>
          %swap3A_413 = arith.index_cast %add3A_327 : i32 to index
          %swap3A_414 = tpu.vector_load %arg12[%swap3A_413] {strides = array<i32>} : memref<512xf32, #tpu.memory_space<vmem>>, vector<16xf32>,
          tpu.vector_store %arg12[%swap3A_413], %mul3A_412 {strides = array<i32>} : memref<512xf32, #tpu.memory_space<vmem>>, vector<16xf32>,
          %mul3A_415 = arith.mulf %sub3A_380, %mul3A_387 : vector<16xf32>
          %swap3A_416 = arith.index_cast %add3A_327 : i32 to index
          %swap3A_417 = tpu.vector_load %arg13[%swap3A_416] {strides = array<i32>} : memref<512xf32, #tpu.memory_space<vmem>>, vector<16xf32>,
          tpu.vector_store %arg13[%swap3A_416], %mul3A_415 {strides = array<i32>} : memref<512xf32, #tpu.memory_space<vmem>>, vector<16xf32>,
          %mul3A_418 = arith.mulf %sub3A_391, %mul3A_388 : vector<16xf32>
          %swap3A_419 = arith.index_cast %add3A_327 : i32 to index
          %swap3A_420 = tpu.vector_load %arg14[%swap3A_419] {strides = array<i32>} : memref<512xf32, #tpu.memory_space<vmem>>, vector<16xf32>,
          tpu.vector_store %arg14[%swap3A_419], %mul3A_418 {strides = array<i32>} : memref<512xf32, #tpu.memory_space<vmem>>, vector<16xf32>,
          %mul3A_421 = arith.mulf %sub3A_380, %mul3A_388 : vector<16xf32>
          %swap3A_422 = arith.index_cast %add3A_327 : i32 to index
          %swap3A_423 = tpu.vector_load %arg15[%swap3A_422] {strides = array<i32>} : memref<512xf32, #tpu.memory_space<vmem>>, vector<16xf32>,
          tpu.vector_store %arg15[%swap3A_422], %mul3A_421 {strides = array<i32>} : memref<512xf32, #tpu.memory_space<vmem>>, vector<16xf32>,
          %mul3A_424 = arith.constant 64 : i32
          %mul3A_425 = arith.muli %scan3A_294, %mul3A_424 : i32
          %add3A_426 = arith.constant 16 : i32
          %add3A_427 = arith.addi %mul3A_425, %add3A_426 : i32
          %jit3A_428 = arith.constant 8 : i32
          %eq3A_429 = arith.constant 0 : i32
          %eq3A_430 = arith.cmpi eq, %jit3A_428, %eq3A_429 : i32
          %jit3A_431 = arith.constant 1 : i32
          %select_n3A_432 = arith.select %eq3A_430, %jit3A_431, %jit3A_428 : i32
          %rem3A_433 = arith.remsi %scan3A_294, %select_n3A_432 : i32
          %ne3A_434 = arith.constant 0 : i32
          %ne3A_435 = arith.cmpi ne, %rem3A_433, %ne3A_434 : i32
          %lt3A_436 = arith.constant 0 : i32
          %lt3A_437 = arith.cmpi slt, %rem3A_433, %lt3A_436 : i32
          %lt3A_438 = arith.constant 0 : i32
          %lt3A_439 = arith.cmpi slt, %select_n3A_432, %lt3A_438 : i32
          %ne3A_440 = arith.xori %lt3A_437, %lt3A_439 : i1
          %and3A_441 = arith.andi %ne3A_440, %ne3A_435 : i1
          %add3A_442 = arith.addi %rem3A_433, %select_n3A_432 : i32
          %select_n3A_443 = arith.select %and3A_441, %add3A_442, %rem3A_433 : i32
          %mul3A_444 = arith.constant 64 : i32
          %mul3A_445 = arith.muli %select_n3A_443, %mul3A_444 : i32
          %add3A_446 = arith.constant 1 : i32
          %add3A_447 = arith.addi %mul3A_445, %add3A_446 : i32
          %convert_element_type3A_448 = arith.sitofp %add3A_447 : i32 to f32
          %add3A_449 = vector.broadcast %convert_element_type3A_448 : f32 to vector<16xf32>
          %add3A_450 = arith.addf %add3A_449, %convert_element_type3A : vector<16xf32>
          %sub3A_451 = arith.subf %add3A_450, %get3A_240 : vector<16xf32>
          %mul3A_452 = arith.mulf %sub3A_451, %sub3A_451 : vector<16xf32>
          %add3A_453 = arith.addf %mul3A_452, %mul3A_323 : vector<16xf32>
          %mul3A_454 = arith.mulf %get3A_236, %add3A_453 : vector<16xf32>
          %sub3A_455 = arith.constant 1.000000e+00 : f32
          %sub3A_456 = vector.broadcast %sub3A_455 : f32 to vector<16xf32>
          %sub3A_457 = arith.subf %sub3A_456, %mul3A_454 : vector<16xf32>
          %div3A_458 = arith.constant 1.000000e+00 : f32
          %div3A_459 = vector.broadcast %div3A_458 : f32 to vector<16xf32>
          %div3A_460 = arith.divf %div3A_459, %sub3A_457 : vector<16xf32>
          %mul3A_461 = arith.mulf %sub3A_451, %div3A_460 : vector<16xf32>
          %add3A_462 = arith.addf %mul3A_461, %get3A_240 : vector<16xf32>
          %mul3A_463 = arith.mulf %sub3A_322, %div3A_460 : vector<16xf32>
          %add3A_464 = arith.addf %mul3A_463, %get3A_244 : vector<16xf32>
          %ge3A_465 = arith.constant 0.000000e+00 : f32
          %ge3A_466 = vector.broadcast %ge3A_465 : f32 to vector<16xf32>
          %ge3A_467 = arith.cmpf oge, %add3A_462, %ge3A_466 : vector<16xf32>
          %le3A_468 = arith.constant 5.110000e+02 : f32
          %le3A_469 = vector.broadcast %le3A_468 : f32 to vector<16xf32>
          %le3A_470 = arith.cmpf ole, %add3A_462, %le3A_469 : vector<16xf32>
          %and3A_471 = arith.andi %ge3A_467, %le3A_470 : vector<16xi1>
          %ge3A_472 = arith.constant 0.000000e+00 : f32
          %ge3A_473 = vector.broadcast %ge3A_472 : f32 to vector<16xf32>
          %ge3A_474 = arith.cmpf oge, %add3A_464, %ge3A_473 : vector<16xf32>
          %le3A_475 = arith.constant 5.110000e+02 : f32
          %le3A_476 = vector.broadcast %le3A_475 : f32 to vector<16xf32>
          %le3A_477 = arith.cmpf ole, %add3A_464, %le3A_476 : vector<16xf32>
          %and3A_478 = arith.andi %ge3A_474, %le3A_477 : vector<16xi1>
          %and3A_479 = arith.andi %and3A_471, %and3A_478 : vector<16xi1>
          %convert_element_type3A_480 = arith.fptosi %add3A_462 : vector<16xf32> to vector<16xi32>
          %convert_element_type3A_481 = arith.fptosi %add3A_464 : vector<16xf32> to vector<16xi32>
          %convert_element_type3A_482 = arith.sitofp %convert_element_type3A_480 : vector<16xi32> to vector<16xf32>
          %sub3A_483 = arith.subf %add3A_462, %convert_element_type3A_482 : vector<16xf32>
          %convert_element_type3A_484 = arith.sitofp %convert_element_type3A_481 : vector<16xi32> to vector<16xf32>
          %sub3A_485 = arith.subf %add3A_464, %convert_element_type3A_484 : vector<16xf32>
          %select_n3A_486 = arith.select %and3A_479, %broadcast_in_dim3A_6, %broadcast_in_dim3A_8 : vector<16xi1>, vector<16xf32>
          %sub3A_487 = arith.constant 1.000000e+00 : f32
          %sub3A_488 = vector.broadcast %sub3A_487 : f32 to vector<16xf32>
          %sub3A_489 = arith.subf %sub3A_488, %sub3A_485 : vector<16xf32>
          %mul3A_490 = arith.mulf %sub3A_489, %select_n3A_486 : vector<16xf32>
          %mul3A_491 = arith.mulf %sub3A_485, %select_n3A_486 : vector<16xf32>
          %sub3A_492 = arith.constant 1.000000e+00 : f32
          %sub3A_493 = vector.broadcast %sub3A_492 : f32 to vector<16xf32>
          %sub3A_494 = arith.subf %sub3A_493, %sub3A_483 : vector<16xf32>
          %max3A_495 = arith.constant 0 : i32
          %max3A_496 = vector.broadcast %max3A_495 : i32 to vector<16xi32>
          %max3A_497 = arith.maxsi %convert_element_type3A_480, %max3A_496 : vector<16xi32>
          %min3A_498 = arith.constant 511 : i32
          %min3A_499 = vector.broadcast %min3A_498 : i32 to vector<16xi32>
          %min3A_500 = arith.minsi %max3A_497, %min3A_499 : vector<16xi32>
          %max3A_501 = arith.constant 0 : i32
          %max3A_502 = vector.broadcast %max3A_501 : i32 to vector<16xi32>
          %max3A_503 = arith.maxsi %convert_element_type3A_481, %max3A_502 : vector<16xi32>
          %min3A_504 = arith.constant 511 : i32
          %min3A_505 = vector.broadcast %min3A_504 : i32 to vector<16xi32>
          %min3A_506 = arith.minsi %max3A_503, %min3A_505 : vector<16xi32>
          %shift_left3A_507 = arith.constant 9 : i32
          %shift_left3A_508 = vector.broadcast %shift_left3A_507 : i32 to vector<16xi32>
          %shift_left3A_509 = arith.shli %min3A_506, %shift_left3A_508 : vector<16xi32>
          %or3A_510 = arith.ori %shift_left3A_509, %min3A_500 : vector<16xi32>
          %swap3A_511 = arith.index_cast %add3A_427 : i32 to index
          %swap3A_512 = tpu.vector_load %arg6[%swap3A_511] {strides = array<i32>} : memref<1024xi32, #tpu.memory_space<vmem>>, vector<16xi32>,
          tpu.vector_store %arg6[%swap3A_511], %or3A_510 {strides = array<i32>} : memref<1024xi32, #tpu.memory_space<vmem>>, vector<16xi32>,
          %add3A_513 = arith.constant 512 : i32
          %add3A_514 = vector.broadcast %add3A_513 : i32 to vector<16xi32>
          %add3A_515 = arith.addi %or3A_510, %add3A_514 : vector<16xi32>
          %add3A_516 = arith.constant 512 : i32
          %add3A_517 = arith.addi %add3A_516, %add3A_427 : i32
          %swap3A_518 = arith.index_cast %add3A_517 : i32 to index
          %swap3A_519 = tpu.vector_load %arg6[%swap3A_518] {strides = array<i32>} : memref<1024xi32, #tpu.memory_space<vmem>>, vector<16xi32>,
          tpu.vector_store %arg6[%swap3A_518], %add3A_515 {strides = array<i32>} : memref<1024xi32, #tpu.memory_space<vmem>>, vector<16xi32>,
          %mul3A_520 = arith.mulf %sub3A_494, %mul3A_490 : vector<16xf32>
          %swap3A_521 = arith.index_cast %add3A_427 : i32 to index
          %swap3A_522 = tpu.vector_load %arg12[%swap3A_521] {strides = array<i32>} : memref<512xf32, #tpu.memory_space<vmem>>, vector<16xf32>,
          tpu.vector_store %arg12[%swap3A_521], %mul3A_520 {strides = array<i32>} : memref<512xf32, #tpu.memory_space<vmem>>, vector<16xf32>,
          %mul3A_523 = arith.mulf %sub3A_483, %mul3A_490 : vector<16xf32>
          %swap3A_524 = arith.index_cast %add3A_427 : i32 to index
          %swap3A_525 = tpu.vector_load %arg13[%swap3A_524] {strides = array<i32>} : memref<512xf32, #tpu.memory_space<vmem>>, vector<16xf32>,
          tpu.vector_store %arg13[%swap3A_524], %mul3A_523 {strides = array<i32>} : memref<512xf32, #tpu.memory_space<vmem>>, vector<16xf32>,
          %mul3A_526 = arith.mulf %sub3A_494, %mul3A_491 : vector<16xf32>
          %swap3A_527 = arith.index_cast %add3A_427 : i32 to index
          %swap3A_528 = tpu.vector_load %arg14[%swap3A_527] {strides = array<i32>} : memref<512xf32, #tpu.memory_space<vmem>>, vector<16xf32>,
          tpu.vector_store %arg14[%swap3A_527], %mul3A_526 {strides = array<i32>} : memref<512xf32, #tpu.memory_space<vmem>>, vector<16xf32>,
          %mul3A_529 = arith.mulf %sub3A_483, %mul3A_491 : vector<16xf32>
          %swap3A_530 = arith.index_cast %add3A_427 : i32 to index
          %swap3A_531 = tpu.vector_load %arg15[%swap3A_530] {strides = array<i32>} : memref<512xf32, #tpu.memory_space<vmem>>, vector<16xf32>,
          tpu.vector_store %arg15[%swap3A_530], %mul3A_529 {strides = array<i32>} : memref<512xf32, #tpu.memory_space<vmem>>, vector<16xf32>,
          %mul3A_532 = arith.constant 64 : i32
          %mul3A_533 = arith.muli %scan3A_294, %mul3A_532 : i32
          %add3A_534 = arith.constant 32 : i32
          %add3A_535 = arith.addi %mul3A_533, %add3A_534 : i32
          %jit3A_536 = arith.constant 8 : i32
          %eq3A_537 = arith.constant 0 : i32
          %eq3A_538 = arith.cmpi eq, %jit3A_536, %eq3A_537 : i32
          %jit3A_539 = arith.constant 1 : i32
          %select_n3A_540 = arith.select %eq3A_538, %jit3A_539, %jit3A_536 : i32
          %rem3A_541 = arith.remsi %scan3A_294, %select_n3A_540 : i32
          %ne3A_542 = arith.constant 0 : i32
          %ne3A_543 = arith.cmpi ne, %rem3A_541, %ne3A_542 : i32
          %lt3A_544 = arith.constant 0 : i32
          %lt3A_545 = arith.cmpi slt, %rem3A_541, %lt3A_544 : i32
          %lt3A_546 = arith.constant 0 : i32
          %lt3A_547 = arith.cmpi slt, %select_n3A_540, %lt3A_546 : i32
          %ne3A_548 = arith.xori %lt3A_545, %lt3A_547 : i1
          %and3A_549 = arith.andi %ne3A_548, %ne3A_543 : i1
          %add3A_550 = arith.addi %rem3A_541, %select_n3A_540 : i32
          %select_n3A_551 = arith.select %and3A_549, %add3A_550, %rem3A_541 : i32
          %mul3A_552 = arith.constant 64 : i32
          %mul3A_553 = arith.muli %select_n3A_551, %mul3A_552 : i32
          %add3A_554 = arith.constant 2 : i32
          %add3A_555 = arith.addi %mul3A_553, %add3A_554 : i32
          %convert_element_type3A_556 = arith.sitofp %add3A_555 : i32 to f32
          %add3A_557 = vector.broadcast %convert_element_type3A_556 : f32 to vector<16xf32>
          %add3A_558 = arith.addf %add3A_557, %convert_element_type3A : vector<16xf32>
          %sub3A_559 = arith.subf %add3A_558, %get3A_240 : vector<16xf32>
          %mul3A_560 = arith.mulf %sub3A_559, %sub3A_559 : vector<16xf32>
          %add3A_561 = arith.addf %mul3A_560, %mul3A_323 : vector<16xf32>
          %mul3A_562 = arith.mulf %get3A_236, %add3A_561 : vector<16xf32>
          %sub3A_563 = arith.constant 1.000000e+00 : f32
          %sub3A_564 = vector.broadcast %sub3A_563 : f32 to vector<16xf32>
          %sub3A_565 = arith.subf %sub3A_564, %mul3A_562 : vector<16xf32>
          %div3A_566 = arith.constant 1.000000e+00 : f32
          %div3A_567 = vector.broadcast %div3A_566 : f32 to vector<16xf32>
          %div3A_568 = arith.divf %div3A_567, %sub3A_565 : vector<16xf32>
          %mul3A_569 = arith.mulf %sub3A_559, %div3A_568 : vector<16xf32>
          %add3A_570 = arith.addf %mul3A_569, %get3A_240 : vector<16xf32>
          %mul3A_571 = arith.mulf %sub3A_322, %div3A_568 : vector<16xf32>
          %add3A_572 = arith.addf %mul3A_571, %get3A_244 : vector<16xf32>
          %ge3A_573 = arith.constant 0.000000e+00 : f32
          %ge3A_574 = vector.broadcast %ge3A_573 : f32 to vector<16xf32>
          %ge3A_575 = arith.cmpf oge, %add3A_570, %ge3A_574 : vector<16xf32>
          %le3A_576 = arith.constant 5.110000e+02 : f32
          %le3A_577 = vector.broadcast %le3A_576 : f32 to vector<16xf32>
          %le3A_578 = arith.cmpf ole, %add3A_570, %le3A_577 : vector<16xf32>
          %and3A_579 = arith.andi %ge3A_575, %le3A_578 : vector<16xi1>
          %ge3A_580 = arith.constant 0.000000e+00 : f32
          %ge3A_581 = vector.broadcast %ge3A_580 : f32 to vector<16xf32>
          %ge3A_582 = arith.cmpf oge, %add3A_572, %ge3A_581 : vector<16xf32>
          %le3A_583 = arith.constant 5.110000e+02 : f32
          %le3A_584 = vector.broadcast %le3A_583 : f32 to vector<16xf32>
          %le3A_585 = arith.cmpf ole, %add3A_572, %le3A_584 : vector<16xf32>
          %and3A_586 = arith.andi %ge3A_582, %le3A_585 : vector<16xi1>
          %and3A_587 = arith.andi %and3A_579, %and3A_586 : vector<16xi1>
          %convert_element_type3A_588 = arith.fptosi %add3A_570 : vector<16xf32> to vector<16xi32>
          %convert_element_type3A_589 = arith.fptosi %add3A_572 : vector<16xf32> to vector<16xi32>
          %convert_element_type3A_590 = arith.sitofp %convert_element_type3A_588 : vector<16xi32> to vector<16xf32>
          %sub3A_591 = arith.subf %add3A_570, %convert_element_type3A_590 : vector<16xf32>
          %convert_element_type3A_592 = arith.sitofp %convert_element_type3A_589 : vector<16xi32> to vector<16xf32>
          %sub3A_593 = arith.subf %add3A_572, %convert_element_type3A_592 : vector<16xf32>
          %select_n3A_594 = arith.select %and3A_587, %broadcast_in_dim3A_6, %broadcast_in_dim3A_8 : vector<16xi1>, vector<16xf32>
          %sub3A_595 = arith.constant 1.000000e+00 : f32
          %sub3A_596 = vector.broadcast %sub3A_595 : f32 to vector<16xf32>
          %sub3A_597 = arith.subf %sub3A_596, %sub3A_593 : vector<16xf32>
          %mul3A_598 = arith.mulf %sub3A_597, %select_n3A_594 : vector<16xf32>
          %mul3A_599 = arith.mulf %sub3A_593, %select_n3A_594 : vector<16xf32>
          %sub3A_600 = arith.constant 1.000000e+00 : f32
          %sub3A_601 = vector.broadcast %sub3A_600 : f32 to vector<16xf32>
          %sub3A_602 = arith.subf %sub3A_601, %sub3A_591 : vector<16xf32>
          %max3A_603 = arith.constant 0 : i32
          %max3A_604 = vector.broadcast %max3A_603 : i32 to vector<16xi32>
          %max3A_605 = arith.maxsi %convert_element_type3A_588, %max3A_604 : vector<16xi32>
          %min3A_606 = arith.constant 511 : i32
          %min3A_607 = vector.broadcast %min3A_606 : i32 to vector<16xi32>
          %min3A_608 = arith.minsi %max3A_605, %min3A_607 : vector<16xi32>
          %max3A_609 = arith.constant 0 : i32
          %max3A_610 = vector.broadcast %max3A_609 : i32 to vector<16xi32>
          %max3A_611 = arith.maxsi %convert_element_type3A_589, %max3A_610 : vector<16xi32>
          %min3A_612 = arith.constant 511 : i32
          %min3A_613 = vector.broadcast %min3A_612 : i32 to vector<16xi32>
          %min3A_614 = arith.minsi %max3A_611, %min3A_613 : vector<16xi32>
          %shift_left3A_615 = arith.constant 9 : i32
          %shift_left3A_616 = vector.broadcast %shift_left3A_615 : i32 to vector<16xi32>
          %shift_left3A_617 = arith.shli %min3A_614, %shift_left3A_616 : vector<16xi32>
          %or3A_618 = arith.ori %shift_left3A_617, %min3A_608 : vector<16xi32>
          %swap3A_619 = arith.index_cast %add3A_535 : i32 to index
          %swap3A_620 = tpu.vector_load %arg6[%swap3A_619] {strides = array<i32>} : memref<1024xi32, #tpu.memory_space<vmem>>, vector<16xi32>,
          tpu.vector_store %arg6[%swap3A_619], %or3A_618 {strides = array<i32>} : memref<1024xi32, #tpu.memory_space<vmem>>, vector<16xi32>,
          %add3A_621 = arith.constant 512 : i32
          %add3A_622 = vector.broadcast %add3A_621 : i32 to vector<16xi32>
          %add3A_623 = arith.addi %or3A_618, %add3A_622 : vector<16xi32>
          %add3A_624 = arith.constant 512 : i32
          %add3A_625 = arith.addi %add3A_624, %add3A_535 : i32
          %swap3A_626 = arith.index_cast %add3A_625 : i32 to index
          %swap3A_627 = tpu.vector_load %arg6[%swap3A_626] {strides = array<i32>} : memref<1024xi32, #tpu.memory_space<vmem>>, vector<16xi32>,
          tpu.vector_store %arg6[%swap3A_626], %add3A_623 {strides = array<i32>} : memref<1024xi32, #tpu.memory_space<vmem>>, vector<16xi32>,
          %mul3A_628 = arith.mulf %sub3A_602, %mul3A_598 : vector<16xf32>
          %swap3A_629 = arith.index_cast %add3A_535 : i32 to index
          %swap3A_630 = tpu.vector_load %arg12[%swap3A_629] {strides = array<i32>} : memref<512xf32, #tpu.memory_space<vmem>>, vector<16xf32>,
          tpu.vector_store %arg12[%swap3A_629], %mul3A_628 {strides = array<i32>} : memref<512xf32, #tpu.memory_space<vmem>>, vector<16xf32>,
          %mul3A_631 = arith.mulf %sub3A_591, %mul3A_598 : vector<16xf32>
          %swap3A_632 = arith.index_cast %add3A_535 : i32 to index
          %swap3A_633 = tpu.vector_load %arg13[%swap3A_632] {strides = array<i32>} : memref<512xf32, #tpu.memory_space<vmem>>, vector<16xf32>,
          tpu.vector_store %arg13[%swap3A_632], %mul3A_631 {strides = array<i32>} : memref<512xf32, #tpu.memory_space<vmem>>, vector<16xf32>,
          %mul3A_634 = arith.mulf %sub3A_602, %mul3A_599 : vector<16xf32>
          %swap3A_635 = arith.index_cast %add3A_535 : i32 to index
          %swap3A_636 = tpu.vector_load %arg14[%swap3A_635] {strides = array<i32>} : memref<512xf32, #tpu.memory_space<vmem>>, vector<16xf32>,
          tpu.vector_store %arg14[%swap3A_635], %mul3A_634 {strides = array<i32>} : memref<512xf32, #tpu.memory_space<vmem>>, vector<16xf32>,
          %mul3A_637 = arith.mulf %sub3A_591, %mul3A_599 : vector<16xf32>
          %swap3A_638 = arith.index_cast %add3A_535 : i32 to index
          %swap3A_639 = tpu.vector_load %arg15[%swap3A_638] {strides = array<i32>} : memref<512xf32, #tpu.memory_space<vmem>>, vector<16xf32>,
          tpu.vector_store %arg15[%swap3A_638], %mul3A_637 {strides = array<i32>} : memref<512xf32, #tpu.memory_space<vmem>>, vector<16xf32>,
          %mul3A_640 = arith.constant 64 : i32
          %mul3A_641 = arith.muli %scan3A_294, %mul3A_640 : i32
          %add3A_642 = arith.constant 48 : i32
          %add3A_643 = arith.addi %mul3A_641, %add3A_642 : i32
          %jit3A_644 = arith.constant 8 : i32
          %eq3A_645 = arith.constant 0 : i32
          %eq3A_646 = arith.cmpi eq, %jit3A_644, %eq3A_645 : i32
          %jit3A_647 = arith.constant 1 : i32
          %select_n3A_648 = arith.select %eq3A_646, %jit3A_647, %jit3A_644 : i32
          %rem3A_649 = arith.remsi %scan3A_294, %select_n3A_648 : i32
          %ne3A_650 = arith.constant 0 : i32
          %ne3A_651 = arith.cmpi ne, %rem3A_649, %ne3A_650 : i32
          %lt3A_652 = arith.constant 0 : i32
          %lt3A_653 = arith.cmpi slt, %rem3A_649, %lt3A_652 : i32
          %lt3A_654 = arith.constant 0 : i32
          %lt3A_655 = arith.cmpi slt, %select_n3A_648, %lt3A_654 : i32
          %ne3A_656 = arith.xori %lt3A_653, %lt3A_655 : i1
          %and3A_657 = arith.andi %ne3A_656, %ne3A_651 : i1
          %add3A_658 = arith.addi %rem3A_649, %select_n3A_648 : i32
          %select_n3A_659 = arith.select %and3A_657, %add3A_658, %rem3A_649 : i32
          %mul3A_660 = arith.constant 64 : i32
          %mul3A_661 = arith.muli %select_n3A_659, %mul3A_660 : i32
          %add3A_662 = arith.constant 3 : i32
          %add3A_663 = arith.addi %mul3A_661, %add3A_662 : i32
          %convert_element_type3A_664 = arith.sitofp %add3A_663 : i32 to f32
          %add3A_665 = vector.broadcast %convert_element_type3A_664 : f32 to vector<16xf32>
          %add3A_666 = arith.addf %add3A_665, %convert_element_type3A : vector<16xf32>
          %sub3A_667 = arith.subf %add3A_666, %get3A_240 : vector<16xf32>
          %mul3A_668 = arith.mulf %sub3A_667, %sub3A_667 : vector<16xf32>
          %add3A_669 = arith.addf %mul3A_668, %mul3A_323 : vector<16xf32>
          %mul3A_670 = arith.mulf %get3A_236, %add3A_669 : vector<16xf32>
          %sub3A_671 = arith.constant 1.000000e+00 : f32
          %sub3A_672 = vector.broadcast %sub3A_671 : f32 to vector<16xf32>
          %sub3A_673 = arith.subf %sub3A_672, %mul3A_670 : vector<16xf32>
          %div3A_674 = arith.constant 1.000000e+00 : f32
          %div3A_675 = vector.broadcast %div3A_674 : f32 to vector<16xf32>
          %div3A_676 = arith.divf %div3A_675, %sub3A_673 : vector<16xf32>
          %mul3A_677 = arith.mulf %sub3A_667, %div3A_676 : vector<16xf32>
          %add3A_678 = arith.addf %mul3A_677, %get3A_240 : vector<16xf32>
          %mul3A_679 = arith.mulf %sub3A_322, %div3A_676 : vector<16xf32>
          %add3A_680 = arith.addf %mul3A_679, %get3A_244 : vector<16xf32>
          %ge3A_681 = arith.constant 0.000000e+00 : f32
          %ge3A_682 = vector.broadcast %ge3A_681 : f32 to vector<16xf32>
          %ge3A_683 = arith.cmpf oge, %add3A_678, %ge3A_682 : vector<16xf32>
          %le3A_684 = arith.constant 5.110000e+02 : f32
          %le3A_685 = vector.broadcast %le3A_684 : f32 to vector<16xf32>
          %le3A_686 = arith.cmpf ole, %add3A_678, %le3A_685 : vector<16xf32>
          %and3A_687 = arith.andi %ge3A_683, %le3A_686 : vector<16xi1>
          %ge3A_688 = arith.constant 0.000000e+00 : f32
          %ge3A_689 = vector.broadcast %ge3A_688 : f32 to vector<16xf32>
          %ge3A_690 = arith.cmpf oge, %add3A_680, %ge3A_689 : vector<16xf32>
          %le3A_691 = arith.constant 5.110000e+02 : f32
          %le3A_692 = vector.broadcast %le3A_691 : f32 to vector<16xf32>
          %le3A_693 = arith.cmpf ole, %add3A_680, %le3A_692 : vector<16xf32>
          %and3A_694 = arith.andi %ge3A_690, %le3A_693 : vector<16xi1>
          %and3A_695 = arith.andi %and3A_687, %and3A_694 : vector<16xi1>
          %convert_element_type3A_696 = arith.fptosi %add3A_678 : vector<16xf32> to vector<16xi32>
          %convert_element_type3A_697 = arith.fptosi %add3A_680 : vector<16xf32> to vector<16xi32>
          %convert_element_type3A_698 = arith.sitofp %convert_element_type3A_696 : vector<16xi32> to vector<16xf32>
          %sub3A_699 = arith.subf %add3A_678, %convert_element_type3A_698 : vector<16xf32>
          %convert_element_type3A_700 = arith.sitofp %convert_element_type3A_697 : vector<16xi32> to vector<16xf32>
          %sub3A_701 = arith.subf %add3A_680, %convert_element_type3A_700 : vector<16xf32>
          %select_n3A_702 = arith.select %and3A_695, %broadcast_in_dim3A_6, %broadcast_in_dim3A_8 : vector<16xi1>, vector<16xf32>
          %sub3A_703 = arith.constant 1.000000e+00 : f32
          %sub3A_704 = vector.broadcast %sub3A_703 : f32 to vector<16xf32>
          %sub3A_705 = arith.subf %sub3A_704, %sub3A_701 : vector<16xf32>
          %mul3A_706 = arith.mulf %sub3A_705, %select_n3A_702 : vector<16xf32>
          %mul3A_707 = arith.mulf %sub3A_701, %select_n3A_702 : vector<16xf32>
          %sub3A_708 = arith.constant 1.000000e+00 : f32
          %sub3A_709 = vector.broadcast %sub3A_708 : f32 to vector<16xf32>
          %sub3A_710 = arith.subf %sub3A_709, %sub3A_699 : vector<16xf32>
          %max3A_711 = arith.constant 0 : i32
          %max3A_712 = vector.broadcast %max3A_711 : i32 to vector<16xi32>
          %max3A_713 = arith.maxsi %convert_element_type3A_696, %max3A_712 : vector<16xi32>
          %min3A_714 = arith.constant 511 : i32
          %min3A_715 = vector.broadcast %min3A_714 : i32 to vector<16xi32>
          %min3A_716 = arith.minsi %max3A_713, %min3A_715 : vector<16xi32>
          %max3A_717 = arith.constant 0 : i32
          %max3A_718 = vector.broadcast %max3A_717 : i32 to vector<16xi32>
          %max3A_719 = arith.maxsi %convert_element_type3A_697, %max3A_718 : vector<16xi32>
          %min3A_720 = arith.constant 511 : i32
          %min3A_721 = vector.broadcast %min3A_720 : i32 to vector<16xi32>
          %min3A_722 = arith.minsi %max3A_719, %min3A_721 : vector<16xi32>
          %shift_left3A_723 = arith.constant 9 : i32
          %shift_left3A_724 = vector.broadcast %shift_left3A_723 : i32 to vector<16xi32>
          %shift_left3A_725 = arith.shli %min3A_722, %shift_left3A_724 : vector<16xi32>
          %or3A_726 = arith.ori %shift_left3A_725, %min3A_716 : vector<16xi32>
          %swap3A_727 = arith.index_cast %add3A_643 : i32 to index
          %swap3A_728 = tpu.vector_load %arg6[%swap3A_727] {strides = array<i32>} : memref<1024xi32, #tpu.memory_space<vmem>>, vector<16xi32>,
          tpu.vector_store %arg6[%swap3A_727], %or3A_726 {strides = array<i32>} : memref<1024xi32, #tpu.memory_space<vmem>>, vector<16xi32>,
          %add3A_729 = arith.constant 512 : i32
          %add3A_730 = vector.broadcast %add3A_729 : i32 to vector<16xi32>
          %add3A_731 = arith.addi %or3A_726, %add3A_730 : vector<16xi32>
          %add3A_732 = arith.constant 512 : i32
          %add3A_733 = arith.addi %add3A_732, %add3A_643 : i32
          %swap3A_734 = arith.index_cast %add3A_733 : i32 to index
          %swap3A_735 = tpu.vector_load %arg6[%swap3A_734] {strides = array<i32>} : memref<1024xi32, #tpu.memory_space<vmem>>, vector<16xi32>,
          tpu.vector_store %arg6[%swap3A_734], %add3A_731 {strides = array<i32>} : memref<1024xi32, #tpu.memory_space<vmem>>, vector<16xi32>,
          %mul3A_736 = arith.mulf %sub3A_710, %mul3A_706 : vector<16xf32>
          %swap3A_737 = arith.index_cast %add3A_643 : i32 to index
          %swap3A_738 = tpu.vector_load %arg12[%swap3A_737] {strides = array<i32>} : memref<512xf32, #tpu.memory_space<vmem>>, vector<16xf32>,
          tpu.vector_store %arg12[%swap3A_737], %mul3A_736 {strides = array<i32>} : memref<512xf32, #tpu.memory_space<vmem>>, vector<16xf32>,
          %mul3A_739 = arith.mulf %sub3A_699, %mul3A_706 : vector<16xf32>
          %swap3A_740 = arith.index_cast %add3A_643 : i32 to index
          %swap3A_741 = tpu.vector_load %arg13[%swap3A_740] {strides = array<i32>} : memref<512xf32, #tpu.memory_space<vmem>>, vector<16xf32>,
          tpu.vector_store %arg13[%swap3A_740], %mul3A_739 {strides = array<i32>} : memref<512xf32, #tpu.memory_space<vmem>>, vector<16xf32>,
          %mul3A_742 = arith.mulf %sub3A_710, %mul3A_707 : vector<16xf32>
          %swap3A_743 = arith.index_cast %add3A_643 : i32 to index
          %swap3A_744 = tpu.vector_load %arg14[%swap3A_743] {strides = array<i32>} : memref<512xf32, #tpu.memory_space<vmem>>, vector<16xf32>,
          tpu.vector_store %arg14[%swap3A_743], %mul3A_742 {strides = array<i32>} : memref<512xf32, #tpu.memory_space<vmem>>, vector<16xf32>,
          %mul3A_745 = arith.mulf %sub3A_699, %mul3A_707 : vector<16xf32>
          %swap3A_746 = arith.index_cast %add3A_643 : i32 to index
          %swap3A_747 = tpu.vector_load %arg15[%swap3A_746] {strides = array<i32>} : memref<512xf32, #tpu.memory_space<vmem>>, vector<16xf32>,
          tpu.vector_store %arg15[%swap3A_746], %mul3A_745 {strides = array<i32>} : memref<512xf32, #tpu.memory_space<vmem>>, vector<16xf32>,
        }
        %scan3A_277 = arith.constant 8 : i32
        %dma_start3A_278 = arith.constant 0 : i32
        %dma_start3A_279 = arith.constant 0 : i32
        %dma_start3A_280 = tpu.memref_slice %arg8[%dma_start3A_278, %dma_start3A_279] : memref<512x8xf32, #tpu.memory_space<vmem>> -> memref<512x8xf32, #tpu.memory_space<vmem>>
        %dma_start3A_281 = arith.constant 0 : i32
        %dma_start3A_282 = tpu.memref_slice %arg6[%dma_start3A_281] : memref<1024xi32, #tpu.memory_space<vmem>> -> memref<512xi32, #tpu.memory_space<vmem>>
        %dma_start3A_283 = arith.constant 0 : i32
        %dma_start3A_284 = arith.constant 0 : i32
        %dma_start3A_285 = tpu.memref_slice %arg2[%dma_start3A_283, %dma_start3A_284] : memref<262656x8xf32, #tpu.memory_space<hbm>> -> memref<262656x8xf32, #tpu.memory_space<hbm>>
        tpu.enqueue_indirect_dma source(%dma_start3A_285 : memref<262656x8xf32, #tpu.memory_space<hbm>>) target(%dma_start3A_280 : memref<512x8xf32, #tpu.memory_space<vmem>>) offsets(%dma_start3A_282 : memref<512xi32, #tpu.memory_space<vmem>>) semaphore(%arg26 : memref<!tpu.dma_semaphore, #tpu.memory_space<semaphore_mem>>)
        %dma_start3A_286 = arith.constant 0 : i32
        %dma_start3A_287 = arith.constant 0 : i32
        %dma_start3A_288 = tpu.memref_slice %arg9[%dma_start3A_286, %dma_start3A_287] : memref<512x8xf32, #tpu.memory_space<vmem>> -> memref<512x8xf32, #tpu.memory_space<vmem>>
        %dma_start3A_289 = arith.constant 512 : i32
        %dma_start3A_290 = tpu.memref_slice %arg6[%dma_start3A_289] : memref<1024xi32, #tpu.memory_space<vmem>> -> memref<512xi32, #tpu.memory_space<vmem>>
        %dma_start3A_291 = arith.constant 0 : i32
        %dma_start3A_292 = arith.constant 0 : i32
        %dma_start3A_293 = tpu.memref_slice %arg2[%dma_start3A_291, %dma_start3A_292] : memref<262656x8xf32, #tpu.memory_space<hbm>> -> memref<262656x8xf32, #tpu.memory_space<hbm>>
        tpu.enqueue_indirect_dma source(%dma_start3A_293 : memref<262656x8xf32, #tpu.memory_space<hbm>>) target(%dma_start3A_288 : memref<512x8xf32, #tpu.memory_space<vmem>>) offsets(%dma_start3A_290 : memref<512xi32, #tpu.memory_space<vmem>>) semaphore(%arg26 : memref<!tpu.dma_semaphore, #tpu.memory_space<semaphore_mem>>)
      } else {
      }
      %dma_wait3A_193 = arith.constant 0 : i32
      %dma_wait3A_194 = tpu.memref_slice %arg7[%dma_wait3A_193] : memref<1024xi32, #tpu.memory_space<vmem>> -> memref<512xi32, #tpu.memory_space<vmem>>
      %dma_wait3A_195 = arith.constant 0 : i32
      %dma_wait3A_196 = arith.constant 0 : i32
      %dma_wait3A_197 = tpu.memref_slice %arg2[%dma_wait3A_195, %dma_wait3A_196] : memref<262656x8xf32, #tpu.memory_space<hbm>> -> memref<262656x8xf32, #tpu.memory_space<hbm>>
      tpu.wait_indirect_dma semaphore(%arg27 : memref<!tpu.dma_semaphore, #tpu.memory_space<semaphore_mem>>) src(%dma_wait3A_197 : memref<262656x8xf32, #tpu.memory_space<hbm>>) dst(%arg10 : memref<512x8xf32, #tpu.memory_space<vmem>>)
      %dma_wait3A_198 = arith.constant 512 : i32
      %dma_wait3A_199 = tpu.memref_slice %arg7[%dma_wait3A_198] : memref<1024xi32, #tpu.memory_space<vmem>> -> memref<512xi32, #tpu.memory_space<vmem>>
      %dma_wait3A_200 = arith.constant 0 : i32
      %dma_wait3A_201 = arith.constant 0 : i32
      %dma_wait3A_202 = tpu.memref_slice %arg2[%dma_wait3A_200, %dma_wait3A_201] : memref<262656x8xf32, #tpu.memory_space<hbm>> -> memref<262656x8xf32, #tpu.memory_space<hbm>>
      tpu.wait_indirect_dma semaphore(%arg27 : memref<!tpu.dma_semaphore, #tpu.memory_space<semaphore_mem>>) src(%dma_wait3A_202 : memref<262656x8xf32, #tpu.memory_space<hbm>>) dst(%arg11 : memref<512x8xf32, #tpu.memory_space<vmem>>)
      %gt3A_203 = arith.constant 0 : i32
      %gt3A_204 = arith.cmpi sgt, %scan3A_87, %gt3A_203 : i32
      %convert_element_type3A_205 = arith.extui %gt3A_204 : i1 to i32
      %cond3A_206 = arith.constant 0 : i32
      %cond3A_207 = arith.cmpi ne, %convert_element_type3A_205, %cond3A_206 : i32
      scf.if %cond3A_207 {
        %dma_wait3A_231 = arith.constant 0 : i32
        %dma_wait3A_232 = tpu.memref_slice %arg4[%dma_wait3A_231] : memref<786432xi8, #tpu.memory_space<hbm>> -> memref<512xi8, #tpu.memory_space<hbm>>
        %dma_wait3A_233 = arith.constant 0 : i32
        %dma_wait3A_234 = tpu.memref_slice %arg4[%dma_wait3A_233] : memref<786432xi8, #tpu.memory_space<hbm>> -> memref<512xi8, #tpu.memory_space<hbm>>
        tpu.wait_dma2 semaphore(%arg29 : memref<!tpu.dma_semaphore, #tpu.memory_space<semaphore_mem>>) src(%arg23 : memref<512xi8, #tpu.memory_space<vmem>>) dst(%dma_wait3A_234 : memref<512xi8, #tpu.memory_space<hbm>>)
        %dma_wait3A_235 = arith.constant 262144 : i32
        %dma_wait3A_236 = tpu.memref_slice %arg4[%dma_wait3A_235] : memref<786432xi8, #tpu.memory_space<hbm>> -> memref<512xi8, #tpu.memory_space<hbm>>
        %dma_wait3A_237 = arith.constant 262144 : i32
        %dma_wait3A_238 = tpu.memref_slice %arg4[%dma_wait3A_237] : memref<786432xi8, #tpu.memory_space<hbm>> -> memref<512xi8, #tpu.memory_space<hbm>>
        tpu.wait_dma2 semaphore(%arg29 : memref<!tpu.dma_semaphore, #tpu.memory_space<semaphore_mem>>) src(%arg24 : memref<512xi8, #tpu.memory_space<vmem>>) dst(%dma_wait3A_238 : memref<512xi8, #tpu.memory_space<hbm>>)
        %dma_wait3A_239 = arith.constant 524288 : i32
        %dma_wait3A_240 = tpu.memref_slice %arg4[%dma_wait3A_239] : memref<786432xi8, #tpu.memory_space<hbm>> -> memref<512xi8, #tpu.memory_space<hbm>>
        %dma_wait3A_241 = arith.constant 524288 : i32
        %dma_wait3A_242 = tpu.memref_slice %arg4[%dma_wait3A_241] : memref<786432xi8, #tpu.memory_space<hbm>> -> memref<512xi8, #tpu.memory_space<hbm>>
        tpu.wait_dma2 semaphore(%arg29 : memref<!tpu.dma_semaphore, #tpu.memory_space<semaphore_mem>>) src(%arg25 : memref<512xi8, #tpu.memory_space<vmem>>) dst(%dma_wait3A_242 : memref<512xi8, #tpu.memory_space<hbm>>)
      } else {
      }
      %scan3A_208 = arith.constant 0 : i32
      %scan3A_209 = arith.constant 0 : i32
      %scan3A_210 = arith.constant 8 : i32
      %scan3A_211 = arith.addi %scan3A_209, %scan3A_210 : i32
      %scan3A_212 = arith.constant 1 : i32
      scf.for %scan3A_231 = %scan3A_209 to %scan3A_211 step %scan3A_212  : i32 {
        %broadcast_in_dim3A_232 = arith.constant 0 : i32
        %broadcast_in_dim3A_233 = vector.broadcast %broadcast_in_dim3A_232 : i32 to vector<16xi32>
        %broadcast_in_dim3A_234 = arith.constant 0 : i32
        %broadcast_in_dim3A_235 = vector.broadcast %broadcast_in_dim3A_234 : i32 to vector<16xi32>
        %broadcast_in_dim3A_236 = arith.constant 0 : i32
        %broadcast_in_dim3A_237 = vector.broadcast %broadcast_in_dim3A_236 : i32 to vector<16xi32>
        %mul3A_238 = arith.constant 64 : i32
        %mul3A_239 = arith.muli %scan3A_231, %mul3A_238 : i32
        %add3A_240 = arith.constant 0 : i32
        %add3A_241 = arith.addi %mul3A_239, %add3A_240 : i32
        %add3A_242 = vector.broadcast %add3A_241 : i32 to vector<16xi32>
        %add3A_243 = arith.addi %add3A_242, %iota3A : vector<16xi32>
        %get3A_244 = arith.index_cast %add3A_241 : i32 to index
        %get3A_245 = tpu.vector_load %arg16[%get3A_244] {strides = array<i32>} : memref<512xf32, #tpu.memory_space<vmem>>, vector<16xf32>,
        %get3A_246 = arith.index_cast %add3A_241 : i32 to index
        %get3A_247 = tpu.vector_load %arg17[%get3A_246] {strides = array<i32>} : memref<512xf32, #tpu.memory_space<vmem>>, vector<16xf32>,
        %get3A_248 = arith.index_cast %add3A_241 : i32 to index
        %get3A_249 = tpu.vector_load %arg18[%get3A_248] {strides = array<i32>} : memref<512xf32, #tpu.memory_space<vmem>>, vector<16xf32>,
        %get3A_250 = arith.index_cast %add3A_241 : i32 to index
        %get3A_251 = tpu.vector_load %arg19[%get3A_250] {strides = array<i32>} : memref<512xf32, #tpu.memory_space<vmem>>, vector<16xf32>,
        %broadcast_in_dim3A_252 = arith.constant 0 : i32
        %broadcast_in_dim3A_253 = vector.broadcast %broadcast_in_dim3A_252 : i32 to vector<16xi32>
        %gather3A = tpu.vector_load_idx %arg10[%add3A_243, %broadcast_in_dim3A_253] : memref<512x8xf32, #tpu.memory_space<vmem>>[vector<16xi32>, vector<16xi32>], vector<16xf32>,
        %broadcast_in_dim3A_254 = arith.constant 4 : i32
        %broadcast_in_dim3A_255 = vector.broadcast %broadcast_in_dim3A_254 : i32 to vector<16xi32>
        %gather3A_256 = tpu.vector_load_idx %arg10[%add3A_243, %broadcast_in_dim3A_255] : memref<512x8xf32, #tpu.memory_space<vmem>>[vector<16xi32>, vector<16xi32>], vector<16xf32>,
        %broadcast_in_dim3A_257 = arith.constant 0 : i32
        %broadcast_in_dim3A_258 = vector.broadcast %broadcast_in_dim3A_257 : i32 to vector<16xi32>
        %gather3A_259 = tpu.vector_load_idx %arg11[%add3A_243, %broadcast_in_dim3A_258] : memref<512x8xf32, #tpu.memory_space<vmem>>[vector<16xi32>, vector<16xi32>], vector<16xf32>,
        %broadcast_in_dim3A_260 = arith.constant 4 : i32
        %broadcast_in_dim3A_261 = vector.broadcast %broadcast_in_dim3A_260 : i32 to vector<16xi32>
        %gather3A_262 = tpu.vector_load_idx %arg11[%add3A_243, %broadcast_in_dim3A_261] : memref<512x8xf32, #tpu.memory_space<vmem>>[vector<16xi32>, vector<16xi32>], vector<16xf32>,
        %mul3A_263 = arith.mulf %get3A_245, %gather3A : vector<16xf32>
        %mul3A_264 = arith.mulf %get3A_247, %gather3A_256 : vector<16xf32>
        %add3A_265 = arith.addf %mul3A_263, %mul3A_264 : vector<16xf32>
        %mul3A_266 = arith.mulf %get3A_249, %gather3A_259 : vector<16xf32>
        %add3A_267 = arith.addf %add3A_265, %mul3A_266 : vector<16xf32>
        %mul3A_268 = arith.mulf %get3A_251, %gather3A_262 : vector<16xf32>
        %add3A_269 = arith.addf %add3A_267, %mul3A_268 : vector<16xf32>
        %convert_element_type3A_270 = arith.fptosi %add3A_269 : vector<16xf32> to vector<16xi32>
        %and3A_271 = arith.constant 255 : i32
        %and3A_272 = vector.broadcast %and3A_271 : i32 to vector<16xi32>
        %and3A_273 = arith.andi %convert_element_type3A_270, %and3A_272 : vector<16xi32>
        %shift_left3A = arith.constant 0 : i32
        %shift_left3A_274 = vector.broadcast %shift_left3A : i32 to vector<16xi32>
        %shift_left3A_275 = arith.shli %and3A_273, %shift_left3A_274 : vector<16xi32>
        %or3A = arith.ori %broadcast_in_dim3A_233, %shift_left3A_275 : vector<16xi32>
        %broadcast_in_dim3A_276 = arith.constant 1 : i32
        %broadcast_in_dim3A_277 = vector.broadcast %broadcast_in_dim3A_276 : i32 to vector<16xi32>
        %gather3A_278 = tpu.vector_load_idx %arg10[%add3A_243, %broadcast_in_dim3A_277] : memref<512x8xf32, #tpu.memory_space<vmem>>[vector<16xi32>, vector<16xi32>], vector<16xf32>,
        %broadcast_in_dim3A_279 = arith.constant 5 : i32
        %broadcast_in_dim3A_280 = vector.broadcast %broadcast_in_dim3A_279 : i32 to vector<16xi32>
        %gather3A_281 = tpu.vector_load_idx %arg10[%add3A_243, %broadcast_in_dim3A_280] : memref<512x8xf32, #tpu.memory_space<vmem>>[vector<16xi32>, vector<16xi32>], vector<16xf32>,
        %broadcast_in_dim3A_282 = arith.constant 1 : i32
        %broadcast_in_dim3A_283 = vector.broadcast %broadcast_in_dim3A_282 : i32 to vector<16xi32>
        %gather3A_284 = tpu.vector_load_idx %arg11[%add3A_243, %broadcast_in_dim3A_283] : memref<512x8xf32, #tpu.memory_space<vmem>>[vector<16xi32>, vector<16xi32>], vector<16xf32>,
        %broadcast_in_dim3A_285 = arith.constant 5 : i32
        %broadcast_in_dim3A_286 = vector.broadcast %broadcast_in_dim3A_285 : i32 to vector<16xi32>
        %gather3A_287 = tpu.vector_load_idx %arg11[%add3A_243, %broadcast_in_dim3A_286] : memref<512x8xf32, #tpu.memory_space<vmem>>[vector<16xi32>, vector<16xi32>], vector<16xf32>,
        %mul3A_288 = arith.mulf %get3A_245, %gather3A_278 : vector<16xf32>
        %mul3A_289 = arith.mulf %get3A_247, %gather3A_281 : vector<16xf32>
        %add3A_290 = arith.addf %mul3A_288, %mul3A_289 : vector<16xf32>
        %mul3A_291 = arith.mulf %get3A_249, %gather3A_284 : vector<16xf32>
        %add3A_292 = arith.addf %add3A_290, %mul3A_291 : vector<16xf32>
        %mul3A_293 = arith.mulf %get3A_251, %gather3A_287 : vector<16xf32>
        %add3A_294 = arith.addf %add3A_292, %mul3A_293 : vector<16xf32>
        %convert_element_type3A_295 = arith.fptosi %add3A_294 : vector<16xf32> to vector<16xi32>
        %and3A_296 = arith.constant 255 : i32
        %and3A_297 = vector.broadcast %and3A_296 : i32 to vector<16xi32>
        %and3A_298 = arith.andi %convert_element_type3A_295, %and3A_297 : vector<16xi32>
        %shift_left3A_299 = arith.constant 0 : i32
        %shift_left3A_300 = vector.broadcast %shift_left3A_299 : i32 to vector<16xi32>
        %shift_left3A_301 = arith.shli %and3A_298, %shift_left3A_300 : vector<16xi32>
        %or3A_302 = arith.ori %broadcast_in_dim3A_235, %shift_left3A_301 : vector<16xi32>
        %broadcast_in_dim3A_303 = arith.constant 2 : i32
        %broadcast_in_dim3A_304 = vector.broadcast %broadcast_in_dim3A_303 : i32 to vector<16xi32>
        %gather3A_305 = tpu.vector_load_idx %arg10[%add3A_243, %broadcast_in_dim3A_304] : memref<512x8xf32, #tpu.memory_space<vmem>>[vector<16xi32>, vector<16xi32>], vector<16xf32>,
        %broadcast_in_dim3A_306 = arith.constant 6 : i32
        %broadcast_in_dim3A_307 = vector.broadcast %broadcast_in_dim3A_306 : i32 to vector<16xi32>
        %gather3A_308 = tpu.vector_load_idx %arg10[%add3A_243, %broadcast_in_dim3A_307] : memref<512x8xf32, #tpu.memory_space<vmem>>[vector<16xi32>, vector<16xi32>], vector<16xf32>,
        %broadcast_in_dim3A_309 = arith.constant 2 : i32
        %broadcast_in_dim3A_310 = vector.broadcast %broadcast_in_dim3A_309 : i32 to vector<16xi32>
        %gather3A_311 = tpu.vector_load_idx %arg11[%add3A_243, %broadcast_in_dim3A_310] : memref<512x8xf32, #tpu.memory_space<vmem>>[vector<16xi32>, vector<16xi32>], vector<16xf32>,
        %broadcast_in_dim3A_312 = arith.constant 6 : i32
        %broadcast_in_dim3A_313 = vector.broadcast %broadcast_in_dim3A_312 : i32 to vector<16xi32>
        %gather3A_314 = tpu.vector_load_idx %arg11[%add3A_243, %broadcast_in_dim3A_313] : memref<512x8xf32, #tpu.memory_space<vmem>>[vector<16xi32>, vector<16xi32>], vector<16xf32>,
        %mul3A_315 = arith.mulf %get3A_245, %gather3A_305 : vector<16xf32>
        %mul3A_316 = arith.mulf %get3A_247, %gather3A_308 : vector<16xf32>
        %add3A_317 = arith.addf %mul3A_315, %mul3A_316 : vector<16xf32>
        %mul3A_318 = arith.mulf %get3A_249, %gather3A_311 : vector<16xf32>
        %add3A_319 = arith.addf %add3A_317, %mul3A_318 : vector<16xf32>
        %mul3A_320 = arith.mulf %get3A_251, %gather3A_314 : vector<16xf32>
        %add3A_321 = arith.addf %add3A_319, %mul3A_320 : vector<16xf32>
        %convert_element_type3A_322 = arith.fptosi %add3A_321 : vector<16xf32> to vector<16xi32>
        %and3A_323 = arith.constant 255 : i32
        %and3A_324 = vector.broadcast %and3A_323 : i32 to vector<16xi32>
        %and3A_325 = arith.andi %convert_element_type3A_322, %and3A_324 : vector<16xi32>
        %shift_left3A_326 = arith.constant 0 : i32
        %shift_left3A_327 = vector.broadcast %shift_left3A_326 : i32 to vector<16xi32>
        %shift_left3A_328 = arith.shli %and3A_325, %shift_left3A_327 : vector<16xi32>
        %or3A_329 = arith.ori %broadcast_in_dim3A_237, %shift_left3A_328 : vector<16xi32>
        %mul3A_330 = arith.constant 64 : i32
        %mul3A_331 = arith.muli %scan3A_231, %mul3A_330 : i32
        %add3A_332 = arith.constant 16 : i32
        %add3A_333 = arith.addi %mul3A_331, %add3A_332 : i32
        %add3A_334 = vector.broadcast %add3A_333 : i32 to vector<16xi32>
        %add3A_335 = arith.addi %add3A_334, %iota3A : vector<16xi32>
        %get3A_336 = arith.index_cast %add3A_333 : i32 to index
        %get3A_337 = tpu.vector_load %arg16[%get3A_336] {strides = array<i32>} : memref<512xf32, #tpu.memory_space<vmem>>, vector<16xf32>,
        %get3A_338 = arith.index_cast %add3A_333 : i32 to index
        %get3A_339 = tpu.vector_load %arg17[%get3A_338] {strides = array<i32>} : memref<512xf32, #tpu.memory_space<vmem>>, vector<16xf32>,
        %get3A_340 = arith.index_cast %add3A_333 : i32 to index
        %get3A_341 = tpu.vector_load %arg18[%get3A_340] {strides = array<i32>} : memref<512xf32, #tpu.memory_space<vmem>>, vector<16xf32>,
        %get3A_342 = arith.index_cast %add3A_333 : i32 to index
        %get3A_343 = tpu.vector_load %arg19[%get3A_342] {strides = array<i32>} : memref<512xf32, #tpu.memory_space<vmem>>, vector<16xf32>,
        %broadcast_in_dim3A_344 = arith.constant 0 : i32
        %broadcast_in_dim3A_345 = vector.broadcast %broadcast_in_dim3A_344 : i32 to vector<16xi32>
        %gather3A_346 = tpu.vector_load_idx %arg10[%add3A_335, %broadcast_in_dim3A_345] : memref<512x8xf32, #tpu.memory_space<vmem>>[vector<16xi32>, vector<16xi32>], vector<16xf32>,
        %broadcast_in_dim3A_347 = arith.constant 4 : i32
        %broadcast_in_dim3A_348 = vector.broadcast %broadcast_in_dim3A_347 : i32 to vector<16xi32>
        %gather3A_349 = tpu.vector_load_idx %arg10[%add3A_335, %broadcast_in_dim3A_348] : memref<512x8xf32, #tpu.memory_space<vmem>>[vector<16xi32>, vector<16xi32>], vector<16xf32>,
        %broadcast_in_dim3A_350 = arith.constant 0 : i32
        %broadcast_in_dim3A_351 = vector.broadcast %broadcast_in_dim3A_350 : i32 to vector<16xi32>
        %gather3A_352 = tpu.vector_load_idx %arg11[%add3A_335, %broadcast_in_dim3A_351] : memref<512x8xf32, #tpu.memory_space<vmem>>[vector<16xi32>, vector<16xi32>], vector<16xf32>,
        %broadcast_in_dim3A_353 = arith.constant 4 : i32
        %broadcast_in_dim3A_354 = vector.broadcast %broadcast_in_dim3A_353 : i32 to vector<16xi32>
        %gather3A_355 = tpu.vector_load_idx %arg11[%add3A_335, %broadcast_in_dim3A_354] : memref<512x8xf32, #tpu.memory_space<vmem>>[vector<16xi32>, vector<16xi32>], vector<16xf32>,
        %mul3A_356 = arith.mulf %get3A_337, %gather3A_346 : vector<16xf32>
        %mul3A_357 = arith.mulf %get3A_339, %gather3A_349 : vector<16xf32>
        %add3A_358 = arith.addf %mul3A_356, %mul3A_357 : vector<16xf32>
        %mul3A_359 = arith.mulf %get3A_341, %gather3A_352 : vector<16xf32>
        %add3A_360 = arith.addf %add3A_358, %mul3A_359 : vector<16xf32>
        %mul3A_361 = arith.mulf %get3A_343, %gather3A_355 : vector<16xf32>
        %add3A_362 = arith.addf %add3A_360, %mul3A_361 : vector<16xf32>
        %convert_element_type3A_363 = arith.fptosi %add3A_362 : vector<16xf32> to vector<16xi32>
        %and3A_364 = arith.constant 255 : i32
        %and3A_365 = vector.broadcast %and3A_364 : i32 to vector<16xi32>
        %and3A_366 = arith.andi %convert_element_type3A_363, %and3A_365 : vector<16xi32>
        %shift_left3A_367 = arith.constant 8 : i32
        %shift_left3A_368 = vector.broadcast %shift_left3A_367 : i32 to vector<16xi32>
        %shift_left3A_369 = arith.shli %and3A_366, %shift_left3A_368 : vector<16xi32>
        %or3A_370 = arith.ori %or3A, %shift_left3A_369 : vector<16xi32>
        %broadcast_in_dim3A_371 = arith.constant 1 : i32
        %broadcast_in_dim3A_372 = vector.broadcast %broadcast_in_dim3A_371 : i32 to vector<16xi32>
        %gather3A_373 = tpu.vector_load_idx %arg10[%add3A_335, %broadcast_in_dim3A_372] : memref<512x8xf32, #tpu.memory_space<vmem>>[vector<16xi32>, vector<16xi32>], vector<16xf32>,
        %broadcast_in_dim3A_374 = arith.constant 5 : i32
        %broadcast_in_dim3A_375 = vector.broadcast %broadcast_in_dim3A_374 : i32 to vector<16xi32>
        %gather3A_376 = tpu.vector_load_idx %arg10[%add3A_335, %broadcast_in_dim3A_375] : memref<512x8xf32, #tpu.memory_space<vmem>>[vector<16xi32>, vector<16xi32>], vector<16xf32>,
        %broadcast_in_dim3A_377 = arith.constant 1 : i32
        %broadcast_in_dim3A_378 = vector.broadcast %broadcast_in_dim3A_377 : i32 to vector<16xi32>
        %gather3A_379 = tpu.vector_load_idx %arg11[%add3A_335, %broadcast_in_dim3A_378] : memref<512x8xf32, #tpu.memory_space<vmem>>[vector<16xi32>, vector<16xi32>], vector<16xf32>,
        %broadcast_in_dim3A_380 = arith.constant 5 : i32
        %broadcast_in_dim3A_381 = vector.broadcast %broadcast_in_dim3A_380 : i32 to vector<16xi32>
        %gather3A_382 = tpu.vector_load_idx %arg11[%add3A_335, %broadcast_in_dim3A_381] : memref<512x8xf32, #tpu.memory_space<vmem>>[vector<16xi32>, vector<16xi32>], vector<16xf32>,
        %mul3A_383 = arith.mulf %get3A_337, %gather3A_373 : vector<16xf32>
        %mul3A_384 = arith.mulf %get3A_339, %gather3A_376 : vector<16xf32>
        %add3A_385 = arith.addf %mul3A_383, %mul3A_384 : vector<16xf32>
        %mul3A_386 = arith.mulf %get3A_341, %gather3A_379 : vector<16xf32>
        %add3A_387 = arith.addf %add3A_385, %mul3A_386 : vector<16xf32>
        %mul3A_388 = arith.mulf %get3A_343, %gather3A_382 : vector<16xf32>
        %add3A_389 = arith.addf %add3A_387, %mul3A_388 : vector<16xf32>
        %convert_element_type3A_390 = arith.fptosi %add3A_389 : vector<16xf32> to vector<16xi32>
        %and3A_391 = arith.constant 255 : i32
        %and3A_392 = vector.broadcast %and3A_391 : i32 to vector<16xi32>
        %and3A_393 = arith.andi %convert_element_type3A_390, %and3A_392 : vector<16xi32>
        %shift_left3A_394 = arith.constant 8 : i32
        %shift_left3A_395 = vector.broadcast %shift_left3A_394 : i32 to vector<16xi32>
        %shift_left3A_396 = arith.shli %and3A_393, %shift_left3A_395 : vector<16xi32>
        %or3A_397 = arith.ori %or3A_302, %shift_left3A_396 : vector<16xi32>
        %broadcast_in_dim3A_398 = arith.constant 2 : i32
        %broadcast_in_dim3A_399 = vector.broadcast %broadcast_in_dim3A_398 : i32 to vector<16xi32>
        %gather3A_400 = tpu.vector_load_idx %arg10[%add3A_335, %broadcast_in_dim3A_399] : memref<512x8xf32, #tpu.memory_space<vmem>>[vector<16xi32>, vector<16xi32>], vector<16xf32>,
        %broadcast_in_dim3A_401 = arith.constant 6 : i32
        %broadcast_in_dim3A_402 = vector.broadcast %broadcast_in_dim3A_401 : i32 to vector<16xi32>
        %gather3A_403 = tpu.vector_load_idx %arg10[%add3A_335, %broadcast_in_dim3A_402] : memref<512x8xf32, #tpu.memory_space<vmem>>[vector<16xi32>, vector<16xi32>], vector<16xf32>,
        %broadcast_in_dim3A_404 = arith.constant 2 : i32
        %broadcast_in_dim3A_405 = vector.broadcast %broadcast_in_dim3A_404 : i32 to vector<16xi32>
        %gather3A_406 = tpu.vector_load_idx %arg11[%add3A_335, %broadcast_in_dim3A_405] : memref<512x8xf32, #tpu.memory_space<vmem>>[vector<16xi32>, vector<16xi32>], vector<16xf32>,
        %broadcast_in_dim3A_407 = arith.constant 6 : i32
        %broadcast_in_dim3A_408 = vector.broadcast %broadcast_in_dim3A_407 : i32 to vector<16xi32>
        %gather3A_409 = tpu.vector_load_idx %arg11[%add3A_335, %broadcast_in_dim3A_408] : memref<512x8xf32, #tpu.memory_space<vmem>>[vector<16xi32>, vector<16xi32>], vector<16xf32>,
        %mul3A_410 = arith.mulf %get3A_337, %gather3A_400 : vector<16xf32>
        %mul3A_411 = arith.mulf %get3A_339, %gather3A_403 : vector<16xf32>
        %add3A_412 = arith.addf %mul3A_410, %mul3A_411 : vector<16xf32>
        %mul3A_413 = arith.mulf %get3A_341, %gather3A_406 : vector<16xf32>
        %add3A_414 = arith.addf %add3A_412, %mul3A_413 : vector<16xf32>
        %mul3A_415 = arith.mulf %get3A_343, %gather3A_409 : vector<16xf32>
        %add3A_416 = arith.addf %add3A_414, %mul3A_415 : vector<16xf32>
        %convert_element_type3A_417 = arith.fptosi %add3A_416 : vector<16xf32> to vector<16xi32>
        %and3A_418 = arith.constant 255 : i32
        %and3A_419 = vector.broadcast %and3A_418 : i32 to vector<16xi32>
        %and3A_420 = arith.andi %convert_element_type3A_417, %and3A_419 : vector<16xi32>
        %shift_left3A_421 = arith.constant 8 : i32
        %shift_left3A_422 = vector.broadcast %shift_left3A_421 : i32 to vector<16xi32>
        %shift_left3A_423 = arith.shli %and3A_420, %shift_left3A_422 : vector<16xi32>
        %or3A_424 = arith.ori %or3A_329, %shift_left3A_423 : vector<16xi32>
        %mul3A_425 = arith.constant 64 : i32
        %mul3A_426 = arith.muli %scan3A_231, %mul3A_425 : i32
        %add3A_427 = arith.constant 32 : i32
        %add3A_428 = arith.addi %mul3A_426, %add3A_427 : i32
        %add3A_429 = vector.broadcast %add3A_428 : i32 to vector<16xi32>
        %add3A_430 = arith.addi %add3A_429, %iota3A : vector<16xi32>
        %get3A_431 = arith.index_cast %add3A_428 : i32 to index
        %get3A_432 = tpu.vector_load %arg16[%get3A_431] {strides = array<i32>} : memref<512xf32, #tpu.memory_space<vmem>>, vector<16xf32>,
        %get3A_433 = arith.index_cast %add3A_428 : i32 to index
        %get3A_434 = tpu.vector_load %arg17[%get3A_433] {strides = array<i32>} : memref<512xf32, #tpu.memory_space<vmem>>, vector<16xf32>,
        %get3A_435 = arith.index_cast %add3A_428 : i32 to index
        %get3A_436 = tpu.vector_load %arg18[%get3A_435] {strides = array<i32>} : memref<512xf32, #tpu.memory_space<vmem>>, vector<16xf32>,
        %get3A_437 = arith.index_cast %add3A_428 : i32 to index
        %get3A_438 = tpu.vector_load %arg19[%get3A_437] {strides = array<i32>} : memref<512xf32, #tpu.memory_space<vmem>>, vector<16xf32>,
        %broadcast_in_dim3A_439 = arith.constant 0 : i32
        %broadcast_in_dim3A_440 = vector.broadcast %broadcast_in_dim3A_439 : i32 to vector<16xi32>
        %gather3A_441 = tpu.vector_load_idx %arg10[%add3A_430, %broadcast_in_dim3A_440] : memref<512x8xf32, #tpu.memory_space<vmem>>[vector<16xi32>, vector<16xi32>], vector<16xf32>,
        %broadcast_in_dim3A_442 = arith.constant 4 : i32
        %broadcast_in_dim3A_443 = vector.broadcast %broadcast_in_dim3A_442 : i32 to vector<16xi32>
        %gather3A_444 = tpu.vector_load_idx %arg10[%add3A_430, %broadcast_in_dim3A_443] : memref<512x8xf32, #tpu.memory_space<vmem>>[vector<16xi32>, vector<16xi32>], vector<16xf32>,
        %broadcast_in_dim3A_445 = arith.constant 0 : i32
        %broadcast_in_dim3A_446 = vector.broadcast %broadcast_in_dim3A_445 : i32 to vector<16xi32>
        %gather3A_447 = tpu.vector_load_idx %arg11[%add3A_430, %broadcast_in_dim3A_446] : memref<512x8xf32, #tpu.memory_space<vmem>>[vector<16xi32>, vector<16xi32>], vector<16xf32>,
        %broadcast_in_dim3A_448 = arith.constant 4 : i32
        %broadcast_in_dim3A_449 = vector.broadcast %broadcast_in_dim3A_448 : i32 to vector<16xi32>
        %gather3A_450 = tpu.vector_load_idx %arg11[%add3A_430, %broadcast_in_dim3A_449] : memref<512x8xf32, #tpu.memory_space<vmem>>[vector<16xi32>, vector<16xi32>], vector<16xf32>,
        %mul3A_451 = arith.mulf %get3A_432, %gather3A_441 : vector<16xf32>
        %mul3A_452 = arith.mulf %get3A_434, %gather3A_444 : vector<16xf32>
        %add3A_453 = arith.addf %mul3A_451, %mul3A_452 : vector<16xf32>
        %mul3A_454 = arith.mulf %get3A_436, %gather3A_447 : vector<16xf32>
        %add3A_455 = arith.addf %add3A_453, %mul3A_454 : vector<16xf32>
        %mul3A_456 = arith.mulf %get3A_438, %gather3A_450 : vector<16xf32>
        %add3A_457 = arith.addf %add3A_455, %mul3A_456 : vector<16xf32>
        %convert_element_type3A_458 = arith.fptosi %add3A_457 : vector<16xf32> to vector<16xi32>
        %and3A_459 = arith.constant 255 : i32
        %and3A_460 = vector.broadcast %and3A_459 : i32 to vector<16xi32>
        %and3A_461 = arith.andi %convert_element_type3A_458, %and3A_460 : vector<16xi32>
        %shift_left3A_462 = arith.constant 16 : i32
        %shift_left3A_463 = vector.broadcast %shift_left3A_462 : i32 to vector<16xi32>
        %shift_left3A_464 = arith.shli %and3A_461, %shift_left3A_463 : vector<16xi32>
        %or3A_465 = arith.ori %or3A_370, %shift_left3A_464 : vector<16xi32>
        %broadcast_in_dim3A_466 = arith.constant 1 : i32
        %broadcast_in_dim3A_467 = vector.broadcast %broadcast_in_dim3A_466 : i32 to vector<16xi32>
        %gather3A_468 = tpu.vector_load_idx %arg10[%add3A_430, %broadcast_in_dim3A_467] : memref<512x8xf32, #tpu.memory_space<vmem>>[vector<16xi32>, vector<16xi32>], vector<16xf32>,
        %broadcast_in_dim3A_469 = arith.constant 5 : i32
        %broadcast_in_dim3A_470 = vector.broadcast %broadcast_in_dim3A_469 : i32 to vector<16xi32>
        %gather3A_471 = tpu.vector_load_idx %arg10[%add3A_430, %broadcast_in_dim3A_470] : memref<512x8xf32, #tpu.memory_space<vmem>>[vector<16xi32>, vector<16xi32>], vector<16xf32>,
        %broadcast_in_dim3A_472 = arith.constant 1 : i32
        %broadcast_in_dim3A_473 = vector.broadcast %broadcast_in_dim3A_472 : i32 to vector<16xi32>
        %gather3A_474 = tpu.vector_load_idx %arg11[%add3A_430, %broadcast_in_dim3A_473] : memref<512x8xf32, #tpu.memory_space<vmem>>[vector<16xi32>, vector<16xi32>], vector<16xf32>,
        %broadcast_in_dim3A_475 = arith.constant 5 : i32
        %broadcast_in_dim3A_476 = vector.broadcast %broadcast_in_dim3A_475 : i32 to vector<16xi32>
        %gather3A_477 = tpu.vector_load_idx %arg11[%add3A_430, %broadcast_in_dim3A_476] : memref<512x8xf32, #tpu.memory_space<vmem>>[vector<16xi32>, vector<16xi32>], vector<16xf32>,
        %mul3A_478 = arith.mulf %get3A_432, %gather3A_468 : vector<16xf32>
        %mul3A_479 = arith.mulf %get3A_434, %gather3A_471 : vector<16xf32>
        %add3A_480 = arith.addf %mul3A_478, %mul3A_479 : vector<16xf32>
        %mul3A_481 = arith.mulf %get3A_436, %gather3A_474 : vector<16xf32>
        %add3A_482 = arith.addf %add3A_480, %mul3A_481 : vector<16xf32>
        %mul3A_483 = arith.mulf %get3A_438, %gather3A_477 : vector<16xf32>
        %add3A_484 = arith.addf %add3A_482, %mul3A_483 : vector<16xf32>
        %convert_element_type3A_485 = arith.fptosi %add3A_484 : vector<16xf32> to vector<16xi32>
        %and3A_486 = arith.constant 255 : i32
        %and3A_487 = vector.broadcast %and3A_486 : i32 to vector<16xi32>
        %and3A_488 = arith.andi %convert_element_type3A_485, %and3A_487 : vector<16xi32>
        %shift_left3A_489 = arith.constant 16 : i32
        %shift_left3A_490 = vector.broadcast %shift_left3A_489 : i32 to vector<16xi32>
        %shift_left3A_491 = arith.shli %and3A_488, %shift_left3A_490 : vector<16xi32>
        %or3A_492 = arith.ori %or3A_397, %shift_left3A_491 : vector<16xi32>
        %broadcast_in_dim3A_493 = arith.constant 2 : i32
        %broadcast_in_dim3A_494 = vector.broadcast %broadcast_in_dim3A_493 : i32 to vector<16xi32>
        %gather3A_495 = tpu.vector_load_idx %arg10[%add3A_430, %broadcast_in_dim3A_494] : memref<512x8xf32, #tpu.memory_space<vmem>>[vector<16xi32>, vector<16xi32>], vector<16xf32>,
        %broadcast_in_dim3A_496 = arith.constant 6 : i32
        %broadcast_in_dim3A_497 = vector.broadcast %broadcast_in_dim3A_496 : i32 to vector<16xi32>
        %gather3A_498 = tpu.vector_load_idx %arg10[%add3A_430, %broadcast_in_dim3A_497] : memref<512x8xf32, #tpu.memory_space<vmem>>[vector<16xi32>, vector<16xi32>], vector<16xf32>,
        %broadcast_in_dim3A_499 = arith.constant 2 : i32
        %broadcast_in_dim3A_500 = vector.broadcast %broadcast_in_dim3A_499 : i32 to vector<16xi32>
        %gather3A_501 = tpu.vector_load_idx %arg11[%add3A_430, %broadcast_in_dim3A_500] : memref<512x8xf32, #tpu.memory_space<vmem>>[vector<16xi32>, vector<16xi32>], vector<16xf32>,
        %broadcast_in_dim3A_502 = arith.constant 6 : i32
        %broadcast_in_dim3A_503 = vector.broadcast %broadcast_in_dim3A_502 : i32 to vector<16xi32>
        %gather3A_504 = tpu.vector_load_idx %arg11[%add3A_430, %broadcast_in_dim3A_503] : memref<512x8xf32, #tpu.memory_space<vmem>>[vector<16xi32>, vector<16xi32>], vector<16xf32>,
        %mul3A_505 = arith.mulf %get3A_432, %gather3A_495 : vector<16xf32>
        %mul3A_506 = arith.mulf %get3A_434, %gather3A_498 : vector<16xf32>
        %add3A_507 = arith.addf %mul3A_505, %mul3A_506 : vector<16xf32>
        %mul3A_508 = arith.mulf %get3A_436, %gather3A_501 : vector<16xf32>
        %add3A_509 = arith.addf %add3A_507, %mul3A_508 : vector<16xf32>
        %mul3A_510 = arith.mulf %get3A_438, %gather3A_504 : vector<16xf32>
        %add3A_511 = arith.addf %add3A_509, %mul3A_510 : vector<16xf32>
        %convert_element_type3A_512 = arith.fptosi %add3A_511 : vector<16xf32> to vector<16xi32>
        %and3A_513 = arith.constant 255 : i32
        %and3A_514 = vector.broadcast %and3A_513 : i32 to vector<16xi32>
        %and3A_515 = arith.andi %convert_element_type3A_512, %and3A_514 : vector<16xi32>
        %shift_left3A_516 = arith.constant 16 : i32
        %shift_left3A_517 = vector.broadcast %shift_left3A_516 : i32 to vector<16xi32>
        %shift_left3A_518 = arith.shli %and3A_515, %shift_left3A_517 : vector<16xi32>
        %or3A_519 = arith.ori %or3A_424, %shift_left3A_518 : vector<16xi32>
        %mul3A_520 = arith.constant 64 : i32
        %mul3A_521 = arith.muli %scan3A_231, %mul3A_520 : i32
        %add3A_522 = arith.constant 48 : i32
        %add3A_523 = arith.addi %mul3A_521, %add3A_522 : i32
        %add3A_524 = vector.broadcast %add3A_523 : i32 to vector<16xi32>
        %add3A_525 = arith.addi %add3A_524, %iota3A : vector<16xi32>
        %get3A_526 = arith.index_cast %add3A_523 : i32 to index
        %get3A_527 = tpu.vector_load %arg16[%get3A_526] {strides = array<i32>} : memref<512xf32, #tpu.memory_space<vmem>>, vector<16xf32>,
        %get3A_528 = arith.index_cast %add3A_523 : i32 to index
        %get3A_529 = tpu.vector_load %arg17[%get3A_528] {strides = array<i32>} : memref<512xf32, #tpu.memory_space<vmem>>, vector<16xf32>,
        %get3A_530 = arith.index_cast %add3A_523 : i32 to index
        %get3A_531 = tpu.vector_load %arg18[%get3A_530] {strides = array<i32>} : memref<512xf32, #tpu.memory_space<vmem>>, vector<16xf32>,
        %get3A_532 = arith.index_cast %add3A_523 : i32 to index
        %get3A_533 = tpu.vector_load %arg19[%get3A_532] {strides = array<i32>} : memref<512xf32, #tpu.memory_space<vmem>>, vector<16xf32>,
        %broadcast_in_dim3A_534 = arith.constant 0 : i32
        %broadcast_in_dim3A_535 = vector.broadcast %broadcast_in_dim3A_534 : i32 to vector<16xi32>
        %gather3A_536 = tpu.vector_load_idx %arg10[%add3A_525, %broadcast_in_dim3A_535] : memref<512x8xf32, #tpu.memory_space<vmem>>[vector<16xi32>, vector<16xi32>], vector<16xf32>,
        %broadcast_in_dim3A_537 = arith.constant 4 : i32
        %broadcast_in_dim3A_538 = vector.broadcast %broadcast_in_dim3A_537 : i32 to vector<16xi32>
        %gather3A_539 = tpu.vector_load_idx %arg10[%add3A_525, %broadcast_in_dim3A_538] : memref<512x8xf32, #tpu.memory_space<vmem>>[vector<16xi32>, vector<16xi32>], vector<16xf32>,
        %broadcast_in_dim3A_540 = arith.constant 0 : i32
        %broadcast_in_dim3A_541 = vector.broadcast %broadcast_in_dim3A_540 : i32 to vector<16xi32>
        %gather3A_542 = tpu.vector_load_idx %arg11[%add3A_525, %broadcast_in_dim3A_541] : memref<512x8xf32, #tpu.memory_space<vmem>>[vector<16xi32>, vector<16xi32>], vector<16xf32>,
        %broadcast_in_dim3A_543 = arith.constant 4 : i32
        %broadcast_in_dim3A_544 = vector.broadcast %broadcast_in_dim3A_543 : i32 to vector<16xi32>
        %gather3A_545 = tpu.vector_load_idx %arg11[%add3A_525, %broadcast_in_dim3A_544] : memref<512x8xf32, #tpu.memory_space<vmem>>[vector<16xi32>, vector<16xi32>], vector<16xf32>,
        %mul3A_546 = arith.mulf %get3A_527, %gather3A_536 : vector<16xf32>
        %mul3A_547 = arith.mulf %get3A_529, %gather3A_539 : vector<16xf32>
        %add3A_548 = arith.addf %mul3A_546, %mul3A_547 : vector<16xf32>
        %mul3A_549 = arith.mulf %get3A_531, %gather3A_542 : vector<16xf32>
        %add3A_550 = arith.addf %add3A_548, %mul3A_549 : vector<16xf32>
        %mul3A_551 = arith.mulf %get3A_533, %gather3A_545 : vector<16xf32>
        %add3A_552 = arith.addf %add3A_550, %mul3A_551 : vector<16xf32>
        %convert_element_type3A_553 = arith.fptosi %add3A_552 : vector<16xf32> to vector<16xi32>
        %and3A_554 = arith.constant 255 : i32
        %and3A_555 = vector.broadcast %and3A_554 : i32 to vector<16xi32>
        %and3A_556 = arith.andi %convert_element_type3A_553, %and3A_555 : vector<16xi32>
        %shift_left3A_557 = arith.constant 24 : i32
        %shift_left3A_558 = vector.broadcast %shift_left3A_557 : i32 to vector<16xi32>
        %shift_left3A_559 = arith.shli %and3A_556, %shift_left3A_558 : vector<16xi32>
        %or3A_560 = arith.ori %or3A_465, %shift_left3A_559 : vector<16xi32>
        %broadcast_in_dim3A_561 = arith.constant 1 : i32
        %broadcast_in_dim3A_562 = vector.broadcast %broadcast_in_dim3A_561 : i32 to vector<16xi32>
        %gather3A_563 = tpu.vector_load_idx %arg10[%add3A_525, %broadcast_in_dim3A_562] : memref<512x8xf32, #tpu.memory_space<vmem>>[vector<16xi32>, vector<16xi32>], vector<16xf32>,
        %broadcast_in_dim3A_564 = arith.constant 5 : i32
        %broadcast_in_dim3A_565 = vector.broadcast %broadcast_in_dim3A_564 : i32 to vector<16xi32>
        %gather3A_566 = tpu.vector_load_idx %arg10[%add3A_525, %broadcast_in_dim3A_565] : memref<512x8xf32, #tpu.memory_space<vmem>>[vector<16xi32>, vector<16xi32>], vector<16xf32>,
        %broadcast_in_dim3A_567 = arith.constant 1 : i32
        %broadcast_in_dim3A_568 = vector.broadcast %broadcast_in_dim3A_567 : i32 to vector<16xi32>
        %gather3A_569 = tpu.vector_load_idx %arg11[%add3A_525, %broadcast_in_dim3A_568] : memref<512x8xf32, #tpu.memory_space<vmem>>[vector<16xi32>, vector<16xi32>], vector<16xf32>,
        %broadcast_in_dim3A_570 = arith.constant 5 : i32
        %broadcast_in_dim3A_571 = vector.broadcast %broadcast_in_dim3A_570 : i32 to vector<16xi32>
        %gather3A_572 = tpu.vector_load_idx %arg11[%add3A_525, %broadcast_in_dim3A_571] : memref<512x8xf32, #tpu.memory_space<vmem>>[vector<16xi32>, vector<16xi32>], vector<16xf32>,
        %mul3A_573 = arith.mulf %get3A_527, %gather3A_563 : vector<16xf32>
        %mul3A_574 = arith.mulf %get3A_529, %gather3A_566 : vector<16xf32>
        %add3A_575 = arith.addf %mul3A_573, %mul3A_574 : vector<16xf32>
        %mul3A_576 = arith.mulf %get3A_531, %gather3A_569 : vector<16xf32>
        %add3A_577 = arith.addf %add3A_575, %mul3A_576 : vector<16xf32>
        %mul3A_578 = arith.mulf %get3A_533, %gather3A_572 : vector<16xf32>
        %add3A_579 = arith.addf %add3A_577, %mul3A_578 : vector<16xf32>
        %convert_element_type3A_580 = arith.fptosi %add3A_579 : vector<16xf32> to vector<16xi32>
        %and3A_581 = arith.constant 255 : i32
        %and3A_582 = vector.broadcast %and3A_581 : i32 to vector<16xi32>
        %and3A_583 = arith.andi %convert_element_type3A_580, %and3A_582 : vector<16xi32>
        %shift_left3A_584 = arith.constant 24 : i32
        %shift_left3A_585 = vector.broadcast %shift_left3A_584 : i32 to vector<16xi32>
        %shift_left3A_586 = arith.shli %and3A_583, %shift_left3A_585 : vector<16xi32>
        %or3A_587 = arith.ori %or3A_492, %shift_left3A_586 : vector<16xi32>
        %broadcast_in_dim3A_588 = arith.constant 2 : i32
        %broadcast_in_dim3A_589 = vector.broadcast %broadcast_in_dim3A_588 : i32 to vector<16xi32>
        %gather3A_590 = tpu.vector_load_idx %arg10[%add3A_525, %broadcast_in_dim3A_589] : memref<512x8xf32, #tpu.memory_space<vmem>>[vector<16xi32>, vector<16xi32>], vector<16xf32>,
        %broadcast_in_dim3A_591 = arith.constant 6 : i32
        %broadcast_in_dim3A_592 = vector.broadcast %broadcast_in_dim3A_591 : i32 to vector<16xi32>
        %gather3A_593 = tpu.vector_load_idx %arg10[%add3A_525, %broadcast_in_dim3A_592] : memref<512x8xf32, #tpu.memory_space<vmem>>[vector<16xi32>, vector<16xi32>], vector<16xf32>,
        %broadcast_in_dim3A_594 = arith.constant 2 : i32
        %broadcast_in_dim3A_595 = vector.broadcast %broadcast_in_dim3A_594 : i32 to vector<16xi32>
        %gather3A_596 = tpu.vector_load_idx %arg11[%add3A_525, %broadcast_in_dim3A_595] : memref<512x8xf32, #tpu.memory_space<vmem>>[vector<16xi32>, vector<16xi32>], vector<16xf32>,
        %broadcast_in_dim3A_597 = arith.constant 6 : i32
        %broadcast_in_dim3A_598 = vector.broadcast %broadcast_in_dim3A_597 : i32 to vector<16xi32>
        %gather3A_599 = tpu.vector_load_idx %arg11[%add3A_525, %broadcast_in_dim3A_598] : memref<512x8xf32, #tpu.memory_space<vmem>>[vector<16xi32>, vector<16xi32>], vector<16xf32>,
        %mul3A_600 = arith.mulf %get3A_527, %gather3A_590 : vector<16xf32>
        %mul3A_601 = arith.mulf %get3A_529, %gather3A_593 : vector<16xf32>
        %add3A_602 = arith.addf %mul3A_600, %mul3A_601 : vector<16xf32>
        %mul3A_603 = arith.mulf %get3A_531, %gather3A_596 : vector<16xf32>
        %add3A_604 = arith.addf %add3A_602, %mul3A_603 : vector<16xf32>
        %mul3A_605 = arith.mulf %get3A_533, %gather3A_599 : vector<16xf32>
        %add3A_606 = arith.addf %add3A_604, %mul3A_605 : vector<16xf32>
        %convert_element_type3A_607 = arith.fptosi %add3A_606 : vector<16xf32> to vector<16xi32>
        %and3A_608 = arith.constant 255 : i32
        %and3A_609 = vector.broadcast %and3A_608 : i32 to vector<16xi32>
        %and3A_610 = arith.andi %convert_element_type3A_607, %and3A_609 : vector<16xi32>
        %shift_left3A_611 = arith.constant 24 : i32
        %shift_left3A_612 = vector.broadcast %shift_left3A_611 : i32 to vector<16xi32>
        %shift_left3A_613 = arith.shli %and3A_610, %shift_left3A_612 : vector<16xi32>
        %or3A_614 = arith.ori %or3A_519, %shift_left3A_613 : vector<16xi32>
        %bitcast3A = vector.bitcast %or3A_560 : vector<16xi32> to vector<64xi8>
        %mul3A_615 = arith.constant 64 : i32
        %mul3A_616 = arith.muli %scan3A_231, %mul3A_615 : i32
        %swap3A = arith.index_cast %mul3A_616 : i32 to index
        %swap3A_617 = tpu.vector_load %arg23[%swap3A] {strides = array<i32>} : memref<512xi8, #tpu.memory_space<vmem>>, vector<64xi8>,
        tpu.vector_store %arg23[%swap3A], %bitcast3A {strides = array<i32>} : memref<512xi8, #tpu.memory_space<vmem>>, vector<64xi8>,
        %bitcast3A_618 = vector.bitcast %or3A_587 : vector<16xi32> to vector<64xi8>
        %mul3A_619 = arith.constant 64 : i32
        %mul3A_620 = arith.muli %scan3A_231, %mul3A_619 : i32
        %swap3A_621 = arith.index_cast %mul3A_620 : i32 to index
        %swap3A_622 = tpu.vector_load %arg24[%swap3A_621] {strides = array<i32>} : memref<512xi8, #tpu.memory_space<vmem>>, vector<64xi8>,
        tpu.vector_store %arg24[%swap3A_621], %bitcast3A_618 {strides = array<i32>} : memref<512xi8, #tpu.memory_space<vmem>>, vector<64xi8>,
        %bitcast3A_623 = vector.bitcast %or3A_614 : vector<16xi32> to vector<64xi8>
        %mul3A_624 = arith.constant 64 : i32
        %mul3A_625 = arith.muli %scan3A_231, %mul3A_624 : i32
        %swap3A_626 = arith.index_cast %mul3A_625 : i32 to index
        %swap3A_627 = tpu.vector_load %arg25[%swap3A_626] {strides = array<i32>} : memref<512xi8, #tpu.memory_space<vmem>>, vector<64xi8>,
        tpu.vector_store %arg25[%swap3A_626], %bitcast3A_623 {strides = array<i32>} : memref<512xi8, #tpu.memory_space<vmem>>, vector<64xi8>,
      }
      %scan3A_213 = arith.constant 8 : i32
      %mul3A_214 = arith.constant 8192 : i32
      %mul3A_215 = arith.muli %add3A, %mul3A_214 : i32
      %mul3A_216 = arith.constant 512 : i32
      %mul3A_217 = arith.muli %add3A_91, %mul3A_216 : i32
      %add3A_218 = arith.addi %mul3A_215, %mul3A_217 : i32
      %add3A_219 = arith.constant 0 : i32
      %add3A_220 = arith.addi %add3A_219, %add3A_218 : i32
      %dma_start3A_221 = tpu.memref_slice %arg4[%add3A_220] : memref<786432xi8, #tpu.memory_space<hbm>> -> memref<512xi8, #tpu.memory_space<hbm>>
      %dma_start3A_222 = tpu.memref_slice %arg4[%add3A_220] : memref<786432xi8, #tpu.memory_space<hbm>> -> memref<512xi8, #tpu.memory_space<hbm>>
      tpu.enqueue_dma source(%arg23 : memref<512xi8, #tpu.memory_space<vmem>>) target(%dma_start3A_222 : memref<512xi8, #tpu.memory_space<hbm>>) target_semaphore(%arg29 : memref<!tpu.dma_semaphore, #tpu.memory_space<semaphore_mem>>)
      %add3A_223 = arith.constant 262144 : i32
      %add3A_224 = arith.addi %add3A_223, %add3A_218 : i32
      %dma_start3A_225 = tpu.memref_slice %arg4[%add3A_224] : memref<786432xi8, #tpu.memory_space<hbm>> -> memref<512xi8, #tpu.memory_space<hbm>>
      %dma_start3A_226 = tpu.memref_slice %arg4[%add3A_224] : memref<786432xi8, #tpu.memory_space<hbm>> -> memref<512xi8, #tpu.memory_space<hbm>>
      tpu.enqueue_dma source(%arg24 : memref<512xi8, #tpu.memory_space<vmem>>) target(%dma_start3A_226 : memref<512xi8, #tpu.memory_space<hbm>>) target_semaphore(%arg29 : memref<!tpu.dma_semaphore, #tpu.memory_space<semaphore_mem>>)
      %add3A_227 = arith.constant 524288 : i32
      %add3A_228 = arith.addi %add3A_227, %add3A_218 : i32
      %dma_start3A_229 = tpu.memref_slice %arg4[%add3A_228] : memref<786432xi8, #tpu.memory_space<hbm>> -> memref<512xi8, #tpu.memory_space<hbm>>
      %dma_start3A_230 = tpu.memref_slice %arg4[%add3A_228] : memref<786432xi8, #tpu.memory_space<hbm>> -> memref<512xi8, #tpu.memory_space<hbm>>
      tpu.enqueue_dma source(%arg25 : memref<512xi8, #tpu.memory_space<vmem>>) target(%dma_start3A_230 : memref<512xi8, #tpu.memory_space<hbm>>) target_semaphore(%arg29 : memref<!tpu.dma_semaphore, #tpu.memory_space<semaphore_mem>>)
    }
    %scan3A_63 = arith.constant 8 : i32
    %dma_wait3A = arith.constant 0 : i32
    %dma_wait3A_64 = tpu.memref_slice %arg4[%dma_wait3A] : memref<786432xi8, #tpu.memory_space<hbm>> -> memref<512xi8, #tpu.memory_space<hbm>>
    %dma_wait3A_65 = arith.constant 0 : i32
    %dma_wait3A_66 = tpu.memref_slice %arg4[%dma_wait3A_65] : memref<786432xi8, #tpu.memory_space<hbm>> -> memref<512xi8, #tpu.memory_space<hbm>>
    tpu.wait_dma2 semaphore(%arg28 : memref<!tpu.dma_semaphore, #tpu.memory_space<semaphore_mem>>) src(%arg20 : memref<512xi8, #tpu.memory_space<vmem>>) dst(%dma_wait3A_66 : memref<512xi8, #tpu.memory_space<hbm>>)
    %dma_wait3A_67 = arith.constant 262144 : i32
    %dma_wait3A_68 = tpu.memref_slice %arg4[%dma_wait3A_67] : memref<786432xi8, #tpu.memory_space<hbm>> -> memref<512xi8, #tpu.memory_space<hbm>>
    %dma_wait3A_69 = arith.constant 262144 : i32
    %dma_wait3A_70 = tpu.memref_slice %arg4[%dma_wait3A_69] : memref<786432xi8, #tpu.memory_space<hbm>> -> memref<512xi8, #tpu.memory_space<hbm>>
    tpu.wait_dma2 semaphore(%arg28 : memref<!tpu.dma_semaphore, #tpu.memory_space<semaphore_mem>>) src(%arg21 : memref<512xi8, #tpu.memory_space<vmem>>) dst(%dma_wait3A_70 : memref<512xi8, #tpu.memory_space<hbm>>)
    %dma_wait3A_71 = arith.constant 524288 : i32
    %dma_wait3A_72 = tpu.memref_slice %arg4[%dma_wait3A_71] : memref<786432xi8, #tpu.memory_space<hbm>> -> memref<512xi8, #tpu.memory_space<hbm>>
    %dma_wait3A_73 = arith.constant 524288 : i32
    %dma_wait3A_74 = tpu.memref_slice %arg4[%dma_wait3A_73] : memref<786432xi8, #tpu.memory_space<hbm>> -> memref<512xi8, #tpu.memory_space<hbm>>
    tpu.wait_dma2 semaphore(%arg28 : memref<!tpu.dma_semaphore, #tpu.memory_space<semaphore_mem>>) src(%arg22 : memref<512xi8, #tpu.memory_space<vmem>>) dst(%dma_wait3A_74 : memref<512xi8, #tpu.memory_space<hbm>>)
    %dma_wait3A_75 = arith.constant 0 : i32
    %dma_wait3A_76 = tpu.memref_slice %arg4[%dma_wait3A_75] : memref<786432xi8, #tpu.memory_space<hbm>> -> memref<512xi8, #tpu.memory_space<hbm>>
    %dma_wait3A_77 = arith.constant 0 : i32
    %dma_wait3A_78 = tpu.memref_slice %arg4[%dma_wait3A_77] : memref<786432xi8, #tpu.memory_space<hbm>> -> memref<512xi8, #tpu.memory_space<hbm>>
    tpu.wait_dma2 semaphore(%arg29 : memref<!tpu.dma_semaphore, #tpu.memory_space<semaphore_mem>>) src(%arg23 : memref<512xi8, #tpu.memory_space<vmem>>) dst(%dma_wait3A_78 : memref<512xi8, #tpu.memory_space<hbm>>)
    %dma_wait3A_79 = arith.constant 262144 : i32
    %dma_wait3A_80 = tpu.memref_slice %arg4[%dma_wait3A_79] : memref<786432xi8, #tpu.memory_space<hbm>> -> memref<512xi8, #tpu.memory_space<hbm>>
    %dma_wait3A_81 = arith.constant 262144 : i32
    %dma_wait3A_82 = tpu.memref_slice %arg4[%dma_wait3A_81] : memref<786432xi8, #tpu.memory_space<hbm>> -> memref<512xi8, #tpu.memory_space<hbm>>
    tpu.wait_dma2 semaphore(%arg29 : memref<!tpu.dma_semaphore, #tpu.memory_space<semaphore_mem>>) src(%arg24 : memref<512xi8, #tpu.memory_space<vmem>>) dst(%dma_wait3A_82 : memref<512xi8, #tpu.memory_space<hbm>>)
    %dma_wait3A_83 = arith.constant 524288 : i32
    %dma_wait3A_84 = tpu.memref_slice %arg4[%dma_wait3A_83] : memref<786432xi8, #tpu.memory_space<hbm>> -> memref<512xi8, #tpu.memory_space<hbm>>
    %dma_wait3A_85 = arith.constant 524288 : i32
    %dma_wait3A_86 = tpu.memref_slice %arg4[%dma_wait3A_85] : memref<786432xi8, #tpu.memory_space<hbm>> -> memref<512xi8, #tpu.memory_space<hbm>>
    tpu.wait_dma2 semaphore(%arg29 : memref<!tpu.dma_semaphore, #tpu.memory_space<semaphore_mem>>) src(%arg25 : memref<512xi8, #tpu.memory_space<vmem>>) dst(%dma_wait3A_86 : memref<512xi8, #tpu.memory_space<hbm>>)
    return
  }
}

</mosaic_0001>

<sc_bundles>
// kernel: _undistort_sc.3.cloned.1.call-start
scs
__scs_entry_jumppad:
0x0: {  	(pc) =	sbr.rel $0x88, $3  }
0x1: {  	(tag) =	ssettag $0x0;
	lr =	simm.s32 $0x1  }
0x2: {  	[smem:$0x3F9F] =	sst lr;
	_ =	strace $0xD0000000  }
0x3: {  	_ = 	snop  }
0x4: {  	_ = 	snop  }
0x5: {  	_ = 	snop  }
0x6: {  	_ = 	snop  }
0x7: {  	_ = 	snop  }
__scs_overlays_trampoline_lowered:
0x8: {  	[smem:$0x3FAE] =	sst s0  }
0x9: {  	[smem:$0x3FAF] =	sst s1  }
0xa: {  	[smem:$0x3FB0] =	sst s2  }
0xb: {  	[smem:$0x3FB1] =	sst s3  }
0xc: {  	[smem:$0x3FB2] =	sst s4  }
0xd: {  	[smem:$0x3FB3] =	sst s5  }
0xe: {  	[smem:$0x3FB4] =	sst s6  }
0xf: {  	[smem:$0x3FB5] =	sst s7  }
0x10: {  	[smem:$0x3FB6] =	sst s8  }
0x11: {  	[smem:$0x3FB7] =	sst s9;
	s0 =	simm.s32 @!p0 $0x0  }
0x12: {  	s1 =	sld [smem:$0x3F9D];
	s0 =	simm.s32 @p0 $0x1  }
0x13: {  	[smem:$0x3FB8] =	sst s0;
	s0 =	simm.s32 @!p1 $0x0  }
0x14: {  	s2 =	sld [smem:$0x3F9C];
	s0 =	simm.s32 @p1 $0x1  }
0x15: {  	[smem:$0x3FB9] =	sst s0;
	s0 =	simm.s32 @!p2 $0x0  }
0x16: {  	s3 =	sld [smem:$0x3FDB];
	s0 =	simm.s32 @p2 $0x1  }
0x17: {  	s4 =	simm.s32 $0x1BF5;
	[smem:$0x3FBB] =	sst s0  }
0x18: {  	s0 =	sld [smem:$0x3F9E];
	_ =	swait.ge [sflag:s4], $0x0  }
0x19: {  	s7 =	sld [smem:$0x3F9F]  }
0x1a: {  	s8 =	sadd.s32 $0xFFFFE003, lr  }
0x1b: {  	s9 =	sadd.s32 $0xFFFFFEF7, lr;
	s5 =	simm.s32 $0xFFFFFFFF;
	p2 =	slt.u32 s8, $0xFFFFF086  }
0x1c: {  	p1 =	slt.u32 s9, $0xF7A;
	s5 =	simm.s32 @!p2 $0x0  }
0x1d: {  	s5 =	simm.s32 @p1 $0x1;
	p0 =	seq.s32 s7, s2  }
0x1e: {  	s7 =	smul.u32 @!p0 $0xF7A, s2;
	p2 =	seq.s32 @!p0 s5, $0x0  }
0x1f: {  	s9 =	smul.u32 $0xF7A, s1;
	s8 =	simm.s32 @!p0 $0x1BF5;
	p2 =	por !p2, p0  }
0x20: {  	[sflag:s8] =	ssyncset.s32 @!p0 $0xFFFFF086;
	s6 =	sadd.s32 @!p0 s3, s7;
	s7 =	simm.s32 @!p0 $0x108  }
0x21: {  	s3 =	sadd.s32 s3, s9;
	s6 =	sadd.s32 @!p0 $0x88, s6;
	s7 =	simm.s32 @p2 $0x1082  }
0x22: {  	[simem:s7], [sflag:s8] =	dma.local @!p0 [hbm:s6], $0xF7A  }
0x23: {  	s9 =	sor.u32 $0xD0000000, s2;
	s6 =	simm.s32 $0x108;
	_ =	swait.ge @!p0 [sflag:s8], $0x0  }
0x24: {  	s3 =	sadd.s32 $0x88, s3;
	s6 =	simm.s32 @!p1 $0x1082;
	[sflag:s4] =	ssyncset.s32 $0xFFFFF086  }
0x25: {  	[simem:s6], [sflag:s4] =	dma.local [hbm:s3], $0xF7A  }
0x26: {  	[smem:$0x3F9F] =	sst s1;
	(tag) =	ssettag s2;
	_ =	strace s9  }
0x27: {  	s1 =	sld [smem:$0x3FAF]  }
0x28: {  	s2 =	sld [smem:$0x3FB0]  }
0x29: {  	s4 =	sld [smem:$0x3FB2]  }
0x2a: {  	p0 =	seq.s32 s5, $0x0;
	s5 =	sld [smem:$0x3FB3]  }
0x2b: {  	s6 =	sld [smem:$0x3FB4]  }
0x2c: {  	s7 =	sld [smem:$0x3FB5]  }
0x2d: {  	s3 =	simm.s32 $0x108;
	s8 =	sld [smem:$0x3FB6]  }
0x2e: {  	s3 =	simm.s32 @!p0 $0x1082;
	s9 =	sld [smem:$0x3FB7]  }
0x2f: {  	lr =	sadd.s32 s0, s3;
	s0 =	sld [smem:$0x3FAE]  }
0x30: {  	s3 =	sld [smem:$0x3FB1]  }
0x31: {  	[smem:$0x3FBA] =	sst s10  }
0x32: {  	s10 =	sld [smem:$0x3FB8];
	_ =	sdelay $0x3  }
0x33: {  	p0 =	seq.s32 s10, $0x1;
	s10 =	sld [smem:$0x3FBA];
	_ =	sdelay $0x3  }
0x34: {  	[smem:$0x3FBA] =	sst s10  }
0x35: {  	s10 =	sld [smem:$0x3FB9];
	_ =	sdelay $0x3  }
0x36: {  	p1 =	seq.s32 s10, $0x1;
	s10 =	sld [smem:$0x3FBA];
	_ =	sdelay $0x3  }
0x37: {  	[smem:$0x3FBA] =	sst s10  }
0x38: {  	s10 =	sld [smem:$0x3FBB]  }
0x39: {  	_ = 	snop;
	(pc) =	sbr.ind lr, $3  }
0x3a: {  	_ = 	snop  }
0x3b: {  	_ = 	snop  }
0x3c: {  	p2 =	seq.s32 s10, $0x1;
	s10 =	sld [smem:$0x3FBA]  }
0x3d: {  	_ =	shalt  }
0x3e: {  	_ =	shalt  }
0x3f: {  	_ =	shalt  }
0x40: {  	_ =	shalt  }
0x41: {  	_ =	shalt  }
0x42: {  	_ =	shalt  }
0x43: {  	_ =	shalt  }
0x44: {  	_ =	shalt  }
0x45: {  	_ =	shalt  }
0x46: {  	_ =	shalt  }
0x47: {  	_ =	shalt  }
0x48: {  	_ =	shalt  }
0x49: {  	_ =	shalt  }
0x4a: {  	_ =	shalt  }
0x4b: {  	_ =	shalt  }
0x4c: {  	_ =	shalt  }
0x4d: {  	_ =	shalt  }
0x4e: {  	_ =	shalt  }
0x4f: {  	_ =	shalt  }
0x50: {  	_ =	shalt  }
0x51: {  	_ =	shalt  }
0x52: {  	_ =	shalt  }
0x53: {  	_ =	shalt  }
0x54: {  	_ =	shalt  }
0x55: {  	_ =	shalt  }
0x56: {  	_ =	shalt  }
0x57: {  	_ =	shalt  }
0x58: {  	_ =	shalt  }
0x59: {  	_ =	shalt  }
0x5a: {  	_ =	shalt  }
0x5b: {  	_ =	shalt  }
0x5c: {  	_ =	shalt  }
0x5d: {  	_ =	shalt  }
0x5e: {  	_ =	shalt  }
0x5f: {  	_ =	shalt  }
0x60: {  	_ =	shalt  }
0x61: {  	_ =	shalt  }
0x62: {  	_ =	shalt  }
0x63: {  	_ =	shalt  }
0x64: {  	_ =	shalt  }
0x65: {  	_ =	shalt  }
0x66: {  	_ =	shalt  }
0x67: {  	_ =	shalt  }
0x68: {  	_ =	shalt  }
0x69: {  	_ =	shalt  }
0x6a: {  	_ =	shalt  }
0x6b: {  	_ =	shalt  }
0x6c: {  	_ =	shalt  }
0x6d: {  	_ =	shalt  }
0x6e: {  	_ =	shalt  }
0x6f: {  	_ =	shalt  }
0x70: {  	_ =	shalt  }
0x71: {  	_ =	shalt  }
0x72: {  	_ =	shalt  }
0x73: {  	_ =	shalt  }
0x74: {  	_ =	shalt  }
0x75: {  	_ =	shalt  }
0x76: {  	_ =	shalt  }
0x77: {  	_ =	shalt  }
0x78: {  	_ =	shalt  }
0x79: {  	_ =	shalt  }
0x7a: {  	_ =	shalt  }
0x7b: {  	_ =	shalt  }
0x7c: {  	_ =	shalt  }
0x7d: {  	_ =	shalt  }
0x7e: {  	_ =	shalt  }
0x7f: {  	_ =	shalt  }
0x80: {  	_ =	shalt  }
0x81: {  	_ =	shalt  }
0x82: {  	_ =	shalt  }
0x83: {  	_ =	shalt  }
0x84: {  	_ =	shalt  }
0x85: {  	_ =	shalt  }
0x86: {  	_ =	shalt  }
0x87: {  	_ =	shalt  }
.Lfunc_end0:
.L_simem_size_0:
called_computation_lowered:
.L_overlay_start_0:
0x88: {  	s2 =	sld [smem:$0x3FD9]  }
0x89: {  	s3 =	sld [smem:$0x3FFE];
	_ =	sdelay $0x1  }
0x8a: {  	s1 =	srdreg.scid  }
0x8b: {  	s0 =	sand.u32 $0x1, s1  }
0x8c: {  	s17 =	sshll.u32 s0, $0xA;
	s2 =	sadd.s32 s3, s2  }
0x8d: {  	s2 =	sadd.s32 s2, s17  }
0x8e: {  	[smem:$0x3FC6] =	sst s2  }
0x8f: {  	_ = 	snop  }
0x90: {  	s2 =	sld [smem:$0x3FD0];
	(tm) =	ssettm $0x1  }
0x91: {  	s18 =	sld [smem:$0x3FFB];
	_ =	sdelay $0x3  }
0x92: {  	_ =	strace s18  }
0x93: {  	s3 =	sld [smem:$0x3FFC];
	_ =	sdelay $0x3  }
0x94: {  	_ =	strace s3  }
0x95: {  	s3 =	sld [smem:$0x3FFD];
	_ =	sdelay $0x3  }
0x96: {  	_ =	strace s3  }
0x97: {  	_ =	strace $0x8FFFFFFF  }
0x98: {  	s19 =	sld [smem:$0x3FDB];
	_ =	sdelay $0x1  }
0x99: {  	s4 =	simm.s32 $_scs_section_size  }
0x9a: {  	s5 =	simm.s32 $_size__tile_overlayer_lowered;
	s6 =	simm.s32 $_tile_overlayer_lowered  }
0x9b: {  	s22 =	simm.s32 $0x1BFF;
	s21 =	sshll.u32 s6, $0x1;
	s3 =	sadd.s32 s4, s19  }
0x9c: {  	s7 =	simm.s32 $0x0;
	s20 =	sshll.u32 s5, $0x1;
	s5 =	sadd.s32 s21, s3  }
0x9d: {  	[timem:s7], [sflag:s22] =	dma.local [hbm:s5], s20  }
0x9e: {  	_ =	swait.ge [sflag:s22], s20  }
0x9f: {  	s4 =	ssub.s32 $0x0, s20;
	[sflag:s22] =	ssyncset.done $0x0  }
0xa0: {  	[sflag:s22] =	ssyncadd.s32 s4;
	_ =	sdelay $0x1  }
0xa1: {  	s23 =	simm.s32 $0x1B8B  }
0xa2: {  	_ =	swait.ge [sflag:s23], $0x1  }
0xa3: {  	[sflag:s23] =	ssyncset.done $0x0  }
0xa4: {  	s25 =	simm.s32 $0x1B8E;
	s24 =	sld [smem:$0x3FFE];
	[sflag:s23] =	ssyncadd.s32 $0xFFFFFFFF  }
0xa5: {  	s26 =	simm.s32 $execute0_lowered;
	[smem:$0x3FD2] =	sst s25  }
0xa6: {  	s5 =	sshll.u32 s26, $0x1;
	_ =	strace $0x80000046;
	[dreg:$0x1] =	wrdreg $0xFFFFFFFF  }
0xa7: {  	s28 =	simm.s32 $_size_execute0_lowered;
	s3 =	sadd.s32 s3, s5;
	[dreg:$0x0] =	wrdreg $0x0  }
0xa8: {  	s5 =	sshll.u32 s28, $0x1;
	[dreg:$0x2] =	wrdreg s3  }
0xa9: {  	[dreg:$0x3] =	wrdreg s5  }
0xaa: {  	[dreg:$0x4] =	wrdreg $0xC0  }
0xab: {  	_ =	task [dreg:s7], $0x5FFFF  }
0xac: {  	[dreg:$0x1] =	wrdreg $0xFFFFFFFF  }
0xad: {  	[dreg:$0x0] =	wrdreg $0x60  }
0xae: {  	[dreg:$0x2] =	wrdreg s24  }
0xaf: {  	[dreg:$0x3] =	wrdreg s2  }
0xb0: {  	[dreg:$0x4] =	wrdreg $0x9  }
0xb1: {  	_ =	task.clear_ibuf [dreg:s7], $0x5FFFF;
	_ =	strace $0x90000046  }
0xb2: {  	s29 =	simm.s32 $0x9;
	_ =	strace $0x80000048  }
0xb3: {  	_ =	swait.ge [sflag:s29], $0x1  }
0xb4: {  	[sflag:s29] =	ssyncadd.s32 $0xFFFFFFFF  }
0xb5: {  	_ =	strace $0x90000048  }
0xb6: {  	_ =	sfence  }
0xb7: {  	s30 =	sld [smem:$0x0];
	_ =	sdelay $0x2  }
0xb8: {  	s31 =	sshll.u32 s1, $0xD;
	s1 =	sshrl.u32 s1, $0x2  }
0xb9: {  	s3 =	sand.u32 $0x4000, s31;
	s1 =	sadd.s32 s1, s30  }
0xba: {  	s0 =	sor.u32 s3, s0;
	s1 =	sshll.u32 s1, $0x11  }
0xbb: {  	s0 =	sor.u32 s1, s0  }
0xbc: {  	s0 =	sadd.s32 $0x8F2B, s0  }
0xbd: {  	[sflag:s0] =	ssyncadd.remote.s32 $0x1  }
0xbe: {  	_ =	sfence.sel $0xFFFF  }
0xbf: {  	[dreg:$0x0] =	wrdreg $0xFFFFFFFF;
	(pc) =	sbr.abs _section_cstart, $3  }
0xc0: {  	[dreg:$0x1] =	wrdreg $0xFFFFFFFF  }
0xc1: {  	_ =	task.clear_ibuf [dreg:s7], $0x2FFFF;
	_ =	strace $0x9FFFFFFF  }
0xc2: {  	(tm) =	ssettm $0x7FFFFFFF  }
0xc3: {  	_ =	shalt  }
tec
execute0_lowered:
.L_overlay_start_1:
0x0: {  	(tag) =	ssettag $0x1  }
0x1: {  	v0 =	vimm.f32 $6.000000000e+01;
	vm0 =	vcmask $0x300  }
0x2: {  	s0 =	rddreg [dreg:$0x0];
	vm14 =	vcmask $0x704;
	v0 =	vsel vm0, $0x0, v0  }
0x3: {  	s1 =	rddreg [dreg:$0x1];
	vm15 =	vcmask $0xB08;
	v0 =	vsel vm14, $0x40800000, v0  }
0x4: {  	s2 =	simm.s32 $0x0;
	s3 =	srdreg.scid;
	s4 =	stileid.u32;
	vm4 =	vcmask $0xF0C;
	v0 =	vsel vm15, $0x41000000, v0  }
0x5: {  	vm5 =	vcmask $0x1310;
	s12 =	simm.s32 $0x200;
	s14 =	simm.s32 $0x840;
	s16 =	simm.s32 $0x1840;
	v0 =	vsel vm4, $0x41400000, v0  }
0x6: {  	vm6 =	vcmask $0x1714;
	s18 =	simm.s32 $0x2840;
	s19 =	simm.s32 $0x640;
	s20 =	simm.s32 $0x3840;
	v0 =	vsel vm5, $0x41800000, v0  }
0x7: {  	vm7 =	vcmask $0x1B18;
	s21 =	simm.s32 $0x1;
	s22 =	simm.s32 $0x5840;
	s23 =	simm.s32 $0x58C0;
	v0 =	vsel vm6, $0x41A00000, v0  }
0x8: {  	vm8 =	vcmask $0x1F1C;
	s24 =	simm.s32 $0x5940;
	s25 =	simm.s32 $0x2;
	s28 =	simm.s32 $0x5A40;
	v0 =	vsel vm7, $0x41C00000, v0  }
0x9: {  	vm9 =	vcmask $0x2320;
	s29 =	simm.s32 $0x5AC0;
	s9 =	simm.s32 $0x3;
	[smem:$0x7FF] =	sst s2;
	v0 =	vsel vm8, $0x41E00000, v0  }
0xa: {  	vm10 =	vcmask $0x2724;
	s3 =	sand.u32 $0x1, s3;
	s5 =	sshll.u32 s4, $0xE;
	s4 =	sadd.s32 $0x402600, s0;
	v0 =	vsel vm9, $0x42000000, v0  }
0xb: {  	vm11 =	vcmask $0x2B28;
	s0 =	sadd.s32 $0x600, s0;
	s7 =	sadd.s32 $0x2000, s1;
	s6 =	sshll.u32 s3, $0xD;
	v0 =	vsel vm10, $0x42100000, v0  }
0xc: {  	vm12 =	vcmask $0x2F2C;
	_ =	strace $0x80000047;
	s3 =	ssub.s32 $0x2, s3;
	s5 =	sor.u32 s6, s5;
	v0 =	vsel vm11, $0x42200000, v0  }
0xd: {  	vm13 =	vcmask $0x3330;
	[dreg:$0x3] =	wrdreg s0;
	s26 =	sshrl.u32 s3, $0x1;
	s6 =	sshrl.u32 s5, $0x9;
	v1 =	vsel vm12, $0x42300000, v0  }
0xe: {  	v3 =	vlaneseq.u32;
	vm14 =	vcmask $0x3734;
	s0 =	ssub.s32 s3, s26;
	s31 =	sor.u32 $0x400, s5;
	s30 =	scvt.s32.f32 s6;
	v1 =	vsel vm13, $0x42400000, v1  }
0xf: {  	v2 =	vimm.f32 $0.0e+00;
	s8 =	sadd.s32 $0x4000, s1;
	vm15 =	vcmask $0x3B38;
	[dreg:$0x4] =	wrdreg s31;
	s0 =	smax.u32 s0, $0x1;
	v1 =	vsel vm14, $0x42500000, v1  }
0x10: {  	v3 =	vmul.u32 $0x8, v3;
	s26 =	simm.s32 $0x59C0;
	s6 =	simm.s32 $0x0;
	[dreg:$0x5] =	wrdreg s0;
	v0 =	vmov s30;
	v1 =	vsel vm15, $0x42600000, v1  }
.LBB2_1:
0x11: {  	[dreg:$0x6] =	wrdreg s6  }
0x12: {  	s0 =	rddreg [dreg:$0x3];
	s15 =	simm.s32 $0x5  }
0x13: {  	[tilespmem:s2], [sflag:$0x5] =	stream.linear.gather [hbm4b:s0+s2], $0x40, $0x38;
	[tilespmem:$0x5B40] =	vst v63  }
0x14: {  	_ =	swait.ge [sflag:s15], $0x40  }
0x15: {  	[sflag:s15] =	ssyncset.done $0x0  }
0x16: {  	[sflag:s15] =	ssyncadd.s32 $0xFFFFFFC0  }
0x17: {  	v5 =	vld [tilespmem:$0x30]  }
0x18: {  	s17 =	simm.s32 $0x2;
	v4 =	vld [tilespmem:$0x20]  }
0x19: {  	s3 =	simm.s32 $0x0;
	s30 =	simm.s32 $0x1;
	s0 =	scvt.s32.f32 s17  }
0x1a: {  	s3 =	scvt.s32.f32 s3;
	s6 =	scvt.s32.f32 s30  }
0x1b: {  	v7 =	vadd.f32 s0, v1  }
0x1c: {  	s31 =	scvt.s32.f32 s9;
	v8 =	vadd.f32 s3, v1;
	v9 =	vadd.f32 s6, v1  }
0x1d: {  	v6 =	vsub.f32 v0, v5;
	v10 =	vsub.f32 v7, v4  }
0x1e: {  	v11 =	vadd.f32 s31, v1;
	v7 =	vld [tilespmem:$0x0];
	v12 =	vsub.f32 v8, v4  }
0x1f: {  	v9 =	vsub.f32 v9, v4;
	v8 =	vmul.f32 v6, v6;
	v13 =	vmul.f32 v10, v10  }
0x20: {  	v14 =	vmul.f32 v12, v12  }
0x21: {  	v11 =	vsub.f32 v11, v4;
	v15 =	vmul.f32 v9, v9;
	v13 =	vadd.f32 v13, v8  }
0x22: {  	v14 =	vadd.f32 v14, v8  }
0x23: {  	v16 =	vmul.f32 v11, v11;
	v15 =	vadd.f32 v15, v8;
	v13 =	vmul.f32 v13, v7  }
0x24: {  	v14 =	vmul.f32 v14, v7  }
0x25: {  	v16 =	vadd.f32 v16, v8;
	v15 =	vmul.f32 v15, v7;
	v13 =	vsub.f32 $1.000000000e+00, v13  }
0x26: {  	v14 =	vsub.f32 $1.000000000e+00, v14  }
0x27: {  	v16 =	vmul.f32 v16, v7;
	v15 =	vsub.f32 $1.000000000e+00, v15;
	(erf) = vrcp.f32 v13  }
0x28: {  	(erf) = vrcp.f32 v14  }
0x29: {  	v13 =	vsub.f32 $1.000000000e+00, v16;
	(erf) = vrcp.f32 v15;
	_ =	sdelay $0x1  }
0x2a: {  	(erf) = vrcp.f32 v13;
	_ =	sdelay $0x4  }
0x2b: {  	v13 =	vpop (erf)  }
0x2c: {  	v14 =	vmul.f32 v13, v6;
	v15 =	vpop (erf);
	v10 =	vmul.f32 v13, v10  }
0x2d: {  	v12 =	vmul.f32 v15, v12;
	v15 =	vmul.f32 v15, v6;
	v16 =	vpop (erf)  }
0x2e: {  	v9 =	vmul.f32 v16, v9;
	v16 =	vmul.f32 v16, v6;
	v14 =	vadd.f32 v14, v5  }
0x2f: {  	v17 =	vpop (erf);
	v10 =	vadd.f32 v10, v4;
	v18 =	vadd.f32 v15, v5  }
0x30: {  	v13 =	vmul.f32 v17, v6;
	v12 =	vadd.f32 v12, v4;
	v20 =	vadd.f32 v16, v5  }
0x31: {  	v15 =	vtrunc.f32 v14;
	v16 =	vmul.f32 v17, v11;
	vm0 =	vge.f32 v10, $0.0e+00  }
0x32: {  	vm1 =	vle.f32 v10, $5.110000000e+02;
	vm2 =	vge.f32 v14, $0.0e+00;
	v11 =	vtrunc.f32 v10  }
0x33: {  	vm3 =	vle.f32 v14, $5.110000000e+02;
	v23 =	vadd.f32 v9, v4;
	v21 =	vcvt.f32.s32 v15  }
0x34: {  	v13 =	vadd.f32 v13, v5;
	v17 =	vtrunc.f32 v18;
	v11 =	vcvt.f32.s32 v11  }
0x35: {  	vm0 =	vmand vm0, vm1;
	vm1 =	vmand vm2, vm3;
	vm2 =	vge.f32 v18, $0.0e+00  }
0x36: {  	vm3 =	vle.f32 v18, $5.110000000e+02;
	v19 =	vtrunc.f32 v20;
	vm0 =	vmand vm0, vm1  }
0x37: {  	v27 =	vcvt.f32.s32 v17;
	v28 =	vadd.f32 v16, v4;
	vm1 =	vle.f32 v12, $5.110000000e+02  }
0x38: {  	v16 =	vtrunc.f32 v23;
	vm4 =	vge.f32 v23, $0.0e+00;
	vm5 =	vle.f32 v23, $5.110000000e+02  }
0x39: {  	vm6 =	vge.f32 v20, $0.0e+00;
	vm7 =	vle.f32 v20, $5.110000000e+02;
	v15 =	vcvt.s32.f32 v21  }
0x3a: {  	vm2 =	vmand vm2, vm3;
	v22 =	vtrunc.f32 v13;
	v9 =	vcvt.s32.f32 v11  }
0x3b: {  	v17 =	vsel vm0, $0x3F800000, v2;
	v29 =	vcvt.f32.s32 v19;
	vm0 =	vge.f32 v12, $0.0e+00  }
0x3c: {  	vm3 =	vge.f32 v13, $0.0e+00;
	vm9 =	vle.f32 v13, $5.110000000e+02;
	vm4 =	vmand vm4, vm5  }
0x3d: {  	vm5 =	vmand vm6, vm7;
	v22 =	vcvt.f32.s32 v22;
	v24 =	vcvt.s32.f32 v27  }
0x3e: {  	v30 =	vtrunc.f32 v28;
	vm8 =	vge.f32 v28, $0.0e+00;
	vm0 =	vmand vm0, vm1  }
0x3f: {  	vm1 =	vle.f32 v28, $5.110000000e+02;
	vm3 =	vmand vm3, vm9;
	vm13 =	vgt.s32 v27, $0x0  }
0x40: {  	vm4 =	vmand vm4, vm5;
	v15 =	vsub.f32 v14, v15;
	v9 =	vsub.f32 v10, v9  }
0x41: {  	v26 =	vcvt.s32.f32 v29;
	vm1 =	vmand vm8, vm1;
	vm14 =	vgt.s32 v29, $0x0  }
0x42: {  	vm0 =	vmand vm0, vm2;
	vm2 =	vgt.s32 v21, $0x0;
	v32 =	vsel vm4, $0x3F800000, v2  }
0x43: {  	v31 =	vcvt.s32.f32 v22;
	v25 =	vsub.f32 v18, v24;
	v18 =	vcvt.f32.s32 v16  }
0x44: {  	v16 =	vcvt.f32.s32 v30;
	vm5 =	vmand vm1, vm3;
	vm15 =	vgt.s32 v22, $0x0  }
0x45: {  	v29 =	vnsel vm14, $0x0, v29;
	vm1 =	vgt.s32 v11, $0x0;
	v14 =	vsub.f32 $1.000000000e+00, v15  }
0x46: {  	v26 =	vsub.f32 v20, v26;
	v33 =	vsel vm5, $0x3F800000, v2;
	v30 =	vcvt.s32.f32 v18  }
0x47: {  	v24 =	vsub.f32 v13, v31;
	v10 =	vmul.f32 v17, v14;
	v14 =	vtrunc.f32 v12  }
0x48: {  	v20 =	vsub.f32 $1.000000000e+00, v25;
	v35 =	vsub.f32 $1.000000000e+00, v26;
	v19 =	vcvt.f32.s32 v14  }
0x49: {  	v31 =	vcvt.s32.f32 v16;
	v36 =	vsub.f32 $1.000000000e+00, v24;
	v13 =	vsub.f32 v23, v30  }
0x4a: {  	v30 =	vnsel vm13, $0x0, v27;
	v27 =	vnsel vm15, $0x0, v22;
	v14 =	vcvt.s32.f32 v19  }
0x4b: {  	v34 =	vmul.f32 v10, v9;
	v23 =	vmul.f32 v32, v35;
	vm3 =	vgt.s32 v19, $0x0  }
0x4c: {  	v14 =	vsub.f32 v12, v14;
	v12 =	vsub.f32 v28, v31;
	v28 =	vnsel vm2, $0x0, v21  }
0x4d: {  	s10 =	simm.s32 $0x43;
	s11 =	simm.s32 $0x41;
	s6 =	simm.s32 $0x0;
	v31 =	vsel vm0, $0x3F800000, v2;
	vm2 =	vgt.s32 v18, $0x0;
	vm0 =	vgt.s32 v16, $0x0  }
0x4e: {  	s13 =	simm.s32 $0x42;
	s3 =	simm.s32 $0x100;
	s0 =	simm.s32 $0x200;
	[tilespmem:s6+$0x4A60] =	vst v34;
	v22 =	vmul.f32 v31, v20;
	v20 =	vmul.f32 v33, v36;
	v21 =	vsub.f32 $1.000000000e+00, v14  }
.LBB2_2:
0x4f: {  	p0 =	sne.s32 s0, $0x700;
	s9 =	sadd.s32 $0xFFFFFFFD, s10;
	s13 =	scvt.s32.f32 s13;
	v25 =	vmul.f32 v31, v25;
	v26 =	vmul.f32 v32, v26;
	v31 =	vsub.f32 $1.000000000e+00, v13  }
0x50: {  	s11 =	scvt.s32.f32 s11;
	v15 =	vmul.f32 v17, v15;
	v17 =	vsub.f32 $1.000000000e+00, v9;
	v24 =	vmul.f32 v33, v24;
	s9 =	scvt.s32.f32 s9  }
0x51: {  	v30 =	vmin.u32 v30, $0x1FF;
	v33 =	vsub.f32 $1.000000000e+00, v12;
	v32 =	vadd.f32 s13, v1;
	s13 =	scvt.s32.f32 s10  }
0x52: {  	v29 =	vmin.u32 v29, $0x1FF;
	v35 =	vadd.f32 s11, v1;
	v34 =	vadd.f32 s9, v1  }
0x53: {  	v28 =	vmin.u32 v28, $0x1FF;
	v32 =	vsub.f32 v32, v4;
	v36 =	vadd.f32 s13, v1  }
0x54: {  	v19 =	vnsel vm3, $0x0, v19;
	v35 =	vsub.f32 v35, v4;
	v34 =	vsub.f32 v34, v4  }
0x55: {  	v18 =	vnsel vm2, $0x0, v18;
	v37 =	vmul.f32 v32, v32;
	v36 =	vsub.f32 v36, v4  }
0x56: {  	v11 =	vnsel vm1, $0x0, v11;
	v39 =	vmul.f32 v35, v35;
	v38 =	vmul.f32 v34, v34  }
0x57: {  	v27 =	vmin.u32 v27, $0x1FF;
	v37 =	vadd.f32 v37, v8;
	v40 =	vmul.f32 v36, v36  }
0x58: {  	v16 =	vnsel vm0, $0x0, v16;
	v39 =	vadd.f32 v39, v8;
	v38 =	vadd.f32 v38, v8  }
0x59: {  	v30 =	vshll.u32 v30, $0x9;
	v37 =	vmul.f32 v37, v7;
	v40 =	vadd.f32 v40, v8  }
0x5a: {  	v29 =	vshll.u32 v29, $0x9;
	v39 =	vmul.f32 v39, v7;
	v38 =	vmul.f32 v38, v7  }
0x5b: {  	v28 =	vshll.u32 v28, $0x9;
	v37 =	vsub.f32 $1.000000000e+00, v37;
	v40 =	vmul.f32 v40, v7  }
0x5c: {  	v19 =	vmin.u32 v19, $0x1FF;
	v39 =	vsub.f32 $1.000000000e+00, v39;
	v38 =	vsub.f32 $1.000000000e+00, v38  }
0x5d: {  	v18 =	vmin.u32 v18, $0x1FF;
	v40 =	vsub.f32 $1.000000000e+00, v40;
	(erf) = vrcp.f32 v37  }
0x5e: {  	v11 =	vmin.u32 v11, $0x1FF;
	v27 =	vshll.u32 v27, $0x9;
	(erf) = vrcp.f32 v38  }
0x5f: {  	v16 =	vmin.u32 v16, $0x1FF;
	v37 =	vmul.f32 v22, v21;
	(erf) = vrcp.f32 v39  }
0x60: {  	v19 =	vor.u32 v19, v30;
	v22 =	vmul.f32 v22, v14;
	(erf) = vrcp.f32 v40  }
0x61: {  	v18 =	vor.u32 v18, v29;
	v29 =	vmul.f32 v23, v31;
	v23 =	vmul.f32 v23, v13;
	[tilespmem:s6+$0x4840] =	vst v37  }
0x62: {  	v10 =	vmul.f32 v10, v17;
	[tilespmem:s6+$0x4A40] =	vst v22;
	v22 =	vor.u32 v11, v28;
	v11 =	vmul.f32 v20, v33  }
0x63: {  	v16 =	vor.u32 v16, v27;
	v21 =	vmul.f32 v25, v21;
	v20 =	vmul.f32 v20, v12;
	[tilespmem:s6+$0x4850] =	vst v29  }
0x64: {  	v27 =	vadd.s32 $0x200, v19;
	v14 =	vmul.f32 v25, v14;
	[tilespmem:s6+$0x4A50] =	vst v23;
	v23 =	vmul.f32 v26, v31  }
0x65: {  	v13 =	vmul.f32 v26, v13;
	v25 =	vadd.s32 $0x200, v18;
	[tilespmem:s6+$0x4860] =	vst v10;
	v10 =	vmul.f32 v15, v17  }
0x66: {  	v9 =	vmul.f32 v15, v9;
	v26 =	vadd.s32 $0x200, v22;
	v17 =	vpop (erf);
	[tilespmem:s6+$0x4870] =	vst v11;
	v11 =	vmul.f32 v24, v33  }
0x67: {  	v12 =	vmul.f32 v24, v12;
	v29 =	vadd.s32 $0x200, v16;
	v15 =	vmul.f32 v17, v6;
	v28 =	vpop (erf);
	[tilespmem:s6+$0x4A70] =	vst v20  }
0x68: {  	v20 =	vmul.f32 v28, v34;
	v24 =	vmul.f32 v28, v6;
	v28 =	vpop (erf);
	[tilespmem:s6+$0x4C40] =	vst v21  }
0x69: {  	v21 =	vmul.f32 v28, v35;
	v28 =	vmul.f32 v28, v6;
	v15 =	vadd.f32 v15, v5;
	v30 =	vpop (erf);
	[tilespmem:s6+$0x4E40] =	vst v14  }
0x6a: {  	v17 =	vmul.f32 v17, v32;
	v14 =	vadd.f32 v24, v5;
	v24 =	vmul.f32 v30, v6;
	[tilespmem:s6+$0x4C50] =	vst v23  }
0x6b: {  	v30 =	vmul.f32 v30, v36;
	v23 =	vadd.f32 v28, v5;
	v28 =	vtrunc.f32 v15;
	[tilespmem:s6+$0x4E50] =	vst v13  }
0x6c: {  	v13 =	vadd.f32 v17, v4;
	v28 =	vcvt.f32.s32 v28;
	v31 =	vadd.f32 v24, v5;
	[tilespmem:s6+$0x4C60] =	vst v10  }
0x6d: {  	v20 =	vadd.f32 v20, v4;
	v10 =	vtrunc.f32 v14;
	v24 =	vtrunc.f32 v23;
	[tilespmem:s6+$0x4E60] =	vst v9  }
0x6e: {  	vm0 =	vge.f32 v13, $0.0e+00;
	v9 =	vcvt.s32.f32 v28;
	v32 =	vtrunc.f32 v31;
	[tilespmem:s6+$0x4C70] =	vst v11  }
0x6f: {  	vm2 =	vge.f32 v15, $0.0e+00;
	vm1 =	vle.f32 v13, $5.110000000e+02;
	v11 =	vtrunc.f32 v13;
	[tilespmem:s6+$0x4E70] =	vst v12  }
0x70: {  	vm3 =	vle.f32 v15, $5.110000000e+02;
	v11 =	vcvt.f32.s32 v11;
	v15 =	vsub.f32 v15, v9;
	[tilespmem:s6+$0x240] =	vst v27  }
0x71: {  	vm0 =	vmand vm0, vm1;
	vm1 =	vmand vm2, vm3;
	v12 =	vadd.f32 v21, v4;
	[tilespmem:s6+$0x250] =	vst v25  }
0x72: {  	vm0 =	vmand vm0, vm1;
	v9 =	vcvt.s32.f32 v11;
	v21 =	vsub.f32 $1.000000000e+00, v15;
	[tilespmem:s6+$0x260] =	vst v26  }
0x73: {  	v30 =	vadd.f32 v30, v4;
	v27 =	vcvt.f32.s32 v10;
	v17 =	vsel vm0, $0x3F800000, v2;
	[tilespmem:s6+$0x40] =	vst v19  }
0x74: {  	v33 =	vcvt.f32.s32 v24;
	v9 =	vsub.f32 v13, v9;
	v10 =	vmul.f32 v17, v21;
	[tilespmem:s6+$0x50] =	vst v18  }
0x75: {  	vm0 =	vge.f32 v20, $0.0e+00;
	v13 =	vtrunc.f32 v20;
	v21 =	vcvt.f32.s32 v32;
	[tilespmem:s6+$0x60] =	vst v22  }
0x76: {  	vm1 =	vle.f32 v20, $5.110000000e+02;
	v18 =	vtrunc.f32 v12;
	v19 =	vmul.f32 v10, v9;
	[tilespmem:s6+$0x270] =	vst v29  }
0x77: {  	vm2 =	vge.f32 v14, $0.0e+00;
	v24 =	vtrunc.f32 v30;
	v22 =	vcvt.s32.f32 v27;
	[tilespmem:s6+$0x70] =	vst v16;
	s6 =	sshra.s32 s3, $0x2;
	s3 =	smov.u32 s0  }
0x78: {  	vm3 =	vle.f32 v14, $5.110000000e+02;
	v29 =	vcvt.s32.f32 v21;
	v16 =	vcvt.s32.f32 v33;
	[tilespmem:s6+$0x4A60] =	vst v19  }
0x79: {  	v18 =	vcvt.f32.s32 v18;
	v25 =	vsub.f32 v14, v22;
	v19 =	vcvt.f32.s32 v13  }
0x7a: {  	v26 =	vsub.f32 v23, v16;
	v16 =	vcvt.f32.s32 v24;
	v24 =	vsub.f32 v31, v29  }
0x7b: {  	vm4 =	vge.f32 v12, $0.0e+00;
	v22 =	vcvt.s32.f32 v18;
	v13 =	vcvt.s32.f32 v19  }
0x7c: {  	vm6 =	vge.f32 v23, $0.0e+00;
	vm5 =	vle.f32 v12, $5.110000000e+02;
	v29 =	vcvt.s32.f32 v16  }
0x7d: {  	vm7 =	vle.f32 v23, $5.110000000e+02;
	vm8 =	vge.f32 v30, $0.0e+00;
	vm9 =	vle.f32 v30, $5.110000000e+02  }
0x7e: {  	vm10 =	vle.f32 v31, $5.110000000e+02;
	vm0 =	vmand vm0, vm1;
	vm1 =	vge.f32 v31, $0.0e+00  }
0x7f: {  	vm2 =	vmand vm2, vm3;
	vm3 =	vmand vm4, vm5;
	vm4 =	vmand vm6, vm7  }
0x80: {  	vm5 =	vmand vm8, vm9;
	vm1 =	vmand vm1, vm10;
	v23 =	vsub.f32 $1.000000000e+00, v25  }
0x81: {  	vm6 =	vgt.s32 v27, $0x0;
	v34 =	vsub.f32 $1.000000000e+00, v26;
	v35 =	vsub.f32 $1.000000000e+00, v24  }
0x82: {  	vm7 =	vgt.s32 v33, $0x0;
	v14 =	vsub.f32 v20, v13;
	v13 =	vsub.f32 v12, v22  }
0x83: {  	vm0 =	vmand vm0, vm2;
	vm2 =	vgt.s32 v28, $0x0;
	v12 =	vsub.f32 v30, v29  }
0x84: {  	vm4 =	vmand vm3, vm4;
	vm5 =	vmand vm5, vm1;
	vm8 =	vgt.s32 v21, $0x0  }
.Ltmp0:
0x85: {  	v28 =	vnsel vm2, $0x0, v28;
	v30 =	vnsel vm6, $0x0, v27;
	v29 =	vnsel vm7, $0x0, v33;
	(pc) =	sbr.rel @p0 .LBB2_2-.Ltmp0, $4  }
0x86: {  	v32 =	vsel vm4, $0x3F800000, v2;
	v31 =	vsel vm0, $0x3F800000, v2;
	vm3 =	vgt.s32 v19, $0x0  }
0x87: {  	vm1 =	vgt.s32 v11, $0x0;
	vm2 =	vgt.s32 v18, $0x0;
	v27 =	vnsel vm8, $0x0, v21  }
0x88: {  	s10 =	sadd.s32 $0x40, s10;
	vm0 =	vgt.s32 v16, $0x0;
	v22 =	vmul.f32 v31, v23;
	v33 =	vsel vm5, $0x3F800000, v2  }
0x89: {  	s11 =	sadd.s32 $0xFFFFFFFE, s10;
	s13 =	sadd.s32 $0xFFFFFFFF, s10;
	s0 =	sadd.s32 $0x100, s0;
	v23 =	vmul.f32 v32, v34;
	v21 =	vsub.f32 $1.000000000e+00, v14;
	v20 =	vmul.f32 v33, v35  }
0x8a: {  	s0 =	sadd.s32 $0xFFFFFFFD, s10;
	s9 =	scvt.s32.f32 s13;
	v25 =	vmul.f32 v31, v25;
	v26 =	vmul.f32 v32, v26;
	v57 =	vsub.f32 $1.000000000e+00, v13  }
0x8b: {  	v15 =	vmul.f32 v17, v15;
	v58 =	vsub.f32 $1.000000000e+00, v9;
	v24 =	vmul.f32 v33, v24;
	s0 =	scvt.s32.f32 s0  }
0x8c: {  	s11 =	scvt.s32.f32 s11;
	v60 =	vsub.f32 $1.000000000e+00, v12;
	v30 =	vmin.u32 v30, $0x1FF;
	v59 =	vadd.f32 s9, v1  }
0x8d: {  	s15 =	scvt.s32.f32 s10;
	v29 =	vmin.u32 v29, $0x1FF;
	v28 =	vmin.u32 v28, $0x1FF;
	v34 =	vadd.f32 s0, v1  }
0x8e: {  	v19 =	vnsel vm3, $0x0, v19;
	v35 =	vadd.f32 s11, v1;
	v32 =	vsub.f32 v59, v4  }
0x8f: {  	v18 =	vnsel vm2, $0x0, v18;
	v36 =	vadd.f32 s15, v1;
	v34 =	vsub.f32 v34, v4  }
0x90: {  	v11 =	vnsel vm1, $0x0, v11;
	v35 =	vsub.f32 v35, v4;
	v37 =	vmul.f32 v32, v32  }
0x91: {  	v27 =	vmin.u32 v27, $0x1FF;
	v36 =	vsub.f32 v36, v4;
	v38 =	vmul.f32 v34, v34  }
0x92: {  	v16 =	vnsel vm0, $0x0, v16;
	v39 =	vmul.f32 v35, v35;
	v37 =	vadd.f32 v37, v8  }
0x93: {  	v45 =	vmul.f32 v22, v14;
	v40 =	vmul.f32 v36, v36;
	v38 =	vadd.f32 v38, v8  }
0x94: {  	v30 =	vshll.u32 v30, $0x9;
	v39 =	vadd.f32 v39, v8;
	v37 =	vmul.f32 v37, v7  }
0x95: {  	v29 =	vshll.u32 v29, $0x9;
	v61 =	vadd.f32 v40, v8;
	v38 =	vmul.f32 v38, v7  }
0x96: {  	v28 =	vshll.u32 v28, $0x9;
	v39 =	vmul.f32 v39, v7;
	v37 =	vsub.f32 $1.000000000e+00, v37  }
0x97: {  	v19 =	vmin.u32 v19, $0x1FF;
	v62 =	vmul.f32 v61, v7;
	v63 =	vsub.f32 $1.000000000e+00, v38  }
0x98: {  	v43 =	vmul.f32 v22, v21;
	v40 =	vsub.f32 $1.000000000e+00, v39;
	(erf) = vrcp.f32 v37  }
0x99: {  	v47 =	vmul.f32 v23, v13;
	v7 =	vsub.f32 $1.000000000e+00, v62;
	(erf) = vrcp.f32 v63  }
0x9a: {  	v41 =	vmin.u32 v18, $0x1FF;
	v50 =	vmul.f32 v20, v12;
	(erf) = vrcp.f32 v40  }
0x9b: {  	v11 =	vmin.u32 v11, $0x1FF;
	v46 =	vmul.f32 v23, v57;
	(erf) = vrcp.f32 v7  }
0x9c: {  	v42 =	vshll.u32 v27, $0x9;
	v10 =	vmul.f32 v10, v58;
	v48 =	vmul.f32 v20, v60  }
0x9d: {  	v44 =	vmin.u32 v16, $0x1FF;
	v49 =	vmul.f32 v25, v21;
	v51 =	vmul.f32 v25, v14  }
0x9e: {  	v19 =	vor.u32 v19, v30;
	v18 =	vmul.f32 v26, v57;
	v13 =	vmul.f32 v26, v13  }
0x9f: {  	v11 =	vor.u32 v11, v28;
	v17 =	vmul.f32 v15, v58;
	v9 =	vmul.f32 v15, v9  }
0xa0: {  	v28 =	vmul.f32 v24, v60;
	v12 =	vmul.f32 v24, v12;
	v8 =	vor.u32 v41, v29  }
0xa1: {  	v25 =	vadd.s32 $0x200, v19;
	v33 =	vadd.s32 $0x200, v11;
	v15 =	vadd.s32 $0x200, v8;
	v52 =	vpop (erf)  }
0xa2: {  	v7 =	vor.u32 v44, v42;
	v53 =	vmul.f32 v52, v6;
	v54 =	vpop (erf);
	v26 =	vmul.f32 v52, v32  }
0xa3: {  	v37 =	vadd.s32 $0x200, v7;
	v55 =	vmul.f32 v54, v34;
	v56 =	vpop (erf);
	v31 =	vmul.f32 v54, v6  }
0xa4: {  	v57 =	vmul.f32 v56, v6;
	v34 =	vmul.f32 v56, v35;
	v30 =	vadd.f32 v53, v5;
	v58 =	vpop (erf)  }
0xa5: {  	v26 =	vadd.f32 v26, v4;
	v31 =	vadd.f32 v31, v5;
	v59 =	vmul.f32 v58, v6  }
0xa6: {  	v35 =	vmul.f32 v58, v36;
	v24 =	vadd.f32 v55, v4;
	v60 =	vadd.f32 v57, v5  }
0xa7: {  	v61 =	vtrunc.f32 v30;
	vm8 =	vge.f32 v26, $0.0e+00;
	vm9 =	vle.f32 v26, $5.110000000e+02  }
0xa8: {  	vm10 =	vge.f32 v30, $0.0e+00;
	vm11 =	vle.f32 v30, $5.110000000e+02;
	v44 =	vadd.f32 v34, v4  }
0xa9: {  	[tilespmem:s6+$0x4A40] =	vst v45;
	v36 =	vcvt.f32.s32 v61;
	v6 =	vadd.f32 v59, v5;
	v62 =	vtrunc.f32 v31  }
0xaa: {  	[tilespmem:s6+$0x4850] =	vst v46;
	v5 =	vtrunc.f32 v26;
	vm0 =	vmand vm8, vm9;
	vm12 =	vmand vm10, vm11  }
0xab: {  	[tilespmem:s6+$0x4870] =	vst v48;
	v46 =	vadd.f32 v35, v4;
	v48 =	vtrunc.f32 v24;
	vm13 =	vge.f32 v24, $0.0e+00  }
0xac: {  	[tilespmem:s6+$0x4840] =	vst v43;
	vm14 =	vle.f32 v24, $5.110000000e+02;
	vm15 =	vge.f32 v31, $0.0e+00;
	v63 =	vtrunc.f32 v60  }
0xad: {  	[tilespmem:s6+$0x4C40] =	vst v49;
	v5 =	vcvt.f32.s32 v5;
	vm0 =	vmand vm0, vm12;
	v49 =	vtrunc.f32 v44  }
0xae: {  	[tilespmem:s6+$0x4A50] =	vst v47;
	vm12 =	vle.f32 v31, $5.110000000e+02;
	vm4 =	vge.f32 v44, $0.0e+00;
	vm5 =	vle.f32 v44, $5.110000000e+02  }
0xaf: {  	[tilespmem:s6+$0x4A70] =	vst v50;
	vm6 =	vge.f32 v60, $0.0e+00;
	vm7 =	vle.f32 v60, $5.110000000e+02;
	v42 =	vcvt.s32.f32 v36  }
0xb0: {  	[tilespmem:s6+$0x40] =	vst v19;
	v43 =	vtrunc.f32 v6;
	v29 =	vsel vm0, $0x3F800000, v2;
	v35 =	vcvt.f32.s32 v63  }
0xb1: {  	[tilespmem:s6+$0x60] =	vst v11;
	v52 =	vtrunc.f32 v46;
	v21 =	vcvt.f32.s32 v49;
	vm8 =	vge.f32 v46, $0.0e+00  }
0xb2: {  	[tilespmem:s6+$0x4860] =	vst v10;
	vm0 =	vmand vm13, vm14;
	vm13 =	vle.f32 v46, $5.110000000e+02;
	vm2 =	vmand vm15, vm12  }
0xb3: {  	[tilespmem:s6+$0x4E40] =	vst v51;
	vm14 =	vge.f32 v6, $0.0e+00;
	vm9 =	vle.f32 v6, $5.110000000e+02;
	vm4 =	vmand vm4, vm5  }
0xb4: {  	[tilespmem:s6+$0x4C50] =	vst v18;
	vm15 =	vmand vm6, vm7;
	v45 =	vcvt.s32.f32 v5;
	v4 =	vcvt.f32.s32 v43  }
0xb5: {  	[tilespmem:s6+$0x4E60] =	vst v9;
	v9 =	vcvt.f32.s32 v52;
	vm1 =	vmand vm8, vm13;
	vm5 =	vmand vm4, vm15  }
0xb6: {  	[tilespmem:s6+$0x4E50] =	vst v13;
	vm6 =	vmand vm14, vm9;
	v16 =	vsub.f32 v30, v42;
	v30 =	vcvt.f32.s32 v62  }
0xb7: {  	[tilespmem:s6+$0x4C60] =	vst v17;
	v53 =	vcvt.s32.f32 v35;
	v58 =	vcvt.s32.f32 v21;
	v38 =	vsel vm5, $0x3F800000, v2  }
0xb8: {  	[tilespmem:s6+$0x4C70] =	vst v28;
	vm7 =	vmand vm1, vm6;
	vm9 =	vgt.s32 v35, $0x0;
	vm12 =	vgt.s32 v21, $0x0  }
0xb9: {  	[tilespmem:s6+$0x4E70] =	vst v12;
	v10 =	vsub.f32 v26, v45;
	v54 =	vcvt.s32.f32 v4;
	v26 =	vcvt.f32.s32 v48  }
0xba: {  	[tilespmem:s6+$0x240] =	vst v25;
	v59 =	vcvt.s32.f32 v9;
	v49 =	vnsel vm9, $0x0, v35;
	v27 =	vsub.f32 $1.000000000e+00, v16  }
0xbb: {  	[tilespmem:s6+$0x260] =	vst v33;
	v51 =	vcvt.s32.f32 v30;
	v56 =	vsub.f32 v60, v53;
	v63 =	vsub.f32 v44, v58  }
0xbc: {  	[tilespmem:s6+$0x50] =	vst v8;
	v16 =	vmul.f32 v29, v16;
	v53 =	vmin.u32 v49, $0x1FF;
	v43 =	vsub.f32 $1.000000000e+00, v10  }
0xbd: {  	[tilespmem:s6+$0x250] =	vst v15;
	v13 =	vsub.f32 v6, v54;
	v47 =	vmul.f32 v29, v27;
	v62 =	vsub.f32 $1.000000000e+00, v56  }
0xbe: {  	[tilespmem:s6+$0x70] =	vst v7;
	v22 =	vmul.f32 v38, v56;
	v56 =	vnsel vm12, $0x0, v21;
	v54 =	vmul.f32 v16, v43  }
0xbf: {  	s17 =	sshra.s32 s3, $0x2;
	[tilespmem:s6+$0x270] =	vst v37;
	v12 =	vsub.f32 v46, v59;
	v14 =	vshll.u32 v53, $0x9;
	v58 =	vmin.u32 v56, $0x1FF  }
0xc0: {  	v40 =	vsub.f32 $1.000000000e+00, v63;
	v50 =	vmul.f32 v47, v10;
	v59 =	vor.u32 v58, v14;
	[tilespmem:s17+$0x4C60] =	vst v54  }
0xc1: {  	vm0 =	vmand vm0, vm2;
	v42 =	vsel vm7, $0x3F800000, v2;
	v46 =	vmul.f32 v47, v43;
	[tilespmem:s17+$0x50] =	vst v59  }
0xc2: {  	v57 =	vcvt.s32.f32 v26;
	v55 =	vsub.f32 v31, v51;
	v8 =	vmul.f32 v22, v40;
	[tilespmem:s17+$0x4A60] =	vst v50  }
0xc3: {  	v45 =	vsub.f32 $1.000000000e+00, v12;
	v51 =	vmul.f32 v42, v13;
	v52 =	vmul.f32 v22, v63;
	[tilespmem:s17+$0x4860] =	vst v46  }
0xc4: {  	v32 =	vsel vm0, $0x3F800000, v2;
	v39 =	vmul.f32 v38, v62;
	v10 =	vmul.f32 v16, v10;
	[tilespmem:s17+$0x4C50] =	vst v8  }
0xc5: {  	v61 =	vsub.f32 v24, v57;
	v37 =	vsub.f32 $1.000000000e+00, v13;
	v57 =	vmul.f32 v51, v45;
	[tilespmem:s17+$0x4E50] =	vst v52  }
0xc6: {  	v17 =	vmul.f32 v32, v55;
	v44 =	vmul.f32 v39, v40;
	[tilespmem:s17+$0x4E60] =	vst v10  }
0xc7: {  	v23 =	vmul.f32 v42, v37;
	v7 =	vmul.f32 v39, v63;
	[tilespmem:s17+$0x4C70] =	vst v57  }
0xc8: {  	v15 =	vmul.f32 v17, v61;
	[tilespmem:s17+$0x4850] =	vst v44  }
0xc9: {  	v60 =	vsub.f32 $1.000000000e+00, v55;
	v33 =	vsub.f32 $1.000000000e+00, v61;
	v47 =	vmul.f32 v23, v45;
	[tilespmem:s17+$0x4A50] =	vst v7  }
0xca: {  	vm13 =	vgt.s32 v5, $0x0;
	v23 =	vmul.f32 v23, v12;
	[tilespmem:s17+$0x4E40] =	vst v15  }
0xcb: {  	v5 =	vnsel vm13, $0x0, v5;
	v6 =	vmul.f32 v32, v60;
	v11 =	vmul.f32 v17, v33;
	[tilespmem:s17+$0x4870] =	vst v47  }
0xcc: {  	vm10 =	vgt.s32 v36, $0x0;
	v5 =	vmin.u32 v5, $0x1FF;
	vm8 =	vgt.s32 v30, $0x0;
	[tilespmem:s17+$0x4A70] =	vst v23  }
0xcd: {  	v41 =	vmul.f32 v6, v33;
	v6 =	vmul.f32 v6, v61;
	v61 =	vadd.s32 $0x200, v59;
	[tilespmem:s17+$0x4C40] =	vst v11  }
0xce: {  	vm14 =	vgt.s32 v4, $0x0;
	v48 =	vnsel vm8, $0x0, v30;
	vm11 =	vgt.s32 v26, $0x0;
	[tilespmem:s17+$0x250] =	vst v61  }
0xcf: {  	v55 =	vnsel vm11, $0x0, v26;
	v7 =	vmin.u32 v48, $0x1FF;
	v11 =	vmul.f32 v51, v12;
	[tilespmem:s17+$0x4840] =	vst v41  }
0xd0: {  	v50 =	vnsel vm10, $0x0, v36;
	v8 =	vmin.u32 v55, $0x1FF;
	v7 =	vshll.u32 v7, $0x9;
	[tilespmem:s17+$0x4A40] =	vst v6  }
0xd1: {  	vm15 =	vgt.s32 v9, $0x0;
	v6 =	vmin.u32 v50, $0x1FF;
	v7 =	vor.u32 v8, v7;
	[tilespmem:s17+$0x4E70] =	vst v11  }
0xd2: {  	v4 =	vnsel vm14, $0x0, v4;
	v6 =	vshll.u32 v6, $0x9;
	v60 =	vadd.s32 $0x200, v7;
	[tilespmem:s17+$0x40] =	vst v7  }
0xd3: {  	v4 =	vmin.u32 v4, $0x1FF;
	v63 =	vnsel vm15, $0x0, v9;
	v5 =	vor.u32 v5, v6;
	[tilespmem:s17+$0x240] =	vst v60  }
0xd4: {  	v4 =	vshll.u32 v4, $0x9;
	v6 =	vmin.u32 v63, $0x1FF;
	v62 =	vadd.s32 $0x200, v5;
	[tilespmem:s17+$0x60] =	vst v5  }
0xd5: {  	v4 =	vor.u32 v6, v4;
	[tilespmem:s17+$0x260] =	vst v62  }
0xd6: {  	v6 =	vadd.s32 $0x200, v4;
	[tilespmem:s17+$0x70] =	vst v4  }
0xd7: {  	s30 =	simm.s32 $0x40;
	[tilespmem:s17+$0x270] =	vst v6  }
0xd8: {  	[tilespmem:s14], [sflag:$0x1] =	stream.indirect.gather [hbm4b:s4+s12], $0x8, s30, s12, $0xb8;
	[tilespmem:$0x5B40] =	vst v63  }
0xd9: {  	s31 =	simm.s32 $0x240;
	s3 =	simm.s32 $0x0  }
0xda: {  	[tilespmem:s16], [sflag:$0x1] =	stream.indirect.gather [hbm4b:s4+s12], $0x8, s31, s12, $0xb8;
	[tilespmem:$0x5B40] =	vst v63  }
.LBB2_4:
0xdb: {  	s10 =	sshll.u32 s3, $0xA;
	v5 =	vld [tilespmem:$0x30]  }
0xdc: {  	v4 =	vld [tilespmem:$0x20];
	s0 =	simm.s32 $0x2;
	s13 =	simm.s32 $0x0;
	s11 =	sor.u32 s10, s5  }
0xdd: {  	s15 =	simm.s32 $0x1;
	s0 =	scvt.s32.f32 s0;
	s6 =	sor.u32 $0x200, s11  }
0xde: {  	s13 =	scvt.s32.f32 s13;
	s15 =	scvt.s32.f32 s15;
	s9 =	sshrl.u32 s6, $0x9  }
0xdf: {  	s30 =	simm.s32 $0x3;
	v7 =	vadd.f32 s0, v1;
	s9 =	scvt.s32.f32 s9  }
0xe0: {  	s17 =	scvt.s32.f32 s30;
	v8 =	vadd.f32 s13, v1;
	v9 =	vadd.f32 s15, v1  }
0xe1: {  	v10 =	vsub.f32 v7, v4;
	v6 =	vsub.f32 s9, v5  }
0xe2: {  	v11 =	vadd.f32 s17, v1;
	v7 =	vld [tilespmem:$0x0];
	v12 =	vsub.f32 v8, v4  }
0xe3: {  	v9 =	vsub.f32 v9, v4;
	v13 =	vmul.f32 v10, v10;
	v8 =	vmul.f32 v6, v6  }
0xe4: {  	v14 =	vmul.f32 v12, v12  }
0xe5: {  	v11 =	vsub.f32 v11, v4;
	v15 =	vmul.f32 v9, v9;
	v13 =	vadd.f32 v13, v8  }
0xe6: {  	v14 =	vadd.f32 v14, v8  }
0xe7: {  	v16 =	vmul.f32 v11, v11;
	v15 =	vadd.f32 v15, v8;
	v13 =	vmul.f32 v13, v7  }
0xe8: {  	v14 =	vmul.f32 v14, v7  }
0xe9: {  	v16 =	vadd.f32 v16, v8;
	v15 =	vmul.f32 v15, v7;
	v13 =	vsub.f32 $1.000000000e+00, v13  }
0xea: {  	v14 =	vsub.f32 $1.000000000e+00, v14  }
0xeb: {  	v16 =	vmul.f32 v16, v7;
	v15 =	vsub.f32 $1.000000000e+00, v15;
	(erf) = vrcp.f32 v13  }
0xec: {  	(erf) = vrcp.f32 v14  }
0xed: {  	v13 =	vsub.f32 $1.000000000e+00, v16;
	(erf) = vrcp.f32 v15;
	_ =	sdelay $0x1  }
0xee: {  	(erf) = vrcp.f32 v13;
	_ =	sdelay $0x4  }
0xef: {  	v13 =	vpop (erf)  }
0xf0: {  	v14 =	vmul.f32 v13, v6;
	v15 =	vpop (erf);
	v10 =	vmul.f32 v13, v10  }
0xf1: {  	v12 =	vmul.f32 v15, v12;
	v15 =	vmul.f32 v15, v6;
	v16 =	vpop (erf)  }
0xf2: {  	v9 =	vmul.f32 v16, v9;
	v16 =	vmul.f32 v16, v6;
	v14 =	vadd.f32 v14, v5  }
0xf3: {  	v17 =	vpop (erf);
	v10 =	vadd.f32 v10, v4;
	v18 =	vadd.f32 v15, v5  }
0xf4: {  	v13 =	vmul.f32 v17, v6;
	v12 =	vadd.f32 v12, v4;
	v20 =	vadd.f32 v16, v5  }
0xf5: {  	v15 =	vtrunc.f32 v14;
	v16 =	vmul.f32 v17, v11;
	vm0 =	vge.f32 v10, $0.0e+00  }
0xf6: {  	vm1 =	vle.f32 v10, $5.110000000e+02;
	vm2 =	vge.f32 v14, $0.0e+00;
	v11 =	vtrunc.f32 v10  }
0xf7: {  	vm3 =	vle.f32 v14, $5.110000000e+02;
	v23 =	vadd.f32 v9, v4;
	v21 =	vcvt.f32.s32 v15  }
0xf8: {  	v13 =	vadd.f32 v13, v5;
	v17 =	vtrunc.f32 v18;
	v11 =	vcvt.f32.s32 v11  }
0xf9: {  	vm0 =	vmand vm0, vm1;
	vm1 =	vmand vm2, vm3;
	vm2 =	vge.f32 v18, $0.0e+00  }
0xfa: {  	vm3 =	vle.f32 v18, $5.110000000e+02;
	v19 =	vtrunc.f32 v20;
	vm0 =	vmand vm0, vm1  }
0xfb: {  	v27 =	vcvt.f32.s32 v17;
	v28 =	vadd.f32 v16, v4;
	vm1 =	vle.f32 v12, $5.110000000e+02  }
0xfc: {  	v16 =	vtrunc.f32 v23;
	vm4 =	vge.f32 v23, $0.0e+00;
	vm5 =	vle.f32 v23, $5.110000000e+02  }
0xfd: {  	vm6 =	vge.f32 v20, $0.0e+00;
	vm7 =	vle.f32 v20, $5.110000000e+02;
	v15 =	vcvt.s32.f32 v21  }
0xfe: {  	vm2 =	vmand vm2, vm3;
	v22 =	vtrunc.f32 v13;
	v9 =	vcvt.s32.f32 v11  }
0xff: {  	v17 =	vsel vm0, $0x3F800000, v2;
	v29 =	vcvt.f32.s32 v19;
	vm0 =	vge.f32 v12, $0.0e+00  }
0x100: {  	vm3 =	vge.f32 v13, $0.0e+00;
	vm9 =	vle.f32 v13, $5.110000000e+02;
	vm4 =	vmand vm4, vm5  }
0x101: {  	vm5 =	vmand vm6, vm7;
	v22 =	vcvt.f32.s32 v22;
	v24 =	vcvt.s32.f32 v27  }
0x102: {  	v30 =	vtrunc.f32 v28;
	vm8 =	vge.f32 v28, $0.0e+00;
	vm0 =	vmand vm0, vm1  }
0x103: {  	vm1 =	vle.f32 v28, $5.110000000e+02;
	vm3 =	vmand vm3, vm9;
	vm13 =	vgt.s32 v27, $0x0  }
0x104: {  	vm4 =	vmand vm4, vm5;
	v15 =	vsub.f32 v14, v15;
	v9 =	vsub.f32 v10, v9  }
0x105: {  	v26 =	vcvt.s32.f32 v29;
	vm1 =	vmand vm8, vm1;
	vm14 =	vgt.s32 v29, $0x0  }
0x106: {  	vm0 =	vmand vm0, vm2;
	vm2 =	vgt.s32 v21, $0x0;
	v32 =	vsel vm4, $0x3F800000, v2  }
0x107: {  	v31 =	vcvt.s32.f32 v22;
	v25 =	vsub.f32 v18, v24;
	v18 =	vcvt.f32.s32 v16  }
0x108: {  	v16 =	vcvt.f32.s32 v30;
	vm5 =	vmand vm1, vm3;
	vm15 =	vgt.s32 v22, $0x0  }
0x109: {  	v29 =	vnsel vm14, $0x0, v29;
	vm1 =	vgt.s32 v11, $0x0;
	v14 =	vsub.f32 $1.000000000e+00, v15  }
0x10a: {  	v26 =	vsub.f32 v20, v26;
	v33 =	vsel vm5, $0x3F800000, v2;
	v30 =	vcvt.s32.f32 v18  }
0x10b: {  	v24 =	vsub.f32 v13, v31;
	v10 =	vmul.f32 v17, v14;
	v14 =	vtrunc.f32 v12  }
0x10c: {  	v20 =	vsub.f32 $1.000000000e+00, v25;
	v35 =	vsub.f32 $1.000000000e+00, v26;
	v19 =	vcvt.f32.s32 v14  }
0x10d: {  	v31 =	vcvt.s32.f32 v16;
	v36 =	vsub.f32 $1.000000000e+00, v24;
	v13 =	vsub.f32 v23, v30  }
0x10e: {  	v30 =	vnsel vm13, $0x0, v27;
	v27 =	vnsel vm15, $0x0, v22;
	v14 =	vcvt.s32.f32 v19  }
0x10f: {  	v34 =	vmul.f32 v10, v9;
	v23 =	vmul.f32 v32, v35;
	vm3 =	vgt.s32 v19, $0x0  }
0x110: {  	v14 =	vsub.f32 v12, v14;
	v12 =	vsub.f32 v28, v31;
	v28 =	vnsel vm2, $0x0, v21  }
0x111: {  	s31 =	simm.s32 $0x100;
	s30 =	simm.s32 $0x0;
	s0 =	simm.s32 $0x43;
	v31 =	vsel vm0, $0x3F800000, v2;
	vm2 =	vgt.s32 v18, $0x0;
	vm0 =	vgt.s32 v16, $0x0  }
0x112: {  	s15 =	simm.s32 $0x41;
	s13 =	simm.s32 $0x200;
	s9 =	simm.s32 $0x42;
	[tilespmem:s30+$0x5260] =	vst v34;
	v22 =	vmul.f32 v31, v20;
	v20 =	vmul.f32 v33, v36;
	v21 =	vsub.f32 $1.000000000e+00, v14  }
.LBB2_5:
0x113: {  	p0 =	sne.s32 s13, $0x700;
	s17 =	sadd.s32 $0xFFFFFFFD, s0;
	s9 =	scvt.s32.f32 s9;
	v25 =	vmul.f32 v31, v25;
	v26 =	vmul.f32 v32, v26;
	v31 =	vsub.f32 $1.000000000e+00, v13  }
0x114: {  	s15 =	scvt.s32.f32 s15;
	v15 =	vmul.f32 v17, v15;
	v17 =	vsub.f32 $1.000000000e+00, v9;
	v24 =	vmul.f32 v33, v24;
	s17 =	scvt.s32.f32 s17  }
0x115: {  	v30 =	vmin.u32 v30, $0x1FF;
	v33 =	vsub.f32 $1.000000000e+00, v12;
	v32 =	vadd.f32 s9, v1;
	s9 =	scvt.s32.f32 s0  }
0x116: {  	v29 =	vmin.u32 v29, $0x1FF;
	v35 =	vadd.f32 s15, v1;
	v34 =	vadd.f32 s17, v1  }
0x117: {  	v28 =	vmin.u32 v28, $0x1FF;
	v32 =	vsub.f32 v32, v4;
	v36 =	vadd.f32 s9, v1  }
0x118: {  	v19 =	vnsel vm3, $0x0, v19;
	v35 =	vsub.f32 v35, v4;
	v34 =	vsub.f32 v34, v4  }
0x119: {  	v18 =	vnsel vm2, $0x0, v18;
	v37 =	vmul.f32 v32, v32;
	v36 =	vsub.f32 v36, v4  }
0x11a: {  	v11 =	vnsel vm1, $0x0, v11;
	v39 =	vmul.f32 v35, v35;
	v38 =	vmul.f32 v34, v34  }
0x11b: {  	v27 =	vmin.u32 v27, $0x1FF;
	v37 =	vadd.f32 v37, v8;
	v40 =	vmul.f32 v36, v36  }
0x11c: {  	v16 =	vnsel vm0, $0x0, v16;
	v39 =	vadd.f32 v39, v8;
	v38 =	vadd.f32 v38, v8  }
0x11d: {  	v30 =	vshll.u32 v30, $0x9;
	v37 =	vmul.f32 v37, v7;
	v40 =	vadd.f32 v40, v8  }
0x11e: {  	v29 =	vshll.u32 v29, $0x9;
	v39 =	vmul.f32 v39, v7;
	v38 =	vmul.f32 v38, v7  }
0x11f: {  	v28 =	vshll.u32 v28, $0x9;
	v37 =	vsub.f32 $1.000000000e+00, v37;
	v40 =	vmul.f32 v40, v7  }
0x120: {  	v19 =	vmin.u32 v19, $0x1FF;
	v39 =	vsub.f32 $1.000000000e+00, v39;
	v38 =	vsub.f32 $1.000000000e+00, v38  }
0x121: {  	v18 =	vmin.u32 v18, $0x1FF;
	v40 =	vsub.f32 $1.000000000e+00, v40;
	(erf) = vrcp.f32 v37  }
0x122: {  	v11 =	vmin.u32 v11, $0x1FF;
	v27 =	vshll.u32 v27, $0x9;
	(erf) = vrcp.f32 v38  }
0x123: {  	v16 =	vmin.u32 v16, $0x1FF;
	v37 =	vmul.f32 v22, v21;
	(erf) = vrcp.f32 v39  }
0x124: {  	v19 =	vor.u32 v19, v30;
	v22 =	vmul.f32 v22, v14;
	(erf) = vrcp.f32 v40  }
0x125: {  	v18 =	vor.u32 v18, v29;
	v29 =	vmul.f32 v23, v31;
	v23 =	vmul.f32 v23, v13;
	[tilespmem:s30+$0x5040] =	vst v37  }
0x126: {  	v10 =	vmul.f32 v10, v17;
	[tilespmem:s30+$0x5240] =	vst v22;
	v22 =	vor.u32 v11, v28;
	v11 =	vmul.f32 v20, v33  }
0x127: {  	v16 =	vor.u32 v16, v27;
	v21 =	vmul.f32 v25, v21;
	v20 =	vmul.f32 v20, v12;
	[tilespmem:s30+$0x5050] =	vst v29  }
0x128: {  	v27 =	vadd.s32 $0x200, v19;
	v14 =	vmul.f32 v25, v14;
	[tilespmem:s30+$0x5250] =	vst v23;
	v23 =	vmul.f32 v26, v31  }
0x129: {  	v13 =	vmul.f32 v26, v13;
	v25 =	vadd.s32 $0x200, v18;
	[tilespmem:s30+$0x5060] =	vst v10;
	v10 =	vmul.f32 v15, v17  }
0x12a: {  	v9 =	vmul.f32 v15, v9;
	v26 =	vadd.s32 $0x200, v22;
	v17 =	vpop (erf);
	[tilespmem:s30+$0x5070] =	vst v11;
	v11 =	vmul.f32 v24, v33  }
0x12b: {  	v12 =	vmul.f32 v24, v12;
	v29 =	vadd.s32 $0x200, v16;
	v15 =	vmul.f32 v17, v6;
	v28 =	vpop (erf);
	[tilespmem:s30+$0x5270] =	vst v20  }
0x12c: {  	v20 =	vmul.f32 v28, v34;
	v24 =	vmul.f32 v28, v6;
	v28 =	vpop (erf);
	[tilespmem:s30+$0x5440] =	vst v21  }
0x12d: {  	v21 =	vmul.f32 v28, v35;
	v28 =	vmul.f32 v28, v6;
	v15 =	vadd.f32 v15, v5;
	v30 =	vpop (erf);
	[tilespmem:s30+$0x5640] =	vst v14  }
0x12e: {  	v17 =	vmul.f32 v17, v32;
	v14 =	vadd.f32 v24, v5;
	v24 =	vmul.f32 v30, v6;
	[tilespmem:s30+$0x5450] =	vst v23  }
0x12f: {  	v30 =	vmul.f32 v30, v36;
	v23 =	vadd.f32 v28, v5;
	v28 =	vtrunc.f32 v15;
	[tilespmem:s30+$0x5650] =	vst v13  }
0x130: {  	v13 =	vadd.f32 v17, v4;
	v28 =	vcvt.f32.s32 v28;
	v31 =	vadd.f32 v24, v5;
	[tilespmem:s30+$0x5460] =	vst v10  }
0x131: {  	v20 =	vadd.f32 v20, v4;
	v10 =	vtrunc.f32 v14;
	v24 =	vtrunc.f32 v23;
	[tilespmem:s30+$0x5660] =	vst v9  }
0x132: {  	vm0 =	vge.f32 v13, $0.0e+00;
	v9 =	vcvt.s32.f32 v28;
	v32 =	vtrunc.f32 v31;
	[tilespmem:s30+$0x5470] =	vst v11  }
0x133: {  	vm2 =	vge.f32 v15, $0.0e+00;
	vm1 =	vle.f32 v13, $5.110000000e+02;
	v11 =	vtrunc.f32 v13;
	[tilespmem:s30+$0x5670] =	vst v12  }
0x134: {  	vm3 =	vle.f32 v15, $5.110000000e+02;
	v11 =	vcvt.f32.s32 v11;
	v15 =	vsub.f32 v15, v9;
	[tilespmem:s30+$0x640] =	vst v27  }
0x135: {  	vm0 =	vmand vm0, vm1;
	vm1 =	vmand vm2, vm3;
	v12 =	vadd.f32 v21, v4;
	[tilespmem:s30+$0x650] =	vst v25  }
0x136: {  	vm0 =	vmand vm0, vm1;
	v9 =	vcvt.s32.f32 v11;
	v21 =	vsub.f32 $1.000000000e+00, v15;
	[tilespmem:s30+$0x660] =	vst v26  }
0x137: {  	v30 =	vadd.f32 v30, v4;
	v27 =	vcvt.f32.s32 v10;
	v17 =	vsel vm0, $0x3F800000, v2;
	[tilespmem:s30+$0x440] =	vst v19  }
0x138: {  	v33 =	vcvt.f32.s32 v24;
	v9 =	vsub.f32 v13, v9;
	v10 =	vmul.f32 v17, v21;
	[tilespmem:s30+$0x450] =	vst v18  }
0x139: {  	vm0 =	vge.f32 v20, $0.0e+00;
	v13 =	vtrunc.f32 v20;
	v21 =	vcvt.f32.s32 v32;
	[tilespmem:s30+$0x460] =	vst v22  }
0x13a: {  	vm1 =	vle.f32 v20, $5.110000000e+02;
	v18 =	vtrunc.f32 v12;
	v19 =	vmul.f32 v10, v9;
	[tilespmem:s30+$0x670] =	vst v29  }
0x13b: {  	vm2 =	vge.f32 v14, $0.0e+00;
	v24 =	vtrunc.f32 v30;
	v22 =	vcvt.s32.f32 v27;
	[tilespmem:s30+$0x470] =	vst v16;
	s30 =	sshra.s32 s31, $0x2;
	s31 =	smov.u32 s13  }
0x13c: {  	vm3 =	vle.f32 v14, $5.110000000e+02;
	v29 =	vcvt.s32.f32 v21;
	v16 =	vcvt.s32.f32 v33;
	[tilespmem:s30+$0x5260] =	vst v19  }
0x13d: {  	v18 =	vcvt.f32.s32 v18;
	v25 =	vsub.f32 v14, v22;
	v19 =	vcvt.f32.s32 v13  }
0x13e: {  	v26 =	vsub.f32 v23, v16;
	v16 =	vcvt.f32.s32 v24;
	v24 =	vsub.f32 v31, v29  }
0x13f: {  	vm4 =	vge.f32 v12, $0.0e+00;
	v22 =	vcvt.s32.f32 v18;
	v13 =	vcvt.s32.f32 v19  }
0x140: {  	vm6 =	vge.f32 v23, $0.0e+00;
	vm5 =	vle.f32 v12, $5.110000000e+02;
	v29 =	vcvt.s32.f32 v16  }
0x141: {  	vm7 =	vle.f32 v23, $5.110000000e+02;
	vm8 =	vge.f32 v30, $0.0e+00;
	vm9 =	vle.f32 v30, $5.110000000e+02  }
0x142: {  	vm10 =	vle.f32 v31, $5.110000000e+02;
	vm0 =	vmand vm0, vm1;
	vm1 =	vge.f32 v31, $0.0e+00  }
0x143: {  	vm2 =	vmand vm2, vm3;
	vm3 =	vmand vm4, vm5;
	vm4 =	vmand vm6, vm7  }
0x144: {  	vm5 =	vmand vm8, vm9;
	vm1 =	vmand vm1, vm10;
	v23 =	vsub.f32 $1.000000000e+00, v25  }
0x145: {  	vm6 =	vgt.s32 v27, $0x0;
	v34 =	vsub.f32 $1.000000000e+00, v26;
	v35 =	vsub.f32 $1.000000000e+00, v24  }
0x146: {  	vm7 =	vgt.s32 v33, $0x0;
	v14 =	vsub.f32 v20, v13;
	v13 =	vsub.f32 v12, v22  }
0x147: {  	vm0 =	vmand vm0, vm2;
	vm2 =	vgt.s32 v28, $0x0;
	v12 =	vsub.f32 v30, v29  }
0x148: {  	vm4 =	vmand vm3, vm4;
	vm5 =	vmand vm5, vm1;
	vm8 =	vgt.s32 v21, $0x0  }
.Ltmp1:
0x149: {  	v28 =	vnsel vm2, $0x0, v28;
	v30 =	vnsel vm6, $0x0, v27;
	v29 =	vnsel vm7, $0x0, v33;
	(pc) =	sbr.rel @p0 .LBB2_5-.Ltmp1, $4  }
0x14a: {  	v32 =	vsel vm4, $0x3F800000, v2;
	v31 =	vsel vm0, $0x3F800000, v2;
	vm3 =	vgt.s32 v19, $0x0  }
0x14b: {  	vm1 =	vgt.s32 v11, $0x0;
	vm2 =	vgt.s32 v18, $0x0;
	v27 =	vnsel vm8, $0x0, v21  }
0x14c: {  	s0 =	sadd.s32 $0x40, s0;
	vm0 =	vgt.s32 v16, $0x0;
	v22 =	vmul.f32 v31, v23;
	v33 =	vsel vm5, $0x3F800000, v2  }
0x14d: {  	s15 =	sadd.s32 $0xFFFFFFFE, s0;
	s9 =	sadd.s32 $0xFFFFFFFF, s0;
	s13 =	sadd.s32 $0x100, s13;
	v23 =	vmul.f32 v32, v34;
	v21 =	vsub.f32 $1.000000000e+00, v14;
	v20 =	vmul.f32 v33, v35  }
0x14e: {  	s13 =	sadd.s32 $0xFFFFFFFD, s0;
	s9 =	scvt.s32.f32 s9;
	v25 =	vmul.f32 v31, v25;
	v26 =	vmul.f32 v32, v26;
	v57 =	vsub.f32 $1.000000000e+00, v13  }
0x14f: {  	v15 =	vmul.f32 v17, v15;
	v58 =	vsub.f32 $1.000000000e+00, v9;
	v24 =	vmul.f32 v33, v24;
	s13 =	scvt.s32.f32 s13  }
0x150: {  	s15 =	scvt.s32.f32 s15;
	v60 =	vsub.f32 $1.000000000e+00, v12;
	v30 =	vmin.u32 v30, $0x1FF;
	v59 =	vadd.f32 s9, v1  }
0x151: {  	v29 =	vmin.u32 v29, $0x1FF;
	v28 =	vmin.u32 v28, $0x1FF;
	s9 =	scvt.s32.f32 s0;
	v34 =	vadd.f32 s13, v1  }
0x152: {  	v19 =	vnsel vm3, $0x0, v19;
	v35 =	vadd.f32 s15, v1;
	v32 =	vsub.f32 v59, v4  }
0x153: {  	v18 =	vnsel vm2, $0x0, v18;
	v36 =	vadd.f32 s9, v1;
	v34 =	vsub.f32 v34, v4  }
0x154: {  	v11 =	vnsel vm1, $0x0, v11;
	v35 =	vsub.f32 v35, v4;
	v37 =	vmul.f32 v32, v32  }
0x155: {  	v27 =	vmin.u32 v27, $0x1FF;
	v36 =	vsub.f32 v36, v4;
	v38 =	vmul.f32 v34, v34  }
0x156: {  	v16 =	vnsel vm0, $0x0, v16;
	v39 =	vmul.f32 v35, v35;
	v37 =	vadd.f32 v37, v8  }
0x157: {  	v45 =	vmul.f32 v22, v14;
	v40 =	vmul.f32 v36, v36;
	v38 =	vadd.f32 v38, v8  }
0x158: {  	v30 =	vshll.u32 v30, $0x9;
	v39 =	vadd.f32 v39, v8;
	v37 =	vmul.f32 v37, v7  }
0x159: {  	v29 =	vshll.u32 v29, $0x9;
	v61 =	vadd.f32 v40, v8;
	v38 =	vmul.f32 v38, v7  }
0x15a: {  	v28 =	vshll.u32 v28, $0x9;
	v39 =	vmul.f32 v39, v7;
	v37 =	vsub.f32 $1.000000000e+00, v37  }
0x15b: {  	v19 =	vmin.u32 v19, $0x1FF;
	v62 =	vmul.f32 v61, v7;
	v63 =	vsub.f32 $1.000000000e+00, v38  }
0x15c: {  	v43 =	vmul.f32 v22, v21;
	v40 =	vsub.f32 $1.000000000e+00, v39;
	(erf) = vrcp.f32 v37  }
0x15d: {  	v47 =	vmul.f32 v23, v13;
	v7 =	vsub.f32 $1.000000000e+00, v62;
	(erf) = vrcp.f32 v63  }
0x15e: {  	v41 =	vmin.u32 v18, $0x1FF;
	v50 =	vmul.f32 v20, v12;
	(erf) = vrcp.f32 v40  }
0x15f: {  	v11 =	vmin.u32 v11, $0x1FF;
	v46 =	vmul.f32 v23, v57;
	(erf) = vrcp.f32 v7  }
0x160: {  	v42 =	vshll.u32 v27, $0x9;
	v10 =	vmul.f32 v10, v58;
	v48 =	vmul.f32 v20, v60  }
0x161: {  	v44 =	vmin.u32 v16, $0x1FF;
	v49 =	vmul.f32 v25, v21;
	v51 =	vmul.f32 v25, v14  }
0x162: {  	v19 =	vor.u32 v19, v30;
	v18 =	vmul.f32 v26, v57;
	v13 =	vmul.f32 v26, v13  }
0x163: {  	v11 =	vor.u32 v11, v28;
	v17 =	vmul.f32 v15, v58;
	v9 =	vmul.f32 v15, v9  }
0x164: {  	v28 =	vmul.f32 v24, v60;
	v12 =	vmul.f32 v24, v12;
	v8 =	vor.u32 v41, v29  }
0x165: {  	v25 =	vadd.s32 $0x200, v19;
	v33 =	vadd.s32 $0x200, v11;
	v15 =	vadd.s32 $0x200, v8;
	v52 =	vpop (erf)  }
0x166: {  	v7 =	vor.u32 v44, v42;
	v53 =	vmul.f32 v52, v6;
	v54 =	vpop (erf);
	v26 =	vmul.f32 v52, v32  }
0x167: {  	v37 =	vadd.s32 $0x200, v7;
	v55 =	vmul.f32 v54, v34;
	v56 =	vpop (erf);
	v31 =	vmul.f32 v54, v6  }
0x168: {  	v57 =	vmul.f32 v56, v6;
	v34 =	vmul.f32 v56, v35;
	v30 =	vadd.f32 v53, v5;
	v58 =	vpop (erf)  }
0x169: {  	v26 =	vadd.f32 v26, v4;
	v31 =	vadd.f32 v31, v5;
	v59 =	vmul.f32 v58, v6  }
0x16a: {  	v35 =	vmul.f32 v58, v36;
	v24 =	vadd.f32 v55, v4;
	v60 =	vadd.f32 v57, v5  }
0x16b: {  	v61 =	vtrunc.f32 v30;
	vm8 =	vge.f32 v26, $0.0e+00;
	vm9 =	vle.f32 v26, $5.110000000e+02  }
0x16c: {  	vm10 =	vge.f32 v30, $0.0e+00;
	vm11 =	vle.f32 v30, $5.110000000e+02;
	v44 =	vadd.f32 v34, v4  }
0x16d: {  	[tilespmem:s30+$0x5240] =	vst v45;
	v36 =	vcvt.f32.s32 v61;
	v6 =	vadd.f32 v59, v5;
	v62 =	vtrunc.f32 v31  }
0x16e: {  	[tilespmem:s30+$0x5050] =	vst v46;
	v5 =	vtrunc.f32 v26;
	vm0 =	vmand vm8, vm9;
	vm12 =	vmand vm10, vm11  }
0x16f: {  	[tilespmem:s30+$0x5070] =	vst v48;
	v46 =	vadd.f32 v35, v4;
	v48 =	vtrunc.f32 v24;
	vm13 =	vge.f32 v24, $0.0e+00  }
0x170: {  	[tilespmem:s30+$0x5040] =	vst v43;
	vm14 =	vle.f32 v24, $5.110000000e+02;
	vm15 =	vge.f32 v31, $0.0e+00;
	v63 =	vtrunc.f32 v60  }
0x171: {  	[tilespmem:s30+$0x5440] =	vst v49;
	v5 =	vcvt.f32.s32 v5;
	vm0 =	vmand vm0, vm12;
	v49 =	vtrunc.f32 v44  }
0x172: {  	[tilespmem:s30+$0x5250] =	vst v47;
	vm12 =	vle.f32 v31, $5.110000000e+02;
	vm4 =	vge.f32 v44, $0.0e+00;
	vm5 =	vle.f32 v44, $5.110000000e+02  }
0x173: {  	[tilespmem:s30+$0x5270] =	vst v50;
	vm6 =	vge.f32 v60, $0.0e+00;
	vm7 =	vle.f32 v60, $5.110000000e+02;
	v42 =	vcvt.s32.f32 v36  }
0x174: {  	[tilespmem:s30+$0x440] =	vst v19;
	v43 =	vtrunc.f32 v6;
	v29 =	vsel vm0, $0x3F800000, v2;
	v35 =	vcvt.f32.s32 v63  }
0x175: {  	[tilespmem:s30+$0x460] =	vst v11;
	v52 =	vtrunc.f32 v46;
	v21 =	vcvt.f32.s32 v49;
	vm8 =	vge.f32 v46, $0.0e+00  }
0x176: {  	[tilespmem:s30+$0x5060] =	vst v10;
	vm0 =	vmand vm13, vm14;
	vm13 =	vle.f32 v46, $5.110000000e+02;
	vm2 =	vmand vm15, vm12  }
0x177: {  	[tilespmem:s30+$0x5640] =	vst v51;
	vm14 =	vge.f32 v6, $0.0e+00;
	vm9 =	vle.f32 v6, $5.110000000e+02;
	vm4 =	vmand vm4, vm5  }
0x178: {  	[tilespmem:s30+$0x5450] =	vst v18;
	vm15 =	vmand vm6, vm7;
	v45 =	vcvt.s32.f32 v5;
	v4 =	vcvt.f32.s32 v43  }
0x179: {  	[tilespmem:s30+$0x5660] =	vst v9;
	v9 =	vcvt.f32.s32 v52;
	vm1 =	vmand vm8, vm13;
	vm5 =	vmand vm4, vm15  }
0x17a: {  	[tilespmem:s30+$0x5650] =	vst v13;
	vm6 =	vmand vm14, vm9;
	v16 =	vsub.f32 v30, v42;
	v30 =	vcvt.f32.s32 v62  }
0x17b: {  	[tilespmem:s30+$0x5460] =	vst v17;
	v53 =	vcvt.s32.f32 v35;
	v58 =	vcvt.s32.f32 v21;
	v38 =	vsel vm5, $0x3F800000, v2  }
0x17c: {  	[tilespmem:s30+$0x5470] =	vst v28;
	vm7 =	vmand vm1, vm6;
	vm9 =	vgt.s32 v35, $0x0;
	vm12 =	vgt.s32 v21, $0x0  }
0x17d: {  	[tilespmem:s30+$0x5670] =	vst v12;
	v10 =	vsub.f32 v26, v45;
	v54 =	vcvt.s32.f32 v4;
	v26 =	vcvt.f32.s32 v48  }
0x17e: {  	[tilespmem:s30+$0x640] =	vst v25;
	v59 =	vcvt.s32.f32 v9;
	v49 =	vnsel vm9, $0x0, v35;
	v27 =	vsub.f32 $1.000000000e+00, v16  }
0x17f: {  	[tilespmem:s30+$0x660] =	vst v33;
	v51 =	vcvt.s32.f32 v30;
	v56 =	vsub.f32 v60, v53;
	v63 =	vsub.f32 v44, v58  }
0x180: {  	[tilespmem:s30+$0x450] =	vst v8;
	v16 =	vmul.f32 v29, v16;
	v53 =	vmin.u32 v49, $0x1FF;
	v43 =	vsub.f32 $1.000000000e+00, v10  }
0x181: {  	[tilespmem:s30+$0x650] =	vst v15;
	v13 =	vsub.f32 v6, v54;
	v47 =	vmul.f32 v29, v27;
	v62 =	vsub.f32 $1.000000000e+00, v56  }
0x182: {  	[tilespmem:s30+$0x470] =	vst v7;
	v22 =	vmul.f32 v38, v56;
	v56 =	vnsel vm12, $0x0, v21;
	v54 =	vmul.f32 v16, v43  }
0x183: {  	s15 =	sshra.s32 s31, $0x2;
	[tilespmem:s30+$0x670] =	vst v37;
	v12 =	vsub.f32 v46, v59;
	v14 =	vshll.u32 v53, $0x9;
	v58 =	vmin.u32 v56, $0x1FF  }
0x184: {  	v40 =	vsub.f32 $1.000000000e+00, v63;
	v50 =	vmul.f32 v47, v10;
	v59 =	vor.u32 v58, v14;
	[tilespmem:s15+$0x5460] =	vst v54  }
0x185: {  	vm0 =	vmand vm0, vm2;
	v42 =	vsel vm7, $0x3F800000, v2;
	v46 =	vmul.f32 v47, v43;
	[tilespmem:s15+$0x450] =	vst v59  }
0x186: {  	v57 =	vcvt.s32.f32 v26;
	v55 =	vsub.f32 v31, v51;
	v8 =	vmul.f32 v22, v40;
	[tilespmem:s15+$0x5260] =	vst v50  }
0x187: {  	v45 =	vsub.f32 $1.000000000e+00, v12;
	v51 =	vmul.f32 v42, v13;
	v52 =	vmul.f32 v22, v63;
	[tilespmem:s15+$0x5060] =	vst v46  }
0x188: {  	v32 =	vsel vm0, $0x3F800000, v2;
	v39 =	vmul.f32 v38, v62;
	v10 =	vmul.f32 v16, v10;
	[tilespmem:s15+$0x5450] =	vst v8  }
0x189: {  	v61 =	vsub.f32 v24, v57;
	v37 =	vsub.f32 $1.000000000e+00, v13;
	v57 =	vmul.f32 v51, v45;
	[tilespmem:s15+$0x5650] =	vst v52  }
0x18a: {  	v17 =	vmul.f32 v32, v55;
	v44 =	vmul.f32 v39, v40;
	[tilespmem:s15+$0x5660] =	vst v10  }
0x18b: {  	v23 =	vmul.f32 v42, v37;
	v7 =	vmul.f32 v39, v63;
	[tilespmem:s15+$0x5470] =	vst v57  }
0x18c: {  	v15 =	vmul.f32 v17, v61;
	[tilespmem:s15+$0x5050] =	vst v44  }
0x18d: {  	v60 =	vsub.f32 $1.000000000e+00, v55;
	v33 =	vsub.f32 $1.000000000e+00, v61;
	v47 =	vmul.f32 v23, v45;
	[tilespmem:s15+$0x5250] =	vst v7  }
0x18e: {  	vm13 =	vgt.s32 v5, $0x0;
	v23 =	vmul.f32 v23, v12;
	[tilespmem:s15+$0x5640] =	vst v15  }
0x18f: {  	v5 =	vnsel vm13, $0x0, v5;
	v6 =	vmul.f32 v32, v60;
	v11 =	vmul.f32 v17, v33;
	[tilespmem:s15+$0x5070] =	vst v47  }
0x190: {  	vm10 =	vgt.s32 v36, $0x0;
	v5 =	vmin.u32 v5, $0x1FF;
	vm8 =	vgt.s32 v30, $0x0;
	[tilespmem:s15+$0x5270] =	vst v23  }
0x191: {  	v41 =	vmul.f32 v6, v33;
	v6 =	vmul.f32 v6, v61;
	v61 =	vadd.s32 $0x200, v59;
	[tilespmem:s15+$0x5440] =	vst v11  }
0x192: {  	vm14 =	vgt.s32 v4, $0x0;
	v48 =	vnsel vm8, $0x0, v30;
	vm11 =	vgt.s32 v26, $0x0;
	[tilespmem:s15+$0x650] =	vst v61  }
0x193: {  	v55 =	vnsel vm11, $0x0, v26;
	v7 =	vmin.u32 v48, $0x1FF;
	v11 =	vmul.f32 v51, v12;
	[tilespmem:s15+$0x5040] =	vst v41  }
0x194: {  	v50 =	vnsel vm10, $0x0, v36;
	v8 =	vmin.u32 v55, $0x1FF;
	v7 =	vshll.u32 v7, $0x9;
	[tilespmem:s15+$0x5240] =	vst v6  }
0x195: {  	vm15 =	vgt.s32 v9, $0x0;
	v6 =	vmin.u32 v50, $0x1FF;
	v7 =	vor.u32 v8, v7;
	[tilespmem:s15+$0x5670] =	vst v11  }
0x196: {  	v4 =	vnsel vm14, $0x0, v4;
	v6 =	vshll.u32 v6, $0x9;
	v60 =	vadd.s32 $0x200, v7;
	[tilespmem:s15+$0x440] =	vst v7  }
0x197: {  	v4 =	vmin.u32 v4, $0x1FF;
	v63 =	vnsel vm15, $0x0, v9;
	v5 =	vor.u32 v5, v6;
	[tilespmem:s15+$0x640] =	vst v60  }
0x198: {  	v4 =	vshll.u32 v4, $0x9;
	v6 =	vmin.u32 v63, $0x1FF;
	v62 =	vadd.s32 $0x200, v5;
	[tilespmem:s15+$0x460] =	vst v5  }
0x199: {  	v4 =	vor.u32 v6, v4;
	[tilespmem:s15+$0x660] =	vst v62  }
0x19a: {  	v6 =	vadd.s32 $0x200, v4;
	[tilespmem:s15+$0x470] =	vst v4  }
0x19b: {  	s17 =	simm.s32 $0x440;
	[tilespmem:s15+$0x670] =	vst v6  }
0x19c: {  	[tilespmem:s18], [sflag:$0x2] =	stream.indirect.gather [hbm4b:s4+s12], $0x8, s17, s12, $0xb8;
	[tilespmem:$0x5B40] =	vst v63  }
0x19d: {  	_ = 	snop  }
0x19e: {  	[tilespmem:s20], [sflag:$0x2] =	stream.indirect.gather [hbm4b:s4+s12], $0x8, s19, s12, $0xb8;
	[tilespmem:$0x5B40] =	vst v63  }
0x19f: {  	_ =	swait.ge [sflag:s21], $0x1000  }
0x1a0: {  	[sflag:s21] =	ssyncset.done $0x0  }
0x1a1: {  	[sflag:s21] =	ssyncadd.s32 $0xFFFFF000  }
0x1a2: {  	_ =	swait.ge [sflag:s21], $0x1000  }
0x1a3: {  	p0 =	seq.s32 s3, $0x0;
	[sflag:s21] =	ssyncset.done $0x0  }
0x1a4: {  	s0 =	simm.s32 @!p0 $0x3;
	[sflag:s21] =	ssyncadd.s32 $0xFFFFF000  }
0x1a5: {  	_ =	swait.ge @!p0 [sflag:s0], $0x80  }
0x1a6: {  	[sflag:s0] =	ssyncset.done @!p0 $0x0  }
0x1a7: {  	[sflag:s0] =	ssyncadd.s32 @!p0 $0xFFFFFF80  }
0x1a8: {  	_ =	swait.ge @!p0 [sflag:s0], $0x80  }
0x1a9: {  	[sflag:s0] =	ssyncset.done @!p0 $0x0  }
0x1aa: {  	[sflag:s0] =	ssyncadd.s32 @!p0 $0xFFFFFF80  }
0x1ab: {  	s31 =	simm.s32 $0x4A60;
	_ =	swait.ge @!p0 [sflag:s0], $0x80  }
0x1ac: {  	s13 =	simm.s32 $0x4E60;
	s30 =	simm.s32 $0x4860;
	[sflag:s0] =	ssyncset.done @!p0 $0x0  }
0x1ad: {  	s15 =	simm.s32 $0x4C60;
	[sflag:s0] =	ssyncadd.s32 @!p0 $0xFFFFFF80;
	s0 =	simm.s32 $0x30  }
.LBB2_7:
0x1ae: {  	s9 =	sadd.s32 $0xFFFFFFD0, s0;
	v5 =	vld [tilespmem:s30+$0xFFFFFFE0]  }
0x1af: {  	v7 =	vld [tilespmem:s31+$0xFFFFFFE0];
	v4 =	vmov s9  }
0x1b0: {  	v8 =	vld [tilespmem:s15+$0xFFFFFFE0];
	s17 =	sadd.s32 $0xFFFFFFE0, s0;
	v4 =	vshll.u32 v4, $0x3  }
0x1b1: {  	v9 =	vld [tilespmem:s13+$0xFFFFFFE0];
	v20 =	vmov s17;
	v4 =	vor.u32 v3, v4  }
0x1b2: {  	v21 =	vld [tilespmem:s30+$0xFFFFFFF0];
	v20 =	vshll.u32 v20, $0x3  }
0x1b3: {  	v23 =	vld [tilespmem:s31+$0xFFFFFFF0];
	v20 =	vor.u32 v3, v20  }
0x1b4: {  	v24 =	vld [tilespmem:s15+$0xFFFFFFF0]  }
0x1b5: {  	v25 =	vld [tilespmem:s13+$0xFFFFFFF0];
	v6 =	vor.u32 $0x4, v4  }
0x1b6: {  	v11 =	vld.idx.msk [tilespmem:v4+s14+$0x0], $0xffff  }
0x1b7: {  	v10 =	vor.u32 $0x1, v4;
	v14 =	vld.idx.msk [tilespmem:v4+s16+$0x0], $0xffff  }
0x1b8: {  	v12 =	vor.u32 $0x5, v4;
	v27 =	vld.idx.msk [tilespmem:v20+s14+$0x0], $0xffff  }
0x1b9: {  	v53 =	vld.idx.msk [tilespmem:v20+s16+$0x0], $0xffff  }
0x1ba: {  	v13 =	vld.idx.msk [tilespmem:v6+s14+$0x0], $0xffff  }
0x1bb: {  	v15 =	vor.u32 $0x2, v4;
	v6 =	vld.idx.msk [tilespmem:v6+s16+$0x0], $0xffff  }
0x1bc: {  	v16 =	vld.idx.msk [tilespmem:v10+s14+$0x0], $0xffff  }
0x1bd: {  	v22 =	vor.u32 $0x4, v20;
	v17 =	vld.idx.msk [tilespmem:v12+s14+$0x0], $0xffff  }
0x1be: {  	v10 =	vld.idx.msk [tilespmem:v10+s16+$0x0], $0xffff  }
0x1bf: {  	v26 =	vor.u32 $0x1, v20;
	v12 =	vld.idx.msk [tilespmem:v12+s16+$0x0], $0xffff  }
0x1c0: {  	v28 =	vor.u32 $0x5, v20;
	v18 =	vld.idx.msk [tilespmem:v15+s14+$0x0], $0xffff  }
0x1c1: {  	v15 =	vld.idx.msk [tilespmem:v15+s16+$0x0], $0xffff  }
0x1c2: {  	v29 =	vld.idx.msk [tilespmem:v22+s14+$0x0], $0xffff  }
0x1c3: {  	v30 =	vor.u32 $0x2, v20;
	v22 =	vld.idx.msk [tilespmem:v22+s16+$0x0], $0xffff  }
0x1c4: {  	v54 =	vld.idx.msk [tilespmem:v26+s14+$0x0], $0xffff  }
0x1c5: {  	v4 =	vor.u32 $0x6, v4;
	v31 =	vld.idx.msk [tilespmem:v28+s14+$0x0], $0xffff  }
0x1c6: {  	v55 =	vld.idx.msk [tilespmem:v26+s16+$0x0], $0xffff  }
0x1c7: {  	v20 =	vor.u32 $0x6, v20;
	v56 =	vld.idx.msk [tilespmem:v28+s16+$0x0], $0xffff  }
0x1c8: {  	v57 =	vld.idx.msk [tilespmem:v30+s14+$0x0], $0xffff  }
0x1c9: {  	v59 =	vld.idx.msk [tilespmem:v30+s16+$0x0], $0xffff;
	v11 =	vmul.f32 v11, v5;
	v52 =	vmul.f32 v14, v8  }
0x1ca: {  	v19 =	vld.idx.msk [tilespmem:v4+s14+$0x0], $0xffff;
	v36 =	vmul.f32 v27, v21;
	v14 =	vmul.f32 v53, v24  }
0x1cb: {  	v4 =	vld.idx.msk [tilespmem:v4+s16+$0x0], $0xffff;
	v13 =	vmul.f32 v13, v7;
	v6 =	vmul.f32 v6, v9  }
0x1cc: {  	v58 =	vld.idx.msk [tilespmem:v20+s14+$0x0], $0xffff;
	v16 =	vmul.f32 v16, v5;
	v17 =	vmul.f32 v17, v7  }
0x1cd: {  	s17 =	sadd.s32 $0xFFFFFFF0, s0;
	v61 =	vld.idx.msk [tilespmem:v20+s16+$0x0], $0xffff;
	v10 =	vmul.f32 v10, v8;
	v5 =	vmul.f32 v18, v5  }
0x1ce: {  	v32 =	vmov s17;
	v20 =	vld [tilespmem:s13+$0x0];
	v12 =	vmul.f32 v12, v9;
	v37 =	vmul.f32 v29, v23  }
0x1cf: {  	v60 =	vshll.u32 v32, $0x3;
	v62 =	vmul.f32 v15, v8;
	v8 =	vld [tilespmem:s30+$0x0];
	v40 =	vmul.f32 v31, v23  }
0x1d0: {  	v29 =	vld [tilespmem:s31+$0x0];
	v38 =	vadd.f32 v37, v36;
	v7 =	vmul.f32 v19, v7;
	v19 =	vor.u32 v3, v60  }
0x1d1: {  	v44 =	vmul.f32 v22, v25;
	v49 =	vmul.f32 v56, v25;
	v60 =	vld [tilespmem:s30+$0x10]  }
0x1d2: {  	v43 =	vadd.f32 v14, v38;
	v38 =	vld [tilespmem:s13+$0x10];
	v63 =	vor.u32 $0x4, v19;
	v5 =	vadd.f32 v7, v5  }
0x1d3: {  	v18 =	vmul.f32 v59, v24;
	v56 =	vmov s0;
	v11 =	vadd.f32 v13, v11;
	v7 =	vld [tilespmem:s15+$0x0]  }
0x1d4: {  	v16 =	vadd.f32 v17, v16;
	v39 =	vor.u32 $0x1, v19;
	v5 =	vadd.f32 v62, v5;
	v62 =	vld [tilespmem:s31+$0x10]  }
0x1d5: {  	v13 =	vmul.f32 v54, v21;
	v21 =	vmul.f32 v57, v21;
	v42 =	vor.u32 $0x5, v19;
	v41 =	vld.idx.msk [tilespmem:v19+s14+$0x0], $0xffff  }
0x1d6: {  	v11 =	vadd.f32 v52, v11;
	v10 =	vadd.f32 v10, v16;
	v4 =	vmul.f32 v4, v9;
	v46 =	vld.idx.msk [tilespmem:v19+s16+$0x0], $0xffff  }
0x1d7: {  	v13 =	vadd.f32 v40, v13;
	v17 =	vmul.f32 v58, v23;
	v16 =	vmul.f32 v61, v25;
	v45 =	vld.idx.msk [tilespmem:v63+s14+$0x0], $0xffff  }
0x1d8: {  	v48 =	vor.u32 $0x2, v19;
	v6 =	vadd.f32 v6, v11;
	v10 =	vadd.f32 v12, v10;
	v47 =	vld.idx.msk [tilespmem:v63+s16+$0x0], $0xffff  }
0x1d9: {  	v11 =	vmul.f32 v55, v24;
	v17 =	vadd.f32 v17, v21;
	v24 =	vshll.u32 v56, $0x3;
	v50 =	vld.idx.msk [tilespmem:v39+s14+$0x0], $0xffff  }
0x1da: {  	v59 =	vor.u32 v3, v24;
	v6 =	vtrunc.f32 v6;
	v10 =	vtrunc.f32 v10;
	v51 =	vld.idx.msk [tilespmem:v42+s14+$0x0], $0xffff  }
0x1db: {  	v11 =	vadd.f32 v11, v13;
	v17 =	vadd.f32 v18, v17;
	v61 =	vor.u32 $0x4, v59;
	v52 =	vld.idx.msk [tilespmem:v39+s16+$0x0], $0xffff  }
0x1dc: {  	v36 =	vor.u32 $0x1, v59;
	v4 =	vadd.f32 v4, v5;
	v5 =	vadd.f32 v44, v43;
	v53 =	vld.idx.msk [tilespmem:v42+s16+$0x0], $0xffff  }
0x1dd: {  	v6 =	vcvt.f32.s32 v6;
	v19 =	vor.u32 $0x6, v19;
	v11 =	vadd.f32 v49, v11;
	v54 =	vld.idx.msk [tilespmem:v48+s14+$0x0], $0xffff  }
0x1de: {  	v10 =	vcvt.f32.s32 v10;
	v12 =	vld.idx.msk [tilespmem:v48+s16+$0x0], $0xffff;
	v16 =	vadd.f32 v16, v17;
	v5 =	vtrunc.f32 v5  }
0x1df: {  	v63 =	vld [tilespmem:s15+$0x10];
	v39 =	vor.u32 $0x5, v59;
	v4 =	vtrunc.f32 v4;
	v11 =	vtrunc.f32 v11  }
0x1e0: {  	v42 =	vor.u32 $0x2, v59;
	v16 =	vtrunc.f32 v16;
	v40 =	vld.idx.msk [tilespmem:v59+s14+$0x0], $0xffff;
	v5 =	vcvt.f32.s32 v5  }
0x1e1: {  	v6 =	vand.u32 $0xFF, v6;
	v44 =	vld.idx.msk [tilespmem:v59+s16+$0x0], $0xffff;
	v4 =	vcvt.f32.s32 v4;
	v11 =	vcvt.f32.s32 v11  }
0x1e2: {  	v10 =	vand.u32 $0xFF, v10;
	v43 =	vcvt.f32.s32 v16;
	v55 =	vld.idx.msk [tilespmem:v19+s14+$0x0], $0xffff;
	v57 =	vmul.f32 v41, v8  }
0x1e3: {  	v58 =	vld.idx.msk [tilespmem:v19+s16+$0x0], $0xffff;
	v22 =	vmul.f32 v46, v7;
	v19 =	vor.u32 $0x6, v59;
	v14 =	vmul.f32 v45, v29  }
0x1e4: {  	v28 =	vld.idx.msk [tilespmem:v36+s16+$0x0], $0xffff;
	v5 =	vshll.u32 v5, $0x8;
	v9 =	vmul.f32 v47, v20;
	v15 =	vmul.f32 v50, v8  }
0x1e5: {  	v41 =	vld.idx.msk [tilespmem:v61+s14+$0x0], $0xffff;
	v37 =	vshll.u32 v11, $0x8;
	v26 =	vmul.f32 v51, v29;
	v8 =	vmul.f32 v54, v8  }
0x1e6: {  	v45 =	vld.idx.msk [tilespmem:v36+s14+$0x0], $0xffff;
	v13 =	vmul.f32 v52, v7;
	v4 =	vand.u32 $0xFF, v4;
	v49 =	vmul.f32 v53, v20  }
0x1e7: {  	v46 =	vld.idx.msk [tilespmem:v39+s14+$0x0], $0xffff;
	v7 =	vmul.f32 v12, v7;
	v5 =	vand.u32 $0xFF00, v5;
	v14 =	vadd.f32 v14, v57  }
0x1e8: {  	v48 =	vld.idx.msk [tilespmem:v42+s14+$0x0], $0xffff;
	v5 =	vor.u32 v6, v5;
	v6 =	vand.u32 $0xFF00, v37;
	v15 =	vadd.f32 v26, v15  }
0x1e9: {  	v56 =	vld.idx.msk [tilespmem:v39+s16+$0x0], $0xffff;
	v6 =	vor.u32 v10, v6;
	v10 =	vshll.u32 v43, $0x8;
	v59 =	vmul.f32 v28, v63  }
0x1ea: {  	v52 =	vld.idx.msk [tilespmem:v42+s16+$0x0], $0xffff;
	v14 =	vadd.f32 v22, v14;
	v21 =	vmul.f32 v55, v29;
	v10 =	vand.u32 $0xFF00, v10  }
0x1eb: {  	v47 =	vadd.f32 v13, v15;
	v51 =	vmul.f32 v41, v62;
	v53 =	vmul.f32 v58, v20  }
0x1ec: {  	v50 =	vld.idx.msk [tilespmem:v19+s14+$0x0], $0xffff;
	v55 =	vmul.f32 v44, v63;
	v4 =	vor.u32 v4, v10;
	v57 =	vmul.f32 v45, v60  }
0x1ed: {  	v58 =	vmul.f32 v46, v62;
	v13 =	vmul.f32 v48, v60;
	v9 =	vadd.f32 v9, v14  }
0x1ee: {  	v54 =	vld.idx.msk [tilespmem:v61+s16+$0x0], $0xffff;
	v61 =	vmul.f32 v56, v38;
	v8 =	vadd.f32 v21, v8;
	v14 =	vmul.f32 v40, v60  }
0x1ef: {  	v10 =	vadd.f32 v49, v47;
	v60 =	vmul.f32 v52, v63;
	v9 =	vtrunc.f32 v9  }
0x1f0: {  	v19 =	vld.idx.msk [tilespmem:v19+s16+$0x0], $0xffff;
	v7 =	vadd.f32 v7, v8;
	v14 =	vadd.f32 v51, v14;
	v9 =	vcvt.f32.s32 v9  }
0x1f1: {  	v8 =	vadd.f32 v58, v57;
	v10 =	vtrunc.f32 v10;
	v12 =	vmul.f32 v50, v62  }
0x1f2: {  	v10 =	vcvt.f32.s32 v10;
	v7 =	vadd.f32 v53, v7;
	v9 =	vshll.u32 v9, $0x10  }
0x1f3: {  	v8 =	vadd.f32 v59, v8;
	v12 =	vadd.f32 v12, v13;
	v9 =	vand.u32 $0xFF0000, v9  }
0x1f4: {  	v14 =	vadd.f32 v55, v14;
	v5 =	vor.u32 v9, v5;
	v9 =	vmul.f32 v54, v38  }
0x1f5: {  	v11 =	vmul.f32 v19, v38;
	v8 =	vadd.f32 v61, v8;
	v12 =	vadd.f32 v60, v12  }
0x1f6: {  	v10 =	vshll.u32 v10, $0x10;
	v7 =	vtrunc.f32 v7;
	v9 =	vadd.f32 v9, v14  }
0x1f7: {  	v7 =	vcvt.f32.s32 v7;
	v8 =	vtrunc.f32 v8;
	v11 =	vadd.f32 v11, v12  }
0x1f8: {  	v10 =	vand.u32 $0xFF0000, v10;
	v8 =	vcvt.f32.s32 v8;
	v9 =	vtrunc.f32 v9  }
0x1f9: {  	p1 =	sne.s32 s0, $0x1F0;
	v6 =	vor.u32 v10, v6;
	v62 =	vtrunc.f32 v11;
	v9 =	vcvt.f32.s32 v9  }
.Ltmp2:
0x1fa: {  	v7 =	vshll.u32 v7, $0x10;
	v8 =	vshll.u32 v8, $0x18;
	v10 =	vcvt.f32.s32 v62;
	(pc) =	sbr.rel @p1 .LBB2_7-.Ltmp2, $4  }
0x1fb: {  	s17 =	sshra.s32 s0, $0x2;
	v7 =	vand.u32 $0xFF0000, v7;
	v6 =	vor.u32 v8, v6;
	v9 =	vshll.u32 v9, $0x18  }
0x1fc: {  	v4 =	vor.u32 v7, v4;
	[tilespmem:s17+$0x58B4] =	vst v6;
	v63 =	vshll.u32 v10, $0x18;
	v5 =	vor.u32 v9, v5  }
0x1fd: {  	s0 =	sadd.s32 $0x40, s0;
	s13 =	sadd.s32 $0x40, s13;
	v4 =	vor.u32 v63, v4;
	[tilespmem:s17+$0x5834] =	vst v5  }
0x1fe: {  	s30 =	sadd.s32 $0x40, s30;
	s31 =	sadd.s32 $0x40, s31;
	s15 =	sadd.s32 $0x40, s15;
	[tilespmem:s17+$0x5934] =	vst v4  }
0x1ff: {  	s0 =	sshrl.u32 s11, $0x5  }
0x200: {  	p1 =	seq.s32 s3, $0x7;
	s9 =	sadd.s32 s1, s0  }
0x201: {  	[hbm4b:s9+s2] =	stream.linear.scatter [tilespmem:s22], [sflag:$0x3], $0x80, $0x38;
	[tilespmem:$0x5B40] =	vst v63  }
.Ltmp3:
0x202: {  	_ = 	snop;
	(pc) =	sbr.rel @p1 .LBB2_12-.Ltmp3, $4  }
0x203: {  	s31 =	sadd.s32 s0, s7  }
0x204: {  	[hbm4b:s31+s2] =	stream.linear.scatter [tilespmem:s23], [sflag:$0x3], $0x80, $0x38;
	[tilespmem:$0x5B40] =	vst v63  }
0x205: {  	s0 =	sadd.s32 s0, s8  }
0x206: {  	[hbm4b:s0+s2] =	stream.linear.scatter [tilespmem:s24], [sflag:$0x3], $0x80, $0x38;
	[tilespmem:$0x5B40] =	vst v63  }
0x207: {  	v5 =	vld [tilespmem:$0x30]  }
0x208: {  	v4 =	vld [tilespmem:$0x20];
	s0 =	rddreg [dreg:$0x4];
	s9 =	simm.s32 $0x2;
	s30 =	simm.s32 $0x0  }
0x209: {  	s11 =	simm.s32 $0x1;
	s0 =	sadd.s32 s10, s0;
	s9 =	scvt.s32.f32 s9  }
0x20a: {  	s10 =	scvt.s32.f32 s30;
	s11 =	scvt.s32.f32 s11;
	s0 =	sshrl.u32 s0, $0x9  }
0x20b: {  	s13 =	simm.s32 $0x3;
	s0 =	scvt.s32.f32 s0;
	v7 =	vadd.f32 s9, v1  }
0x20c: {  	s31 =	scvt.s32.f32 s13;
	v8 =	vadd.f32 s10, v1;
	v9 =	vadd.f32 s11, v1  }
0x20d: {  	v6 =	vsub.f32 s0, v5;
	v10 =	vsub.f32 v7, v4  }
0x20e: {  	v11 =	vadd.f32 s31, v1;
	v7 =	vld [tilespmem:$0x0];
	v12 =	vsub.f32 v8, v4  }
0x20f: {  	v9 =	vsub.f32 v9, v4;
	v8 =	vmul.f32 v6, v6;
	v13 =	vmul.f32 v10, v10  }
0x210: {  	v14 =	vmul.f32 v12, v12  }
0x211: {  	v11 =	vsub.f32 v11, v4;
	v15 =	vmul.f32 v9, v9;
	v13 =	vadd.f32 v13, v8  }
0x212: {  	v14 =	vadd.f32 v14, v8  }
0x213: {  	v16 =	vmul.f32 v11, v11;
	v15 =	vadd.f32 v15, v8;
	v13 =	vmul.f32 v13, v7  }
0x214: {  	v14 =	vmul.f32 v14, v7  }
0x215: {  	v16 =	vadd.f32 v16, v8;
	v15 =	vmul.f32 v15, v7;
	v13 =	vsub.f32 $1.000000000e+00, v13  }
0x216: {  	v14 =	vsub.f32 $1.000000000e+00, v14  }
0x217: {  	v16 =	vmul.f32 v16, v7;
	v15 =	vsub.f32 $1.000000000e+00, v15;
	(erf) = vrcp.f32 v13  }
0x218: {  	(erf) = vrcp.f32 v14  }
0x219: {  	v13 =	vsub.f32 $1.000000000e+00, v16;
	(erf) = vrcp.f32 v15;
	_ =	sdelay $0x1  }
0x21a: {  	(erf) = vrcp.f32 v13;
	_ =	sdelay $0x4  }
0x21b: {  	v13 =	vpop (erf)  }
0x21c: {  	v14 =	vmul.f32 v13, v6;
	v15 =	vpop (erf);
	v10 =	vmul.f32 v13, v10  }
0x21d: {  	v12 =	vmul.f32 v15, v12;
	v15 =	vmul.f32 v15, v6;
	v16 =	vpop (erf)  }
0x21e: {  	v9 =	vmul.f32 v16, v9;
	v16 =	vmul.f32 v16, v6;
	v14 =	vadd.f32 v14, v5  }
0x21f: {  	v17 =	vpop (erf);
	v10 =	vadd.f32 v10, v4;
	v18 =	vadd.f32 v15, v5  }
0x220: {  	v13 =	vmul.f32 v17, v6;
	v12 =	vadd.f32 v12, v4;
	v20 =	vadd.f32 v16, v5  }
0x221: {  	v15 =	vtrunc.f32 v14;
	v16 =	vmul.f32 v17, v11;
	vm0 =	vge.f32 v10, $0.0e+00  }
0x222: {  	vm1 =	vle.f32 v10, $5.110000000e+02;
	vm2 =	vge.f32 v14, $0.0e+00;
	v11 =	vtrunc.f32 v10  }
0x223: {  	vm3 =	vle.f32 v14, $5.110000000e+02;
	v23 =	vadd.f32 v9, v4;
	v21 =	vcvt.f32.s32 v15  }
0x224: {  	v13 =	vadd.f32 v13, v5;
	v17 =	vtrunc.f32 v18;
	v11 =	vcvt.f32.s32 v11  }
0x225: {  	vm0 =	vmand vm0, vm1;
	vm1 =	vmand vm2, vm3;
	vm2 =	vge.f32 v18, $0.0e+00  }
0x226: {  	vm3 =	vle.f32 v18, $5.110000000e+02;
	v19 =	vtrunc.f32 v20;
	vm0 =	vmand vm0, vm1  }
0x227: {  	v27 =	vcvt.f32.s32 v17;
	v28 =	vadd.f32 v16, v4;
	vm1 =	vle.f32 v12, $5.110000000e+02  }
0x228: {  	v16 =	vtrunc.f32 v23;
	vm4 =	vge.f32 v23, $0.0e+00;
	vm5 =	vle.f32 v23, $5.110000000e+02  }
0x229: {  	vm6 =	vge.f32 v20, $0.0e+00;
	vm7 =	vle.f32 v20, $5.110000000e+02;
	v15 =	vcvt.s32.f32 v21  }
0x22a: {  	vm2 =	vmand vm2, vm3;
	v22 =	vtrunc.f32 v13;
	v9 =	vcvt.s32.f32 v11  }
0x22b: {  	v17 =	vsel vm0, $0x3F800000, v2;
	v29 =	vcvt.f32.s32 v19;
	vm0 =	vge.f32 v12, $0.0e+00  }
0x22c: {  	vm3 =	vge.f32 v13, $0.0e+00;
	vm9 =	vle.f32 v13, $5.110000000e+02;
	vm4 =	vmand vm4, vm5  }
0x22d: {  	vm5 =	vmand vm6, vm7;
	v22 =	vcvt.f32.s32 v22;
	v24 =	vcvt.s32.f32 v27  }
0x22e: {  	v30 =	vtrunc.f32 v28;
	vm8 =	vge.f32 v28, $0.0e+00;
	vm0 =	vmand vm0, vm1  }
0x22f: {  	vm1 =	vle.f32 v28, $5.110000000e+02;
	vm3 =	vmand vm3, vm9;
	vm13 =	vgt.s32 v27, $0x0  }
0x230: {  	vm4 =	vmand vm4, vm5;
	v15 =	vsub.f32 v14, v15;
	v9 =	vsub.f32 v10, v9  }
0x231: {  	v26 =	vcvt.s32.f32 v29;
	vm1 =	vmand vm8, vm1;
	vm14 =	vgt.s32 v29, $0x0  }
0x232: {  	vm0 =	vmand vm0, vm2;
	vm2 =	vgt.s32 v21, $0x0;
	v32 =	vsel vm4, $0x3F800000, v2  }
0x233: {  	v31 =	vcvt.s32.f32 v22;
	v25 =	vsub.f32 v18, v24;
	v18 =	vcvt.f32.s32 v16  }
0x234: {  	v16 =	vcvt.f32.s32 v30;
	vm5 =	vmand vm1, vm3;
	vm15 =	vgt.s32 v22, $0x0  }
0x235: {  	v29 =	vnsel vm14, $0x0, v29;
	vm1 =	vgt.s32 v11, $0x0;
	v14 =	vsub.f32 $1.000000000e+00, v15  }
0x236: {  	v26 =	vsub.f32 v20, v26;
	v33 =	vsel vm5, $0x3F800000, v2;
	v30 =	vcvt.s32.f32 v18  }
0x237: {  	v24 =	vsub.f32 v13, v31;
	v10 =	vmul.f32 v17, v14;
	v14 =	vtrunc.f32 v12  }
0x238: {  	v20 =	vsub.f32 $1.000000000e+00, v25;
	v35 =	vsub.f32 $1.000000000e+00, v26;
	v19 =	vcvt.f32.s32 v14  }
0x239: {  	v31 =	vcvt.s32.f32 v16;
	v36 =	vsub.f32 $1.000000000e+00, v24;
	v13 =	vsub.f32 v23, v30  }
0x23a: {  	v30 =	vnsel vm13, $0x0, v27;
	v27 =	vnsel vm15, $0x0, v22;
	v14 =	vcvt.s32.f32 v19  }
0x23b: {  	v34 =	vmul.f32 v10, v9;
	v23 =	vmul.f32 v32, v35;
	vm3 =	vgt.s32 v19, $0x0  }
0x23c: {  	v14 =	vsub.f32 v12, v14;
	v12 =	vsub.f32 v28, v31;
	v28 =	vnsel vm2, $0x0, v21  }
0x23d: {  	s15 =	simm.s32 $0x41;
	s13 =	simm.s32 $0x200;
	s11 =	simm.s32 $0x0;
	v31 =	vsel vm0, $0x3F800000, v2;
	vm2 =	vgt.s32 v18, $0x0;
	vm0 =	vgt.s32 v16, $0x0  }
0x23e: {  	s10 =	simm.s32 $0x100;
	s9 =	simm.s32 $0x42;
	s0 =	simm.s32 $0x43;
	[tilespmem:s11+$0x4A60] =	vst v34;
	v22 =	vmul.f32 v31, v20;
	v20 =	vmul.f32 v33, v36;
	v21 =	vsub.f32 $1.000000000e+00, v14  }
.LBB2_10:
0x23f: {  	p1 =	sne.s32 s13, $0x700;
	s17 =	sadd.s32 $0xFFFFFFFD, s0;
	s9 =	scvt.s32.f32 s9;
	v25 =	vmul.f32 v31, v25;
	v26 =	vmul.f32 v32, v26;
	v31 =	vsub.f32 $1.000000000e+00, v13  }
0x240: {  	s15 =	scvt.s32.f32 s15;
	v15 =	vmul.f32 v17, v15;
	v17 =	vsub.f32 $1.000000000e+00, v9;
	v24 =	vmul.f32 v33, v24;
	s17 =	scvt.s32.f32 s17  }
0x241: {  	v30 =	vmin.u32 v30, $0x1FF;
	v33 =	vsub.f32 $1.000000000e+00, v12;
	v32 =	vadd.f32 s9, v1;
	s9 =	scvt.s32.f32 s0  }
0x242: {  	v29 =	vmin.u32 v29, $0x1FF;
	v35 =	vadd.f32 s15, v1;
	v34 =	vadd.f32 s17, v1  }
0x243: {  	v28 =	vmin.u32 v28, $0x1FF;
	v32 =	vsub.f32 v32, v4;
	v36 =	vadd.f32 s9, v1  }
0x244: {  	v19 =	vnsel vm3, $0x0, v19;
	v35 =	vsub.f32 v35, v4;
	v34 =	vsub.f32 v34, v4  }
0x245: {  	v18 =	vnsel vm2, $0x0, v18;
	v37 =	vmul.f32 v32, v32;
	v36 =	vsub.f32 v36, v4  }
0x246: {  	v11 =	vnsel vm1, $0x0, v11;
	v39 =	vmul.f32 v35, v35;
	v38 =	vmul.f32 v34, v34  }
0x247: {  	v27 =	vmin.u32 v27, $0x1FF;
	v37 =	vadd.f32 v37, v8;
	v40 =	vmul.f32 v36, v36  }
0x248: {  	v16 =	vnsel vm0, $0x0, v16;
	v39 =	vadd.f32 v39, v8;
	v38 =	vadd.f32 v38, v8  }
0x249: {  	v30 =	vshll.u32 v30, $0x9;
	v37 =	vmul.f32 v37, v7;
	v40 =	vadd.f32 v40, v8  }
0x24a: {  	v29 =	vshll.u32 v29, $0x9;
	v39 =	vmul.f32 v39, v7;
	v38 =	vmul.f32 v38, v7  }
0x24b: {  	v28 =	vshll.u32 v28, $0x9;
	v37 =	vsub.f32 $1.000000000e+00, v37;
	v40 =	vmul.f32 v40, v7  }
0x24c: {  	v19 =	vmin.u32 v19, $0x1FF;
	v39 =	vsub.f32 $1.000000000e+00, v39;
	v38 =	vsub.f32 $1.000000000e+00, v38  }
0x24d: {  	v18 =	vmin.u32 v18, $0x1FF;
	v40 =	vsub.f32 $1.000000000e+00, v40;
	(erf) = vrcp.f32 v37  }
0x24e: {  	v11 =	vmin.u32 v11, $0x1FF;
	v27 =	vshll.u32 v27, $0x9;
	(erf) = vrcp.f32 v38  }
0x24f: {  	v16 =	vmin.u32 v16, $0x1FF;
	v37 =	vmul.f32 v22, v21;
	(erf) = vrcp.f32 v39  }
0x250: {  	v19 =	vor.u32 v19, v30;
	v22 =	vmul.f32 v22, v14;
	(erf) = vrcp.f32 v40  }
0x251: {  	v18 =	vor.u32 v18, v29;
	v29 =	vmul.f32 v23, v31;
	v23 =	vmul.f32 v23, v13;
	[tilespmem:s11+$0x4840] =	vst v37  }
0x252: {  	v10 =	vmul.f32 v10, v17;
	[tilespmem:s11+$0x4A40] =	vst v22;
	v22 =	vor.u32 v11, v28;
	v11 =	vmul.f32 v20, v33  }
0x253: {  	v16 =	vor.u32 v16, v27;
	v21 =	vmul.f32 v25, v21;
	v20 =	vmul.f32 v20, v12;
	[tilespmem:s11+$0x4850] =	vst v29  }
0x254: {  	v27 =	vadd.s32 $0x200, v19;
	v14 =	vmul.f32 v25, v14;
	[tilespmem:s11+$0x4A50] =	vst v23;
	v23 =	vmul.f32 v26, v31  }
0x255: {  	v13 =	vmul.f32 v26, v13;
	v25 =	vadd.s32 $0x200, v18;
	[tilespmem:s11+$0x4860] =	vst v10;
	v10 =	vmul.f32 v15, v17  }
0x256: {  	v9 =	vmul.f32 v15, v9;
	v26 =	vadd.s32 $0x200, v22;
	v17 =	vpop (erf);
	[tilespmem:s11+$0x4870] =	vst v11;
	v11 =	vmul.f32 v24, v33  }
0x257: {  	v12 =	vmul.f32 v24, v12;
	v29 =	vadd.s32 $0x200, v16;
	v15 =	vmul.f32 v17, v6;
	v28 =	vpop (erf);
	[tilespmem:s11+$0x4A70] =	vst v20  }
0x258: {  	v20 =	vmul.f32 v28, v34;
	v24 =	vmul.f32 v28, v6;
	v28 =	vpop (erf);
	[tilespmem:s11+$0x4C40] =	vst v21  }
0x259: {  	v21 =	vmul.f32 v28, v35;
	v28 =	vmul.f32 v28, v6;
	v15 =	vadd.f32 v15, v5;
	v30 =	vpop (erf);
	[tilespmem:s11+$0x4E40] =	vst v14  }
0x25a: {  	v17 =	vmul.f32 v17, v32;
	v14 =	vadd.f32 v24, v5;
	v24 =	vmul.f32 v30, v6;
	[tilespmem:s11+$0x4C50] =	vst v23  }
0x25b: {  	v30 =	vmul.f32 v30, v36;
	v23 =	vadd.f32 v28, v5;
	v28 =	vtrunc.f32 v15;
	[tilespmem:s11+$0x4E50] =	vst v13  }
0x25c: {  	v13 =	vadd.f32 v17, v4;
	v28 =	vcvt.f32.s32 v28;
	v31 =	vadd.f32 v24, v5;
	[tilespmem:s11+$0x4C60] =	vst v10  }
0x25d: {  	v20 =	vadd.f32 v20, v4;
	v10 =	vtrunc.f32 v14;
	v24 =	vtrunc.f32 v23;
	[tilespmem:s11+$0x4E60] =	vst v9  }
0x25e: {  	vm0 =	vge.f32 v13, $0.0e+00;
	v9 =	vcvt.s32.f32 v28;
	v32 =	vtrunc.f32 v31;
	[tilespmem:s11+$0x4C70] =	vst v11  }
0x25f: {  	vm2 =	vge.f32 v15, $0.0e+00;
	vm1 =	vle.f32 v13, $5.110000000e+02;
	v11 =	vtrunc.f32 v13;
	[tilespmem:s11+$0x4E70] =	vst v12  }
0x260: {  	vm3 =	vle.f32 v15, $5.110000000e+02;
	v11 =	vcvt.f32.s32 v11;
	v15 =	vsub.f32 v15, v9;
	[tilespmem:s11+$0x240] =	vst v27  }
0x261: {  	vm0 =	vmand vm0, vm1;
	vm1 =	vmand vm2, vm3;
	v12 =	vadd.f32 v21, v4;
	[tilespmem:s11+$0x250] =	vst v25  }
0x262: {  	vm0 =	vmand vm0, vm1;
	v9 =	vcvt.s32.f32 v11;
	v21 =	vsub.f32 $1.000000000e+00, v15;
	[tilespmem:s11+$0x260] =	vst v26  }
0x263: {  	v30 =	vadd.f32 v30, v4;
	v27 =	vcvt.f32.s32 v10;
	v17 =	vsel vm0, $0x3F800000, v2;
	[tilespmem:s11+$0x40] =	vst v19  }
0x264: {  	v33 =	vcvt.f32.s32 v24;
	v9 =	vsub.f32 v13, v9;
	v10 =	vmul.f32 v17, v21;
	[tilespmem:s11+$0x50] =	vst v18  }
0x265: {  	vm0 =	vge.f32 v20, $0.0e+00;
	v13 =	vtrunc.f32 v20;
	v21 =	vcvt.f32.s32 v32;
	[tilespmem:s11+$0x60] =	vst v22  }
0x266: {  	vm1 =	vle.f32 v20, $5.110000000e+02;
	v18 =	vtrunc.f32 v12;
	v19 =	vmul.f32 v10, v9;
	[tilespmem:s11+$0x270] =	vst v29  }
0x267: {  	vm2 =	vge.f32 v14, $0.0e+00;
	v24 =	vtrunc.f32 v30;
	v22 =	vcvt.s32.f32 v27;
	[tilespmem:s11+$0x70] =	vst v16;
	s11 =	sshra.s32 s10, $0x2;
	s10 =	smov.u32 s13  }
0x268: {  	vm3 =	vle.f32 v14, $5.110000000e+02;
	v29 =	vcvt.s32.f32 v21;
	v16 =	vcvt.s32.f32 v33;
	[tilespmem:s11+$0x4A60] =	vst v19  }
0x269: {  	v18 =	vcvt.f32.s32 v18;
	v25 =	vsub.f32 v14, v22;
	v19 =	vcvt.f32.s32 v13  }
0x26a: {  	v26 =	vsub.f32 v23, v16;
	v16 =	vcvt.f32.s32 v24;
	v24 =	vsub.f32 v31, v29  }
0x26b: {  	vm4 =	vge.f32 v12, $0.0e+00;
	v22 =	vcvt.s32.f32 v18;
	v13 =	vcvt.s32.f32 v19  }
0x26c: {  	vm6 =	vge.f32 v23, $0.0e+00;
	vm5 =	vle.f32 v12, $5.110000000e+02;
	v29 =	vcvt.s32.f32 v16  }
0x26d: {  	vm7 =	vle.f32 v23, $5.110000000e+02;
	vm8 =	vge.f32 v30, $0.0e+00;
	vm9 =	vle.f32 v30, $5.110000000e+02  }
0x26e: {  	vm10 =	vle.f32 v31, $5.110000000e+02;
	vm0 =	vmand vm0, vm1;
	vm1 =	vge.f32 v31, $0.0e+00  }
0x26f: {  	vm2 =	vmand vm2, vm3;
	vm3 =	vmand vm4, vm5;
	vm4 =	vmand vm6, vm7  }
0x270: {  	vm5 =	vmand vm8, vm9;
	vm1 =	vmand vm1, vm10;
	v23 =	vsub.f32 $1.000000000e+00, v25  }
0x271: {  	vm6 =	vgt.s32 v27, $0x0;
	v34 =	vsub.f32 $1.000000000e+00, v26;
	v35 =	vsub.f32 $1.000000000e+00, v24  }
0x272: {  	vm7 =	vgt.s32 v33, $0x0;
	v14 =	vsub.f32 v20, v13;
	v13 =	vsub.f32 v12, v22  }
0x273: {  	vm0 =	vmand vm0, vm2;
	vm2 =	vgt.s32 v28, $0x0;
	v12 =	vsub.f32 v30, v29  }
0x274: {  	vm4 =	vmand vm3, vm4;
	vm5 =	vmand vm5, vm1;
	vm8 =	vgt.s32 v21, $0x0  }
.Ltmp4:
0x275: {  	v28 =	vnsel vm2, $0x0, v28;
	v30 =	vnsel vm6, $0x0, v27;
	v29 =	vnsel vm7, $0x0, v33;
	(pc) =	sbr.rel @p1 .LBB2_10-.Ltmp4, $4  }
0x276: {  	v32 =	vsel vm4, $0x3F800000, v2;
	v31 =	vsel vm0, $0x3F800000, v2;
	vm3 =	vgt.s32 v19, $0x0  }
0x277: {  	vm1 =	vgt.s32 v11, $0x0;
	vm2 =	vgt.s32 v18, $0x0;
	v27 =	vnsel vm8, $0x0, v21  }
0x278: {  	s0 =	sadd.s32 $0x40, s0;
	vm0 =	vgt.s32 v16, $0x0;
	v22 =	vmul.f32 v31, v23;
	v33 =	vsel vm5, $0x3F800000, v2  }
0x279: {  	s15 =	sadd.s32 $0xFFFFFFFE, s0;
	s9 =	sadd.s32 $0xFFFFFFFF, s0;
	s13 =	sadd.s32 $0x100, s13;
	v23 =	vmul.f32 v32, v34;
	v21 =	vsub.f32 $1.000000000e+00, v14;
	v20 =	vmul.f32 v33, v35  }
0x27a: {  	s13 =	sadd.s32 $0xFFFFFFFD, s0;
	s9 =	scvt.s32.f32 s9;
	v25 =	vmul.f32 v31, v25;
	v26 =	vmul.f32 v32, v26;
	v57 =	vsub.f32 $1.000000000e+00, v13  }
0x27b: {  	v15 =	vmul.f32 v17, v15;
	v58 =	vsub.f32 $1.000000000e+00, v9;
	v24 =	vmul.f32 v33, v24;
	s13 =	scvt.s32.f32 s13  }
0x27c: {  	s15 =	scvt.s32.f32 s15;
	v60 =	vsub.f32 $1.000000000e+00, v12;
	v30 =	vmin.u32 v30, $0x1FF;
	v59 =	vadd.f32 s9, v1  }
0x27d: {  	v29 =	vmin.u32 v29, $0x1FF;
	v28 =	vmin.u32 v28, $0x1FF;
	s9 =	scvt.s32.f32 s0;
	v34 =	vadd.f32 s13, v1  }
0x27e: {  	v19 =	vnsel vm3, $0x0, v19;
	v35 =	vadd.f32 s15, v1;
	v32 =	vsub.f32 v59, v4  }
0x27f: {  	v18 =	vnsel vm2, $0x0, v18;
	v36 =	vadd.f32 s9, v1;
	v34 =	vsub.f32 v34, v4  }
0x280: {  	v11 =	vnsel vm1, $0x0, v11;
	v35 =	vsub.f32 v35, v4;
	v37 =	vmul.f32 v32, v32  }
0x281: {  	v27 =	vmin.u32 v27, $0x1FF;
	v36 =	vsub.f32 v36, v4;
	v38 =	vmul.f32 v34, v34  }
0x282: {  	v16 =	vnsel vm0, $0x0, v16;
	v39 =	vmul.f32 v35, v35;
	v37 =	vadd.f32 v37, v8  }
0x283: {  	v45 =	vmul.f32 v22, v14;
	v40 =	vmul.f32 v36, v36;
	v38 =	vadd.f32 v38, v8  }
0x284: {  	v30 =	vshll.u32 v30, $0x9;
	v39 =	vadd.f32 v39, v8;
	v37 =	vmul.f32 v37, v7  }
0x285: {  	v29 =	vshll.u32 v29, $0x9;
	v61 =	vadd.f32 v40, v8;
	v38 =	vmul.f32 v38, v7  }
0x286: {  	v28 =	vshll.u32 v28, $0x9;
	v39 =	vmul.f32 v39, v7;
	v37 =	vsub.f32 $1.000000000e+00, v37  }
0x287: {  	v19 =	vmin.u32 v19, $0x1FF;
	v62 =	vmul.f32 v61, v7;
	v63 =	vsub.f32 $1.000000000e+00, v38  }
0x288: {  	v43 =	vmul.f32 v22, v21;
	v40 =	vsub.f32 $1.000000000e+00, v39;
	(erf) = vrcp.f32 v37  }
0x289: {  	v47 =	vmul.f32 v23, v13;
	v7 =	vsub.f32 $1.000000000e+00, v62;
	(erf) = vrcp.f32 v63  }
0x28a: {  	v41 =	vmin.u32 v18, $0x1FF;
	v50 =	vmul.f32 v20, v12;
	(erf) = vrcp.f32 v40  }
0x28b: {  	v11 =	vmin.u32 v11, $0x1FF;
	v46 =	vmul.f32 v23, v57;
	(erf) = vrcp.f32 v7  }
0x28c: {  	v42 =	vshll.u32 v27, $0x9;
	v10 =	vmul.f32 v10, v58;
	v48 =	vmul.f32 v20, v60  }
0x28d: {  	v44 =	vmin.u32 v16, $0x1FF;
	v49 =	vmul.f32 v25, v21;
	v51 =	vmul.f32 v25, v14  }
0x28e: {  	v19 =	vor.u32 v19, v30;
	v18 =	vmul.f32 v26, v57;
	v13 =	vmul.f32 v26, v13  }
0x28f: {  	v11 =	vor.u32 v11, v28;
	v17 =	vmul.f32 v15, v58;
	v9 =	vmul.f32 v15, v9  }
0x290: {  	v28 =	vmul.f32 v24, v60;
	v12 =	vmul.f32 v24, v12;
	v8 =	vor.u32 v41, v29  }
0x291: {  	v25 =	vadd.s32 $0x200, v19;
	v33 =	vadd.s32 $0x200, v11;
	v15 =	vadd.s32 $0x200, v8;
	v52 =	vpop (erf)  }
0x292: {  	v7 =	vor.u32 v44, v42;
	v53 =	vmul.f32 v52, v6;
	v54 =	vpop (erf);
	v26 =	vmul.f32 v52, v32  }
0x293: {  	v37 =	vadd.s32 $0x200, v7;
	v55 =	vmul.f32 v54, v34;
	v56 =	vpop (erf);
	v31 =	vmul.f32 v54, v6  }
0x294: {  	v57 =	vmul.f32 v56, v6;
	v34 =	vmul.f32 v56, v35;
	v30 =	vadd.f32 v53, v5;
	v58 =	vpop (erf)  }
0x295: {  	v26 =	vadd.f32 v26, v4;
	v31 =	vadd.f32 v31, v5;
	v59 =	vmul.f32 v58, v6  }
0x296: {  	v35 =	vmul.f32 v58, v36;
	v24 =	vadd.f32 v55, v4;
	v60 =	vadd.f32 v57, v5  }
0x297: {  	v61 =	vtrunc.f32 v30;
	vm8 =	vge.f32 v26, $0.0e+00;
	vm9 =	vle.f32 v26, $5.110000000e+02  }
0x298: {  	vm10 =	vge.f32 v30, $0.0e+00;
	vm11 =	vle.f32 v30, $5.110000000e+02;
	v44 =	vadd.f32 v34, v4  }
0x299: {  	[tilespmem:s11+$0x4A40] =	vst v45;
	v36 =	vcvt.f32.s32 v61;
	v6 =	vadd.f32 v59, v5;
	v62 =	vtrunc.f32 v31  }
0x29a: {  	[tilespmem:s11+$0x4850] =	vst v46;
	v5 =	vtrunc.f32 v26;
	vm0 =	vmand vm8, vm9;
	vm12 =	vmand vm10, vm11  }
0x29b: {  	[tilespmem:s11+$0x4870] =	vst v48;
	v46 =	vadd.f32 v35, v4;
	v48 =	vtrunc.f32 v24;
	vm13 =	vge.f32 v24, $0.0e+00  }
0x29c: {  	[tilespmem:s11+$0x4840] =	vst v43;
	vm14 =	vle.f32 v24, $5.110000000e+02;
	vm15 =	vge.f32 v31, $0.0e+00;
	v63 =	vtrunc.f32 v60  }
0x29d: {  	[tilespmem:s11+$0x4C40] =	vst v49;
	v5 =	vcvt.f32.s32 v5;
	vm0 =	vmand vm0, vm12;
	v49 =	vtrunc.f32 v44  }
0x29e: {  	[tilespmem:s11+$0x4A50] =	vst v47;
	vm12 =	vle.f32 v31, $5.110000000e+02;
	vm4 =	vge.f32 v44, $0.0e+00;
	vm5 =	vle.f32 v44, $5.110000000e+02  }
0x29f: {  	[tilespmem:s11+$0x4A70] =	vst v50;
	vm6 =	vge.f32 v60, $0.0e+00;
	vm7 =	vle.f32 v60, $5.110000000e+02;
	v42 =	vcvt.s32.f32 v36  }
0x2a0: {  	[tilespmem:s11+$0x40] =	vst v19;
	v43 =	vtrunc.f32 v6;
	v29 =	vsel vm0, $0x3F800000, v2;
	v35 =	vcvt.f32.s32 v63  }
0x2a1: {  	[tilespmem:s11+$0x60] =	vst v11;
	v52 =	vtrunc.f32 v46;
	v21 =	vcvt.f32.s32 v49;
	vm8 =	vge.f32 v46, $0.0e+00  }
0x2a2: {  	[tilespmem:s11+$0x4860] =	vst v10;
	vm0 =	vmand vm13, vm14;
	vm13 =	vle.f32 v46, $5.110000000e+02;
	vm2 =	vmand vm15, vm12  }
0x2a3: {  	[tilespmem:s11+$0x4E40] =	vst v51;
	vm14 =	vge.f32 v6, $0.0e+00;
	vm9 =	vle.f32 v6, $5.110000000e+02;
	vm4 =	vmand vm4, vm5  }
0x2a4: {  	[tilespmem:s11+$0x4C50] =	vst v18;
	vm15 =	vmand vm6, vm7;
	v45 =	vcvt.s32.f32 v5;
	v4 =	vcvt.f32.s32 v43  }
0x2a5: {  	[tilespmem:s11+$0x4E60] =	vst v9;
	v9 =	vcvt.f32.s32 v52;
	vm1 =	vmand vm8, vm13;
	vm5 =	vmand vm4, vm15  }
0x2a6: {  	[tilespmem:s11+$0x4E50] =	vst v13;
	vm6 =	vmand vm14, vm9;
	v16 =	vsub.f32 v30, v42;
	v30 =	vcvt.f32.s32 v62  }
0x2a7: {  	[tilespmem:s11+$0x4C60] =	vst v17;
	v53 =	vcvt.s32.f32 v35;
	v58 =	vcvt.s32.f32 v21;
	v38 =	vsel vm5, $0x3F800000, v2  }
0x2a8: {  	[tilespmem:s11+$0x4C70] =	vst v28;
	vm7 =	vmand vm1, vm6;
	vm9 =	vgt.s32 v35, $0x0;
	vm12 =	vgt.s32 v21, $0x0  }
0x2a9: {  	[tilespmem:s11+$0x4E70] =	vst v12;
	v10 =	vsub.f32 v26, v45;
	v54 =	vcvt.s32.f32 v4;
	v26 =	vcvt.f32.s32 v48  }
0x2aa: {  	[tilespmem:s11+$0x240] =	vst v25;
	v59 =	vcvt.s32.f32 v9;
	v49 =	vnsel vm9, $0x0, v35;
	v27 =	vsub.f32 $1.000000000e+00, v16  }
0x2ab: {  	[tilespmem:s11+$0x260] =	vst v33;
	v51 =	vcvt.s32.f32 v30;
	v56 =	vsub.f32 v60, v53;
	v63 =	vsub.f32 v44, v58  }
0x2ac: {  	[tilespmem:s11+$0x50] =	vst v8;
	v16 =	vmul.f32 v29, v16;
	v53 =	vmin.u32 v49, $0x1FF;
	v43 =	vsub.f32 $1.000000000e+00, v10  }
0x2ad: {  	[tilespmem:s11+$0x250] =	vst v15;
	v13 =	vsub.f32 v6, v54;
	v47 =	vmul.f32 v29, v27;
	v62 =	vsub.f32 $1.000000000e+00, v56  }
0x2ae: {  	[tilespmem:s11+$0x70] =	vst v7;
	v22 =	vmul.f32 v38, v56;
	v56 =	vnsel vm12, $0x0, v21;
	v54 =	vmul.f32 v16, v43  }
0x2af: {  	s17 =	sshra.s32 s10, $0x2;
	[tilespmem:s11+$0x270] =	vst v37;
	v12 =	vsub.f32 v46, v59;
	v14 =	vshll.u32 v53, $0x9;
	v58 =	vmin.u32 v56, $0x1FF  }
0x2b0: {  	v40 =	vsub.f32 $1.000000000e+00, v63;
	v50 =	vmul.f32 v47, v10;
	v59 =	vor.u32 v58, v14;
	[tilespmem:s17+$0x4C60] =	vst v54  }
0x2b1: {  	vm0 =	vmand vm0, vm2;
	v42 =	vsel vm7, $0x3F800000, v2;
	v46 =	vmul.f32 v47, v43;
	[tilespmem:s17+$0x50] =	vst v59  }
0x2b2: {  	v57 =	vcvt.s32.f32 v26;
	v55 =	vsub.f32 v31, v51;
	v8 =	vmul.f32 v22, v40;
	[tilespmem:s17+$0x4A60] =	vst v50  }
0x2b3: {  	v45 =	vsub.f32 $1.000000000e+00, v12;
	v51 =	vmul.f32 v42, v13;
	v52 =	vmul.f32 v22, v63;
	[tilespmem:s17+$0x4860] =	vst v46  }
0x2b4: {  	v32 =	vsel vm0, $0x3F800000, v2;
	v39 =	vmul.f32 v38, v62;
	v10 =	vmul.f32 v16, v10;
	[tilespmem:s17+$0x4C50] =	vst v8  }
0x2b5: {  	v61 =	vsub.f32 v24, v57;
	v37 =	vsub.f32 $1.000000000e+00, v13;
	v57 =	vmul.f32 v51, v45;
	[tilespmem:s17+$0x4E50] =	vst v52  }
0x2b6: {  	v17 =	vmul.f32 v32, v55;
	v44 =	vmul.f32 v39, v40;
	[tilespmem:s17+$0x4E60] =	vst v10  }
0x2b7: {  	v23 =	vmul.f32 v42, v37;
	v7 =	vmul.f32 v39, v63;
	[tilespmem:s17+$0x4C70] =	vst v57  }
0x2b8: {  	v15 =	vmul.f32 v17, v61;
	[tilespmem:s17+$0x4850] =	vst v44  }
0x2b9: {  	v60 =	vsub.f32 $1.000000000e+00, v55;
	v33 =	vsub.f32 $1.000000000e+00, v61;
	v47 =	vmul.f32 v23, v45;
	[tilespmem:s17+$0x4A50] =	vst v7  }
0x2ba: {  	vm13 =	vgt.s32 v5, $0x0;
	v23 =	vmul.f32 v23, v12;
	[tilespmem:s17+$0x4E40] =	vst v15  }
0x2bb: {  	v5 =	vnsel vm13, $0x0, v5;
	v6 =	vmul.f32 v32, v60;
	v11 =	vmul.f32 v17, v33;
	[tilespmem:s17+$0x4870] =	vst v47  }
0x2bc: {  	vm10 =	vgt.s32 v36, $0x0;
	v5 =	vmin.u32 v5, $0x1FF;
	vm8 =	vgt.s32 v30, $0x0;
	[tilespmem:s17+$0x4A70] =	vst v23  }
0x2bd: {  	v41 =	vmul.f32 v6, v33;
	v6 =	vmul.f32 v6, v61;
	v61 =	vadd.s32 $0x200, v59;
	[tilespmem:s17+$0x4C40] =	vst v11  }
0x2be: {  	vm14 =	vgt.s32 v4, $0x0;
	v48 =	vnsel vm8, $0x0, v30;
	vm11 =	vgt.s32 v26, $0x0;
	[tilespmem:s17+$0x250] =	vst v61  }
0x2bf: {  	v55 =	vnsel vm11, $0x0, v26;
	v7 =	vmin.u32 v48, $0x1FF;
	v11 =	vmul.f32 v51, v12;
	[tilespmem:s17+$0x4840] =	vst v41  }
0x2c0: {  	v50 =	vnsel vm10, $0x0, v36;
	v8 =	vmin.u32 v55, $0x1FF;
	v7 =	vshll.u32 v7, $0x9;
	[tilespmem:s17+$0x4A40] =	vst v6  }
0x2c1: {  	vm15 =	vgt.s32 v9, $0x0;
	v6 =	vmin.u32 v50, $0x1FF;
	v7 =	vor.u32 v8, v7;
	[tilespmem:s17+$0x4E70] =	vst v11  }
0x2c2: {  	v4 =	vnsel vm14, $0x0, v4;
	v6 =	vshll.u32 v6, $0x9;
	v60 =	vadd.s32 $0x200, v7;
	[tilespmem:s17+$0x40] =	vst v7  }
0x2c3: {  	v4 =	vmin.u32 v4, $0x1FF;
	v63 =	vnsel vm15, $0x0, v9;
	v5 =	vor.u32 v5, v6;
	[tilespmem:s17+$0x240] =	vst v60  }
0x2c4: {  	v4 =	vshll.u32 v4, $0x9;
	v6 =	vmin.u32 v63, $0x1FF;
	v62 =	vadd.s32 $0x200, v5;
	[tilespmem:s17+$0x60] =	vst v5  }
0x2c5: {  	v4 =	vor.u32 v6, v4;
	[tilespmem:s17+$0x260] =	vst v62  }
0x2c6: {  	v6 =	vadd.s32 $0x200, v4;
	[tilespmem:s17+$0x70] =	vst v4  }
0x2c7: {  	s30 =	simm.s32 $0x40;
	[tilespmem:s17+$0x270] =	vst v6  }
0x2c8: {  	[tilespmem:s14], [sflag:$0x1] =	stream.indirect.gather [hbm4b:s4+s12], $0x8, s30, s12, $0xb8;
	[tilespmem:$0x5B40] =	vst v63  }
0x2c9: {  	s31 =	simm.s32 $0x240  }
0x2ca: {  	[tilespmem:s16], [sflag:$0x1] =	stream.indirect.gather [hbm4b:s4+s12], $0x8, s31, s12, $0xb8;
	[tilespmem:$0x5B40] =	vst v63  }
.LBB2_12:
0x2cb: {  	_ =	swait.ge [sflag:s25], $0x1000  }
0x2cc: {  	[sflag:s25] =	ssyncset.done $0x0  }
0x2cd: {  	[sflag:s25] =	ssyncadd.s32 $0xFFFFF000  }
0x2ce: {  	_ =	swait.ge [sflag:s25], $0x1000  }
0x2cf: {  	[sflag:s25] =	ssyncset.done $0x0  }
0x2d0: {  	s0 =	simm.s32 @!p0 $0x4;
	[sflag:s25] =	ssyncadd.s32 $0xFFFFF000  }
0x2d1: {  	_ =	swait.ge @!p0 [sflag:s0], $0x80  }
0x2d2: {  	[sflag:s0] =	ssyncset.done @!p0 $0x0  }
0x2d3: {  	[sflag:s0] =	ssyncadd.s32 @!p0 $0xFFFFFF80  }
0x2d4: {  	_ =	swait.ge @!p0 [sflag:s0], $0x80  }
0x2d5: {  	[sflag:s0] =	ssyncset.done @!p0 $0x0  }
0x2d6: {  	[sflag:s0] =	ssyncadd.s32 @!p0 $0xFFFFFF80  }
0x2d7: {  	s10 =	simm.s32 $0x5660;
	_ =	swait.ge @!p0 [sflag:s0], $0x80  }
0x2d8: {  	s11 =	simm.s32 $0x5060;
	s13 =	simm.s32 $0x5260;
	[sflag:s0] =	ssyncset.done @!p0 $0x0  }
0x2d9: {  	s15 =	simm.s32 $0x5460;
	[sflag:s0] =	ssyncadd.s32 @!p0 $0xFFFFFF80;
	s0 =	simm.s32 $0x30  }
.LBB2_13:
0x2da: {  	s9 =	sadd.s32 $0xFFFFFFD0, s0;
	v5 =	vld [tilespmem:s11+$0xFFFFFFE0]  }
0x2db: {  	v7 =	vld [tilespmem:s13+$0xFFFFFFE0];
	v4 =	vmov s9  }
0x2dc: {  	v8 =	vld [tilespmem:s15+$0xFFFFFFE0];
	s17 =	sadd.s32 $0xFFFFFFE0, s0;
	v4 =	vshll.u32 v4, $0x3  }
0x2dd: {  	v9 =	vld [tilespmem:s10+$0xFFFFFFE0];
	v20 =	vmov s17;
	v4 =	vor.u32 v3, v4  }
0x2de: {  	v21 =	vld [tilespmem:s11+$0xFFFFFFF0];
	v20 =	vshll.u32 v20, $0x3  }
0x2df: {  	v23 =	vld [tilespmem:s13+$0xFFFFFFF0];
	v20 =	vor.u32 v3, v20  }
0x2e0: {  	v24 =	vld [tilespmem:s15+$0xFFFFFFF0]  }
0x2e1: {  	v25 =	vld [tilespmem:s10+$0xFFFFFFF0];
	v6 =	vor.u32 $0x4, v4  }
0x2e2: {  	v11 =	vld.idx.msk [tilespmem:v4+s18+$0x0], $0xffff  }
0x2e3: {  	v10 =	vor.u32 $0x1, v4;
	v14 =	vld.idx.msk [tilespmem:v4+s20+$0x0], $0xffff  }
0x2e4: {  	v12 =	vor.u32 $0x5, v4;
	v27 =	vld.idx.msk [tilespmem:v20+s18+$0x0], $0xffff  }
0x2e5: {  	v53 =	vld.idx.msk [tilespmem:v20+s20+$0x0], $0xffff  }
0x2e6: {  	v13 =	vld.idx.msk [tilespmem:v6+s18+$0x0], $0xffff  }
0x2e7: {  	v15 =	vor.u32 $0x2, v4;
	v6 =	vld.idx.msk [tilespmem:v6+s20+$0x0], $0xffff  }
0x2e8: {  	v16 =	vld.idx.msk [tilespmem:v10+s18+$0x0], $0xffff  }
0x2e9: {  	v22 =	vor.u32 $0x4, v20;
	v17 =	vld.idx.msk [tilespmem:v12+s18+$0x0], $0xffff  }
0x2ea: {  	v10 =	vld.idx.msk [tilespmem:v10+s20+$0x0], $0xffff  }
0x2eb: {  	v26 =	vor.u32 $0x1, v20;
	v12 =	vld.idx.msk [tilespmem:v12+s20+$0x0], $0xffff  }
0x2ec: {  	v28 =	vor.u32 $0x5, v20;
	v18 =	vld.idx.msk [tilespmem:v15+s18+$0x0], $0xffff  }
0x2ed: {  	v15 =	vld.idx.msk [tilespmem:v15+s20+$0x0], $0xffff  }
0x2ee: {  	v29 =	vld.idx.msk [tilespmem:v22+s18+$0x0], $0xffff  }
0x2ef: {  	v30 =	vor.u32 $0x2, v20;
	v22 =	vld.idx.msk [tilespmem:v22+s20+$0x0], $0xffff  }
0x2f0: {  	v54 =	vld.idx.msk [tilespmem:v26+s18+$0x0], $0xffff  }
0x2f1: {  	v4 =	vor.u32 $0x6, v4;
	v31 =	vld.idx.msk [tilespmem:v28+s18+$0x0], $0xffff  }
0x2f2: {  	v55 =	vld.idx.msk [tilespmem:v26+s20+$0x0], $0xffff  }
0x2f3: {  	v20 =	vor.u32 $0x6, v20;
	v56 =	vld.idx.msk [tilespmem:v28+s20+$0x0], $0xffff  }
0x2f4: {  	v57 =	vld.idx.msk [tilespmem:v30+s18+$0x0], $0xffff  }
0x2f5: {  	v59 =	vld.idx.msk [tilespmem:v30+s20+$0x0], $0xffff;
	v11 =	vmul.f32 v11, v5;
	v52 =	vmul.f32 v14, v8  }
0x2f6: {  	v19 =	vld.idx.msk [tilespmem:v4+s18+$0x0], $0xffff;
	v36 =	vmul.f32 v27, v21;
	v14 =	vmul.f32 v53, v24  }
0x2f7: {  	v4 =	vld.idx.msk [tilespmem:v4+s20+$0x0], $0xffff;
	v13 =	vmul.f32 v13, v7;
	v6 =	vmul.f32 v6, v9  }
0x2f8: {  	v58 =	vld.idx.msk [tilespmem:v20+s18+$0x0], $0xffff;
	v16 =	vmul.f32 v16, v5;
	v17 =	vmul.f32 v17, v7  }
0x2f9: {  	s30 =	sadd.s32 $0xFFFFFFF0, s0;
	v61 =	vld.idx.msk [tilespmem:v20+s20+$0x0], $0xffff;
	v10 =	vmul.f32 v10, v8;
	v5 =	vmul.f32 v18, v5  }
0x2fa: {  	v32 =	vmov s30;
	v20 =	vld [tilespmem:s10+$0x0];
	v12 =	vmul.f32 v12, v9;
	v37 =	vmul.f32 v29, v23  }
0x2fb: {  	v60 =	vshll.u32 v32, $0x3;
	v62 =	vmul.f32 v15, v8;
	v8 =	vld [tilespmem:s11+$0x0];
	v40 =	vmul.f32 v31, v23  }
0x2fc: {  	v29 =	vld [tilespmem:s13+$0x0];
	v38 =	vadd.f32 v37, v36;
	v7 =	vmul.f32 v19, v7;
	v19 =	vor.u32 v3, v60  }
0x2fd: {  	v44 =	vmul.f32 v22, v25;
	v49 =	vmul.f32 v56, v25;
	v60 =	vld [tilespmem:s11+$0x10]  }
0x2fe: {  	v43 =	vadd.f32 v14, v38;
	v38 =	vld [tilespmem:s10+$0x10];
	v63 =	vor.u32 $0x4, v19;
	v5 =	vadd.f32 v7, v5  }
0x2ff: {  	v18 =	vmul.f32 v59, v24;
	v56 =	vmov s0;
	v11 =	vadd.f32 v13, v11;
	v7 =	vld [tilespmem:s15+$0x0]  }
0x300: {  	v16 =	vadd.f32 v17, v16;
	v39 =	vor.u32 $0x1, v19;
	v5 =	vadd.f32 v62, v5;
	v62 =	vld [tilespmem:s13+$0x10]  }
0x301: {  	v13 =	vmul.f32 v54, v21;
	v21 =	vmul.f32 v57, v21;
	v42 =	vor.u32 $0x5, v19;
	v41 =	vld.idx.msk [tilespmem:v19+s18+$0x0], $0xffff  }
0x302: {  	v11 =	vadd.f32 v52, v11;
	v10 =	vadd.f32 v10, v16;
	v4 =	vmul.f32 v4, v9;
	v46 =	vld.idx.msk [tilespmem:v19+s20+$0x0], $0xffff  }
0x303: {  	v13 =	vadd.f32 v40, v13;
	v17 =	vmul.f32 v58, v23;
	v16 =	vmul.f32 v61, v25;
	v45 =	vld.idx.msk [tilespmem:v63+s18+$0x0], $0xffff  }
0x304: {  	v48 =	vor.u32 $0x2, v19;
	v6 =	vadd.f32 v6, v11;
	v10 =	vadd.f32 v12, v10;
	v47 =	vld.idx.msk [tilespmem:v63+s20+$0x0], $0xffff  }
0x305: {  	v11 =	vmul.f32 v55, v24;
	v17 =	vadd.f32 v17, v21;
	v24 =	vshll.u32 v56, $0x3;
	v50 =	vld.idx.msk [tilespmem:v39+s18+$0x0], $0xffff  }
0x306: {  	v59 =	vor.u32 v3, v24;
	v6 =	vtrunc.f32 v6;
	v10 =	vtrunc.f32 v10;
	v51 =	vld.idx.msk [tilespmem:v42+s18+$0x0], $0xffff  }
0x307: {  	v11 =	vadd.f32 v11, v13;
	v17 =	vadd.f32 v18, v17;
	v61 =	vor.u32 $0x4, v59;
	v52 =	vld.idx.msk [tilespmem:v39+s20+$0x0], $0xffff  }
0x308: {  	v36 =	vor.u32 $0x1, v59;
	v4 =	vadd.f32 v4, v5;
	v5 =	vadd.f32 v44, v43;
	v53 =	vld.idx.msk [tilespmem:v42+s20+$0x0], $0xffff  }
0x309: {  	v6 =	vcvt.f32.s32 v6;
	v19 =	vor.u32 $0x6, v19;
	v11 =	vadd.f32 v49, v11;
	v54 =	vld.idx.msk [tilespmem:v48+s18+$0x0], $0xffff  }
0x30a: {  	v10 =	vcvt.f32.s32 v10;
	v12 =	vld.idx.msk [tilespmem:v48+s20+$0x0], $0xffff;
	v16 =	vadd.f32 v16, v17;
	v5 =	vtrunc.f32 v5  }
0x30b: {  	v63 =	vld [tilespmem:s15+$0x10];
	v39 =	vor.u32 $0x5, v59;
	v4 =	vtrunc.f32 v4;
	v11 =	vtrunc.f32 v11  }
0x30c: {  	v42 =	vor.u32 $0x2, v59;
	v16 =	vtrunc.f32 v16;
	v40 =	vld.idx.msk [tilespmem:v59+s18+$0x0], $0xffff;
	v5 =	vcvt.f32.s32 v5  }
0x30d: {  	v6 =	vand.u32 $0xFF, v6;
	v44 =	vld.idx.msk [tilespmem:v59+s20+$0x0], $0xffff;
	v4 =	vcvt.f32.s32 v4;
	v11 =	vcvt.f32.s32 v11  }
0x30e: {  	v10 =	vand.u32 $0xFF, v10;
	v43 =	vcvt.f32.s32 v16;
	v55 =	vld.idx.msk [tilespmem:v19+s18+$0x0], $0xffff;
	v57 =	vmul.f32 v41, v8  }
0x30f: {  	v58 =	vld.idx.msk [tilespmem:v19+s20+$0x0], $0xffff;
	v22 =	vmul.f32 v46, v7;
	v19 =	vor.u32 $0x6, v59;
	v14 =	vmul.f32 v45, v29  }
0x310: {  	v28 =	vld.idx.msk [tilespmem:v36+s20+$0x0], $0xffff;
	v5 =	vshll.u32 v5, $0x8;
	v9 =	vmul.f32 v47, v20;
	v15 =	vmul.f32 v50, v8  }
0x311: {  	v41 =	vld.idx.msk [tilespmem:v61+s18+$0x0], $0xffff;
	v37 =	vshll.u32 v11, $0x8;
	v26 =	vmul.f32 v51, v29;
	v8 =	vmul.f32 v54, v8  }
0x312: {  	v45 =	vld.idx.msk [tilespmem:v36+s18+$0x0], $0xffff;
	v13 =	vmul.f32 v52, v7;
	v4 =	vand.u32 $0xFF, v4;
	v49 =	vmul.f32 v53, v20  }
0x313: {  	v46 =	vld.idx.msk [tilespmem:v39+s18+$0x0], $0xffff;
	v7 =	vmul.f32 v12, v7;
	v5 =	vand.u32 $0xFF00, v5;
	v14 =	vadd.f32 v14, v57  }
0x314: {  	v48 =	vld.idx.msk [tilespmem:v42+s18+$0x0], $0xffff;
	v5 =	vor.u32 v6, v5;
	v6 =	vand.u32 $0xFF00, v37;
	v15 =	vadd.f32 v26, v15  }
0x315: {  	v56 =	vld.idx.msk [tilespmem:v39+s20+$0x0], $0xffff;
	v6 =	vor.u32 v10, v6;
	v10 =	vshll.u32 v43, $0x8;
	v59 =	vmul.f32 v28, v63  }
0x316: {  	v52 =	vld.idx.msk [tilespmem:v42+s20+$0x0], $0xffff;
	v14 =	vadd.f32 v22, v14;
	v21 =	vmul.f32 v55, v29;
	v10 =	vand.u32 $0xFF00, v10  }
0x317: {  	v47 =	vadd.f32 v13, v15;
	v51 =	vmul.f32 v41, v62;
	v53 =	vmul.f32 v58, v20  }
0x318: {  	v50 =	vld.idx.msk [tilespmem:v19+s18+$0x0], $0xffff;
	v55 =	vmul.f32 v44, v63;
	v4 =	vor.u32 v4, v10;
	v57 =	vmul.f32 v45, v60  }
0x319: {  	v58 =	vmul.f32 v46, v62;
	v13 =	vmul.f32 v48, v60;
	v9 =	vadd.f32 v9, v14  }
0x31a: {  	v54 =	vld.idx.msk [tilespmem:v61+s20+$0x0], $0xffff;
	v61 =	vmul.f32 v56, v38;
	v8 =	vadd.f32 v21, v8;
	v14 =	vmul.f32 v40, v60  }
0x31b: {  	v10 =	vadd.f32 v49, v47;
	v60 =	vmul.f32 v52, v63;
	v9 =	vtrunc.f32 v9  }
0x31c: {  	v19 =	vld.idx.msk [tilespmem:v19+s20+$0x0], $0xffff;
	v7 =	vadd.f32 v7, v8;
	v14 =	vadd.f32 v51, v14;
	v9 =	vcvt.f32.s32 v9  }
0x31d: {  	v8 =	vadd.f32 v58, v57;
	v10 =	vtrunc.f32 v10;
	v12 =	vmul.f32 v50, v62  }
0x31e: {  	v10 =	vcvt.f32.s32 v10;
	v7 =	vadd.f32 v53, v7;
	v9 =	vshll.u32 v9, $0x10  }
0x31f: {  	v8 =	vadd.f32 v59, v8;
	v12 =	vadd.f32 v12, v13;
	v9 =	vand.u32 $0xFF0000, v9  }
0x320: {  	v14 =	vadd.f32 v55, v14;
	v5 =	vor.u32 v9, v5;
	v9 =	vmul.f32 v54, v38  }
0x321: {  	v11 =	vmul.f32 v19, v38;
	v8 =	vadd.f32 v61, v8;
	v12 =	vadd.f32 v60, v12  }
0x322: {  	v10 =	vshll.u32 v10, $0x10;
	v7 =	vtrunc.f32 v7;
	v9 =	vadd.f32 v9, v14  }
0x323: {  	v7 =	vcvt.f32.s32 v7;
	v8 =	vtrunc.f32 v8;
	v11 =	vadd.f32 v11, v12  }
0x324: {  	v10 =	vand.u32 $0xFF0000, v10;
	v8 =	vcvt.f32.s32 v8;
	v9 =	vtrunc.f32 v9  }
0x325: {  	p0 =	sne.s32 s0, $0x1F0;
	v6 =	vor.u32 v10, v6;
	v62 =	vtrunc.f32 v11;
	v9 =	vcvt.f32.s32 v9  }
.Ltmp5:
0x326: {  	v7 =	vshll.u32 v7, $0x10;
	v8 =	vshll.u32 v8, $0x18;
	v10 =	vcvt.f32.s32 v62;
	(pc) =	sbr.rel @p0 .LBB2_13-.Ltmp5, $4  }
0x327: {  	s31 =	sshra.s32 s0, $0x2;
	v7 =	vand.u32 $0xFF0000, v7;
	v6 =	vor.u32 v8, v6;
	v9 =	vshll.u32 v9, $0x18  }
0x328: {  	v4 =	vor.u32 v7, v4;
	[tilespmem:s31+$0x5A34] =	vst v6;
	v63 =	vshll.u32 v10, $0x18;
	v5 =	vor.u32 v9, v5  }
0x329: {  	s0 =	sadd.s32 $0x40, s0;
	s10 =	sadd.s32 $0x40, s10;
	v4 =	vor.u32 v63, v4;
	[tilespmem:s31+$0x59B4] =	vst v5  }
0x32a: {  	s11 =	sadd.s32 $0x40, s11;
	s13 =	sadd.s32 $0x40, s13;
	s15 =	sadd.s32 $0x40, s15;
	[tilespmem:s31+$0x5AB4] =	vst v4  }
0x32b: {  	s0 =	sshrl.u32 s6, $0x5;
	s3 =	sadd.s32 $0x1, s3  }
0x32c: {  	s6 =	sadd.s32 s1, s0;
	p0 =	sne.s32 s3, $0x8  }
0x32d: {  	[hbm4b:s6+s2] =	stream.linear.scatter [tilespmem:s26], [sflag:$0x4], $0x80, $0x38;
	[tilespmem:$0x5B40] =	vst v63  }
.Ltmp6:
0x32e: {  	_ = 	snop;
	(pc) =	sbr.rel @p0 .LBB2_4-.Ltmp6, $4  }
0x32f: {  	s31 =	sadd.s32 s0, s7  }
0x330: {  	[hbm4b:s31+s2] =	stream.linear.scatter [tilespmem:s28], [sflag:$0x4], $0x80, $0x38;
	[tilespmem:$0x5B40] =	vst v63  }
0x331: {  	s0 =	sadd.s32 s0, s8  }
0x332: {  	[hbm4b:s0+s2] =	stream.linear.scatter [tilespmem:s29], [sflag:$0x4], $0x80, $0x38;
	[tilespmem:$0x5B40] =	vst v63  }
0x333: {  	s9 =	simm.s32 $0x3  }
0x334: {  	_ =	swait.ge [sflag:s9], $0x80  }
0x335: {  	[sflag:s9] =	ssyncset.done $0x0  }
0x336: {  	[sflag:s9] =	ssyncadd.s32 $0xFFFFFF80  }
0x337: {  	_ =	swait.ge [sflag:s9], $0x80  }
0x338: {  	[sflag:s9] =	ssyncset.done $0x0  }
0x339: {  	[sflag:s9] =	ssyncadd.s32 $0xFFFFFF80  }
0x33a: {  	_ =	swait.ge [sflag:s9], $0x80  }
0x33b: {  	[sflag:s9] =	ssyncset.done $0x0  }
0x33c: {  	s3 =	simm.s32 $0x4;
	[sflag:s9] =	ssyncadd.s32 $0xFFFFFF80  }
0x33d: {  	_ =	swait.ge [sflag:s3], $0x80  }
0x33e: {  	[sflag:s3] =	ssyncset.done $0x0  }
0x33f: {  	[sflag:s3] =	ssyncadd.s32 $0xFFFFFF80  }
0x340: {  	_ =	swait.ge [sflag:s3], $0x80  }
0x341: {  	[sflag:s3] =	ssyncset.done $0x0  }
0x342: {  	[sflag:s3] =	ssyncadd.s32 $0xFFFFFF80  }
0x343: {  	_ =	swait.ge [sflag:s3], $0x80  }
0x344: {  	s6 =	rddreg [dreg:$0x6]  }
0x345: {  	s0 =	rddreg [dreg:$0x5];
	s6 =	sadd.s32 $0x1, s6  }
0x346: {  	p0 =	sne.s32 s6, s0  }
.Ltmp7:
0x347: {  	_ = 	snop;
	(pc) =	sbr.rel @p0 .LBB2_1-.Ltmp7, $3  }
0x348: {  	_ =	sdelay $0x1  }
0x349: {  	[sflag:s3] =	ssyncset.done $0x0  }
0x34a: {  	[sflag:s3] =	ssyncadd.s32 $0xFFFFFF80  }
0x34b: {  	_ =	sfence.sel $0x180000  }
0x34c: {  	[bflag:$0x0] =	sbarrier.arrive $0xFFFF  }
0x34d: {  	_ =	strace $0x90000047  }
0x34e: {  	s0 =	stileid.u32;
	[bflag:$0x2] =	sbarrier.arrive $0xFFFF  }
0x34f: {  	p0 =	sne.s32 s0, $0x0;
	s0 =	rddreg [dreg:$0x2]  }
0x350: {  	s0 =	sadd.s32 @!p0 $0x100000, s0  }
0x351: {  	[sflag:s0] =	ssyncadd.tile.s32 @!p0 $0x1;
	_ =	shalt  }
.Lfunc_end2:
_tile_overlayer_lowered:
.L_overlay_start_2:
0x352: {  	(tag) =	ssettag $0x2  }
0x353: {  	s0 =	rddreg [dreg:$0x0];
	s2 =	stileid.u32  }
0x354: {  	s1 =	rddreg [dreg:$0x1];
	p0 =	sne.s32 s2, $0x0  }
0x355: {  	s3 =	rddreg [dreg:$0x2];
	[bflag:$0x3] =	sbarrier.arrive $0xFFFF;
	s2 =	simm.s32 @!p0 $0x1C05  }
0x356: {  	[timem:s3], [sflag:s2] =	dma.local @!p0 [hbm:s0], s1  }
0x357: {  	s0 =	simm.s32 @!p0 $0x5  }
0x358: {  	_ =	swait.ge @!p0 [sflag:s0], s1  }
0x359: {  	s1 =	ssub.s32 @!p0 $0x0, s1;
	[sflag:s0] =	ssyncset.done @!p0 $0x0  }
0x35a: {  	[sflag:s0] =	ssyncadd.s32 @!p0 s1  }
0x35b: {  	[bflag:$0x3] =	sbarrier.arrive $0xFFFF  }
0x35c: {  	_ =	shalt  }

</sc_bundles>
